<compile_context>
chip_gen: v7x
topology: tpu7x:2x2x1
jax: 0.10.2.dev20260603
libtpu: 0.0.44.dev20260713+nightly
codegen_flags: <defaults>
</compile_context>

<pallas_src>
import functools

import jax
import jax.numpy as jnp
from jax import lax
from jax.experimental import pallas as pl
from jax.experimental.pallas import tpu as pltpu
from jax.experimental.pallas import tpu_sc as plsc

_TB = 1024
_NC = 2
_NS = 16
_NW = _NC * _NS
_L = 16


def _pos_body(x_ref, wt8_ref, out_ref):
    pos8 = jnp.dot(x_ref[...], wt8_ref[...],
                   preferred_element_type=jnp.float32)
    out_ref[...] = pos8.T


def _tc_pos(x, wt8, nblk, blk0):
    k = x.shape[1]
    return pl.pallas_call(
        _pos_body,
        grid=(nblk,),
        in_specs=[
            pl.BlockSpec((_TB, k), lambda i: (i + blk0, 0)),
            pl.BlockSpec((k, 8), lambda i: (0, 0)),
        ],
        out_specs=pl.BlockSpec((8, _TB), lambda i: (0, i)),
        out_shape=jax.ShapeDtypeStruct((8, nblk * _TB), jnp.float32),
    )(x, wt8)


def _min_pick(ds, vals):
    ds, vals = list(ds), list(vals)
    while len(ds) > 1:
        nd, nv = [], []
        for a in range(0, len(ds), 2):
            le = ds[a] <= ds[a + 1]
            nd.append(jnp.minimum(ds[a], ds[a + 1]))
            nv.append(jnp.where(le, vals[a], vals[a + 1]))
        ds, vals = nd, nv
    return vals[0]


def _sc_route_body(tpw, posT, ctab, out, p3_v, ct_v, out_v):
    wid = lax.axis_index("s") * _NC + lax.axis_index("c")
    base = wid * tpw
    pltpu.sync_copy(posT.at[pl.ds(0, 3), pl.ds(base, tpw)], p3_v)
    pltpu.sync_copy(ctab, ct_v)

    idx16 = lax.iota(jnp.int32, _L)
    inf = jnp.float32(jnp.inf)
    c2x = ct_v[pl.ds(0, 16)]
    c2y = ct_v[pl.ds(16, 16)]
    c2z = ct_v[pl.ds(32, 16)]

    def group(g, carry):
        sl = pl.ds(g * _L, _L)
        px = p3_v[0, sl]
        py = p3_v[1, sl]
        pz = p3_v[2, sl]
        d2 = []
        for c in range(16):
            dx = px - c2x[c]
            dy = py - c2y[c]
            dz = pz - c2z[c]
            d2.append(dx * dx + dy * dy + dz * dz)
        ids16 = [jnp.full((_L,), c, jnp.int32) for c in range(16)]
        sels = []
        for _ in range(8):
            sel = _min_pick(d2, ids16)
            sels.append(sel)
            for c in range(16):
                d2[c] = jnp.where(sel == c, inf, d2[c])
        cands, d3 = [], []
        for i in range(8):
            gi4 = sels[i] * 4
            for c in range(4):
                cand = gi4 + c
                gx = plsc.load_gather(ct_v, [cand + 48])
                gy = plsc.load_gather(ct_v, [cand + 112])
                gz = plsc.load_gather(ct_v, [cand + 176])
                cands.append(cand)
                dx = px - gx
                dy = py - gy
                dz = pz - gz
                d3.append(dx * dx + dy * dy + dz * dz)
        for k in range(8):
            e = _min_pick(d3, cands)
            plsc.store_scatter(out_v, [idx16 * 8 + (g * (_L * 8) + k)], e)
            for j in range(32):
                d3[j] = jnp.where(e == cands[j], inf, d3[j])
        return carry

    lax.fori_loop(0, tpw // _L, group, 0)
    pltpu.sync_copy(out_v, out.at[pl.ds(base * 8, tpw * 8)])


def _sc_route(posT, ctab):
    b = posT.shape[1]
    tpw = b // _NW
    mesh = plsc.VectorSubcoreMesh(core_axis_name="c", subcore_axis_name="s")
    return pl.kernel(
        functools.partial(_sc_route_body, tpw),
        mesh=mesh,
        compiler_params=pltpu.CompilerParams(needs_layout_passes=False),
        out_type=jax.ShapeDtypeStruct((b * 8,), jnp.int32),
        scratch_types=[
            pltpu.VMEM((3, tpw), jnp.float32),
            pltpu.VMEM((240,), jnp.float32),
            pltpu.VMEM((tpw * 8,), jnp.int32),
        ],
    )(posT, ctab)


def kernel(x, W, l1_centers, l2_centers, l3_centers):
    del l1_centers
    b = x.shape[0]
    wt8 = jnp.zeros((W.shape[1], 8), jnp.float32).at[:, :3].set(W.T)
    ctab = jnp.concatenate([
        l2_centers.reshape(16, 3).T.reshape(48),
        l3_centers.reshape(64, 3).T.reshape(192),
    ])
    posT = _tc_pos(x, wt8, b // _TB, 0)
    outf = _sc_route(posT, ctab)
    return outf.reshape(b, 8)

# --- scband reference (transcript-rebuilt; emitter-appended) ---
"""Pipeline reference for scband-py-torch-bvhrouter-1108101562615 (READ-ONLY COPY).

The authoritative reference and input builder live on the scoring server;
editing this copy changes nothing except your own understanding.
"""

import jax, jax.numpy as jnp
import numpy as np

N_EXPERTS = 64
N1, N2, N3 = 4, 4, 4  # compute_bvh_shape(64)
TOP_K = 8
K1 = min(N1, TOP_K)          # 4
K2 = min(K1 * N2, TOP_K)     # 8


def setup_inputs(seed: int = 0) -> dict:
    key = jax.random.key(seed)
    ks = jax.random.split(key, 5)
    x = jax.random.normal(ks[0], (8192, 2048), dtype=jnp.float32)
    W = jax.random.normal(ks[1], (3, 2048), dtype=jnp.float32) * 0.02  # nn.Linear(input_dim,3,bias=False).weight
    l1_centers = jax.random.normal(ks[2], (N1, 3), dtype=jnp.float32)
    l2_centers = jax.random.normal(ks[3], (N1, N2, 3), dtype=jnp.float32)
    l3_centers = jax.random.normal(ks[4], (N1 * N2, N3, 3), dtype=jnp.float32)
    return {"x": x, "W": W, "l1_centers": l1_centers, "l2_centers": l2_centers, "l3_centers": l3_centers}


def reference(x, W, l1_centers, l2_centers, l3_centers):
    batch = x.shape[0]
    pos = x @ W.T  # [B, 3]
    # Level 1: euclidean distances to l1 centers (torch.cdist)
    d1 = jnp.sqrt(jnp.sum((pos[:, None, :] - l1_centers[None, :, :]) ** 2, axis=-1) + 1e-12)
    _, l1_idx = jax.lax.top_k(-d1, K1)  # smallest-k  [B, K1]
    # Level 2: squared distances to children of selected L1 nodes
    l2_sel = l2_centers[l1_idx.reshape(-1)].reshape(batch, K1, N2, 3)
    d2 = jnp.sum((l2_sel - pos[:, None, None, :]) ** 2, axis=-1).reshape(batch, K1 * N2)
    _, l2_flat_idx = jax.lax.top_k(-d2, K2)  # [B, K2]
    l1_parent = l2_flat_idx // N2
    l2_local = l2_flat_idx % N2
    l1_global = jnp.take_along_axis(l1_idx, l1_parent, axis=1)
    l2_global = l1_global * N2 + l2_local  # [B, K2]
    # Level 3
    l3_sel = l3_centers[l2_global.reshape(-1)].reshape(batch, K2, N3, 3)
    d3 = jnp.sum((l3_sel - pos[:, None, None, :]) ** 2, axis=-1).reshape(batch, K2 * N3)
    _, topk_flat = jax.lax.top_k(-d3, TOP_K)  # [B, TOP_K]
    l2_parent = topk_flat // N3
    l3_local = topk_flat % N3
    l2_parent_global = jnp.take_along_axis(l2_global, l2_parent, axis=1)
    expert_ids = (l2_parent_global * N3 + l3_local) % N_EXPERTS
    return expert_ids

if __name__ == "__main__":
    import jax
    _d = setup_inputs()
    print(jax.jit(kernel)(*tuple(_d.values())))

</pallas_src>

<mosaic_0001>
#map = affine_map<(d0, d1) -> (0, 0)>
#map1 = affine_map<(d0, d1) -> (0)>
module attributes {stable_mosaic.version = 14 : i64} {
  func.func @_sc_route_body(%arg0: i32, %arg1: i32, %arg2: memref<8x8192xf32, #tpu.memory_space<hbm>>, %arg3: memref<240xf32, #tpu.memory_space<hbm>>, %arg4: memref<65536xi32, #tpu.memory_space<hbm>>, %arg5: memref<3x256xf32, #tpu.memory_space<vmem>>, %arg6: memref<240xf32, #tpu.memory_space<vmem>>, %arg7: memref<2048xi32, #tpu.memory_space<vmem>>) attributes {dimension_semantics = [#tpu.dimension_semantics<core_parallel>, #tpu.dimension_semantics<subcore_parallel>], iteration_bounds = array<i64: 2, 16>, scalar_prefetch = 0 : i64, scratch_operands = 3 : i64, tpu.core_type = #tpu.core_type<sc_vector_subcore>, window_params = [{transform_indices = #map}, {transform_indices = #map1}, {transform_indices = #map1}]} {
    %mul3A = arith.constant 2 : i32
    %mul3A_0 = arith.muli %arg1, %mul3A : i32
    %add3A = arith.addi %mul3A_0, %arg0 : i32
    %mul3A_1 = arith.constant 256 : i32
    %mul3A_2 = arith.muli %add3A, %mul3A_1 : i32
    "tpu.region"() ({
      %run_scoped3A = tpu.sem_alloc : memref<!tpu.dma_semaphore, #tpu.memory_space<semaphore_mem>>
      %dma_start3A = arith.constant 0 : i32
      %dma_start3A_16 = tpu.memref_slice %arg2[%dma_start3A, %mul3A_2] : memref<8x8192xf32, #tpu.memory_space<hbm>> -> memref<3x256xf32, #tpu.memory_space<hbm>>
      %dma_start3A_17 = arith.constant 0 : i32
      %dma_start3A_18 = tpu.memref_slice %arg2[%dma_start3A_17, %mul3A_2] : memref<8x8192xf32, #tpu.memory_space<hbm>> -> memref<3x256xf32, #tpu.memory_space<hbm>>
      tpu.enqueue_dma source(%dma_start3A_18 : memref<3x256xf32, #tpu.memory_space<hbm>>) target(%arg5 : memref<3x256xf32, #tpu.memory_space<vmem>>) target_semaphore(%run_scoped3A : memref<!tpu.dma_semaphore, #tpu.memory_space<semaphore_mem>>)
      %dma_wait3A = arith.constant 0 : i32
      %dma_wait3A_19 = tpu.memref_slice %arg2[%dma_wait3A, %mul3A_2] : memref<8x8192xf32, #tpu.memory_space<hbm>> -> memref<3x256xf32, #tpu.memory_space<hbm>>
      %dma_wait3A_20 = arith.constant 0 : i32
      %dma_wait3A_21 = tpu.memref_slice %arg2[%dma_wait3A_20, %mul3A_2] : memref<8x8192xf32, #tpu.memory_space<hbm>> -> memref<3x256xf32, #tpu.memory_space<hbm>>
      tpu.wait_dma2 semaphore(%run_scoped3A : memref<!tpu.dma_semaphore, #tpu.memory_space<semaphore_mem>>) src(%dma_wait3A_21 : memref<3x256xf32, #tpu.memory_space<hbm>>) dst(%arg5 : memref<3x256xf32, #tpu.memory_space<vmem>>)
      tpu.yield
    }) : () -> ()
    "tpu.region"() ({
      %run_scoped3A = tpu.sem_alloc : memref<!tpu.dma_semaphore, #tpu.memory_space<semaphore_mem>>
      tpu.enqueue_dma source(%arg3 : memref<240xf32, #tpu.memory_space<hbm>>) target(%arg6 : memref<240xf32, #tpu.memory_space<vmem>>) target_semaphore(%run_scoped3A : memref<!tpu.dma_semaphore, #tpu.memory_space<semaphore_mem>>)
      tpu.wait_dma2 semaphore(%run_scoped3A : memref<!tpu.dma_semaphore, #tpu.memory_space<semaphore_mem>>) src(%arg3 : memref<240xf32, #tpu.memory_space<hbm>>) dst(%arg6 : memref<240xf32, #tpu.memory_space<vmem>>)
      tpu.yield
    }) : () -> ()
    %iota3A = tpu.iota {dimensions = array<i32: 0>} : vector<16xi32>
    %get3A = arith.constant 0 : index
    %get3A_3 = tpu.vector_load %arg6[%get3A] {strides = array<i32>} : memref<240xf32, #tpu.memory_space<vmem>>, vector<16xf32>,
    %get3A_4 = arith.constant 16 : index
    %get3A_5 = tpu.vector_load %arg6[%get3A_4] {strides = array<i32>} : memref<240xf32, #tpu.memory_space<vmem>>, vector<16xf32>,
    %get3A_6 = arith.constant 32 : index
    %get3A_7 = tpu.vector_load %arg6[%get3A_6] {strides = array<i32>} : memref<240xf32, #tpu.memory_space<vmem>>, vector<16xf32>,
    %scan3A = arith.constant 0 : i32
    %scan3A_8 = arith.constant 0x7F800000 : f32
    %scan3A_9 = arith.constant 0 : i32
    %scan3A_10 = arith.constant 16 : i32
    %scan3A_11 = arith.addi %scan3A_9, %scan3A_10 : i32
    %scan3A_12 = arith.constant 1 : i32
    scf.for %scan3A_16 = %scan3A_9 to %scan3A_11 step %scan3A_12  : i32 {
      %mul3A_17 = arith.constant 16 : i32
      %mul3A_18 = arith.muli %scan3A_16, %mul3A_17 : i32
      %get3A_19 = arith.constant 0 : i32
      %get3A_20 = arith.index_cast %get3A_19 : i32 to index
      %get3A_21 = arith.index_cast %mul3A_18 : i32 to index
      %get3A_22 = tpu.vector_load %arg5[%get3A_20, %get3A_21] {strides = array<i32>} : memref<3x256xf32, #tpu.memory_space<vmem>>, vector<16xf32>,
      %get3A_23 = arith.constant 1 : i32
      %get3A_24 = arith.index_cast %get3A_23 : i32 to index
      %get3A_25 = arith.index_cast %mul3A_18 : i32 to index
      %get3A_26 = tpu.vector_load %arg5[%get3A_24, %get3A_25] {strides = array<i32>} : memref<3x256xf32, #tpu.memory_space<vmem>>, vector<16xf32>,
      %get3A_27 = arith.constant 2 : i32
      %get3A_28 = arith.index_cast %get3A_27 : i32 to index
      %get3A_29 = arith.index_cast %mul3A_18 : i32 to index
      %get3A_30 = tpu.vector_load %arg5[%get3A_28, %get3A_29] {strides = array<i32>} : memref<3x256xf32, #tpu.memory_space<vmem>>, vector<16xf32>,
      %slice3A = vector.extract_strided_slice %get3A_3 {offsets = [0], sizes = [1], strides = [1]} : vector<16xf32> to vector<1xf32>
      %squeeze3A = vector.extract %slice3A[0] : f32 from vector<1xf32>
      %sub3A = vector.broadcast %squeeze3A : f32 to vector<16xf32>
      %sub3A_31 = arith.subf %get3A_22, %sub3A : vector<16xf32>
      %slice3A_32 = vector.extract_strided_slice %get3A_5 {offsets = [0], sizes = [1], strides = [1]} : vector<16xf32> to vector<1xf32>
      %squeeze3A_33 = vector.extract %slice3A_32[0] : f32 from vector<1xf32>
      %sub3A_34 = vector.broadcast %squeeze3A_33 : f32 to vector<16xf32>
      %sub3A_35 = arith.subf %get3A_26, %sub3A_34 : vector<16xf32>
      %slice3A_36 = vector.extract_strided_slice %get3A_7 {offsets = [0], sizes = [1], strides = [1]} : vector<16xf32> to vector<1xf32>
      %squeeze3A_37 = vector.extract %slice3A_36[0] : f32 from vector<1xf32>
      %sub3A_38 = vector.broadcast %squeeze3A_37 : f32 to vector<16xf32>
      %sub3A_39 = arith.subf %get3A_30, %sub3A_38 : vector<16xf32>
      %mul3A_40 = arith.mulf %sub3A_31, %sub3A_31 : vector<16xf32>
      %mul3A_41 = arith.mulf %sub3A_35, %sub3A_35 : vector<16xf32>
      %add3A_42 = arith.addf %mul3A_40, %mul3A_41 : vector<16xf32>
      %mul3A_43 = arith.mulf %sub3A_39, %sub3A_39 : vector<16xf32>
      %add3A_44 = arith.addf %add3A_42, %mul3A_43 : vector<16xf32>
      %slice3A_45 = vector.extract_strided_slice %get3A_3 {offsets = [1], sizes = [1], strides = [1]} : vector<16xf32> to vector<1xf32>
      %squeeze3A_46 = vector.extract %slice3A_45[0] : f32 from vector<1xf32>
      %sub3A_47 = vector.broadcast %squeeze3A_46 : f32 to vector<16xf32>
      %sub3A_48 = arith.subf %get3A_22, %sub3A_47 : vector<16xf32>
      %slice3A_49 = vector.extract_strided_slice %get3A_5 {offsets = [1], sizes = [1], strides = [1]} : vector<16xf32> to vector<1xf32>
      %squeeze3A_50 = vector.extract %slice3A_49[0] : f32 from vector<1xf32>
      %sub3A_51 = vector.broadcast %squeeze3A_50 : f32 to vector<16xf32>
      %sub3A_52 = arith.subf %get3A_26, %sub3A_51 : vector<16xf32>
      %slice3A_53 = vector.extract_strided_slice %get3A_7 {offsets = [1], sizes = [1], strides = [1]} : vector<16xf32> to vector<1xf32>
      %squeeze3A_54 = vector.extract %slice3A_53[0] : f32 from vector<1xf32>
      %sub3A_55 = vector.broadcast %squeeze3A_54 : f32 to vector<16xf32>
      %sub3A_56 = arith.subf %get3A_30, %sub3A_55 : vector<16xf32>
      %mul3A_57 = arith.mulf %sub3A_48, %sub3A_48 : vector<16xf32>
      %mul3A_58 = arith.mulf %sub3A_52, %sub3A_52 : vector<16xf32>
      %add3A_59 = arith.addf %mul3A_57, %mul3A_58 : vector<16xf32>
      %mul3A_60 = arith.mulf %sub3A_56, %sub3A_56 : vector<16xf32>
      %add3A_61 = arith.addf %add3A_59, %mul3A_60 : vector<16xf32>
      %slice3A_62 = vector.extract_strided_slice %get3A_3 {offsets = [2], sizes = [1], strides = [1]} : vector<16xf32> to vector<1xf32>
      %squeeze3A_63 = vector.extract %slice3A_62[0] : f32 from vector<1xf32>
      %sub3A_64 = vector.broadcast %squeeze3A_63 : f32 to vector<16xf32>
      %sub3A_65 = arith.subf %get3A_22, %sub3A_64 : vector<16xf32>
      %slice3A_66 = vector.extract_strided_slice %get3A_5 {offsets = [2], sizes = [1], strides = [1]} : vector<16xf32> to vector<1xf32>
      %squeeze3A_67 = vector.extract %slice3A_66[0] : f32 from vector<1xf32>
      %sub3A_68 = vector.broadcast %squeeze3A_67 : f32 to vector<16xf32>
      %sub3A_69 = arith.subf %get3A_26, %sub3A_68 : vector<16xf32>
      %slice3A_70 = vector.extract_strided_slice %get3A_7 {offsets = [2], sizes = [1], strides = [1]} : vector<16xf32> to vector<1xf32>
      %squeeze3A_71 = vector.extract %slice3A_70[0] : f32 from vector<1xf32>
      %sub3A_72 = vector.broadcast %squeeze3A_71 : f32 to vector<16xf32>
      %sub3A_73 = arith.subf %get3A_30, %sub3A_72 : vector<16xf32>
      %mul3A_74 = arith.mulf %sub3A_65, %sub3A_65 : vector<16xf32>
      %mul3A_75 = arith.mulf %sub3A_69, %sub3A_69 : vector<16xf32>
      %add3A_76 = arith.addf %mul3A_74, %mul3A_75 : vector<16xf32>
      %mul3A_77 = arith.mulf %sub3A_73, %sub3A_73 : vector<16xf32>
      %add3A_78 = arith.addf %add3A_76, %mul3A_77 : vector<16xf32>
      %slice3A_79 = vector.extract_strided_slice %get3A_3 {offsets = [3], sizes = [1], strides = [1]} : vector<16xf32> to vector<1xf32>
      %squeeze3A_80 = vector.extract %slice3A_79[0] : f32 from vector<1xf32>
      %sub3A_81 = vector.broadcast %squeeze3A_80 : f32 to vector<16xf32>
      %sub3A_82 = arith.subf %get3A_22, %sub3A_81 : vector<16xf32>
      %slice3A_83 = vector.extract_strided_slice %get3A_5 {offsets = [3], sizes = [1], strides = [1]} : vector<16xf32> to vector<1xf32>
      %squeeze3A_84 = vector.extract %slice3A_83[0] : f32 from vector<1xf32>
      %sub3A_85 = vector.broadcast %squeeze3A_84 : f32 to vector<16xf32>
      %sub3A_86 = arith.subf %get3A_26, %sub3A_85 : vector<16xf32>
      %slice3A_87 = vector.extract_strided_slice %get3A_7 {offsets = [3], sizes = [1], strides = [1]} : vector<16xf32> to vector<1xf32>
      %squeeze3A_88 = vector.extract %slice3A_87[0] : f32 from vector<1xf32>
      %sub3A_89 = vector.broadcast %squeeze3A_88 : f32 to vector<16xf32>
      %sub3A_90 = arith.subf %get3A_30, %sub3A_89 : vector<16xf32>
      %mul3A_91 = arith.mulf %sub3A_82, %sub3A_82 : vector<16xf32>
      %mul3A_92 = arith.mulf %sub3A_86, %sub3A_86 : vector<16xf32>
      %add3A_93 = arith.addf %mul3A_91, %mul3A_92 : vector<16xf32>
      %mul3A_94 = arith.mulf %sub3A_90, %sub3A_90 : vector<16xf32>
      %add3A_95 = arith.addf %add3A_93, %mul3A_94 : vector<16xf32>
      %slice3A_96 = vector.extract_strided_slice %get3A_3 {offsets = [4], sizes = [1], strides = [1]} : vector<16xf32> to vector<1xf32>
      %squeeze3A_97 = vector.extract %slice3A_96[0] : f32 from vector<1xf32>
      %sub3A_98 = vector.broadcast %squeeze3A_97 : f32 to vector<16xf32>
      %sub3A_99 = arith.subf %get3A_22, %sub3A_98 : vector<16xf32>
      %slice3A_100 = vector.extract_strided_slice %get3A_5 {offsets = [4], sizes = [1], strides = [1]} : vector<16xf32> to vector<1xf32>
      %squeeze3A_101 = vector.extract %slice3A_100[0] : f32 from vector<1xf32>
      %sub3A_102 = vector.broadcast %squeeze3A_101 : f32 to vector<16xf32>
      %sub3A_103 = arith.subf %get3A_26, %sub3A_102 : vector<16xf32>
      %slice3A_104 = vector.extract_strided_slice %get3A_7 {offsets = [4], sizes = [1], strides = [1]} : vector<16xf32> to vector<1xf32>
      %squeeze3A_105 = vector.extract %slice3A_104[0] : f32 from vector<1xf32>
      %sub3A_106 = vector.broadcast %squeeze3A_105 : f32 to vector<16xf32>
      %sub3A_107 = arith.subf %get3A_30, %sub3A_106 : vector<16xf32>
      %mul3A_108 = arith.mulf %sub3A_99, %sub3A_99 : vector<16xf32>
      %mul3A_109 = arith.mulf %sub3A_103, %sub3A_103 : vector<16xf32>
      %add3A_110 = arith.addf %mul3A_108, %mul3A_109 : vector<16xf32>
      %mul3A_111 = arith.mulf %sub3A_107, %sub3A_107 : vector<16xf32>
      %add3A_112 = arith.addf %add3A_110, %mul3A_111 : vector<16xf32>
      %slice3A_113 = vector.extract_strided_slice %get3A_3 {offsets = [5], sizes = [1], strides = [1]} : vector<16xf32> to vector<1xf32>
      %squeeze3A_114 = vector.extract %slice3A_113[0] : f32 from vector<1xf32>
      %sub3A_115 = vector.broadcast %squeeze3A_114 : f32 to vector<16xf32>
      %sub3A_116 = arith.subf %get3A_22, %sub3A_115 : vector<16xf32>
      %slice3A_117 = vector.extract_strided_slice %get3A_5 {offsets = [5], sizes = [1], strides = [1]} : vector<16xf32> to vector<1xf32>
      %squeeze3A_118 = vector.extract %slice3A_117[0] : f32 from vector<1xf32>
      %sub3A_119 = vector.broadcast %squeeze3A_118 : f32 to vector<16xf32>
      %sub3A_120 = arith.subf %get3A_26, %sub3A_119 : vector<16xf32>
      %slice3A_121 = vector.extract_strided_slice %get3A_7 {offsets = [5], sizes = [1], strides = [1]} : vector<16xf32> to vector<1xf32>
      %squeeze3A_122 = vector.extract %slice3A_121[0] : f32 from vector<1xf32>
      %sub3A_123 = vector.broadcast %squeeze3A_122 : f32 to vector<16xf32>
      %sub3A_124 = arith.subf %get3A_30, %sub3A_123 : vector<16xf32>
      %mul3A_125 = arith.mulf %sub3A_116, %sub3A_116 : vector<16xf32>
      %mul3A_126 = arith.mulf %sub3A_120, %sub3A_120 : vector<16xf32>
      %add3A_127 = arith.addf %mul3A_125, %mul3A_126 : vector<16xf32>
      %mul3A_128 = arith.mulf %sub3A_124, %sub3A_124 : vector<16xf32>
      %add3A_129 = arith.addf %add3A_127, %mul3A_128 : vector<16xf32>
      %slice3A_130 = vector.extract_strided_slice %get3A_3 {offsets = [6], sizes = [1], strides = [1]} : vector<16xf32> to vector<1xf32>
      %squeeze3A_131 = vector.extract %slice3A_130[0] : f32 from vector<1xf32>
      %sub3A_132 = vector.broadcast %squeeze3A_131 : f32 to vector<16xf32>
      %sub3A_133 = arith.subf %get3A_22, %sub3A_132 : vector<16xf32>
      %slice3A_134 = vector.extract_strided_slice %get3A_5 {offsets = [6], sizes = [1], strides = [1]} : vector<16xf32> to vector<1xf32>
      %squeeze3A_135 = vector.extract %slice3A_134[0] : f32 from vector<1xf32>
      %sub3A_136 = vector.broadcast %squeeze3A_135 : f32 to vector<16xf32>
      %sub3A_137 = arith.subf %get3A_26, %sub3A_136 : vector<16xf32>
      %slice3A_138 = vector.extract_strided_slice %get3A_7 {offsets = [6], sizes = [1], strides = [1]} : vector<16xf32> to vector<1xf32>
      %squeeze3A_139 = vector.extract %slice3A_138[0] : f32 from vector<1xf32>
      %sub3A_140 = vector.broadcast %squeeze3A_139 : f32 to vector<16xf32>
      %sub3A_141 = arith.subf %get3A_30, %sub3A_140 : vector<16xf32>
      %mul3A_142 = arith.mulf %sub3A_133, %sub3A_133 : vector<16xf32>
      %mul3A_143 = arith.mulf %sub3A_137, %sub3A_137 : vector<16xf32>
      %add3A_144 = arith.addf %mul3A_142, %mul3A_143 : vector<16xf32>
      %mul3A_145 = arith.mulf %sub3A_141, %sub3A_141 : vector<16xf32>
      %add3A_146 = arith.addf %add3A_144, %mul3A_145 : vector<16xf32>
      %slice3A_147 = vector.extract_strided_slice %get3A_3 {offsets = [7], sizes = [1], strides = [1]} : vector<16xf32> to vector<1xf32>
      %squeeze3A_148 = vector.extract %slice3A_147[0] : f32 from vector<1xf32>
      %sub3A_149 = vector.broadcast %squeeze3A_148 : f32 to vector<16xf32>
      %sub3A_150 = arith.subf %get3A_22, %sub3A_149 : vector<16xf32>
      %slice3A_151 = vector.extract_strided_slice %get3A_5 {offsets = [7], sizes = [1], strides = [1]} : vector<16xf32> to vector<1xf32>
      %squeeze3A_152 = vector.extract %slice3A_151[0] : f32 from vector<1xf32>
      %sub3A_153 = vector.broadcast %squeeze3A_152 : f32 to vector<16xf32>
      %sub3A_154 = arith.subf %get3A_26, %sub3A_153 : vector<16xf32>
      %slice3A_155 = vector.extract_strided_slice %get3A_7 {offsets = [7], sizes = [1], strides = [1]} : vector<16xf32> to vector<1xf32>
      %squeeze3A_156 = vector.extract %slice3A_155[0] : f32 from vector<1xf32>
      %sub3A_157 = vector.broadcast %squeeze3A_156 : f32 to vector<16xf32>
      %sub3A_158 = arith.subf %get3A_30, %sub3A_157 : vector<16xf32>
      %mul3A_159 = arith.mulf %sub3A_150, %sub3A_150 : vector<16xf32>
      %mul3A_160 = arith.mulf %sub3A_154, %sub3A_154 : vector<16xf32>
      %add3A_161 = arith.addf %mul3A_159, %mul3A_160 : vector<16xf32>
      %mul3A_162 = arith.mulf %sub3A_158, %sub3A_158 : vector<16xf32>
      %add3A_163 = arith.addf %add3A_161, %mul3A_162 : vector<16xf32>
      %slice3A_164 = vector.extract_strided_slice %get3A_3 {offsets = [8], sizes = [1], strides = [1]} : vector<16xf32> to vector<1xf32>
      %squeeze3A_165 = vector.extract %slice3A_164[0] : f32 from vector<1xf32>
      %sub3A_166 = vector.broadcast %squeeze3A_165 : f32 to vector<16xf32>
      %sub3A_167 = arith.subf %get3A_22, %sub3A_166 : vector<16xf32>
      %slice3A_168 = vector.extract_strided_slice %get3A_5 {offsets = [8], sizes = [1], strides = [1]} : vector<16xf32> to vector<1xf32>
      %squeeze3A_169 = vector.extract %slice3A_168[0] : f32 from vector<1xf32>
      %sub3A_170 = vector.broadcast %squeeze3A_169 : f32 to vector<16xf32>
      %sub3A_171 = arith.subf %get3A_26, %sub3A_170 : vector<16xf32>
      %slice3A_172 = vector.extract_strided_slice %get3A_7 {offsets = [8], sizes = [1], strides = [1]} : vector<16xf32> to vector<1xf32>
      %squeeze3A_173 = vector.extract %slice3A_172[0] : f32 from vector<1xf32>
      %sub3A_174 = vector.broadcast %squeeze3A_173 : f32 to vector<16xf32>
      %sub3A_175 = arith.subf %get3A_30, %sub3A_174 : vector<16xf32>
      %mul3A_176 = arith.mulf %sub3A_167, %sub3A_167 : vector<16xf32>
      %mul3A_177 = arith.mulf %sub3A_171, %sub3A_171 : vector<16xf32>
      %add3A_178 = arith.addf %mul3A_176, %mul3A_177 : vector<16xf32>
      %mul3A_179 = arith.mulf %sub3A_175, %sub3A_175 : vector<16xf32>
      %add3A_180 = arith.addf %add3A_178, %mul3A_179 : vector<16xf32>
      %slice3A_181 = vector.extract_strided_slice %get3A_3 {offsets = [9], sizes = [1], strides = [1]} : vector<16xf32> to vector<1xf32>
      %squeeze3A_182 = vector.extract %slice3A_181[0] : f32 from vector<1xf32>
      %sub3A_183 = vector.broadcast %squeeze3A_182 : f32 to vector<16xf32>
      %sub3A_184 = arith.subf %get3A_22, %sub3A_183 : vector<16xf32>
      %slice3A_185 = vector.extract_strided_slice %get3A_5 {offsets = [9], sizes = [1], strides = [1]} : vector<16xf32> to vector<1xf32>
      %squeeze3A_186 = vector.extract %slice3A_185[0] : f32 from vector<1xf32>
      %sub3A_187 = vector.broadcast %squeeze3A_186 : f32 to vector<16xf32>
      %sub3A_188 = arith.subf %get3A_26, %sub3A_187 : vector<16xf32>
      %slice3A_189 = vector.extract_strided_slice %get3A_7 {offsets = [9], sizes = [1], strides = [1]} : vector<16xf32> to vector<1xf32>
      %squeeze3A_190 = vector.extract %slice3A_189[0] : f32 from vector<1xf32>
      %sub3A_191 = vector.broadcast %squeeze3A_190 : f32 to vector<16xf32>
      %sub3A_192 = arith.subf %get3A_30, %sub3A_191 : vector<16xf32>
      %mul3A_193 = arith.mulf %sub3A_184, %sub3A_184 : vector<16xf32>
      %mul3A_194 = arith.mulf %sub3A_188, %sub3A_188 : vector<16xf32>
      %add3A_195 = arith.addf %mul3A_193, %mul3A_194 : vector<16xf32>
      %mul3A_196 = arith.mulf %sub3A_192, %sub3A_192 : vector<16xf32>
      %add3A_197 = arith.addf %add3A_195, %mul3A_196 : vector<16xf32>
      %slice3A_198 = vector.extract_strided_slice %get3A_3 {offsets = [10], sizes = [1], strides = [1]} : vector<16xf32> to vector<1xf32>
      %squeeze3A_199 = vector.extract %slice3A_198[0] : f32 from vector<1xf32>
      %sub3A_200 = vector.broadcast %squeeze3A_199 : f32 to vector<16xf32>
      %sub3A_201 = arith.subf %get3A_22, %sub3A_200 : vector<16xf32>
      %slice3A_202 = vector.extract_strided_slice %get3A_5 {offsets = [10], sizes = [1], strides = [1]} : vector<16xf32> to vector<1xf32>
      %squeeze3A_203 = vector.extract %slice3A_202[0] : f32 from vector<1xf32>
      %sub3A_204 = vector.broadcast %squeeze3A_203 : f32 to vector<16xf32>
      %sub3A_205 = arith.subf %get3A_26, %sub3A_204 : vector<16xf32>
      %slice3A_206 = vector.extract_strided_slice %get3A_7 {offsets = [10], sizes = [1], strides = [1]} : vector<16xf32> to vector<1xf32>
      %squeeze3A_207 = vector.extract %slice3A_206[0] : f32 from vector<1xf32>
      %sub3A_208 = vector.broadcast %squeeze3A_207 : f32 to vector<16xf32>
      %sub3A_209 = arith.subf %get3A_30, %sub3A_208 : vector<16xf32>
      %mul3A_210 = arith.mulf %sub3A_201, %sub3A_201 : vector<16xf32>
      %mul3A_211 = arith.mulf %sub3A_205, %sub3A_205 : vector<16xf32>
      %add3A_212 = arith.addf %mul3A_210, %mul3A_211 : vector<16xf32>
      %mul3A_213 = arith.mulf %sub3A_209, %sub3A_209 : vector<16xf32>
      %add3A_214 = arith.addf %add3A_212, %mul3A_213 : vector<16xf32>
      %slice3A_215 = vector.extract_strided_slice %get3A_3 {offsets = [11], sizes = [1], strides = [1]} : vector<16xf32> to vector<1xf32>
      %squeeze3A_216 = vector.extract %slice3A_215[0] : f32 from vector<1xf32>
      %sub3A_217 = vector.broadcast %squeeze3A_216 : f32 to vector<16xf32>
      %sub3A_218 = arith.subf %get3A_22, %sub3A_217 : vector<16xf32>
      %slice3A_219 = vector.extract_strided_slice %get3A_5 {offsets = [11], sizes = [1], strides = [1]} : vector<16xf32> to vector<1xf32>
      %squeeze3A_220 = vector.extract %slice3A_219[0] : f32 from vector<1xf32>
      %sub3A_221 = vector.broadcast %squeeze3A_220 : f32 to vector<16xf32>
      %sub3A_222 = arith.subf %get3A_26, %sub3A_221 : vector<16xf32>
      %slice3A_223 = vector.extract_strided_slice %get3A_7 {offsets = [11], sizes = [1], strides = [1]} : vector<16xf32> to vector<1xf32>
      %squeeze3A_224 = vector.extract %slice3A_223[0] : f32 from vector<1xf32>
      %sub3A_225 = vector.broadcast %squeeze3A_224 : f32 to vector<16xf32>
      %sub3A_226 = arith.subf %get3A_30, %sub3A_225 : vector<16xf32>
      %mul3A_227 = arith.mulf %sub3A_218, %sub3A_218 : vector<16xf32>
      %mul3A_228 = arith.mulf %sub3A_222, %sub3A_222 : vector<16xf32>
      %add3A_229 = arith.addf %mul3A_227, %mul3A_228 : vector<16xf32>
      %mul3A_230 = arith.mulf %sub3A_226, %sub3A_226 : vector<16xf32>
      %add3A_231 = arith.addf %add3A_229, %mul3A_230 : vector<16xf32>
      %slice3A_232 = vector.extract_strided_slice %get3A_3 {offsets = [12], sizes = [1], strides = [1]} : vector<16xf32> to vector<1xf32>
      %squeeze3A_233 = vector.extract %slice3A_232[0] : f32 from vector<1xf32>
      %sub3A_234 = vector.broadcast %squeeze3A_233 : f32 to vector<16xf32>
      %sub3A_235 = arith.subf %get3A_22, %sub3A_234 : vector<16xf32>
      %slice3A_236 = vector.extract_strided_slice %get3A_5 {offsets = [12], sizes = [1], strides = [1]} : vector<16xf32> to vector<1xf32>
      %squeeze3A_237 = vector.extract %slice3A_236[0] : f32 from vector<1xf32>
      %sub3A_238 = vector.broadcast %squeeze3A_237 : f32 to vector<16xf32>
      %sub3A_239 = arith.subf %get3A_26, %sub3A_238 : vector<16xf32>
      %slice3A_240 = vector.extract_strided_slice %get3A_7 {offsets = [12], sizes = [1], strides = [1]} : vector<16xf32> to vector<1xf32>
      %squeeze3A_241 = vector.extract %slice3A_240[0] : f32 from vector<1xf32>
      %sub3A_242 = vector.broadcast %squeeze3A_241 : f32 to vector<16xf32>
      %sub3A_243 = arith.subf %get3A_30, %sub3A_242 : vector<16xf32>
      %mul3A_244 = arith.mulf %sub3A_235, %sub3A_235 : vector<16xf32>
      %mul3A_245 = arith.mulf %sub3A_239, %sub3A_239 : vector<16xf32>
      %add3A_246 = arith.addf %mul3A_244, %mul3A_245 : vector<16xf32>
      %mul3A_247 = arith.mulf %sub3A_243, %sub3A_243 : vector<16xf32>
      %add3A_248 = arith.addf %add3A_246, %mul3A_247 : vector<16xf32>
      %slice3A_249 = vector.extract_strided_slice %get3A_3 {offsets = [13], sizes = [1], strides = [1]} : vector<16xf32> to vector<1xf32>
      %squeeze3A_250 = vector.extract %slice3A_249[0] : f32 from vector<1xf32>
      %sub3A_251 = vector.broadcast %squeeze3A_250 : f32 to vector<16xf32>
      %sub3A_252 = arith.subf %get3A_22, %sub3A_251 : vector<16xf32>
      %slice3A_253 = vector.extract_strided_slice %get3A_5 {offsets = [13], sizes = [1], strides = [1]} : vector<16xf32> to vector<1xf32>
      %squeeze3A_254 = vector.extract %slice3A_253[0] : f32 from vector<1xf32>
      %sub3A_255 = vector.broadcast %squeeze3A_254 : f32 to vector<16xf32>
      %sub3A_256 = arith.subf %get3A_26, %sub3A_255 : vector<16xf32>
      %slice3A_257 = vector.extract_strided_slice %get3A_7 {offsets = [13], sizes = [1], strides = [1]} : vector<16xf32> to vector<1xf32>
      %squeeze3A_258 = vector.extract %slice3A_257[0] : f32 from vector<1xf32>
      %sub3A_259 = vector.broadcast %squeeze3A_258 : f32 to vector<16xf32>
      %sub3A_260 = arith.subf %get3A_30, %sub3A_259 : vector<16xf32>
      %mul3A_261 = arith.mulf %sub3A_252, %sub3A_252 : vector<16xf32>
      %mul3A_262 = arith.mulf %sub3A_256, %sub3A_256 : vector<16xf32>
      %add3A_263 = arith.addf %mul3A_261, %mul3A_262 : vector<16xf32>
      %mul3A_264 = arith.mulf %sub3A_260, %sub3A_260 : vector<16xf32>
      %add3A_265 = arith.addf %add3A_263, %mul3A_264 : vector<16xf32>
      %slice3A_266 = vector.extract_strided_slice %get3A_3 {offsets = [14], sizes = [1], strides = [1]} : vector<16xf32> to vector<1xf32>
      %squeeze3A_267 = vector.extract %slice3A_266[0] : f32 from vector<1xf32>
      %sub3A_268 = vector.broadcast %squeeze3A_267 : f32 to vector<16xf32>
      %sub3A_269 = arith.subf %get3A_22, %sub3A_268 : vector<16xf32>
      %slice3A_270 = vector.extract_strided_slice %get3A_5 {offsets = [14], sizes = [1], strides = [1]} : vector<16xf32> to vector<1xf32>
      %squeeze3A_271 = vector.extract %slice3A_270[0] : f32 from vector<1xf32>
      %sub3A_272 = vector.broadcast %squeeze3A_271 : f32 to vector<16xf32>
      %sub3A_273 = arith.subf %get3A_26, %sub3A_272 : vector<16xf32>
      %slice3A_274 = vector.extract_strided_slice %get3A_7 {offsets = [14], sizes = [1], strides = [1]} : vector<16xf32> to vector<1xf32>
      %squeeze3A_275 = vector.extract %slice3A_274[0] : f32 from vector<1xf32>
      %sub3A_276 = vector.broadcast %squeeze3A_275 : f32 to vector<16xf32>
      %sub3A_277 = arith.subf %get3A_30, %sub3A_276 : vector<16xf32>
      %mul3A_278 = arith.mulf %sub3A_269, %sub3A_269 : vector<16xf32>
      %mul3A_279 = arith.mulf %sub3A_273, %sub3A_273 : vector<16xf32>
      %add3A_280 = arith.addf %mul3A_278, %mul3A_279 : vector<16xf32>
      %mul3A_281 = arith.mulf %sub3A_277, %sub3A_277 : vector<16xf32>
      %add3A_282 = arith.addf %add3A_280, %mul3A_281 : vector<16xf32>
      %slice3A_283 = vector.extract_strided_slice %get3A_3 {offsets = [15], sizes = [1], strides = [1]} : vector<16xf32> to vector<1xf32>
      %squeeze3A_284 = vector.extract %slice3A_283[0] : f32 from vector<1xf32>
      %sub3A_285 = vector.broadcast %squeeze3A_284 : f32 to vector<16xf32>
      %sub3A_286 = arith.subf %get3A_22, %sub3A_285 : vector<16xf32>
      %slice3A_287 = vector.extract_strided_slice %get3A_5 {offsets = [15], sizes = [1], strides = [1]} : vector<16xf32> to vector<1xf32>
      %squeeze3A_288 = vector.extract %slice3A_287[0] : f32 from vector<1xf32>
      %sub3A_289 = vector.broadcast %squeeze3A_288 : f32 to vector<16xf32>
      %sub3A_290 = arith.subf %get3A_26, %sub3A_289 : vector<16xf32>
      %slice3A_291 = vector.extract_strided_slice %get3A_7 {offsets = [15], sizes = [1], strides = [1]} : vector<16xf32> to vector<1xf32>
      %squeeze3A_292 = vector.extract %slice3A_291[0] : f32 from vector<1xf32>
      %sub3A_293 = vector.broadcast %squeeze3A_292 : f32 to vector<16xf32>
      %sub3A_294 = arith.subf %get3A_30, %sub3A_293 : vector<16xf32>
      %mul3A_295 = arith.mulf %sub3A_286, %sub3A_286 : vector<16xf32>
      %mul3A_296 = arith.mulf %sub3A_290, %sub3A_290 : vector<16xf32>
      %add3A_297 = arith.addf %mul3A_295, %mul3A_296 : vector<16xf32>
      %mul3A_298 = arith.mulf %sub3A_294, %sub3A_294 : vector<16xf32>
      %add3A_299 = arith.addf %add3A_297, %mul3A_298 : vector<16xf32>
      %broadcast_in_dim3A = arith.constant 0 : i32
      %broadcast_in_dim3A_300 = vector.broadcast %broadcast_in_dim3A : i32 to vector<16xi32>
      %broadcast_in_dim3A_301 = arith.constant 1 : i32
      %broadcast_in_dim3A_302 = vector.broadcast %broadcast_in_dim3A_301 : i32 to vector<16xi32>
      %broadcast_in_dim3A_303 = arith.constant 2 : i32
      %broadcast_in_dim3A_304 = vector.broadcast %broadcast_in_dim3A_303 : i32 to vector<16xi32>
      %broadcast_in_dim3A_305 = arith.constant 3 : i32
      %broadcast_in_dim3A_306 = vector.broadcast %broadcast_in_dim3A_305 : i32 to vector<16xi32>
      %broadcast_in_dim3A_307 = arith.constant 4 : i32
      %broadcast_in_dim3A_308 = vector.broadcast %broadcast_in_dim3A_307 : i32 to vector<16xi32>
      %broadcast_in_dim3A_309 = arith.constant 5 : i32
      %broadcast_in_dim3A_310 = vector.broadcast %broadcast_in_dim3A_309 : i32 to vector<16xi32>
      %broadcast_in_dim3A_311 = arith.constant 6 : i32
      %broadcast_in_dim3A_312 = vector.broadcast %broadcast_in_dim3A_311 : i32 to vector<16xi32>
      %broadcast_in_dim3A_313 = arith.constant 7 : i32
      %broadcast_in_dim3A_314 = vector.broadcast %broadcast_in_dim3A_313 : i32 to vector<16xi32>
      %broadcast_in_dim3A_315 = arith.constant 8 : i32
      %broadcast_in_dim3A_316 = vector.broadcast %broadcast_in_dim3A_315 : i32 to vector<16xi32>
      %broadcast_in_dim3A_317 = arith.constant 9 : i32
      %broadcast_in_dim3A_318 = vector.broadcast %broadcast_in_dim3A_317 : i32 to vector<16xi32>
      %broadcast_in_dim3A_319 = arith.constant 10 : i32
      %broadcast_in_dim3A_320 = vector.broadcast %broadcast_in_dim3A_319 : i32 to vector<16xi32>
      %broadcast_in_dim3A_321 = arith.constant 11 : i32
      %broadcast_in_dim3A_322 = vector.broadcast %broadcast_in_dim3A_321 : i32 to vector<16xi32>
      %broadcast_in_dim3A_323 = arith.constant 12 : i32
      %broadcast_in_dim3A_324 = vector.broadcast %broadcast_in_dim3A_323 : i32 to vector<16xi32>
      %broadcast_in_dim3A_325 = arith.constant 13 : i32
      %broadcast_in_dim3A_326 = vector.broadcast %broadcast_in_dim3A_325 : i32 to vector<16xi32>
      %broadcast_in_dim3A_327 = arith.constant 14 : i32
      %broadcast_in_dim3A_328 = vector.broadcast %broadcast_in_dim3A_327 : i32 to vector<16xi32>
      %broadcast_in_dim3A_329 = arith.constant 15 : i32
      %broadcast_in_dim3A_330 = vector.broadcast %broadcast_in_dim3A_329 : i32 to vector<16xi32>
      %le3A = arith.cmpf ole, %add3A_44, %add3A_61 : vector<16xf32>
      %min3A = arith.minimumf %add3A_44, %add3A_61 : vector<16xf32>
      %select_n3A = arith.select %le3A, %broadcast_in_dim3A_300, %broadcast_in_dim3A_302 : vector<16xi1>, vector<16xi32>
      %le3A_331 = arith.cmpf ole, %add3A_78, %add3A_95 : vector<16xf32>
      %min3A_332 = arith.minimumf %add3A_78, %add3A_95 : vector<16xf32>
      %select_n3A_333 = arith.select %le3A_331, %broadcast_in_dim3A_304, %broadcast_in_dim3A_306 : vector<16xi1>, vector<16xi32>
      %le3A_334 = arith.cmpf ole, %add3A_112, %add3A_129 : vector<16xf32>
      %min3A_335 = arith.minimumf %add3A_112, %add3A_129 : vector<16xf32>
      %select_n3A_336 = arith.select %le3A_334, %broadcast_in_dim3A_308, %broadcast_in_dim3A_310 : vector<16xi1>, vector<16xi32>
      %le3A_337 = arith.cmpf ole, %add3A_146, %add3A_163 : vector<16xf32>
      %min3A_338 = arith.minimumf %add3A_146, %add3A_163 : vector<16xf32>
      %select_n3A_339 = arith.select %le3A_337, %broadcast_in_dim3A_312, %broadcast_in_dim3A_314 : vector<16xi1>, vector<16xi32>
      %le3A_340 = arith.cmpf ole, %add3A_180, %add3A_197 : vector<16xf32>
      %min3A_341 = arith.minimumf %add3A_180, %add3A_197 : vector<16xf32>
      %select_n3A_342 = arith.select %le3A_340, %broadcast_in_dim3A_316, %broadcast_in_dim3A_318 : vector<16xi1>, vector<16xi32>
      %le3A_343 = arith.cmpf ole, %add3A_214, %add3A_231 : vector<16xf32>
      %min3A_344 = arith.minimumf %add3A_214, %add3A_231 : vector<16xf32>
      %select_n3A_345 = arith.select %le3A_343, %broadcast_in_dim3A_320, %broadcast_in_dim3A_322 : vector<16xi1>, vector<16xi32>
      %le3A_346 = arith.cmpf ole, %add3A_248, %add3A_265 : vector<16xf32>
      %min3A_347 = arith.minimumf %add3A_248, %add3A_265 : vector<16xf32>
      %select_n3A_348 = arith.select %le3A_346, %broadcast_in_dim3A_324, %broadcast_in_dim3A_326 : vector<16xi1>, vector<16xi32>
      %le3A_349 = arith.cmpf ole, %add3A_282, %add3A_299 : vector<16xf32>
      %min3A_350 = arith.minimumf %add3A_282, %add3A_299 : vector<16xf32>
      %select_n3A_351 = arith.select %le3A_349, %broadcast_in_dim3A_328, %broadcast_in_dim3A_330 : vector<16xi1>, vector<16xi32>
      %le3A_352 = arith.cmpf ole, %min3A, %min3A_332 : vector<16xf32>
      %min3A_353 = arith.minimumf %min3A, %min3A_332 : vector<16xf32>
      %select_n3A_354 = arith.select %le3A_352, %select_n3A, %select_n3A_333 : vector<16xi1>, vector<16xi32>
      %le3A_355 = arith.cmpf ole, %min3A_335, %min3A_338 : vector<16xf32>
      %min3A_356 = arith.minimumf %min3A_335, %min3A_338 : vector<16xf32>
      %select_n3A_357 = arith.select %le3A_355, %select_n3A_336, %select_n3A_339 : vector<16xi1>, vector<16xi32>
      %le3A_358 = arith.cmpf ole, %min3A_341, %min3A_344 : vector<16xf32>
      %min3A_359 = arith.minimumf %min3A_341, %min3A_344 : vector<16xf32>
      %select_n3A_360 = arith.select %le3A_358, %select_n3A_342, %select_n3A_345 : vector<16xi1>, vector<16xi32>
      %le3A_361 = arith.cmpf ole, %min3A_347, %min3A_350 : vector<16xf32>
      %min3A_362 = arith.minimumf %min3A_347, %min3A_350 : vector<16xf32>
      %select_n3A_363 = arith.select %le3A_361, %select_n3A_348, %select_n3A_351 : vector<16xi1>, vector<16xi32>
      %le3A_364 = arith.cmpf ole, %min3A_353, %min3A_356 : vector<16xf32>
      %min3A_365 = arith.minimumf %min3A_353, %min3A_356 : vector<16xf32>
      %select_n3A_366 = arith.select %le3A_364, %select_n3A_354, %select_n3A_357 : vector<16xi1>, vector<16xi32>
      %le3A_367 = arith.cmpf ole, %min3A_359, %min3A_362 : vector<16xf32>
      %min3A_368 = arith.minimumf %min3A_359, %min3A_362 : vector<16xf32>
      %select_n3A_369 = arith.select %le3A_367, %select_n3A_360, %select_n3A_363 : vector<16xi1>, vector<16xi32>
      %le3A_370 = arith.cmpf ole, %min3A_365, %min3A_368 : vector<16xf32>
      %min3A_371 = arith.minimumf %min3A_365, %min3A_368 : vector<16xf32>
      %select_n3A_372 = arith.select %le3A_370, %select_n3A_366, %select_n3A_369 : vector<16xi1>, vector<16xi32>
      %eq3A = arith.constant 0 : i32
      %eq3A_373 = vector.broadcast %eq3A : i32 to vector<16xi32>
      %eq3A_374 = arith.cmpi eq, %select_n3A_372, %eq3A_373 : vector<16xi32>
      %broadcast_in_dim3A_375 = vector.broadcast %scan3A_8 : f32 to vector<16xf32>
      %select_n3A_376 = arith.select %eq3A_374, %broadcast_in_dim3A_375, %add3A_44 : vector<16xi1>, vector<16xf32>
      %eq3A_377 = arith.constant 1 : i32
      %eq3A_378 = vector.broadcast %eq3A_377 : i32 to vector<16xi32>
      %eq3A_379 = arith.cmpi eq, %select_n3A_372, %eq3A_378 : vector<16xi32>
      %broadcast_in_dim3A_380 = vector.broadcast %scan3A_8 : f32 to vector<16xf32>
      %select_n3A_381 = arith.select %eq3A_379, %broadcast_in_dim3A_380, %add3A_61 : vector<16xi1>, vector<16xf32>
      %eq3A_382 = arith.constant 2 : i32
      %eq3A_383 = vector.broadcast %eq3A_382 : i32 to vector<16xi32>
      %eq3A_384 = arith.cmpi eq, %select_n3A_372, %eq3A_383 : vector<16xi32>
      %broadcast_in_dim3A_385 = vector.broadcast %scan3A_8 : f32 to vector<16xf32>
      %select_n3A_386 = arith.select %eq3A_384, %broadcast_in_dim3A_385, %add3A_78 : vector<16xi1>, vector<16xf32>
      %eq3A_387 = arith.constant 3 : i32
      %eq3A_388 = vector.broadcast %eq3A_387 : i32 to vector<16xi32>
      %eq3A_389 = arith.cmpi eq, %select_n3A_372, %eq3A_388 : vector<16xi32>
      %broadcast_in_dim3A_390 = vector.broadcast %scan3A_8 : f32 to vector<16xf32>
      %select_n3A_391 = arith.select %eq3A_389, %broadcast_in_dim3A_390, %add3A_95 : vector<16xi1>, vector<16xf32>
      %eq3A_392 = arith.constant 4 : i32
      %eq3A_393 = vector.broadcast %eq3A_392 : i32 to vector<16xi32>
      %eq3A_394 = arith.cmpi eq, %select_n3A_372, %eq3A_393 : vector<16xi32>
      %broadcast_in_dim3A_395 = vector.broadcast %scan3A_8 : f32 to vector<16xf32>
      %select_n3A_396 = arith.select %eq3A_394, %broadcast_in_dim3A_395, %add3A_112 : vector<16xi1>, vector<16xf32>
      %eq3A_397 = arith.constant 5 : i32
      %eq3A_398 = vector.broadcast %eq3A_397 : i32 to vector<16xi32>
      %eq3A_399 = arith.cmpi eq, %select_n3A_372, %eq3A_398 : vector<16xi32>
      %broadcast_in_dim3A_400 = vector.broadcast %scan3A_8 : f32 to vector<16xf32>
      %select_n3A_401 = arith.select %eq3A_399, %broadcast_in_dim3A_400, %add3A_129 : vector<16xi1>, vector<16xf32>
      %eq3A_402 = arith.constant 6 : i32
      %eq3A_403 = vector.broadcast %eq3A_402 : i32 to vector<16xi32>
      %eq3A_404 = arith.cmpi eq, %select_n3A_372, %eq3A_403 : vector<16xi32>
      %broadcast_in_dim3A_405 = vector.broadcast %scan3A_8 : f32 to vector<16xf32>
      %select_n3A_406 = arith.select %eq3A_404, %broadcast_in_dim3A_405, %add3A_146 : vector<16xi1>, vector<16xf32>
      %eq3A_407 = arith.constant 7 : i32
      %eq3A_408 = vector.broadcast %eq3A_407 : i32 to vector<16xi32>
      %eq3A_409 = arith.cmpi eq, %select_n3A_372, %eq3A_408 : vector<16xi32>
      %broadcast_in_dim3A_410 = vector.broadcast %scan3A_8 : f32 to vector<16xf32>
      %select_n3A_411 = arith.select %eq3A_409, %broadcast_in_dim3A_410, %add3A_163 : vector<16xi1>, vector<16xf32>
      %eq3A_412 = arith.constant 8 : i32
      %eq3A_413 = vector.broadcast %eq3A_412 : i32 to vector<16xi32>
      %eq3A_414 = arith.cmpi eq, %select_n3A_372, %eq3A_413 : vector<16xi32>
      %broadcast_in_dim3A_415 = vector.broadcast %scan3A_8 : f32 to vector<16xf32>
      %select_n3A_416 = arith.select %eq3A_414, %broadcast_in_dim3A_415, %add3A_180 : vector<16xi1>, vector<16xf32>
      %eq3A_417 = arith.constant 9 : i32
      %eq3A_418 = vector.broadcast %eq3A_417 : i32 to vector<16xi32>
      %eq3A_419 = arith.cmpi eq, %select_n3A_372, %eq3A_418 : vector<16xi32>
      %broadcast_in_dim3A_420 = vector.broadcast %scan3A_8 : f32 to vector<16xf32>
      %select_n3A_421 = arith.select %eq3A_419, %broadcast_in_dim3A_420, %add3A_197 : vector<16xi1>, vector<16xf32>
      %eq3A_422 = arith.constant 10 : i32
      %eq3A_423 = vector.broadcast %eq3A_422 : i32 to vector<16xi32>
      %eq3A_424 = arith.cmpi eq, %select_n3A_372, %eq3A_423 : vector<16xi32>
      %broadcast_in_dim3A_425 = vector.broadcast %scan3A_8 : f32 to vector<16xf32>
      %select_n3A_426 = arith.select %eq3A_424, %broadcast_in_dim3A_425, %add3A_214 : vector<16xi1>, vector<16xf32>
      %eq3A_427 = arith.constant 11 : i32
      %eq3A_428 = vector.broadcast %eq3A_427 : i32 to vector<16xi32>
      %eq3A_429 = arith.cmpi eq, %select_n3A_372, %eq3A_428 : vector<16xi32>
      %broadcast_in_dim3A_430 = vector.broadcast %scan3A_8 : f32 to vector<16xf32>
      %select_n3A_431 = arith.select %eq3A_429, %broadcast_in_dim3A_430, %add3A_231 : vector<16xi1>, vector<16xf32>
      %eq3A_432 = arith.constant 12 : i32
      %eq3A_433 = vector.broadcast %eq3A_432 : i32 to vector<16xi32>
      %eq3A_434 = arith.cmpi eq, %select_n3A_372, %eq3A_433 : vector<16xi32>
      %broadcast_in_dim3A_435 = vector.broadcast %scan3A_8 : f32 to vector<16xf32>
      %select_n3A_436 = arith.select %eq3A_434, %broadcast_in_dim3A_435, %add3A_248 : vector<16xi1>, vector<16xf32>
      %eq3A_437 = arith.constant 13 : i32
      %eq3A_438 = vector.broadcast %eq3A_437 : i32 to vector<16xi32>
      %eq3A_439 = arith.cmpi eq, %select_n3A_372, %eq3A_438 : vector<16xi32>
      %broadcast_in_dim3A_440 = vector.broadcast %scan3A_8 : f32 to vector<16xf32>
      %select_n3A_441 = arith.select %eq3A_439, %broadcast_in_dim3A_440, %add3A_265 : vector<16xi1>, vector<16xf32>
      %eq3A_442 = arith.constant 14 : i32
      %eq3A_443 = vector.broadcast %eq3A_442 : i32 to vector<16xi32>
      %eq3A_444 = arith.cmpi eq, %select_n3A_372, %eq3A_443 : vector<16xi32>
      %broadcast_in_dim3A_445 = vector.broadcast %scan3A_8 : f32 to vector<16xf32>
      %select_n3A_446 = arith.select %eq3A_444, %broadcast_in_dim3A_445, %add3A_282 : vector<16xi1>, vector<16xf32>
      %eq3A_447 = arith.constant 15 : i32
      %eq3A_448 = vector.broadcast %eq3A_447 : i32 to vector<16xi32>
      %eq3A_449 = arith.cmpi eq, %select_n3A_372, %eq3A_448 : vector<16xi32>
      %broadcast_in_dim3A_450 = vector.broadcast %scan3A_8 : f32 to vector<16xf32>
      %select_n3A_451 = arith.select %eq3A_449, %broadcast_in_dim3A_450, %add3A_299 : vector<16xi1>, vector<16xf32>
      %le3A_452 = arith.cmpf ole, %select_n3A_376, %select_n3A_381 : vector<16xf32>
      %min3A_453 = arith.minimumf %select_n3A_376, %select_n3A_381 : vector<16xf32>
      %select_n3A_454 = arith.select %le3A_452, %broadcast_in_dim3A_300, %broadcast_in_dim3A_302 : vector<16xi1>, vector<16xi32>
      %le3A_455 = arith.cmpf ole, %select_n3A_386, %select_n3A_391 : vector<16xf32>
      %min3A_456 = arith.minimumf %select_n3A_386, %select_n3A_391 : vector<16xf32>
      %select_n3A_457 = arith.select %le3A_455, %broadcast_in_dim3A_304, %broadcast_in_dim3A_306 : vector<16xi1>, vector<16xi32>
      %le3A_458 = arith.cmpf ole, %select_n3A_396, %select_n3A_401 : vector<16xf32>
      %min3A_459 = arith.minimumf %select_n3A_396, %select_n3A_401 : vector<16xf32>
      %select_n3A_460 = arith.select %le3A_458, %broadcast_in_dim3A_308, %broadcast_in_dim3A_310 : vector<16xi1>, vector<16xi32>
      %le3A_461 = arith.cmpf ole, %select_n3A_406, %select_n3A_411 : vector<16xf32>
      %min3A_462 = arith.minimumf %select_n3A_406, %select_n3A_411 : vector<16xf32>
      %select_n3A_463 = arith.select %le3A_461, %broadcast_in_dim3A_312, %broadcast_in_dim3A_314 : vector<16xi1>, vector<16xi32>
      %le3A_464 = arith.cmpf ole, %select_n3A_416, %select_n3A_421 : vector<16xf32>
      %min3A_465 = arith.minimumf %select_n3A_416, %select_n3A_421 : vector<16xf32>
      %select_n3A_466 = arith.select %le3A_464, %broadcast_in_dim3A_316, %broadcast_in_dim3A_318 : vector<16xi1>, vector<16xi32>
      %le3A_467 = arith.cmpf ole, %select_n3A_426, %select_n3A_431 : vector<16xf32>
      %min3A_468 = arith.minimumf %select_n3A_426, %select_n3A_431 : vector<16xf32>
      %select_n3A_469 = arith.select %le3A_467, %broadcast_in_dim3A_320, %broadcast_in_dim3A_322 : vector<16xi1>, vector<16xi32>
      %le3A_470 = arith.cmpf ole, %select_n3A_436, %select_n3A_441 : vector<16xf32>
      %min3A_471 = arith.minimumf %select_n3A_436, %select_n3A_441 : vector<16xf32>
      %select_n3A_472 = arith.select %le3A_470, %broadcast_in_dim3A_324, %broadcast_in_dim3A_326 : vector<16xi1>, vector<16xi32>
      %le3A_473 = arith.cmpf ole, %select_n3A_446, %select_n3A_451 : vector<16xf32>
      %min3A_474 = arith.minimumf %select_n3A_446, %select_n3A_451 : vector<16xf32>
      %select_n3A_475 = arith.select %le3A_473, %broadcast_in_dim3A_328, %broadcast_in_dim3A_330 : vector<16xi1>, vector<16xi32>
      %le3A_476 = arith.cmpf ole, %min3A_453, %min3A_456 : vector<16xf32>
      %min3A_477 = arith.minimumf %min3A_453, %min3A_456 : vector<16xf32>
      %select_n3A_478 = arith.select %le3A_476, %select_n3A_454, %select_n3A_457 : vector<16xi1>, vector<16xi32>
      %le3A_479 = arith.cmpf ole, %min3A_459, %min3A_462 : vector<16xf32>
      %min3A_480 = arith.minimumf %min3A_459, %min3A_462 : vector<16xf32>
      %select_n3A_481 = arith.select %le3A_479, %select_n3A_460, %select_n3A_463 : vector<16xi1>, vector<16xi32>
      %le3A_482 = arith.cmpf ole, %min3A_465, %min3A_468 : vector<16xf32>
      %min3A_483 = arith.minimumf %min3A_465, %min3A_468 : vector<16xf32>
      %select_n3A_484 = arith.select %le3A_482, %select_n3A_466, %select_n3A_469 : vector<16xi1>, vector<16xi32>
      %le3A_485 = arith.cmpf ole, %min3A_471, %min3A_474 : vector<16xf32>
      %min3A_486 = arith.minimumf %min3A_471, %min3A_474 : vector<16xf32>
      %select_n3A_487 = arith.select %le3A_485, %select_n3A_472, %select_n3A_475 : vector<16xi1>, vector<16xi32>
      %le3A_488 = arith.cmpf ole, %min3A_477, %min3A_480 : vector<16xf32>
      %min3A_489 = arith.minimumf %min3A_477, %min3A_480 : vector<16xf32>
      %select_n3A_490 = arith.select %le3A_488, %select_n3A_478, %select_n3A_481 : vector<16xi1>, vector<16xi32>
      %le3A_491 = arith.cmpf ole, %min3A_483, %min3A_486 : vector<16xf32>
      %min3A_492 = arith.minimumf %min3A_483, %min3A_486 : vector<16xf32>
      %select_n3A_493 = arith.select %le3A_491, %select_n3A_484, %select_n3A_487 : vector<16xi1>, vector<16xi32>
      %le3A_494 = arith.cmpf ole, %min3A_489, %min3A_492 : vector<16xf32>
      %min3A_495 = arith.minimumf %min3A_489, %min3A_492 : vector<16xf32>
      %select_n3A_496 = arith.select %le3A_494, %select_n3A_490, %select_n3A_493 : vector<16xi1>, vector<16xi32>
      %eq3A_497 = arith.constant 0 : i32
      %eq3A_498 = vector.broadcast %eq3A_497 : i32 to vector<16xi32>
      %eq3A_499 = arith.cmpi eq, %select_n3A_496, %eq3A_498 : vector<16xi32>
      %broadcast_in_dim3A_500 = vector.broadcast %scan3A_8 : f32 to vector<16xf32>
      %select_n3A_501 = arith.select %eq3A_499, %broadcast_in_dim3A_500, %select_n3A_376 : vector<16xi1>, vector<16xf32>
      %eq3A_502 = arith.constant 1 : i32
      %eq3A_503 = vector.broadcast %eq3A_502 : i32 to vector<16xi32>
      %eq3A_504 = arith.cmpi eq, %select_n3A_496, %eq3A_503 : vector<16xi32>
      %broadcast_in_dim3A_505 = vector.broadcast %scan3A_8 : f32 to vector<16xf32>
      %select_n3A_506 = arith.select %eq3A_504, %broadcast_in_dim3A_505, %select_n3A_381 : vector<16xi1>, vector<16xf32>
      %eq3A_507 = arith.constant 2 : i32
      %eq3A_508 = vector.broadcast %eq3A_507 : i32 to vector<16xi32>
      %eq3A_509 = arith.cmpi eq, %select_n3A_496, %eq3A_508 : vector<16xi32>
      %broadcast_in_dim3A_510 = vector.broadcast %scan3A_8 : f32 to vector<16xf32>
      %select_n3A_511 = arith.select %eq3A_509, %broadcast_in_dim3A_510, %select_n3A_386 : vector<16xi1>, vector<16xf32>
      %eq3A_512 = arith.constant 3 : i32
      %eq3A_513 = vector.broadcast %eq3A_512 : i32 to vector<16xi32>
      %eq3A_514 = arith.cmpi eq, %select_n3A_496, %eq3A_513 : vector<16xi32>
      %broadcast_in_dim3A_515 = vector.broadcast %scan3A_8 : f32 to vector<16xf32>
      %select_n3A_516 = arith.select %eq3A_514, %broadcast_in_dim3A_515, %select_n3A_391 : vector<16xi1>, vector<16xf32>
      %eq3A_517 = arith.constant 4 : i32
      %eq3A_518 = vector.broadcast %eq3A_517 : i32 to vector<16xi32>
      %eq3A_519 = arith.cmpi eq, %select_n3A_496, %eq3A_518 : vector<16xi32>
      %broadcast_in_dim3A_520 = vector.broadcast %scan3A_8 : f32 to vector<16xf32>
      %select_n3A_521 = arith.select %eq3A_519, %broadcast_in_dim3A_520, %select_n3A_396 : vector<16xi1>, vector<16xf32>
      %eq3A_522 = arith.constant 5 : i32
      %eq3A_523 = vector.broadcast %eq3A_522 : i32 to vector<16xi32>
      %eq3A_524 = arith.cmpi eq, %select_n3A_496, %eq3A_523 : vector<16xi32>
      %broadcast_in_dim3A_525 = vector.broadcast %scan3A_8 : f32 to vector<16xf32>
      %select_n3A_526 = arith.select %eq3A_524, %broadcast_in_dim3A_525, %select_n3A_401 : vector<16xi1>, vector<16xf32>
      %eq3A_527 = arith.constant 6 : i32
      %eq3A_528 = vector.broadcast %eq3A_527 : i32 to vector<16xi32>
      %eq3A_529 = arith.cmpi eq, %select_n3A_496, %eq3A_528 : vector<16xi32>
      %broadcast_in_dim3A_530 = vector.broadcast %scan3A_8 : f32 to vector<16xf32>
      %select_n3A_531 = arith.select %eq3A_529, %broadcast_in_dim3A_530, %select_n3A_406 : vector<16xi1>, vector<16xf32>
      %eq3A_532 = arith.constant 7 : i32
      %eq3A_533 = vector.broadcast %eq3A_532 : i32 to vector<16xi32>
      %eq3A_534 = arith.cmpi eq, %select_n3A_496, %eq3A_533 : vector<16xi32>
      %broadcast_in_dim3A_535 = vector.broadcast %scan3A_8 : f32 to vector<16xf32>
      %select_n3A_536 = arith.select %eq3A_534, %broadcast_in_dim3A_535, %select_n3A_411 : vector<16xi1>, vector<16xf32>
      %eq3A_537 = arith.constant 8 : i32
      %eq3A_538 = vector.broadcast %eq3A_537 : i32 to vector<16xi32>
      %eq3A_539 = arith.cmpi eq, %select_n3A_496, %eq3A_538 : vector<16xi32>
      %broadcast_in_dim3A_540 = vector.broadcast %scan3A_8 : f32 to vector<16xf32>
      %select_n3A_541 = arith.select %eq3A_539, %broadcast_in_dim3A_540, %select_n3A_416 : vector<16xi1>, vector<16xf32>
      %eq3A_542 = arith.constant 9 : i32
      %eq3A_543 = vector.broadcast %eq3A_542 : i32 to vector<16xi32>
      %eq3A_544 = arith.cmpi eq, %select_n3A_496, %eq3A_543 : vector<16xi32>
      %broadcast_in_dim3A_545 = vector.broadcast %scan3A_8 : f32 to vector<16xf32>
      %select_n3A_546 = arith.select %eq3A_544, %broadcast_in_dim3A_545, %select_n3A_421 : vector<16xi1>, vector<16xf32>
      %eq3A_547 = arith.constant 10 : i32
      %eq3A_548 = vector.broadcast %eq3A_547 : i32 to vector<16xi32>
      %eq3A_549 = arith.cmpi eq, %select_n3A_496, %eq3A_548 : vector<16xi32>
      %broadcast_in_dim3A_550 = vector.broadcast %scan3A_8 : f32 to vector<16xf32>
      %select_n3A_551 = arith.select %eq3A_549, %broadcast_in_dim3A_550, %select_n3A_426 : vector<16xi1>, vector<16xf32>
      %eq3A_552 = arith.constant 11 : i32
      %eq3A_553 = vector.broadcast %eq3A_552 : i32 to vector<16xi32>
      %eq3A_554 = arith.cmpi eq, %select_n3A_496, %eq3A_553 : vector<16xi32>
      %broadcast_in_dim3A_555 = vector.broadcast %scan3A_8 : f32 to vector<16xf32>
      %select_n3A_556 = arith.select %eq3A_554, %broadcast_in_dim3A_555, %select_n3A_431 : vector<16xi1>, vector<16xf32>
      %eq3A_557 = arith.constant 12 : i32
      %eq3A_558 = vector.broadcast %eq3A_557 : i32 to vector<16xi32>
      %eq3A_559 = arith.cmpi eq, %select_n3A_496, %eq3A_558 : vector<16xi32>
      %broadcast_in_dim3A_560 = vector.broadcast %scan3A_8 : f32 to vector<16xf32>
      %select_n3A_561 = arith.select %eq3A_559, %broadcast_in_dim3A_560, %select_n3A_436 : vector<16xi1>, vector<16xf32>
      %eq3A_562 = arith.constant 13 : i32
      %eq3A_563 = vector.broadcast %eq3A_562 : i32 to vector<16xi32>
      %eq3A_564 = arith.cmpi eq, %select_n3A_496, %eq3A_563 : vector<16xi32>
      %broadcast_in_dim3A_565 = vector.broadcast %scan3A_8 : f32 to vector<16xf32>
      %select_n3A_566 = arith.select %eq3A_564, %broadcast_in_dim3A_565, %select_n3A_441 : vector<16xi1>, vector<16xf32>
      %eq3A_567 = arith.constant 14 : i32
      %eq3A_568 = vector.broadcast %eq3A_567 : i32 to vector<16xi32>
      %eq3A_569 = arith.cmpi eq, %select_n3A_496, %eq3A_568 : vector<16xi32>
      %broadcast_in_dim3A_570 = vector.broadcast %scan3A_8 : f32 to vector<16xf32>
      %select_n3A_571 = arith.select %eq3A_569, %broadcast_in_dim3A_570, %select_n3A_446 : vector<16xi1>, vector<16xf32>
      %eq3A_572 = arith.constant 15 : i32
      %eq3A_573 = vector.broadcast %eq3A_572 : i32 to vector<16xi32>
      %eq3A_574 = arith.cmpi eq, %select_n3A_496, %eq3A_573 : vector<16xi32>
      %broadcast_in_dim3A_575 = vector.broadcast %scan3A_8 : f32 to vector<16xf32>
      %select_n3A_576 = arith.select %eq3A_574, %broadcast_in_dim3A_575, %select_n3A_451 : vector<16xi1>, vector<16xf32>
      %le3A_577 = arith.cmpf ole, %select_n3A_501, %select_n3A_506 : vector<16xf32>
      %min3A_578 = arith.minimumf %select_n3A_501, %select_n3A_506 : vector<16xf32>
      %select_n3A_579 = arith.select %le3A_577, %broadcast_in_dim3A_300, %broadcast_in_dim3A_302 : vector<16xi1>, vector<16xi32>
      %le3A_580 = arith.cmpf ole, %select_n3A_511, %select_n3A_516 : vector<16xf32>
      %min3A_581 = arith.minimumf %select_n3A_511, %select_n3A_516 : vector<16xf32>
      %select_n3A_582 = arith.select %le3A_580, %broadcast_in_dim3A_304, %broadcast_in_dim3A_306 : vector<16xi1>, vector<16xi32>
      %le3A_583 = arith.cmpf ole, %select_n3A_521, %select_n3A_526 : vector<16xf32>
      %min3A_584 = arith.minimumf %select_n3A_521, %select_n3A_526 : vector<16xf32>
      %select_n3A_585 = arith.select %le3A_583, %broadcast_in_dim3A_308, %broadcast_in_dim3A_310 : vector<16xi1>, vector<16xi32>
      %le3A_586 = arith.cmpf ole, %select_n3A_531, %select_n3A_536 : vector<16xf32>
      %min3A_587 = arith.minimumf %select_n3A_531, %select_n3A_536 : vector<16xf32>
      %select_n3A_588 = arith.select %le3A_586, %broadcast_in_dim3A_312, %broadcast_in_dim3A_314 : vector<16xi1>, vector<16xi32>
      %le3A_589 = arith.cmpf ole, %select_n3A_541, %select_n3A_546 : vector<16xf32>
      %min3A_590 = arith.minimumf %select_n3A_541, %select_n3A_546 : vector<16xf32>
      %select_n3A_591 = arith.select %le3A_589, %broadcast_in_dim3A_316, %broadcast_in_dim3A_318 : vector<16xi1>, vector<16xi32>
      %le3A_592 = arith.cmpf ole, %select_n3A_551, %select_n3A_556 : vector<16xf32>
      %min3A_593 = arith.minimumf %select_n3A_551, %select_n3A_556 : vector<16xf32>
      %select_n3A_594 = arith.select %le3A_592, %broadcast_in_dim3A_320, %broadcast_in_dim3A_322 : vector<16xi1>, vector<16xi32>
      %le3A_595 = arith.cmpf ole, %select_n3A_561, %select_n3A_566 : vector<16xf32>
      %min3A_596 = arith.minimumf %select_n3A_561, %select_n3A_566 : vector<16xf32>
      %select_n3A_597 = arith.select %le3A_595, %broadcast_in_dim3A_324, %broadcast_in_dim3A_326 : vector<16xi1>, vector<16xi32>
      %le3A_598 = arith.cmpf ole, %select_n3A_571, %select_n3A_576 : vector<16xf32>
      %min3A_599 = arith.minimumf %select_n3A_571, %select_n3A_576 : vector<16xf32>
      %select_n3A_600 = arith.select %le3A_598, %broadcast_in_dim3A_328, %broadcast_in_dim3A_330 : vector<16xi1>, vector<16xi32>
      %le3A_601 = arith.cmpf ole, %min3A_578, %min3A_581 : vector<16xf32>
      %min3A_602 = arith.minimumf %min3A_578, %min3A_581 : vector<16xf32>
      %select_n3A_603 = arith.select %le3A_601, %select_n3A_579, %select_n3A_582 : vector<16xi1>, vector<16xi32>
      %le3A_604 = arith.cmpf ole, %min3A_584, %min3A_587 : vector<16xf32>
      %min3A_605 = arith.minimumf %min3A_584, %min3A_587 : vector<16xf32>
      %select_n3A_606 = arith.select %le3A_604, %select_n3A_585, %select_n3A_588 : vector<16xi1>, vector<16xi32>
      %le3A_607 = arith.cmpf ole, %min3A_590, %min3A_593 : vector<16xf32>
      %min3A_608 = arith.minimumf %min3A_590, %min3A_593 : vector<16xf32>
      %select_n3A_609 = arith.select %le3A_607, %select_n3A_591, %select_n3A_594 : vector<16xi1>, vector<16xi32>
      %le3A_610 = arith.cmpf ole, %min3A_596, %min3A_599 : vector<16xf32>
      %min3A_611 = arith.minimumf %min3A_596, %min3A_599 : vector<16xf32>
      %select_n3A_612 = arith.select %le3A_610, %select_n3A_597, %select_n3A_600 : vector<16xi1>, vector<16xi32>
      %le3A_613 = arith.cmpf ole, %min3A_602, %min3A_605 : vector<16xf32>
      %min3A_614 = arith.minimumf %min3A_602, %min3A_605 : vector<16xf32>
      %select_n3A_615 = arith.select %le3A_613, %select_n3A_603, %select_n3A_606 : vector<16xi1>, vector<16xi32>
      %le3A_616 = arith.cmpf ole, %min3A_608, %min3A_611 : vector<16xf32>
      %min3A_617 = arith.minimumf %min3A_608, %min3A_611 : vector<16xf32>
      %select_n3A_618 = arith.select %le3A_616, %select_n3A_609, %select_n3A_612 : vector<16xi1>, vector<16xi32>
      %le3A_619 = arith.cmpf ole, %min3A_614, %min3A_617 : vector<16xf32>
      %min3A_620 = arith.minimumf %min3A_614, %min3A_617 : vector<16xf32>
      %select_n3A_621 = arith.select %le3A_619, %select_n3A_615, %select_n3A_618 : vector<16xi1>, vector<16xi32>
      %eq3A_622 = arith.constant 0 : i32
      %eq3A_623 = vector.broadcast %eq3A_622 : i32 to vector<16xi32>
      %eq3A_624 = arith.cmpi eq, %select_n3A_621, %eq3A_623 : vector<16xi32>
      %broadcast_in_dim3A_625 = vector.broadcast %scan3A_8 : f32 to vector<16xf32>
      %select_n3A_626 = arith.select %eq3A_624, %broadcast_in_dim3A_625, %select_n3A_501 : vector<16xi1>, vector<16xf32>
      %eq3A_627 = arith.constant 1 : i32
      %eq3A_628 = vector.broadcast %eq3A_627 : i32 to vector<16xi32>
      %eq3A_629 = arith.cmpi eq, %select_n3A_621, %eq3A_628 : vector<16xi32>
      %broadcast_in_dim3A_630 = vector.broadcast %scan3A_8 : f32 to vector<16xf32>
      %select_n3A_631 = arith.select %eq3A_629, %broadcast_in_dim3A_630, %select_n3A_506 : vector<16xi1>, vector<16xf32>
      %eq3A_632 = arith.constant 2 : i32
      %eq3A_633 = vector.broadcast %eq3A_632 : i32 to vector<16xi32>
      %eq3A_634 = arith.cmpi eq, %select_n3A_621, %eq3A_633 : vector<16xi32>
      %broadcast_in_dim3A_635 = vector.broadcast %scan3A_8 : f32 to vector<16xf32>
      %select_n3A_636 = arith.select %eq3A_634, %broadcast_in_dim3A_635, %select_n3A_511 : vector<16xi1>, vector<16xf32>
      %eq3A_637 = arith.constant 3 : i32
      %eq3A_638 = vector.broadcast %eq3A_637 : i32 to vector<16xi32>
      %eq3A_639 = arith.cmpi eq, %select_n3A_621, %eq3A_638 : vector<16xi32>
      %broadcast_in_dim3A_640 = vector.broadcast %scan3A_8 : f32 to vector<16xf32>
      %select_n3A_641 = arith.select %eq3A_639, %broadcast_in_dim3A_640, %select_n3A_516 : vector<16xi1>, vector<16xf32>
      %eq3A_642 = arith.constant 4 : i32
      %eq3A_643 = vector.broadcast %eq3A_642 : i32 to vector<16xi32>
      %eq3A_644 = arith.cmpi eq, %select_n3A_621, %eq3A_643 : vector<16xi32>
      %broadcast_in_dim3A_645 = vector.broadcast %scan3A_8 : f32 to vector<16xf32>
      %select_n3A_646 = arith.select %eq3A_644, %broadcast_in_dim3A_645, %select_n3A_521 : vector<16xi1>, vector<16xf32>
      %eq3A_647 = arith.constant 5 : i32
      %eq3A_648 = vector.broadcast %eq3A_647 : i32 to vector<16xi32>
      %eq3A_649 = arith.cmpi eq, %select_n3A_621, %eq3A_648 : vector<16xi32>
      %broadcast_in_dim3A_650 = vector.broadcast %scan3A_8 : f32 to vector<16xf32>
      %select_n3A_651 = arith.select %eq3A_649, %broadcast_in_dim3A_650, %select_n3A_526 : vector<16xi1>, vector<16xf32>
      %eq3A_652 = arith.constant 6 : i32
      %eq3A_653 = vector.broadcast %eq3A_652 : i32 to vector<16xi32>
      %eq3A_654 = arith.cmpi eq, %select_n3A_621, %eq3A_653 : vector<16xi32>
      %broadcast_in_dim3A_655 = vector.broadcast %scan3A_8 : f32 to vector<16xf32>
      %select_n3A_656 = arith.select %eq3A_654, %broadcast_in_dim3A_655, %select_n3A_531 : vector<16xi1>, vector<16xf32>
      %eq3A_657 = arith.constant 7 : i32
      %eq3A_658 = vector.broadcast %eq3A_657 : i32 to vector<16xi32>
      %eq3A_659 = arith.cmpi eq, %select_n3A_621, %eq3A_658 : vector<16xi32>
      %broadcast_in_dim3A_660 = vector.broadcast %scan3A_8 : f32 to vector<16xf32>
      %select_n3A_661 = arith.select %eq3A_659, %broadcast_in_dim3A_660, %select_n3A_536 : vector<16xi1>, vector<16xf32>
      %eq3A_662 = arith.constant 8 : i32
      %eq3A_663 = vector.broadcast %eq3A_662 : i32 to vector<16xi32>
      %eq3A_664 = arith.cmpi eq, %select_n3A_621, %eq3A_663 : vector<16xi32>
      %broadcast_in_dim3A_665 = vector.broadcast %scan3A_8 : f32 to vector<16xf32>
      %select_n3A_666 = arith.select %eq3A_664, %broadcast_in_dim3A_665, %select_n3A_541 : vector<16xi1>, vector<16xf32>
      %eq3A_667 = arith.constant 9 : i32
      %eq3A_668 = vector.broadcast %eq3A_667 : i32 to vector<16xi32>
      %eq3A_669 = arith.cmpi eq, %select_n3A_621, %eq3A_668 : vector<16xi32>
      %broadcast_in_dim3A_670 = vector.broadcast %scan3A_8 : f32 to vector<16xf32>
      %select_n3A_671 = arith.select %eq3A_669, %broadcast_in_dim3A_670, %select_n3A_546 : vector<16xi1>, vector<16xf32>
      %eq3A_672 = arith.constant 10 : i32
      %eq3A_673 = vector.broadcast %eq3A_672 : i32 to vector<16xi32>
      %eq3A_674 = arith.cmpi eq, %select_n3A_621, %eq3A_673 : vector<16xi32>
      %broadcast_in_dim3A_675 = vector.broadcast %scan3A_8 : f32 to vector<16xf32>
      %select_n3A_676 = arith.select %eq3A_674, %broadcast_in_dim3A_675, %select_n3A_551 : vector<16xi1>, vector<16xf32>
      %eq3A_677 = arith.constant 11 : i32
      %eq3A_678 = vector.broadcast %eq3A_677 : i32 to vector<16xi32>
      %eq3A_679 = arith.cmpi eq, %select_n3A_621, %eq3A_678 : vector<16xi32>
      %broadcast_in_dim3A_680 = vector.broadcast %scan3A_8 : f32 to vector<16xf32>
      %select_n3A_681 = arith.select %eq3A_679, %broadcast_in_dim3A_680, %select_n3A_556 : vector<16xi1>, vector<16xf32>
      %eq3A_682 = arith.constant 12 : i32
      %eq3A_683 = vector.broadcast %eq3A_682 : i32 to vector<16xi32>
      %eq3A_684 = arith.cmpi eq, %select_n3A_621, %eq3A_683 : vector<16xi32>
      %broadcast_in_dim3A_685 = vector.broadcast %scan3A_8 : f32 to vector<16xf32>
      %select_n3A_686 = arith.select %eq3A_684, %broadcast_in_dim3A_685, %select_n3A_561 : vector<16xi1>, vector<16xf32>
      %eq3A_687 = arith.constant 13 : i32
      %eq3A_688 = vector.broadcast %eq3A_687 : i32 to vector<16xi32>
      %eq3A_689 = arith.cmpi eq, %select_n3A_621, %eq3A_688 : vector<16xi32>
      %broadcast_in_dim3A_690 = vector.broadcast %scan3A_8 : f32 to vector<16xf32>
      %select_n3A_691 = arith.select %eq3A_689, %broadcast_in_dim3A_690, %select_n3A_566 : vector<16xi1>, vector<16xf32>
      %eq3A_692 = arith.constant 14 : i32
      %eq3A_693 = vector.broadcast %eq3A_692 : i32 to vector<16xi32>
      %eq3A_694 = arith.cmpi eq, %select_n3A_621, %eq3A_693 : vector<16xi32>
      %broadcast_in_dim3A_695 = vector.broadcast %scan3A_8 : f32 to vector<16xf32>
      %select_n3A_696 = arith.select %eq3A_694, %broadcast_in_dim3A_695, %select_n3A_571 : vector<16xi1>, vector<16xf32>
      %eq3A_697 = arith.constant 15 : i32
      %eq3A_698 = vector.broadcast %eq3A_697 : i32 to vector<16xi32>
      %eq3A_699 = arith.cmpi eq, %select_n3A_621, %eq3A_698 : vector<16xi32>
      %broadcast_in_dim3A_700 = vector.broadcast %scan3A_8 : f32 to vector<16xf32>
      %select_n3A_701 = arith.select %eq3A_699, %broadcast_in_dim3A_700, %select_n3A_576 : vector<16xi1>, vector<16xf32>
      %le3A_702 = arith.cmpf ole, %select_n3A_626, %select_n3A_631 : vector<16xf32>
      %min3A_703 = arith.minimumf %select_n3A_626, %select_n3A_631 : vector<16xf32>
      %select_n3A_704 = arith.select %le3A_702, %broadcast_in_dim3A_300, %broadcast_in_dim3A_302 : vector<16xi1>, vector<16xi32>
      %le3A_705 = arith.cmpf ole, %select_n3A_636, %select_n3A_641 : vector<16xf32>
      %min3A_706 = arith.minimumf %select_n3A_636, %select_n3A_641 : vector<16xf32>
      %select_n3A_707 = arith.select %le3A_705, %broadcast_in_dim3A_304, %broadcast_in_dim3A_306 : vector<16xi1>, vector<16xi32>
      %le3A_708 = arith.cmpf ole, %select_n3A_646, %select_n3A_651 : vector<16xf32>
      %min3A_709 = arith.minimumf %select_n3A_646, %select_n3A_651 : vector<16xf32>
      %select_n3A_710 = arith.select %le3A_708, %broadcast_in_dim3A_308, %broadcast_in_dim3A_310 : vector<16xi1>, vector<16xi32>
      %le3A_711 = arith.cmpf ole, %select_n3A_656, %select_n3A_661 : vector<16xf32>
      %min3A_712 = arith.minimumf %select_n3A_656, %select_n3A_661 : vector<16xf32>
      %select_n3A_713 = arith.select %le3A_711, %broadcast_in_dim3A_312, %broadcast_in_dim3A_314 : vector<16xi1>, vector<16xi32>
      %le3A_714 = arith.cmpf ole, %select_n3A_666, %select_n3A_671 : vector<16xf32>
      %min3A_715 = arith.minimumf %select_n3A_666, %select_n3A_671 : vector<16xf32>
      %select_n3A_716 = arith.select %le3A_714, %broadcast_in_dim3A_316, %broadcast_in_dim3A_318 : vector<16xi1>, vector<16xi32>
      %le3A_717 = arith.cmpf ole, %select_n3A_676, %select_n3A_681 : vector<16xf32>
      %min3A_718 = arith.minimumf %select_n3A_676, %select_n3A_681 : vector<16xf32>
      %select_n3A_719 = arith.select %le3A_717, %broadcast_in_dim3A_320, %broadcast_in_dim3A_322 : vector<16xi1>, vector<16xi32>
      %le3A_720 = arith.cmpf ole, %select_n3A_686, %select_n3A_691 : vector<16xf32>
      %min3A_721 = arith.minimumf %select_n3A_686, %select_n3A_691 : vector<16xf32>
      %select_n3A_722 = arith.select %le3A_720, %broadcast_in_dim3A_324, %broadcast_in_dim3A_326 : vector<16xi1>, vector<16xi32>
      %le3A_723 = arith.cmpf ole, %select_n3A_696, %select_n3A_701 : vector<16xf32>
      %min3A_724 = arith.minimumf %select_n3A_696, %select_n3A_701 : vector<16xf32>
      %select_n3A_725 = arith.select %le3A_723, %broadcast_in_dim3A_328, %broadcast_in_dim3A_330 : vector<16xi1>, vector<16xi32>
      %le3A_726 = arith.cmpf ole, %min3A_703, %min3A_706 : vector<16xf32>
      %min3A_727 = arith.minimumf %min3A_703, %min3A_706 : vector<16xf32>
      %select_n3A_728 = arith.select %le3A_726, %select_n3A_704, %select_n3A_707 : vector<16xi1>, vector<16xi32>
      %le3A_729 = arith.cmpf ole, %min3A_709, %min3A_712 : vector<16xf32>
      %min3A_730 = arith.minimumf %min3A_709, %min3A_712 : vector<16xf32>
      %select_n3A_731 = arith.select %le3A_729, %select_n3A_710, %select_n3A_713 : vector<16xi1>, vector<16xi32>
      %le3A_732 = arith.cmpf ole, %min3A_715, %min3A_718 : vector<16xf32>
      %min3A_733 = arith.minimumf %min3A_715, %min3A_718 : vector<16xf32>
      %select_n3A_734 = arith.select %le3A_732, %select_n3A_716, %select_n3A_719 : vector<16xi1>, vector<16xi32>
      %le3A_735 = arith.cmpf ole, %min3A_721, %min3A_724 : vector<16xf32>
      %min3A_736 = arith.minimumf %min3A_721, %min3A_724 : vector<16xf32>
      %select_n3A_737 = arith.select %le3A_735, %select_n3A_722, %select_n3A_725 : vector<16xi1>, vector<16xi32>
      %le3A_738 = arith.cmpf ole, %min3A_727, %min3A_730 : vector<16xf32>
      %min3A_739 = arith.minimumf %min3A_727, %min3A_730 : vector<16xf32>
      %select_n3A_740 = arith.select %le3A_738, %select_n3A_728, %select_n3A_731 : vector<16xi1>, vector<16xi32>
      %le3A_741 = arith.cmpf ole, %min3A_733, %min3A_736 : vector<16xf32>
      %min3A_742 = arith.minimumf %min3A_733, %min3A_736 : vector<16xf32>
      %select_n3A_743 = arith.select %le3A_741, %select_n3A_734, %select_n3A_737 : vector<16xi1>, vector<16xi32>
      %le3A_744 = arith.cmpf ole, %min3A_739, %min3A_742 : vector<16xf32>
      %min3A_745 = arith.minimumf %min3A_739, %min3A_742 : vector<16xf32>
      %select_n3A_746 = arith.select %le3A_744, %select_n3A_740, %select_n3A_743 : vector<16xi1>, vector<16xi32>
      %eq3A_747 = arith.constant 0 : i32
      %eq3A_748 = vector.broadcast %eq3A_747 : i32 to vector<16xi32>
      %eq3A_749 = arith.cmpi eq, %select_n3A_746, %eq3A_748 : vector<16xi32>
      %broadcast_in_dim3A_750 = vector.broadcast %scan3A_8 : f32 to vector<16xf32>
      %select_n3A_751 = arith.select %eq3A_749, %broadcast_in_dim3A_750, %select_n3A_626 : vector<16xi1>, vector<16xf32>
      %eq3A_752 = arith.constant 1 : i32
      %eq3A_753 = vector.broadcast %eq3A_752 : i32 to vector<16xi32>
      %eq3A_754 = arith.cmpi eq, %select_n3A_746, %eq3A_753 : vector<16xi32>
      %broadcast_in_dim3A_755 = vector.broadcast %scan3A_8 : f32 to vector<16xf32>
      %select_n3A_756 = arith.select %eq3A_754, %broadcast_in_dim3A_755, %select_n3A_631 : vector<16xi1>, vector<16xf32>
      %eq3A_757 = arith.constant 2 : i32
      %eq3A_758 = vector.broadcast %eq3A_757 : i32 to vector<16xi32>
      %eq3A_759 = arith.cmpi eq, %select_n3A_746, %eq3A_758 : vector<16xi32>
      %broadcast_in_dim3A_760 = vector.broadcast %scan3A_8 : f32 to vector<16xf32>
      %select_n3A_761 = arith.select %eq3A_759, %broadcast_in_dim3A_760, %select_n3A_636 : vector<16xi1>, vector<16xf32>
      %eq3A_762 = arith.constant 3 : i32
      %eq3A_763 = vector.broadcast %eq3A_762 : i32 to vector<16xi32>
      %eq3A_764 = arith.cmpi eq, %select_n3A_746, %eq3A_763 : vector<16xi32>
      %broadcast_in_dim3A_765 = vector.broadcast %scan3A_8 : f32 to vector<16xf32>
      %select_n3A_766 = arith.select %eq3A_764, %broadcast_in_dim3A_765, %select_n3A_641 : vector<16xi1>, vector<16xf32>
      %eq3A_767 = arith.constant 4 : i32
      %eq3A_768 = vector.broadcast %eq3A_767 : i32 to vector<16xi32>
      %eq3A_769 = arith.cmpi eq, %select_n3A_746, %eq3A_768 : vector<16xi32>
      %broadcast_in_dim3A_770 = vector.broadcast %scan3A_8 : f32 to vector<16xf32>
      %select_n3A_771 = arith.select %eq3A_769, %broadcast_in_dim3A_770, %select_n3A_646 : vector<16xi1>, vector<16xf32>
      %eq3A_772 = arith.constant 5 : i32
      %eq3A_773 = vector.broadcast %eq3A_772 : i32 to vector<16xi32>
      %eq3A_774 = arith.cmpi eq, %select_n3A_746, %eq3A_773 : vector<16xi32>
      %broadcast_in_dim3A_775 = vector.broadcast %scan3A_8 : f32 to vector<16xf32>
      %select_n3A_776 = arith.select %eq3A_774, %broadcast_in_dim3A_775, %select_n3A_651 : vector<16xi1>, vector<16xf32>
      %eq3A_777 = arith.constant 6 : i32
      %eq3A_778 = vector.broadcast %eq3A_777 : i32 to vector<16xi32>
      %eq3A_779 = arith.cmpi eq, %select_n3A_746, %eq3A_778 : vector<16xi32>
      %broadcast_in_dim3A_780 = vector.broadcast %scan3A_8 : f32 to vector<16xf32>
      %select_n3A_781 = arith.select %eq3A_779, %broadcast_in_dim3A_780, %select_n3A_656 : vector<16xi1>, vector<16xf32>
      %eq3A_782 = arith.constant 7 : i32
      %eq3A_783 = vector.broadcast %eq3A_782 : i32 to vector<16xi32>
      %eq3A_784 = arith.cmpi eq, %select_n3A_746, %eq3A_783 : vector<16xi32>
      %broadcast_in_dim3A_785 = vector.broadcast %scan3A_8 : f32 to vector<16xf32>
      %select_n3A_786 = arith.select %eq3A_784, %broadcast_in_dim3A_785, %select_n3A_661 : vector<16xi1>, vector<16xf32>
      %eq3A_787 = arith.constant 8 : i32
      %eq3A_788 = vector.broadcast %eq3A_787 : i32 to vector<16xi32>
      %eq3A_789 = arith.cmpi eq, %select_n3A_746, %eq3A_788 : vector<16xi32>
      %broadcast_in_dim3A_790 = vector.broadcast %scan3A_8 : f32 to vector<16xf32>
      %select_n3A_791 = arith.select %eq3A_789, %broadcast_in_dim3A_790, %select_n3A_666 : vector<16xi1>, vector<16xf32>
      %eq3A_792 = arith.constant 9 : i32
      %eq3A_793 = vector.broadcast %eq3A_792 : i32 to vector<16xi32>
      %eq3A_794 = arith.cmpi eq, %select_n3A_746, %eq3A_793 : vector<16xi32>
      %broadcast_in_dim3A_795 = vector.broadcast %scan3A_8 : f32 to vector<16xf32>
      %select_n3A_796 = arith.select %eq3A_794, %broadcast_in_dim3A_795, %select_n3A_671 : vector<16xi1>, vector<16xf32>
      %eq3A_797 = arith.constant 10 : i32
      %eq3A_798 = vector.broadcast %eq3A_797 : i32 to vector<16xi32>
      %eq3A_799 = arith.cmpi eq, %select_n3A_746, %eq3A_798 : vector<16xi32>
      %broadcast_in_dim3A_800 = vector.broadcast %scan3A_8 : f32 to vector<16xf32>
      %select_n3A_801 = arith.select %eq3A_799, %broadcast_in_dim3A_800, %select_n3A_676 : vector<16xi1>, vector<16xf32>
      %eq3A_802 = arith.constant 11 : i32
      %eq3A_803 = vector.broadcast %eq3A_802 : i32 to vector<16xi32>
      %eq3A_804 = arith.cmpi eq, %select_n3A_746, %eq3A_803 : vector<16xi32>
      %broadcast_in_dim3A_805 = vector.broadcast %scan3A_8 : f32 to vector<16xf32>
      %select_n3A_806 = arith.select %eq3A_804, %broadcast_in_dim3A_805, %select_n3A_681 : vector<16xi1>, vector<16xf32>
      %eq3A_807 = arith.constant 12 : i32
      %eq3A_808 = vector.broadcast %eq3A_807 : i32 to vector<16xi32>
      %eq3A_809 = arith.cmpi eq, %select_n3A_746, %eq3A_808 : vector<16xi32>
      %broadcast_in_dim3A_810 = vector.broadcast %scan3A_8 : f32 to vector<16xf32>
      %select_n3A_811 = arith.select %eq3A_809, %broadcast_in_dim3A_810, %select_n3A_686 : vector<16xi1>, vector<16xf32>
      %eq3A_812 = arith.constant 13 : i32
      %eq3A_813 = vector.broadcast %eq3A_812 : i32 to vector<16xi32>
      %eq3A_814 = arith.cmpi eq, %select_n3A_746, %eq3A_813 : vector<16xi32>
      %broadcast_in_dim3A_815 = vector.broadcast %scan3A_8 : f32 to vector<16xf32>
      %select_n3A_816 = arith.select %eq3A_814, %broadcast_in_dim3A_815, %select_n3A_691 : vector<16xi1>, vector<16xf32>
      %eq3A_817 = arith.constant 14 : i32
      %eq3A_818 = vector.broadcast %eq3A_817 : i32 to vector<16xi32>
      %eq3A_819 = arith.cmpi eq, %select_n3A_746, %eq3A_818 : vector<16xi32>
      %broadcast_in_dim3A_820 = vector.broadcast %scan3A_8 : f32 to vector<16xf32>
      %select_n3A_821 = arith.select %eq3A_819, %broadcast_in_dim3A_820, %select_n3A_696 : vector<16xi1>, vector<16xf32>
      %eq3A_822 = arith.constant 15 : i32
      %eq3A_823 = vector.broadcast %eq3A_822 : i32 to vector<16xi32>
      %eq3A_824 = arith.cmpi eq, %select_n3A_746, %eq3A_823 : vector<16xi32>
      %broadcast_in_dim3A_825 = vector.broadcast %scan3A_8 : f32 to vector<16xf32>
      %select_n3A_826 = arith.select %eq3A_824, %broadcast_in_dim3A_825, %select_n3A_701 : vector<16xi1>, vector<16xf32>
      %le3A_827 = arith.cmpf ole, %select_n3A_751, %select_n3A_756 : vector<16xf32>
      %min3A_828 = arith.minimumf %select_n3A_751, %select_n3A_756 : vector<16xf32>
      %select_n3A_829 = arith.select %le3A_827, %broadcast_in_dim3A_300, %broadcast_in_dim3A_302 : vector<16xi1>, vector<16xi32>
      %le3A_830 = arith.cmpf ole, %select_n3A_761, %select_n3A_766 : vector<16xf32>
      %min3A_831 = arith.minimumf %select_n3A_761, %select_n3A_766 : vector<16xf32>
      %select_n3A_832 = arith.select %le3A_830, %broadcast_in_dim3A_304, %broadcast_in_dim3A_306 : vector<16xi1>, vector<16xi32>
      %le3A_833 = arith.cmpf ole, %select_n3A_771, %select_n3A_776 : vector<16xf32>
      %min3A_834 = arith.minimumf %select_n3A_771, %select_n3A_776 : vector<16xf32>
      %select_n3A_835 = arith.select %le3A_833, %broadcast_in_dim3A_308, %broadcast_in_dim3A_310 : vector<16xi1>, vector<16xi32>
      %le3A_836 = arith.cmpf ole, %select_n3A_781, %select_n3A_786 : vector<16xf32>
      %min3A_837 = arith.minimumf %select_n3A_781, %select_n3A_786 : vector<16xf32>
      %select_n3A_838 = arith.select %le3A_836, %broadcast_in_dim3A_312, %broadcast_in_dim3A_314 : vector<16xi1>, vector<16xi32>
      %le3A_839 = arith.cmpf ole, %select_n3A_791, %select_n3A_796 : vector<16xf32>
      %min3A_840 = arith.minimumf %select_n3A_791, %select_n3A_796 : vector<16xf32>
      %select_n3A_841 = arith.select %le3A_839, %broadcast_in_dim3A_316, %broadcast_in_dim3A_318 : vector<16xi1>, vector<16xi32>
      %le3A_842 = arith.cmpf ole, %select_n3A_801, %select_n3A_806 : vector<16xf32>
      %min3A_843 = arith.minimumf %select_n3A_801, %select_n3A_806 : vector<16xf32>
      %select_n3A_844 = arith.select %le3A_842, %broadcast_in_dim3A_320, %broadcast_in_dim3A_322 : vector<16xi1>, vector<16xi32>
      %le3A_845 = arith.cmpf ole, %select_n3A_811, %select_n3A_816 : vector<16xf32>
      %min3A_846 = arith.minimumf %select_n3A_811, %select_n3A_816 : vector<16xf32>
      %select_n3A_847 = arith.select %le3A_845, %broadcast_in_dim3A_324, %broadcast_in_dim3A_326 : vector<16xi1>, vector<16xi32>
      %le3A_848 = arith.cmpf ole, %select_n3A_821, %select_n3A_826 : vector<16xf32>
      %min3A_849 = arith.minimumf %select_n3A_821, %select_n3A_826 : vector<16xf32>
      %select_n3A_850 = arith.select %le3A_848, %broadcast_in_dim3A_328, %broadcast_in_dim3A_330 : vector<16xi1>, vector<16xi32>
      %le3A_851 = arith.cmpf ole, %min3A_828, %min3A_831 : vector<16xf32>
      %min3A_852 = arith.minimumf %min3A_828, %min3A_831 : vector<16xf32>
      %select_n3A_853 = arith.select %le3A_851, %select_n3A_829, %select_n3A_832 : vector<16xi1>, vector<16xi32>
      %le3A_854 = arith.cmpf ole, %min3A_834, %min3A_837 : vector<16xf32>
      %min3A_855 = arith.minimumf %min3A_834, %min3A_837 : vector<16xf32>
      %select_n3A_856 = arith.select %le3A_854, %select_n3A_835, %select_n3A_838 : vector<16xi1>, vector<16xi32>
      %le3A_857 = arith.cmpf ole, %min3A_840, %min3A_843 : vector<16xf32>
      %min3A_858 = arith.minimumf %min3A_840, %min3A_843 : vector<16xf32>
      %select_n3A_859 = arith.select %le3A_857, %select_n3A_841, %select_n3A_844 : vector<16xi1>, vector<16xi32>
      %le3A_860 = arith.cmpf ole, %min3A_846, %min3A_849 : vector<16xf32>
      %min3A_861 = arith.minimumf %min3A_846, %min3A_849 : vector<16xf32>
      %select_n3A_862 = arith.select %le3A_860, %select_n3A_847, %select_n3A_850 : vector<16xi1>, vector<16xi32>
      %le3A_863 = arith.cmpf ole, %min3A_852, %min3A_855 : vector<16xf32>
      %min3A_864 = arith.minimumf %min3A_852, %min3A_855 : vector<16xf32>
      %select_n3A_865 = arith.select %le3A_863, %select_n3A_853, %select_n3A_856 : vector<16xi1>, vector<16xi32>
      %le3A_866 = arith.cmpf ole, %min3A_858, %min3A_861 : vector<16xf32>
      %min3A_867 = arith.minimumf %min3A_858, %min3A_861 : vector<16xf32>
      %select_n3A_868 = arith.select %le3A_866, %select_n3A_859, %select_n3A_862 : vector<16xi1>, vector<16xi32>
      %le3A_869 = arith.cmpf ole, %min3A_864, %min3A_867 : vector<16xf32>
      %min3A_870 = arith.minimumf %min3A_864, %min3A_867 : vector<16xf32>
      %select_n3A_871 = arith.select %le3A_869, %select_n3A_865, %select_n3A_868 : vector<16xi1>, vector<16xi32>
      %eq3A_872 = arith.constant 0 : i32
      %eq3A_873 = vector.broadcast %eq3A_872 : i32 to vector<16xi32>
      %eq3A_874 = arith.cmpi eq, %select_n3A_871, %eq3A_873 : vector<16xi32>
      %broadcast_in_dim3A_875 = vector.broadcast %scan3A_8 : f32 to vector<16xf32>
      %select_n3A_876 = arith.select %eq3A_874, %broadcast_in_dim3A_875, %select_n3A_751 : vector<16xi1>, vector<16xf32>
      %eq3A_877 = arith.constant 1 : i32
      %eq3A_878 = vector.broadcast %eq3A_877 : i32 to vector<16xi32>
      %eq3A_879 = arith.cmpi eq, %select_n3A_871, %eq3A_878 : vector<16xi32>
      %broadcast_in_dim3A_880 = vector.broadcast %scan3A_8 : f32 to vector<16xf32>
      %select_n3A_881 = arith.select %eq3A_879, %broadcast_in_dim3A_880, %select_n3A_756 : vector<16xi1>, vector<16xf32>
      %eq3A_882 = arith.constant 2 : i32
      %eq3A_883 = vector.broadcast %eq3A_882 : i32 to vector<16xi32>
      %eq3A_884 = arith.cmpi eq, %select_n3A_871, %eq3A_883 : vector<16xi32>
      %broadcast_in_dim3A_885 = vector.broadcast %scan3A_8 : f32 to vector<16xf32>
      %select_n3A_886 = arith.select %eq3A_884, %broadcast_in_dim3A_885, %select_n3A_761 : vector<16xi1>, vector<16xf32>
      %eq3A_887 = arith.constant 3 : i32
      %eq3A_888 = vector.broadcast %eq3A_887 : i32 to vector<16xi32>
      %eq3A_889 = arith.cmpi eq, %select_n3A_871, %eq3A_888 : vector<16xi32>
      %broadcast_in_dim3A_890 = vector.broadcast %scan3A_8 : f32 to vector<16xf32>
      %select_n3A_891 = arith.select %eq3A_889, %broadcast_in_dim3A_890, %select_n3A_766 : vector<16xi1>, vector<16xf32>
      %eq3A_892 = arith.constant 4 : i32
      %eq3A_893 = vector.broadcast %eq3A_892 : i32 to vector<16xi32>
      %eq3A_894 = arith.cmpi eq, %select_n3A_871, %eq3A_893 : vector<16xi32>
      %broadcast_in_dim3A_895 = vector.broadcast %scan3A_8 : f32 to vector<16xf32>
      %select_n3A_896 = arith.select %eq3A_894, %broadcast_in_dim3A_895, %select_n3A_771 : vector<16xi1>, vector<16xf32>
      %eq3A_897 = arith.constant 5 : i32
      %eq3A_898 = vector.broadcast %eq3A_897 : i32 to vector<16xi32>
      %eq3A_899 = arith.cmpi eq, %select_n3A_871, %eq3A_898 : vector<16xi32>
      %broadcast_in_dim3A_900 = vector.broadcast %scan3A_8 : f32 to vector<16xf32>
      %select_n3A_901 = arith.select %eq3A_899, %broadcast_in_dim3A_900, %select_n3A_776 : vector<16xi1>, vector<16xf32>
      %eq3A_902 = arith.constant 6 : i32
      %eq3A_903 = vector.broadcast %eq3A_902 : i32 to vector<16xi32>
      %eq3A_904 = arith.cmpi eq, %select_n3A_871, %eq3A_903 : vector<16xi32>
      %broadcast_in_dim3A_905 = vector.broadcast %scan3A_8 : f32 to vector<16xf32>
      %select_n3A_906 = arith.select %eq3A_904, %broadcast_in_dim3A_905, %select_n3A_781 : vector<16xi1>, vector<16xf32>
      %eq3A_907 = arith.constant 7 : i32
      %eq3A_908 = vector.broadcast %eq3A_907 : i32 to vector<16xi32>
      %eq3A_909 = arith.cmpi eq, %select_n3A_871, %eq3A_908 : vector<16xi32>
      %broadcast_in_dim3A_910 = vector.broadcast %scan3A_8 : f32 to vector<16xf32>
      %select_n3A_911 = arith.select %eq3A_909, %broadcast_in_dim3A_910, %select_n3A_786 : vector<16xi1>, vector<16xf32>
      %eq3A_912 = arith.constant 8 : i32
      %eq3A_913 = vector.broadcast %eq3A_912 : i32 to vector<16xi32>
      %eq3A_914 = arith.cmpi eq, %select_n3A_871, %eq3A_913 : vector<16xi32>
      %broadcast_in_dim3A_915 = vector.broadcast %scan3A_8 : f32 to vector<16xf32>
      %select_n3A_916 = arith.select %eq3A_914, %broadcast_in_dim3A_915, %select_n3A_791 : vector<16xi1>, vector<16xf32>
      %eq3A_917 = arith.constant 9 : i32
      %eq3A_918 = vector.broadcast %eq3A_917 : i32 to vector<16xi32>
      %eq3A_919 = arith.cmpi eq, %select_n3A_871, %eq3A_918 : vector<16xi32>
      %broadcast_in_dim3A_920 = vector.broadcast %scan3A_8 : f32 to vector<16xf32>
      %select_n3A_921 = arith.select %eq3A_919, %broadcast_in_dim3A_920, %select_n3A_796 : vector<16xi1>, vector<16xf32>
      %eq3A_922 = arith.constant 10 : i32
      %eq3A_923 = vector.broadcast %eq3A_922 : i32 to vector<16xi32>
      %eq3A_924 = arith.cmpi eq, %select_n3A_871, %eq3A_923 : vector<16xi32>
      %broadcast_in_dim3A_925 = vector.broadcast %scan3A_8 : f32 to vector<16xf32>
      %select_n3A_926 = arith.select %eq3A_924, %broadcast_in_dim3A_925, %select_n3A_801 : vector<16xi1>, vector<16xf32>
      %eq3A_927 = arith.constant 11 : i32
      %eq3A_928 = vector.broadcast %eq3A_927 : i32 to vector<16xi32>
      %eq3A_929 = arith.cmpi eq, %select_n3A_871, %eq3A_928 : vector<16xi32>
      %broadcast_in_dim3A_930 = vector.broadcast %scan3A_8 : f32 to vector<16xf32>
      %select_n3A_931 = arith.select %eq3A_929, %broadcast_in_dim3A_930, %select_n3A_806 : vector<16xi1>, vector<16xf32>
      %eq3A_932 = arith.constant 12 : i32
      %eq3A_933 = vector.broadcast %eq3A_932 : i32 to vector<16xi32>
      %eq3A_934 = arith.cmpi eq, %select_n3A_871, %eq3A_933 : vector<16xi32>
      %broadcast_in_dim3A_935 = vector.broadcast %scan3A_8 : f32 to vector<16xf32>
      %select_n3A_936 = arith.select %eq3A_934, %broadcast_in_dim3A_935, %select_n3A_811 : vector<16xi1>, vector<16xf32>
      %eq3A_937 = arith.constant 13 : i32
      %eq3A_938 = vector.broadcast %eq3A_937 : i32 to vector<16xi32>
      %eq3A_939 = arith.cmpi eq, %select_n3A_871, %eq3A_938 : vector<16xi32>
      %broadcast_in_dim3A_940 = vector.broadcast %scan3A_8 : f32 to vector<16xf32>
      %select_n3A_941 = arith.select %eq3A_939, %broadcast_in_dim3A_940, %select_n3A_816 : vector<16xi1>, vector<16xf32>
      %eq3A_942 = arith.constant 14 : i32
      %eq3A_943 = vector.broadcast %eq3A_942 : i32 to vector<16xi32>
      %eq3A_944 = arith.cmpi eq, %select_n3A_871, %eq3A_943 : vector<16xi32>
      %broadcast_in_dim3A_945 = vector.broadcast %scan3A_8 : f32 to vector<16xf32>
      %select_n3A_946 = arith.select %eq3A_944, %broadcast_in_dim3A_945, %select_n3A_821 : vector<16xi1>, vector<16xf32>
      %eq3A_947 = arith.constant 15 : i32
      %eq3A_948 = vector.broadcast %eq3A_947 : i32 to vector<16xi32>
      %eq3A_949 = arith.cmpi eq, %select_n3A_871, %eq3A_948 : vector<16xi32>
      %broadcast_in_dim3A_950 = vector.broadcast %scan3A_8 : f32 to vector<16xf32>
      %select_n3A_951 = arith.select %eq3A_949, %broadcast_in_dim3A_950, %select_n3A_826 : vector<16xi1>, vector<16xf32>
      %le3A_952 = arith.cmpf ole, %select_n3A_876, %select_n3A_881 : vector<16xf32>
      %min3A_953 = arith.minimumf %select_n3A_876, %select_n3A_881 : vector<16xf32>
      %select_n3A_954 = arith.select %le3A_952, %broadcast_in_dim3A_300, %broadcast_in_dim3A_302 : vector<16xi1>, vector<16xi32>
      %le3A_955 = arith.cmpf ole, %select_n3A_886, %select_n3A_891 : vector<16xf32>
      %min3A_956 = arith.minimumf %select_n3A_886, %select_n3A_891 : vector<16xf32>
      %select_n3A_957 = arith.select %le3A_955, %broadcast_in_dim3A_304, %broadcast_in_dim3A_306 : vector<16xi1>, vector<16xi32>
      %le3A_958 = arith.cmpf ole, %select_n3A_896, %select_n3A_901 : vector<16xf32>
      %min3A_959 = arith.minimumf %select_n3A_896, %select_n3A_901 : vector<16xf32>
      %select_n3A_960 = arith.select %le3A_958, %broadcast_in_dim3A_308, %broadcast_in_dim3A_310 : vector<16xi1>, vector<16xi32>
      %le3A_961 = arith.cmpf ole, %select_n3A_906, %select_n3A_911 : vector<16xf32>
      %min3A_962 = arith.minimumf %select_n3A_906, %select_n3A_911 : vector<16xf32>
      %select_n3A_963 = arith.select %le3A_961, %broadcast_in_dim3A_312, %broadcast_in_dim3A_314 : vector<16xi1>, vector<16xi32>
      %le3A_964 = arith.cmpf ole, %select_n3A_916, %select_n3A_921 : vector<16xf32>
      %min3A_965 = arith.minimumf %select_n3A_916, %select_n3A_921 : vector<16xf32>
      %select_n3A_966 = arith.select %le3A_964, %broadcast_in_dim3A_316, %broadcast_in_dim3A_318 : vector<16xi1>, vector<16xi32>
      %le3A_967 = arith.cmpf ole, %select_n3A_926, %select_n3A_931 : vector<16xf32>
      %min3A_968 = arith.minimumf %select_n3A_926, %select_n3A_931 : vector<16xf32>
      %select_n3A_969 = arith.select %le3A_967, %broadcast_in_dim3A_320, %broadcast_in_dim3A_322 : vector<16xi1>, vector<16xi32>
      %le3A_970 = arith.cmpf ole, %select_n3A_936, %select_n3A_941 : vector<16xf32>
      %min3A_971 = arith.minimumf %select_n3A_936, %select_n3A_941 : vector<16xf32>
      %select_n3A_972 = arith.select %le3A_970, %broadcast_in_dim3A_324, %broadcast_in_dim3A_326 : vector<16xi1>, vector<16xi32>
      %le3A_973 = arith.cmpf ole, %select_n3A_946, %select_n3A_951 : vector<16xf32>
      %min3A_974 = arith.minimumf %select_n3A_946, %select_n3A_951 : vector<16xf32>
      %select_n3A_975 = arith.select %le3A_973, %broadcast_in_dim3A_328, %broadcast_in_dim3A_330 : vector<16xi1>, vector<16xi32>
      %le3A_976 = arith.cmpf ole, %min3A_953, %min3A_956 : vector<16xf32>
      %min3A_977 = arith.minimumf %min3A_953, %min3A_956 : vector<16xf32>
      %select_n3A_978 = arith.select %le3A_976, %select_n3A_954, %select_n3A_957 : vector<16xi1>, vector<16xi32>
      %le3A_979 = arith.cmpf ole, %min3A_959, %min3A_962 : vector<16xf32>
      %min3A_980 = arith.minimumf %min3A_959, %min3A_962 : vector<16xf32>
      %select_n3A_981 = arith.select %le3A_979, %select_n3A_960, %select_n3A_963 : vector<16xi1>, vector<16xi32>
      %le3A_982 = arith.cmpf ole, %min3A_965, %min3A_968 : vector<16xf32>
      %min3A_983 = arith.minimumf %min3A_965, %min3A_968 : vector<16xf32>
      %select_n3A_984 = arith.select %le3A_982, %select_n3A_966, %select_n3A_969 : vector<16xi1>, vector<16xi32>
      %le3A_985 = arith.cmpf ole, %min3A_971, %min3A_974 : vector<16xf32>
      %min3A_986 = arith.minimumf %min3A_971, %min3A_974 : vector<16xf32>
      %select_n3A_987 = arith.select %le3A_985, %select_n3A_972, %select_n3A_975 : vector<16xi1>, vector<16xi32>
      %le3A_988 = arith.cmpf ole, %min3A_977, %min3A_980 : vector<16xf32>
      %min3A_989 = arith.minimumf %min3A_977, %min3A_980 : vector<16xf32>
      %select_n3A_990 = arith.select %le3A_988, %select_n3A_978, %select_n3A_981 : vector<16xi1>, vector<16xi32>
      %le3A_991 = arith.cmpf ole, %min3A_983, %min3A_986 : vector<16xf32>
      %min3A_992 = arith.minimumf %min3A_983, %min3A_986 : vector<16xf32>
      %select_n3A_993 = arith.select %le3A_991, %select_n3A_984, %select_n3A_987 : vector<16xi1>, vector<16xi32>
      %le3A_994 = arith.cmpf ole, %min3A_989, %min3A_992 : vector<16xf32>
      %min3A_995 = arith.minimumf %min3A_989, %min3A_992 : vector<16xf32>
      %select_n3A_996 = arith.select %le3A_994, %select_n3A_990, %select_n3A_993 : vector<16xi1>, vector<16xi32>
      %eq3A_997 = arith.constant 0 : i32
      %eq3A_998 = vector.broadcast %eq3A_997 : i32 to vector<16xi32>
      %eq3A_999 = arith.cmpi eq, %select_n3A_996, %eq3A_998 : vector<16xi32>
      %broadcast_in_dim3A_1000 = vector.broadcast %scan3A_8 : f32 to vector<16xf32>
      %select_n3A_1001 = arith.select %eq3A_999, %broadcast_in_dim3A_1000, %select_n3A_876 : vector<16xi1>, vector<16xf32>
      %eq3A_1002 = arith.constant 1 : i32
      %eq3A_1003 = vector.broadcast %eq3A_1002 : i32 to vector<16xi32>
      %eq3A_1004 = arith.cmpi eq, %select_n3A_996, %eq3A_1003 : vector<16xi32>
      %broadcast_in_dim3A_1005 = vector.broadcast %scan3A_8 : f32 to vector<16xf32>
      %select_n3A_1006 = arith.select %eq3A_1004, %broadcast_in_dim3A_1005, %select_n3A_881 : vector<16xi1>, vector<16xf32>
      %eq3A_1007 = arith.constant 2 : i32
      %eq3A_1008 = vector.broadcast %eq3A_1007 : i32 to vector<16xi32>
      %eq3A_1009 = arith.cmpi eq, %select_n3A_996, %eq3A_1008 : vector<16xi32>
      %broadcast_in_dim3A_1010 = vector.broadcast %scan3A_8 : f32 to vector<16xf32>
      %select_n3A_1011 = arith.select %eq3A_1009, %broadcast_in_dim3A_1010, %select_n3A_886 : vector<16xi1>, vector<16xf32>
      %eq3A_1012 = arith.constant 3 : i32
      %eq3A_1013 = vector.broadcast %eq3A_1012 : i32 to vector<16xi32>
      %eq3A_1014 = arith.cmpi eq, %select_n3A_996, %eq3A_1013 : vector<16xi32>
      %broadcast_in_dim3A_1015 = vector.broadcast %scan3A_8 : f32 to vector<16xf32>
      %select_n3A_1016 = arith.select %eq3A_1014, %broadcast_in_dim3A_1015, %select_n3A_891 : vector<16xi1>, vector<16xf32>
      %eq3A_1017 = arith.constant 4 : i32
      %eq3A_1018 = vector.broadcast %eq3A_1017 : i32 to vector<16xi32>
      %eq3A_1019 = arith.cmpi eq, %select_n3A_996, %eq3A_1018 : vector<16xi32>
      %broadcast_in_dim3A_1020 = vector.broadcast %scan3A_8 : f32 to vector<16xf32>
      %select_n3A_1021 = arith.select %eq3A_1019, %broadcast_in_dim3A_1020, %select_n3A_896 : vector<16xi1>, vector<16xf32>
      %eq3A_1022 = arith.constant 5 : i32
      %eq3A_1023 = vector.broadcast %eq3A_1022 : i32 to vector<16xi32>
      %eq3A_1024 = arith.cmpi eq, %select_n3A_996, %eq3A_1023 : vector<16xi32>
      %broadcast_in_dim3A_1025 = vector.broadcast %scan3A_8 : f32 to vector<16xf32>
      %select_n3A_1026 = arith.select %eq3A_1024, %broadcast_in_dim3A_1025, %select_n3A_901 : vector<16xi1>, vector<16xf32>
      %eq3A_1027 = arith.constant 6 : i32
      %eq3A_1028 = vector.broadcast %eq3A_1027 : i32 to vector<16xi32>
      %eq3A_1029 = arith.cmpi eq, %select_n3A_996, %eq3A_1028 : vector<16xi32>
      %broadcast_in_dim3A_1030 = vector.broadcast %scan3A_8 : f32 to vector<16xf32>
      %select_n3A_1031 = arith.select %eq3A_1029, %broadcast_in_dim3A_1030, %select_n3A_906 : vector<16xi1>, vector<16xf32>
      %eq3A_1032 = arith.constant 7 : i32
      %eq3A_1033 = vector.broadcast %eq3A_1032 : i32 to vector<16xi32>
      %eq3A_1034 = arith.cmpi eq, %select_n3A_996, %eq3A_1033 : vector<16xi32>
      %broadcast_in_dim3A_1035 = vector.broadcast %scan3A_8 : f32 to vector<16xf32>
      %select_n3A_1036 = arith.select %eq3A_1034, %broadcast_in_dim3A_1035, %select_n3A_911 : vector<16xi1>, vector<16xf32>
      %eq3A_1037 = arith.constant 8 : i32
      %eq3A_1038 = vector.broadcast %eq3A_1037 : i32 to vector<16xi32>
      %eq3A_1039 = arith.cmpi eq, %select_n3A_996, %eq3A_1038 : vector<16xi32>
      %broadcast_in_dim3A_1040 = vector.broadcast %scan3A_8 : f32 to vector<16xf32>
      %select_n3A_1041 = arith.select %eq3A_1039, %broadcast_in_dim3A_1040, %select_n3A_916 : vector<16xi1>, vector<16xf32>
      %eq3A_1042 = arith.constant 9 : i32
      %eq3A_1043 = vector.broadcast %eq3A_1042 : i32 to vector<16xi32>
      %eq3A_1044 = arith.cmpi eq, %select_n3A_996, %eq3A_1043 : vector<16xi32>
      %broadcast_in_dim3A_1045 = vector.broadcast %scan3A_8 : f32 to vector<16xf32>
      %select_n3A_1046 = arith.select %eq3A_1044, %broadcast_in_dim3A_1045, %select_n3A_921 : vector<16xi1>, vector<16xf32>
      %eq3A_1047 = arith.constant 10 : i32
      %eq3A_1048 = vector.broadcast %eq3A_1047 : i32 to vector<16xi32>
      %eq3A_1049 = arith.cmpi eq, %select_n3A_996, %eq3A_1048 : vector<16xi32>
      %broadcast_in_dim3A_1050 = vector.broadcast %scan3A_8 : f32 to vector<16xf32>
      %select_n3A_1051 = arith.select %eq3A_1049, %broadcast_in_dim3A_1050, %select_n3A_926 : vector<16xi1>, vector<16xf32>
      %eq3A_1052 = arith.constant 11 : i32
      %eq3A_1053 = vector.broadcast %eq3A_1052 : i32 to vector<16xi32>
      %eq3A_1054 = arith.cmpi eq, %select_n3A_996, %eq3A_1053 : vector<16xi32>
      %broadcast_in_dim3A_1055 = vector.broadcast %scan3A_8 : f32 to vector<16xf32>
      %select_n3A_1056 = arith.select %eq3A_1054, %broadcast_in_dim3A_1055, %select_n3A_931 : vector<16xi1>, vector<16xf32>
      %eq3A_1057 = arith.constant 12 : i32
      %eq3A_1058 = vector.broadcast %eq3A_1057 : i32 to vector<16xi32>
      %eq3A_1059 = arith.cmpi eq, %select_n3A_996, %eq3A_1058 : vector<16xi32>
      %broadcast_in_dim3A_1060 = vector.broadcast %scan3A_8 : f32 to vector<16xf32>
      %select_n3A_1061 = arith.select %eq3A_1059, %broadcast_in_dim3A_1060, %select_n3A_936 : vector<16xi1>, vector<16xf32>
      %eq3A_1062 = arith.constant 13 : i32
      %eq3A_1063 = vector.broadcast %eq3A_1062 : i32 to vector<16xi32>
      %eq3A_1064 = arith.cmpi eq, %select_n3A_996, %eq3A_1063 : vector<16xi32>
      %broadcast_in_dim3A_1065 = vector.broadcast %scan3A_8 : f32 to vector<16xf32>
      %select_n3A_1066 = arith.select %eq3A_1064, %broadcast_in_dim3A_1065, %select_n3A_941 : vector<16xi1>, vector<16xf32>
      %eq3A_1067 = arith.constant 14 : i32
      %eq3A_1068 = vector.broadcast %eq3A_1067 : i32 to vector<16xi32>
      %eq3A_1069 = arith.cmpi eq, %select_n3A_996, %eq3A_1068 : vector<16xi32>
      %broadcast_in_dim3A_1070 = vector.broadcast %scan3A_8 : f32 to vector<16xf32>
      %select_n3A_1071 = arith.select %eq3A_1069, %broadcast_in_dim3A_1070, %select_n3A_946 : vector<16xi1>, vector<16xf32>
      %eq3A_1072 = arith.constant 15 : i32
      %eq3A_1073 = vector.broadcast %eq3A_1072 : i32 to vector<16xi32>
      %eq3A_1074 = arith.cmpi eq, %select_n3A_996, %eq3A_1073 : vector<16xi32>
      %broadcast_in_dim3A_1075 = vector.broadcast %scan3A_8 : f32 to vector<16xf32>
      %select_n3A_1076 = arith.select %eq3A_1074, %broadcast_in_dim3A_1075, %select_n3A_951 : vector<16xi1>, vector<16xf32>
      %le3A_1077 = arith.cmpf ole, %select_n3A_1001, %select_n3A_1006 : vector<16xf32>
      %min3A_1078 = arith.minimumf %select_n3A_1001, %select_n3A_1006 : vector<16xf32>
      %select_n3A_1079 = arith.select %le3A_1077, %broadcast_in_dim3A_300, %broadcast_in_dim3A_302 : vector<16xi1>, vector<16xi32>
      %le3A_1080 = arith.cmpf ole, %select_n3A_1011, %select_n3A_1016 : vector<16xf32>
      %min3A_1081 = arith.minimumf %select_n3A_1011, %select_n3A_1016 : vector<16xf32>
      %select_n3A_1082 = arith.select %le3A_1080, %broadcast_in_dim3A_304, %broadcast_in_dim3A_306 : vector<16xi1>, vector<16xi32>
      %le3A_1083 = arith.cmpf ole, %select_n3A_1021, %select_n3A_1026 : vector<16xf32>
      %min3A_1084 = arith.minimumf %select_n3A_1021, %select_n3A_1026 : vector<16xf32>
      %select_n3A_1085 = arith.select %le3A_1083, %broadcast_in_dim3A_308, %broadcast_in_dim3A_310 : vector<16xi1>, vector<16xi32>
      %le3A_1086 = arith.cmpf ole, %select_n3A_1031, %select_n3A_1036 : vector<16xf32>
      %min3A_1087 = arith.minimumf %select_n3A_1031, %select_n3A_1036 : vector<16xf32>
      %select_n3A_1088 = arith.select %le3A_1086, %broadcast_in_dim3A_312, %broadcast_in_dim3A_314 : vector<16xi1>, vector<16xi32>
      %le3A_1089 = arith.cmpf ole, %select_n3A_1041, %select_n3A_1046 : vector<16xf32>
      %min3A_1090 = arith.minimumf %select_n3A_1041, %select_n3A_1046 : vector<16xf32>
      %select_n3A_1091 = arith.select %le3A_1089, %broadcast_in_dim3A_316, %broadcast_in_dim3A_318 : vector<16xi1>, vector<16xi32>
      %le3A_1092 = arith.cmpf ole, %select_n3A_1051, %select_n3A_1056 : vector<16xf32>
      %min3A_1093 = arith.minimumf %select_n3A_1051, %select_n3A_1056 : vector<16xf32>
      %select_n3A_1094 = arith.select %le3A_1092, %broadcast_in_dim3A_320, %broadcast_in_dim3A_322 : vector<16xi1>, vector<16xi32>
      %le3A_1095 = arith.cmpf ole, %select_n3A_1061, %select_n3A_1066 : vector<16xf32>
      %min3A_1096 = arith.minimumf %select_n3A_1061, %select_n3A_1066 : vector<16xf32>
      %select_n3A_1097 = arith.select %le3A_1095, %broadcast_in_dim3A_324, %broadcast_in_dim3A_326 : vector<16xi1>, vector<16xi32>
      %le3A_1098 = arith.cmpf ole, %select_n3A_1071, %select_n3A_1076 : vector<16xf32>
      %min3A_1099 = arith.minimumf %select_n3A_1071, %select_n3A_1076 : vector<16xf32>
      %select_n3A_1100 = arith.select %le3A_1098, %broadcast_in_dim3A_328, %broadcast_in_dim3A_330 : vector<16xi1>, vector<16xi32>
      %le3A_1101 = arith.cmpf ole, %min3A_1078, %min3A_1081 : vector<16xf32>
      %min3A_1102 = arith.minimumf %min3A_1078, %min3A_1081 : vector<16xf32>
      %select_n3A_1103 = arith.select %le3A_1101, %select_n3A_1079, %select_n3A_1082 : vector<16xi1>, vector<16xi32>
      %le3A_1104 = arith.cmpf ole, %min3A_1084, %min3A_1087 : vector<16xf32>
      %min3A_1105 = arith.minimumf %min3A_1084, %min3A_1087 : vector<16xf32>
      %select_n3A_1106 = arith.select %le3A_1104, %select_n3A_1085, %select_n3A_1088 : vector<16xi1>, vector<16xi32>
      %le3A_1107 = arith.cmpf ole, %min3A_1090, %min3A_1093 : vector<16xf32>
      %min3A_1108 = arith.minimumf %min3A_1090, %min3A_1093 : vector<16xf32>
      %select_n3A_1109 = arith.select %le3A_1107, %select_n3A_1091, %select_n3A_1094 : vector<16xi1>, vector<16xi32>
      %le3A_1110 = arith.cmpf ole, %min3A_1096, %min3A_1099 : vector<16xf32>
      %min3A_1111 = arith.minimumf %min3A_1096, %min3A_1099 : vector<16xf32>
      %select_n3A_1112 = arith.select %le3A_1110, %select_n3A_1097, %select_n3A_1100 : vector<16xi1>, vector<16xi32>
      %le3A_1113 = arith.cmpf ole, %min3A_1102, %min3A_1105 : vector<16xf32>
      %min3A_1114 = arith.minimumf %min3A_1102, %min3A_1105 : vector<16xf32>
      %select_n3A_1115 = arith.select %le3A_1113, %select_n3A_1103, %select_n3A_1106 : vector<16xi1>, vector<16xi32>
      %le3A_1116 = arith.cmpf ole, %min3A_1108, %min3A_1111 : vector<16xf32>
      %min3A_1117 = arith.minimumf %min3A_1108, %min3A_1111 : vector<16xf32>
      %select_n3A_1118 = arith.select %le3A_1116, %select_n3A_1109, %select_n3A_1112 : vector<16xi1>, vector<16xi32>
      %le3A_1119 = arith.cmpf ole, %min3A_1114, %min3A_1117 : vector<16xf32>
      %min3A_1120 = arith.minimumf %min3A_1114, %min3A_1117 : vector<16xf32>
      %select_n3A_1121 = arith.select %le3A_1119, %select_n3A_1115, %select_n3A_1118 : vector<16xi1>, vector<16xi32>
      %eq3A_1122 = arith.constant 0 : i32
      %eq3A_1123 = vector.broadcast %eq3A_1122 : i32 to vector<16xi32>
      %eq3A_1124 = arith.cmpi eq, %select_n3A_1121, %eq3A_1123 : vector<16xi32>
      %broadcast_in_dim3A_1125 = vector.broadcast %scan3A_8 : f32 to vector<16xf32>
      %select_n3A_1126 = arith.select %eq3A_1124, %broadcast_in_dim3A_1125, %select_n3A_1001 : vector<16xi1>, vector<16xf32>
      %eq3A_1127 = arith.constant 1 : i32
      %eq3A_1128 = vector.broadcast %eq3A_1127 : i32 to vector<16xi32>
      %eq3A_1129 = arith.cmpi eq, %select_n3A_1121, %eq3A_1128 : vector<16xi32>
      %broadcast_in_dim3A_1130 = vector.broadcast %scan3A_8 : f32 to vector<16xf32>
      %select_n3A_1131 = arith.select %eq3A_1129, %broadcast_in_dim3A_1130, %select_n3A_1006 : vector<16xi1>, vector<16xf32>
      %eq3A_1132 = arith.constant 2 : i32
      %eq3A_1133 = vector.broadcast %eq3A_1132 : i32 to vector<16xi32>
      %eq3A_1134 = arith.cmpi eq, %select_n3A_1121, %eq3A_1133 : vector<16xi32>
      %broadcast_in_dim3A_1135 = vector.broadcast %scan3A_8 : f32 to vector<16xf32>
      %select_n3A_1136 = arith.select %eq3A_1134, %broadcast_in_dim3A_1135, %select_n3A_1011 : vector<16xi1>, vector<16xf32>
      %eq3A_1137 = arith.constant 3 : i32
      %eq3A_1138 = vector.broadcast %eq3A_1137 : i32 to vector<16xi32>
      %eq3A_1139 = arith.cmpi eq, %select_n3A_1121, %eq3A_1138 : vector<16xi32>
      %broadcast_in_dim3A_1140 = vector.broadcast %scan3A_8 : f32 to vector<16xf32>
      %select_n3A_1141 = arith.select %eq3A_1139, %broadcast_in_dim3A_1140, %select_n3A_1016 : vector<16xi1>, vector<16xf32>
      %eq3A_1142 = arith.constant 4 : i32
      %eq3A_1143 = vector.broadcast %eq3A_1142 : i32 to vector<16xi32>
      %eq3A_1144 = arith.cmpi eq, %select_n3A_1121, %eq3A_1143 : vector<16xi32>
      %broadcast_in_dim3A_1145 = vector.broadcast %scan3A_8 : f32 to vector<16xf32>
      %select_n3A_1146 = arith.select %eq3A_1144, %broadcast_in_dim3A_1145, %select_n3A_1021 : vector<16xi1>, vector<16xf32>
      %eq3A_1147 = arith.constant 5 : i32
      %eq3A_1148 = vector.broadcast %eq3A_1147 : i32 to vector<16xi32>
      %eq3A_1149 = arith.cmpi eq, %select_n3A_1121, %eq3A_1148 : vector<16xi32>
      %broadcast_in_dim3A_1150 = vector.broadcast %scan3A_8 : f32 to vector<16xf32>
      %select_n3A_1151 = arith.select %eq3A_1149, %broadcast_in_dim3A_1150, %select_n3A_1026 : vector<16xi1>, vector<16xf32>
      %eq3A_1152 = arith.constant 6 : i32
      %eq3A_1153 = vector.broadcast %eq3A_1152 : i32 to vector<16xi32>
      %eq3A_1154 = arith.cmpi eq, %select_n3A_1121, %eq3A_1153 : vector<16xi32>
      %broadcast_in_dim3A_1155 = vector.broadcast %scan3A_8 : f32 to vector<16xf32>
      %select_n3A_1156 = arith.select %eq3A_1154, %broadcast_in_dim3A_1155, %select_n3A_1031 : vector<16xi1>, vector<16xf32>
      %eq3A_1157 = arith.constant 7 : i32
      %eq3A_1158 = vector.broadcast %eq3A_1157 : i32 to vector<16xi32>
      %eq3A_1159 = arith.cmpi eq, %select_n3A_1121, %eq3A_1158 : vector<16xi32>
      %broadcast_in_dim3A_1160 = vector.broadcast %scan3A_8 : f32 to vector<16xf32>
      %select_n3A_1161 = arith.select %eq3A_1159, %broadcast_in_dim3A_1160, %select_n3A_1036 : vector<16xi1>, vector<16xf32>
      %eq3A_1162 = arith.constant 8 : i32
      %eq3A_1163 = vector.broadcast %eq3A_1162 : i32 to vector<16xi32>
      %eq3A_1164 = arith.cmpi eq, %select_n3A_1121, %eq3A_1163 : vector<16xi32>
      %broadcast_in_dim3A_1165 = vector.broadcast %scan3A_8 : f32 to vector<16xf32>
      %select_n3A_1166 = arith.select %eq3A_1164, %broadcast_in_dim3A_1165, %select_n3A_1041 : vector<16xi1>, vector<16xf32>
      %eq3A_1167 = arith.constant 9 : i32
      %eq3A_1168 = vector.broadcast %eq3A_1167 : i32 to vector<16xi32>
      %eq3A_1169 = arith.cmpi eq, %select_n3A_1121, %eq3A_1168 : vector<16xi32>
      %broadcast_in_dim3A_1170 = vector.broadcast %scan3A_8 : f32 to vector<16xf32>
      %select_n3A_1171 = arith.select %eq3A_1169, %broadcast_in_dim3A_1170, %select_n3A_1046 : vector<16xi1>, vector<16xf32>
      %eq3A_1172 = arith.constant 10 : i32
      %eq3A_1173 = vector.broadcast %eq3A_1172 : i32 to vector<16xi32>
      %eq3A_1174 = arith.cmpi eq, %select_n3A_1121, %eq3A_1173 : vector<16xi32>
      %broadcast_in_dim3A_1175 = vector.broadcast %scan3A_8 : f32 to vector<16xf32>
      %select_n3A_1176 = arith.select %eq3A_1174, %broadcast_in_dim3A_1175, %select_n3A_1051 : vector<16xi1>, vector<16xf32>
      %eq3A_1177 = arith.constant 11 : i32
      %eq3A_1178 = vector.broadcast %eq3A_1177 : i32 to vector<16xi32>
      %eq3A_1179 = arith.cmpi eq, %select_n3A_1121, %eq3A_1178 : vector<16xi32>
      %broadcast_in_dim3A_1180 = vector.broadcast %scan3A_8 : f32 to vector<16xf32>
      %select_n3A_1181 = arith.select %eq3A_1179, %broadcast_in_dim3A_1180, %select_n3A_1056 : vector<16xi1>, vector<16xf32>
      %eq3A_1182 = arith.constant 12 : i32
      %eq3A_1183 = vector.broadcast %eq3A_1182 : i32 to vector<16xi32>
      %eq3A_1184 = arith.cmpi eq, %select_n3A_1121, %eq3A_1183 : vector<16xi32>
      %broadcast_in_dim3A_1185 = vector.broadcast %scan3A_8 : f32 to vector<16xf32>
      %select_n3A_1186 = arith.select %eq3A_1184, %broadcast_in_dim3A_1185, %select_n3A_1061 : vector<16xi1>, vector<16xf32>
      %eq3A_1187 = arith.constant 13 : i32
      %eq3A_1188 = vector.broadcast %eq3A_1187 : i32 to vector<16xi32>
      %eq3A_1189 = arith.cmpi eq, %select_n3A_1121, %eq3A_1188 : vector<16xi32>
      %broadcast_in_dim3A_1190 = vector.broadcast %scan3A_8 : f32 to vector<16xf32>
      %select_n3A_1191 = arith.select %eq3A_1189, %broadcast_in_dim3A_1190, %select_n3A_1066 : vector<16xi1>, vector<16xf32>
      %eq3A_1192 = arith.constant 14 : i32
      %eq3A_1193 = vector.broadcast %eq3A_1192 : i32 to vector<16xi32>
      %eq3A_1194 = arith.cmpi eq, %select_n3A_1121, %eq3A_1193 : vector<16xi32>
      %broadcast_in_dim3A_1195 = vector.broadcast %scan3A_8 : f32 to vector<16xf32>
      %select_n3A_1196 = arith.select %eq3A_1194, %broadcast_in_dim3A_1195, %select_n3A_1071 : vector<16xi1>, vector<16xf32>
      %eq3A_1197 = arith.constant 15 : i32
      %eq3A_1198 = vector.broadcast %eq3A_1197 : i32 to vector<16xi32>
      %eq3A_1199 = arith.cmpi eq, %select_n3A_1121, %eq3A_1198 : vector<16xi32>
      %broadcast_in_dim3A_1200 = vector.broadcast %scan3A_8 : f32 to vector<16xf32>
      %select_n3A_1201 = arith.select %eq3A_1199, %broadcast_in_dim3A_1200, %select_n3A_1076 : vector<16xi1>, vector<16xf32>
      %le3A_1202 = arith.cmpf ole, %select_n3A_1126, %select_n3A_1131 : vector<16xf32>
      %min3A_1203 = arith.minimumf %select_n3A_1126, %select_n3A_1131 : vector<16xf32>
      %select_n3A_1204 = arith.select %le3A_1202, %broadcast_in_dim3A_300, %broadcast_in_dim3A_302 : vector<16xi1>, vector<16xi32>
      %le3A_1205 = arith.cmpf ole, %select_n3A_1136, %select_n3A_1141 : vector<16xf32>
      %min3A_1206 = arith.minimumf %select_n3A_1136, %select_n3A_1141 : vector<16xf32>
      %select_n3A_1207 = arith.select %le3A_1205, %broadcast_in_dim3A_304, %broadcast_in_dim3A_306 : vector<16xi1>, vector<16xi32>
      %le3A_1208 = arith.cmpf ole, %select_n3A_1146, %select_n3A_1151 : vector<16xf32>
      %min3A_1209 = arith.minimumf %select_n3A_1146, %select_n3A_1151 : vector<16xf32>
      %select_n3A_1210 = arith.select %le3A_1208, %broadcast_in_dim3A_308, %broadcast_in_dim3A_310 : vector<16xi1>, vector<16xi32>
      %le3A_1211 = arith.cmpf ole, %select_n3A_1156, %select_n3A_1161 : vector<16xf32>
      %min3A_1212 = arith.minimumf %select_n3A_1156, %select_n3A_1161 : vector<16xf32>
      %select_n3A_1213 = arith.select %le3A_1211, %broadcast_in_dim3A_312, %broadcast_in_dim3A_314 : vector<16xi1>, vector<16xi32>
      %le3A_1214 = arith.cmpf ole, %select_n3A_1166, %select_n3A_1171 : vector<16xf32>
      %min3A_1215 = arith.minimumf %select_n3A_1166, %select_n3A_1171 : vector<16xf32>
      %select_n3A_1216 = arith.select %le3A_1214, %broadcast_in_dim3A_316, %broadcast_in_dim3A_318 : vector<16xi1>, vector<16xi32>
      %le3A_1217 = arith.cmpf ole, %select_n3A_1176, %select_n3A_1181 : vector<16xf32>
      %min3A_1218 = arith.minimumf %select_n3A_1176, %select_n3A_1181 : vector<16xf32>
      %select_n3A_1219 = arith.select %le3A_1217, %broadcast_in_dim3A_320, %broadcast_in_dim3A_322 : vector<16xi1>, vector<16xi32>
      %le3A_1220 = arith.cmpf ole, %select_n3A_1186, %select_n3A_1191 : vector<16xf32>
      %min3A_1221 = arith.minimumf %select_n3A_1186, %select_n3A_1191 : vector<16xf32>
      %select_n3A_1222 = arith.select %le3A_1220, %broadcast_in_dim3A_324, %broadcast_in_dim3A_326 : vector<16xi1>, vector<16xi32>
      %le3A_1223 = arith.cmpf ole, %select_n3A_1196, %select_n3A_1201 : vector<16xf32>
      %min3A_1224 = arith.minimumf %select_n3A_1196, %select_n3A_1201 : vector<16xf32>
      %select_n3A_1225 = arith.select %le3A_1223, %broadcast_in_dim3A_328, %broadcast_in_dim3A_330 : vector<16xi1>, vector<16xi32>
      %le3A_1226 = arith.cmpf ole, %min3A_1203, %min3A_1206 : vector<16xf32>
      %min3A_1227 = arith.minimumf %min3A_1203, %min3A_1206 : vector<16xf32>
      %select_n3A_1228 = arith.select %le3A_1226, %select_n3A_1204, %select_n3A_1207 : vector<16xi1>, vector<16xi32>
      %le3A_1229 = arith.cmpf ole, %min3A_1209, %min3A_1212 : vector<16xf32>
      %min3A_1230 = arith.minimumf %min3A_1209, %min3A_1212 : vector<16xf32>
      %select_n3A_1231 = arith.select %le3A_1229, %select_n3A_1210, %select_n3A_1213 : vector<16xi1>, vector<16xi32>
      %le3A_1232 = arith.cmpf ole, %min3A_1215, %min3A_1218 : vector<16xf32>
      %min3A_1233 = arith.minimumf %min3A_1215, %min3A_1218 : vector<16xf32>
      %select_n3A_1234 = arith.select %le3A_1232, %select_n3A_1216, %select_n3A_1219 : vector<16xi1>, vector<16xi32>
      %le3A_1235 = arith.cmpf ole, %min3A_1221, %min3A_1224 : vector<16xf32>
      %min3A_1236 = arith.minimumf %min3A_1221, %min3A_1224 : vector<16xf32>
      %select_n3A_1237 = arith.select %le3A_1235, %select_n3A_1222, %select_n3A_1225 : vector<16xi1>, vector<16xi32>
      %le3A_1238 = arith.cmpf ole, %min3A_1227, %min3A_1230 : vector<16xf32>
      %min3A_1239 = arith.minimumf %min3A_1227, %min3A_1230 : vector<16xf32>
      %select_n3A_1240 = arith.select %le3A_1238, %select_n3A_1228, %select_n3A_1231 : vector<16xi1>, vector<16xi32>
      %le3A_1241 = arith.cmpf ole, %min3A_1233, %min3A_1236 : vector<16xf32>
      %min3A_1242 = arith.minimumf %min3A_1233, %min3A_1236 : vector<16xf32>
      %select_n3A_1243 = arith.select %le3A_1241, %select_n3A_1234, %select_n3A_1237 : vector<16xi1>, vector<16xi32>
      %le3A_1244 = arith.cmpf ole, %min3A_1239, %min3A_1242 : vector<16xf32>
      %min3A_1245 = arith.minimumf %min3A_1239, %min3A_1242 : vector<16xf32>
      %select_n3A_1246 = arith.select %le3A_1244, %select_n3A_1240, %select_n3A_1243 : vector<16xi1>, vector<16xi32>
      %eq3A_1247 = arith.constant 0 : i32
      %eq3A_1248 = vector.broadcast %eq3A_1247 : i32 to vector<16xi32>
      %eq3A_1249 = arith.cmpi eq, %select_n3A_1246, %eq3A_1248 : vector<16xi32>
      %broadcast_in_dim3A_1250 = vector.broadcast %scan3A_8 : f32 to vector<16xf32>
      %select_n3A_1251 = arith.select %eq3A_1249, %broadcast_in_dim3A_1250, %select_n3A_1126 : vector<16xi1>, vector<16xf32>
      %eq3A_1252 = arith.constant 1 : i32
      %eq3A_1253 = vector.broadcast %eq3A_1252 : i32 to vector<16xi32>
      %eq3A_1254 = arith.cmpi eq, %select_n3A_1246, %eq3A_1253 : vector<16xi32>
      %broadcast_in_dim3A_1255 = vector.broadcast %scan3A_8 : f32 to vector<16xf32>
      %select_n3A_1256 = arith.select %eq3A_1254, %broadcast_in_dim3A_1255, %select_n3A_1131 : vector<16xi1>, vector<16xf32>
      %eq3A_1257 = arith.constant 2 : i32
      %eq3A_1258 = vector.broadcast %eq3A_1257 : i32 to vector<16xi32>
      %eq3A_1259 = arith.cmpi eq, %select_n3A_1246, %eq3A_1258 : vector<16xi32>
      %broadcast_in_dim3A_1260 = vector.broadcast %scan3A_8 : f32 to vector<16xf32>
      %select_n3A_1261 = arith.select %eq3A_1259, %broadcast_in_dim3A_1260, %select_n3A_1136 : vector<16xi1>, vector<16xf32>
      %eq3A_1262 = arith.constant 3 : i32
      %eq3A_1263 = vector.broadcast %eq3A_1262 : i32 to vector<16xi32>
      %eq3A_1264 = arith.cmpi eq, %select_n3A_1246, %eq3A_1263 : vector<16xi32>
      %broadcast_in_dim3A_1265 = vector.broadcast %scan3A_8 : f32 to vector<16xf32>
      %select_n3A_1266 = arith.select %eq3A_1264, %broadcast_in_dim3A_1265, %select_n3A_1141 : vector<16xi1>, vector<16xf32>
      %eq3A_1267 = arith.constant 4 : i32
      %eq3A_1268 = vector.broadcast %eq3A_1267 : i32 to vector<16xi32>
      %eq3A_1269 = arith.cmpi eq, %select_n3A_1246, %eq3A_1268 : vector<16xi32>
      %broadcast_in_dim3A_1270 = vector.broadcast %scan3A_8 : f32 to vector<16xf32>
      %select_n3A_1271 = arith.select %eq3A_1269, %broadcast_in_dim3A_1270, %select_n3A_1146 : vector<16xi1>, vector<16xf32>
      %eq3A_1272 = arith.constant 5 : i32
      %eq3A_1273 = vector.broadcast %eq3A_1272 : i32 to vector<16xi32>
      %eq3A_1274 = arith.cmpi eq, %select_n3A_1246, %eq3A_1273 : vector<16xi32>
      %broadcast_in_dim3A_1275 = vector.broadcast %scan3A_8 : f32 to vector<16xf32>
      %select_n3A_1276 = arith.select %eq3A_1274, %broadcast_in_dim3A_1275, %select_n3A_1151 : vector<16xi1>, vector<16xf32>
      %eq3A_1277 = arith.constant 6 : i32
      %eq3A_1278 = vector.broadcast %eq3A_1277 : i32 to vector<16xi32>
      %eq3A_1279 = arith.cmpi eq, %select_n3A_1246, %eq3A_1278 : vector<16xi32>
      %broadcast_in_dim3A_1280 = vector.broadcast %scan3A_8 : f32 to vector<16xf32>
      %select_n3A_1281 = arith.select %eq3A_1279, %broadcast_in_dim3A_1280, %select_n3A_1156 : vector<16xi1>, vector<16xf32>
      %eq3A_1282 = arith.constant 7 : i32
      %eq3A_1283 = vector.broadcast %eq3A_1282 : i32 to vector<16xi32>
      %eq3A_1284 = arith.cmpi eq, %select_n3A_1246, %eq3A_1283 : vector<16xi32>
      %broadcast_in_dim3A_1285 = vector.broadcast %scan3A_8 : f32 to vector<16xf32>
      %select_n3A_1286 = arith.select %eq3A_1284, %broadcast_in_dim3A_1285, %select_n3A_1161 : vector<16xi1>, vector<16xf32>
      %eq3A_1287 = arith.constant 8 : i32
      %eq3A_1288 = vector.broadcast %eq3A_1287 : i32 to vector<16xi32>
      %eq3A_1289 = arith.cmpi eq, %select_n3A_1246, %eq3A_1288 : vector<16xi32>
      %broadcast_in_dim3A_1290 = vector.broadcast %scan3A_8 : f32 to vector<16xf32>
      %select_n3A_1291 = arith.select %eq3A_1289, %broadcast_in_dim3A_1290, %select_n3A_1166 : vector<16xi1>, vector<16xf32>
      %eq3A_1292 = arith.constant 9 : i32
      %eq3A_1293 = vector.broadcast %eq3A_1292 : i32 to vector<16xi32>
      %eq3A_1294 = arith.cmpi eq, %select_n3A_1246, %eq3A_1293 : vector<16xi32>
      %broadcast_in_dim3A_1295 = vector.broadcast %scan3A_8 : f32 to vector<16xf32>
      %select_n3A_1296 = arith.select %eq3A_1294, %broadcast_in_dim3A_1295, %select_n3A_1171 : vector<16xi1>, vector<16xf32>
      %eq3A_1297 = arith.constant 10 : i32
      %eq3A_1298 = vector.broadcast %eq3A_1297 : i32 to vector<16xi32>
      %eq3A_1299 = arith.cmpi eq, %select_n3A_1246, %eq3A_1298 : vector<16xi32>
      %broadcast_in_dim3A_1300 = vector.broadcast %scan3A_8 : f32 to vector<16xf32>
      %select_n3A_1301 = arith.select %eq3A_1299, %broadcast_in_dim3A_1300, %select_n3A_1176 : vector<16xi1>, vector<16xf32>
      %eq3A_1302 = arith.constant 11 : i32
      %eq3A_1303 = vector.broadcast %eq3A_1302 : i32 to vector<16xi32>
      %eq3A_1304 = arith.cmpi eq, %select_n3A_1246, %eq3A_1303 : vector<16xi32>
      %broadcast_in_dim3A_1305 = vector.broadcast %scan3A_8 : f32 to vector<16xf32>
      %select_n3A_1306 = arith.select %eq3A_1304, %broadcast_in_dim3A_1305, %select_n3A_1181 : vector<16xi1>, vector<16xf32>
      %eq3A_1307 = arith.constant 12 : i32
      %eq3A_1308 = vector.broadcast %eq3A_1307 : i32 to vector<16xi32>
      %eq3A_1309 = arith.cmpi eq, %select_n3A_1246, %eq3A_1308 : vector<16xi32>
      %broadcast_in_dim3A_1310 = vector.broadcast %scan3A_8 : f32 to vector<16xf32>
      %select_n3A_1311 = arith.select %eq3A_1309, %broadcast_in_dim3A_1310, %select_n3A_1186 : vector<16xi1>, vector<16xf32>
      %eq3A_1312 = arith.constant 13 : i32
      %eq3A_1313 = vector.broadcast %eq3A_1312 : i32 to vector<16xi32>
      %eq3A_1314 = arith.cmpi eq, %select_n3A_1246, %eq3A_1313 : vector<16xi32>
      %broadcast_in_dim3A_1315 = vector.broadcast %scan3A_8 : f32 to vector<16xf32>
      %select_n3A_1316 = arith.select %eq3A_1314, %broadcast_in_dim3A_1315, %select_n3A_1191 : vector<16xi1>, vector<16xf32>
      %eq3A_1317 = arith.constant 14 : i32
      %eq3A_1318 = vector.broadcast %eq3A_1317 : i32 to vector<16xi32>
      %eq3A_1319 = arith.cmpi eq, %select_n3A_1246, %eq3A_1318 : vector<16xi32>
      %broadcast_in_dim3A_1320 = vector.broadcast %scan3A_8 : f32 to vector<16xf32>
      %select_n3A_1321 = arith.select %eq3A_1319, %broadcast_in_dim3A_1320, %select_n3A_1196 : vector<16xi1>, vector<16xf32>
      %eq3A_1322 = arith.constant 15 : i32
      %eq3A_1323 = vector.broadcast %eq3A_1322 : i32 to vector<16xi32>
      %eq3A_1324 = arith.cmpi eq, %select_n3A_1246, %eq3A_1323 : vector<16xi32>
      %broadcast_in_dim3A_1325 = vector.broadcast %scan3A_8 : f32 to vector<16xf32>
      %select_n3A_1326 = arith.select %eq3A_1324, %broadcast_in_dim3A_1325, %select_n3A_1201 : vector<16xi1>, vector<16xf32>
      %mul3A_1327 = arith.constant 4 : i32
      %mul3A_1328 = vector.broadcast %mul3A_1327 : i32 to vector<16xi32>
      %mul3A_1329 = arith.muli %select_n3A_372, %mul3A_1328 : vector<16xi32>
      %add3A_1330 = arith.constant 0 : i32
      %add3A_1331 = vector.broadcast %add3A_1330 : i32 to vector<16xi32>
      %add3A_1332 = arith.addi %mul3A_1329, %add3A_1331 : vector<16xi32>
      %add3A_1333 = arith.constant 48 : i32
      %add3A_1334 = vector.broadcast %add3A_1333 : i32 to vector<16xi32>
      %add3A_1335 = arith.addi %add3A_1332, %add3A_1334 : vector<16xi32>
      %gather3A = tpu.vector_load_idx %arg6[%add3A_1335] : memref<240xf32, #tpu.memory_space<vmem>>[vector<16xi32>], vector<16xf32>,
      %add3A_1336 = arith.constant 112 : i32
      %add3A_1337 = vector.broadcast %add3A_1336 : i32 to vector<16xi32>
      %add3A_1338 = arith.addi %add3A_1332, %add3A_1337 : vector<16xi32>
      %gather3A_1339 = tpu.vector_load_idx %arg6[%add3A_1338] : memref<240xf32, #tpu.memory_space<vmem>>[vector<16xi32>], vector<16xf32>,
      %add3A_1340 = arith.constant 176 : i32
      %add3A_1341 = vector.broadcast %add3A_1340 : i32 to vector<16xi32>
      %add3A_1342 = arith.addi %add3A_1332, %add3A_1341 : vector<16xi32>
      %gather3A_1343 = tpu.vector_load_idx %arg6[%add3A_1342] : memref<240xf32, #tpu.memory_space<vmem>>[vector<16xi32>], vector<16xf32>,
      %sub3A_1344 = arith.subf %get3A_22, %gather3A : vector<16xf32>
      %sub3A_1345 = arith.subf %get3A_26, %gather3A_1339 : vector<16xf32>
      %sub3A_1346 = arith.subf %get3A_30, %gather3A_1343 : vector<16xf32>
      %mul3A_1347 = arith.mulf %sub3A_1344, %sub3A_1344 : vector<16xf32>
      %mul3A_1348 = arith.mulf %sub3A_1345, %sub3A_1345 : vector<16xf32>
      %add3A_1349 = arith.addf %mul3A_1347, %mul3A_1348 : vector<16xf32>
      %mul3A_1350 = arith.mulf %sub3A_1346, %sub3A_1346 : vector<16xf32>
      %add3A_1351 = arith.addf %add3A_1349, %mul3A_1350 : vector<16xf32>
      %add3A_1352 = arith.constant 1 : i32
      %add3A_1353 = vector.broadcast %add3A_1352 : i32 to vector<16xi32>
      %add3A_1354 = arith.addi %mul3A_1329, %add3A_1353 : vector<16xi32>
      %add3A_1355 = arith.constant 48 : i32
      %add3A_1356 = vector.broadcast %add3A_1355 : i32 to vector<16xi32>
      %add3A_1357 = arith.addi %add3A_1354, %add3A_1356 : vector<16xi32>
      %gather3A_1358 = tpu.vector_load_idx %arg6[%add3A_1357] : memref<240xf32, #tpu.memory_space<vmem>>[vector<16xi32>], vector<16xf32>,
      %add3A_1359 = arith.constant 112 : i32
      %add3A_1360 = vector.broadcast %add3A_1359 : i32 to vector<16xi32>
      %add3A_1361 = arith.addi %add3A_1354, %add3A_1360 : vector<16xi32>
      %gather3A_1362 = tpu.vector_load_idx %arg6[%add3A_1361] : memref<240xf32, #tpu.memory_space<vmem>>[vector<16xi32>], vector<16xf32>,
      %add3A_1363 = arith.constant 176 : i32
      %add3A_1364 = vector.broadcast %add3A_1363 : i32 to vector<16xi32>
      %add3A_1365 = arith.addi %add3A_1354, %add3A_1364 : vector<16xi32>
      %gather3A_1366 = tpu.vector_load_idx %arg6[%add3A_1365] : memref<240xf32, #tpu.memory_space<vmem>>[vector<16xi32>], vector<16xf32>,
      %sub3A_1367 = arith.subf %get3A_22, %gather3A_1358 : vector<16xf32>
      %sub3A_1368 = arith.subf %get3A_26, %gather3A_1362 : vector<16xf32>
      %sub3A_1369 = arith.subf %get3A_30, %gather3A_1366 : vector<16xf32>
      %mul3A_1370 = arith.mulf %sub3A_1367, %sub3A_1367 : vector<16xf32>
      %mul3A_1371 = arith.mulf %sub3A_1368, %sub3A_1368 : vector<16xf32>
      %add3A_1372 = arith.addf %mul3A_1370, %mul3A_1371 : vector<16xf32>
      %mul3A_1373 = arith.mulf %sub3A_1369, %sub3A_1369 : vector<16xf32>
      %add3A_1374 = arith.addf %add3A_1372, %mul3A_1373 : vector<16xf32>
      %add3A_1375 = arith.constant 2 : i32
      %add3A_1376 = vector.broadcast %add3A_1375 : i32 to vector<16xi32>
      %add3A_1377 = arith.addi %mul3A_1329, %add3A_1376 : vector<16xi32>
      %add3A_1378 = arith.constant 48 : i32
      %add3A_1379 = vector.broadcast %add3A_1378 : i32 to vector<16xi32>
      %add3A_1380 = arith.addi %add3A_1377, %add3A_1379 : vector<16xi32>
      %gather3A_1381 = tpu.vector_load_idx %arg6[%add3A_1380] : memref<240xf32, #tpu.memory_space<vmem>>[vector<16xi32>], vector<16xf32>,
      %add3A_1382 = arith.constant 112 : i32
      %add3A_1383 = vector.broadcast %add3A_1382 : i32 to vector<16xi32>
      %add3A_1384 = arith.addi %add3A_1377, %add3A_1383 : vector<16xi32>
      %gather3A_1385 = tpu.vector_load_idx %arg6[%add3A_1384] : memref<240xf32, #tpu.memory_space<vmem>>[vector<16xi32>], vector<16xf32>,
      %add3A_1386 = arith.constant 176 : i32
      %add3A_1387 = vector.broadcast %add3A_1386 : i32 to vector<16xi32>
      %add3A_1388 = arith.addi %add3A_1377, %add3A_1387 : vector<16xi32>
      %gather3A_1389 = tpu.vector_load_idx %arg6[%add3A_1388] : memref<240xf32, #tpu.memory_space<vmem>>[vector<16xi32>], vector<16xf32>,
      %sub3A_1390 = arith.subf %get3A_22, %gather3A_1381 : vector<16xf32>
      %sub3A_1391 = arith.subf %get3A_26, %gather3A_1385 : vector<16xf32>
      %sub3A_1392 = arith.subf %get3A_30, %gather3A_1389 : vector<16xf32>
      %mul3A_1393 = arith.mulf %sub3A_1390, %sub3A_1390 : vector<16xf32>
      %mul3A_1394 = arith.mulf %sub3A_1391, %sub3A_1391 : vector<16xf32>
      %add3A_1395 = arith.addf %mul3A_1393, %mul3A_1394 : vector<16xf32>
      %mul3A_1396 = arith.mulf %sub3A_1392, %sub3A_1392 : vector<16xf32>
      %add3A_1397 = arith.addf %add3A_1395, %mul3A_1396 : vector<16xf32>
      %add3A_1398 = arith.constant 3 : i32
      %add3A_1399 = vector.broadcast %add3A_1398 : i32 to vector<16xi32>
      %add3A_1400 = arith.addi %mul3A_1329, %add3A_1399 : vector<16xi32>
      %add3A_1401 = arith.constant 48 : i32
      %add3A_1402 = vector.broadcast %add3A_1401 : i32 to vector<16xi32>
      %add3A_1403 = arith.addi %add3A_1400, %add3A_1402 : vector<16xi32>
      %gather3A_1404 = tpu.vector_load_idx %arg6[%add3A_1403] : memref<240xf32, #tpu.memory_space<vmem>>[vector<16xi32>], vector<16xf32>,
      %add3A_1405 = arith.constant 112 : i32
      %add3A_1406 = vector.broadcast %add3A_1405 : i32 to vector<16xi32>
      %add3A_1407 = arith.addi %add3A_1400, %add3A_1406 : vector<16xi32>
      %gather3A_1408 = tpu.vector_load_idx %arg6[%add3A_1407] : memref<240xf32, #tpu.memory_space<vmem>>[vector<16xi32>], vector<16xf32>,
      %add3A_1409 = arith.constant 176 : i32
      %add3A_1410 = vector.broadcast %add3A_1409 : i32 to vector<16xi32>
      %add3A_1411 = arith.addi %add3A_1400, %add3A_1410 : vector<16xi32>
      %gather3A_1412 = tpu.vector_load_idx %arg6[%add3A_1411] : memref<240xf32, #tpu.memory_space<vmem>>[vector<16xi32>], vector<16xf32>,
      %sub3A_1413 = arith.subf %get3A_22, %gather3A_1404 : vector<16xf32>
      %sub3A_1414 = arith.subf %get3A_26, %gather3A_1408 : vector<16xf32>
      %sub3A_1415 = arith.subf %get3A_30, %gather3A_1412 : vector<16xf32>
      %mul3A_1416 = arith.mulf %sub3A_1413, %sub3A_1413 : vector<16xf32>
      %mul3A_1417 = arith.mulf %sub3A_1414, %sub3A_1414 : vector<16xf32>
      %add3A_1418 = arith.addf %mul3A_1416, %mul3A_1417 : vector<16xf32>
      %mul3A_1419 = arith.mulf %sub3A_1415, %sub3A_1415 : vector<16xf32>
      %add3A_1420 = arith.addf %add3A_1418, %mul3A_1419 : vector<16xf32>
      %mul3A_1421 = arith.constant 4 : i32
      %mul3A_1422 = vector.broadcast %mul3A_1421 : i32 to vector<16xi32>
      %mul3A_1423 = arith.muli %select_n3A_496, %mul3A_1422 : vector<16xi32>
      %add3A_1424 = arith.constant 0 : i32
      %add3A_1425 = vector.broadcast %add3A_1424 : i32 to vector<16xi32>
      %add3A_1426 = arith.addi %mul3A_1423, %add3A_1425 : vector<16xi32>
      %add3A_1427 = arith.constant 48 : i32
      %add3A_1428 = vector.broadcast %add3A_1427 : i32 to vector<16xi32>
      %add3A_1429 = arith.addi %add3A_1426, %add3A_1428 : vector<16xi32>
      %gather3A_1430 = tpu.vector_load_idx %arg6[%add3A_1429] : memref<240xf32, #tpu.memory_space<vmem>>[vector<16xi32>], vector<16xf32>,
      %add3A_1431 = arith.constant 112 : i32
      %add3A_1432 = vector.broadcast %add3A_1431 : i32 to vector<16xi32>
      %add3A_1433 = arith.addi %add3A_1426, %add3A_1432 : vector<16xi32>
      %gather3A_1434 = tpu.vector_load_idx %arg6[%add3A_1433] : memref<240xf32, #tpu.memory_space<vmem>>[vector<16xi32>], vector<16xf32>,
      %add3A_1435 = arith.constant 176 : i32
      %add3A_1436 = vector.broadcast %add3A_1435 : i32 to vector<16xi32>
      %add3A_1437 = arith.addi %add3A_1426, %add3A_1436 : vector<16xi32>
      %gather3A_1438 = tpu.vector_load_idx %arg6[%add3A_1437] : memref<240xf32, #tpu.memory_space<vmem>>[vector<16xi32>], vector<16xf32>,
      %sub3A_1439 = arith.subf %get3A_22, %gather3A_1430 : vector<16xf32>
      %sub3A_1440 = arith.subf %get3A_26, %gather3A_1434 : vector<16xf32>
      %sub3A_1441 = arith.subf %get3A_30, %gather3A_1438 : vector<16xf32>
      %mul3A_1442 = arith.mulf %sub3A_1439, %sub3A_1439 : vector<16xf32>
      %mul3A_1443 = arith.mulf %sub3A_1440, %sub3A_1440 : vector<16xf32>
      %add3A_1444 = arith.addf %mul3A_1442, %mul3A_1443 : vector<16xf32>
      %mul3A_1445 = arith.mulf %sub3A_1441, %sub3A_1441 : vector<16xf32>
      %add3A_1446 = arith.addf %add3A_1444, %mul3A_1445 : vector<16xf32>
      %add3A_1447 = arith.constant 1 : i32
      %add3A_1448 = vector.broadcast %add3A_1447 : i32 to vector<16xi32>
      %add3A_1449 = arith.addi %mul3A_1423, %add3A_1448 : vector<16xi32>
      %add3A_1450 = arith.constant 48 : i32
      %add3A_1451 = vector.broadcast %add3A_1450 : i32 to vector<16xi32>
      %add3A_1452 = arith.addi %add3A_1449, %add3A_1451 : vector<16xi32>
      %gather3A_1453 = tpu.vector_load_idx %arg6[%add3A_1452] : memref<240xf32, #tpu.memory_space<vmem>>[vector<16xi32>], vector<16xf32>,
      %add3A_1454 = arith.constant 112 : i32
      %add3A_1455 = vector.broadcast %add3A_1454 : i32 to vector<16xi32>
      %add3A_1456 = arith.addi %add3A_1449, %add3A_1455 : vector<16xi32>
      %gather3A_1457 = tpu.vector_load_idx %arg6[%add3A_1456] : memref<240xf32, #tpu.memory_space<vmem>>[vector<16xi32>], vector<16xf32>,
      %add3A_1458 = arith.constant 176 : i32
      %add3A_1459 = vector.broadcast %add3A_1458 : i32 to vector<16xi32>
      %add3A_1460 = arith.addi %add3A_1449, %add3A_1459 : vector<16xi32>
      %gather3A_1461 = tpu.vector_load_idx %arg6[%add3A_1460] : memref<240xf32, #tpu.memory_space<vmem>>[vector<16xi32>], vector<16xf32>,
      %sub3A_1462 = arith.subf %get3A_22, %gather3A_1453 : vector<16xf32>
      %sub3A_1463 = arith.subf %get3A_26, %gather3A_1457 : vector<16xf32>
      %sub3A_1464 = arith.subf %get3A_30, %gather3A_1461 : vector<16xf32>
      %mul3A_1465 = arith.mulf %sub3A_1462, %sub3A_1462 : vector<16xf32>
      %mul3A_1466 = arith.mulf %sub3A_1463, %sub3A_1463 : vector<16xf32>
      %add3A_1467 = arith.addf %mul3A_1465, %mul3A_1466 : vector<16xf32>
      %mul3A_1468 = arith.mulf %sub3A_1464, %sub3A_1464 : vector<16xf32>
      %add3A_1469 = arith.addf %add3A_1467, %mul3A_1468 : vector<16xf32>
      %add3A_1470 = arith.constant 2 : i32
      %add3A_1471 = vector.broadcast %add3A_1470 : i32 to vector<16xi32>
      %add3A_1472 = arith.addi %mul3A_1423, %add3A_1471 : vector<16xi32>
      %add3A_1473 = arith.constant 48 : i32
      %add3A_1474 = vector.broadcast %add3A_1473 : i32 to vector<16xi32>
      %add3A_1475 = arith.addi %add3A_1472, %add3A_1474 : vector<16xi32>
      %gather3A_1476 = tpu.vector_load_idx %arg6[%add3A_1475] : memref<240xf32, #tpu.memory_space<vmem>>[vector<16xi32>], vector<16xf32>,
      %add3A_1477 = arith.constant 112 : i32
      %add3A_1478 = vector.broadcast %add3A_1477 : i32 to vector<16xi32>
      %add3A_1479 = arith.addi %add3A_1472, %add3A_1478 : vector<16xi32>
      %gather3A_1480 = tpu.vector_load_idx %arg6[%add3A_1479] : memref<240xf32, #tpu.memory_space<vmem>>[vector<16xi32>], vector<16xf32>,
      %add3A_1481 = arith.constant 176 : i32
      %add3A_1482 = vector.broadcast %add3A_1481 : i32 to vector<16xi32>
      %add3A_1483 = arith.addi %add3A_1472, %add3A_1482 : vector<16xi32>
      %gather3A_1484 = tpu.vector_load_idx %arg6[%add3A_1483] : memref<240xf32, #tpu.memory_space<vmem>>[vector<16xi32>], vector<16xf32>,
      %sub3A_1485 = arith.subf %get3A_22, %gather3A_1476 : vector<16xf32>
      %sub3A_1486 = arith.subf %get3A_26, %gather3A_1480 : vector<16xf32>
      %sub3A_1487 = arith.subf %get3A_30, %gather3A_1484 : vector<16xf32>
      %mul3A_1488 = arith.mulf %sub3A_1485, %sub3A_1485 : vector<16xf32>
      %mul3A_1489 = arith.mulf %sub3A_1486, %sub3A_1486 : vector<16xf32>
      %add3A_1490 = arith.addf %mul3A_1488, %mul3A_1489 : vector<16xf32>
      %mul3A_1491 = arith.mulf %sub3A_1487, %sub3A_1487 : vector<16xf32>
      %add3A_1492 = arith.addf %add3A_1490, %mul3A_1491 : vector<16xf32>
      %add3A_1493 = arith.constant 3 : i32
      %add3A_1494 = vector.broadcast %add3A_1493 : i32 to vector<16xi32>
      %add3A_1495 = arith.addi %mul3A_1423, %add3A_1494 : vector<16xi32>
      %add3A_1496 = arith.constant 48 : i32
      %add3A_1497 = vector.broadcast %add3A_1496 : i32 to vector<16xi32>
      %add3A_1498 = arith.addi %add3A_1495, %add3A_1497 : vector<16xi32>
      %gather3A_1499 = tpu.vector_load_idx %arg6[%add3A_1498] : memref<240xf32, #tpu.memory_space<vmem>>[vector<16xi32>], vector<16xf32>,
      %add3A_1500 = arith.constant 112 : i32
      %add3A_1501 = vector.broadcast %add3A_1500 : i32 to vector<16xi32>
      %add3A_1502 = arith.addi %add3A_1495, %add3A_1501 : vector<16xi32>
      %gather3A_1503 = tpu.vector_load_idx %arg6[%add3A_1502] : memref<240xf32, #tpu.memory_space<vmem>>[vector<16xi32>], vector<16xf32>,
      %add3A_1504 = arith.constant 176 : i32
      %add3A_1505 = vector.broadcast %add3A_1504 : i32 to vector<16xi32>
      %add3A_1506 = arith.addi %add3A_1495, %add3A_1505 : vector<16xi32>
      %gather3A_1507 = tpu.vector_load_idx %arg6[%add3A_1506] : memref<240xf32, #tpu.memory_space<vmem>>[vector<16xi32>], vector<16xf32>,
      %sub3A_1508 = arith.subf %get3A_22, %gather3A_1499 : vector<16xf32>
      %sub3A_1509 = arith.subf %get3A_26, %gather3A_1503 : vector<16xf32>
      %sub3A_1510 = arith.subf %get3A_30, %gather3A_1507 : vector<16xf32>
      %mul3A_1511 = arith.mulf %sub3A_1508, %sub3A_1508 : vector<16xf32>
      %mul3A_1512 = arith.mulf %sub3A_1509, %sub3A_1509 : vector<16xf32>
      %add3A_1513 = arith.addf %mul3A_1511, %mul3A_1512 : vector<16xf32>
      %mul3A_1514 = arith.mulf %sub3A_1510, %sub3A_1510 : vector<16xf32>
      %add3A_1515 = arith.addf %add3A_1513, %mul3A_1514 : vector<16xf32>
      %mul3A_1516 = arith.constant 4 : i32
      %mul3A_1517 = vector.broadcast %mul3A_1516 : i32 to vector<16xi32>
      %mul3A_1518 = arith.muli %select_n3A_621, %mul3A_1517 : vector<16xi32>
      %add3A_1519 = arith.constant 0 : i32
      %add3A_1520 = vector.broadcast %add3A_1519 : i32 to vector<16xi32>
      %add3A_1521 = arith.addi %mul3A_1518, %add3A_1520 : vector<16xi32>
      %add3A_1522 = arith.constant 48 : i32
      %add3A_1523 = vector.broadcast %add3A_1522 : i32 to vector<16xi32>
      %add3A_1524 = arith.addi %add3A_1521, %add3A_1523 : vector<16xi32>
      %gather3A_1525 = tpu.vector_load_idx %arg6[%add3A_1524] : memref<240xf32, #tpu.memory_space<vmem>>[vector<16xi32>], vector<16xf32>,
      %add3A_1526 = arith.constant 112 : i32
      %add3A_1527 = vector.broadcast %add3A_1526 : i32 to vector<16xi32>
      %add3A_1528 = arith.addi %add3A_1521, %add3A_1527 : vector<16xi32>
      %gather3A_1529 = tpu.vector_load_idx %arg6[%add3A_1528] : memref<240xf32, #tpu.memory_space<vmem>>[vector<16xi32>], vector<16xf32>,
      %add3A_1530 = arith.constant 176 : i32
      %add3A_1531 = vector.broadcast %add3A_1530 : i32 to vector<16xi32>
      %add3A_1532 = arith.addi %add3A_1521, %add3A_1531 : vector<16xi32>
      %gather3A_1533 = tpu.vector_load_idx %arg6[%add3A_1532] : memref<240xf32, #tpu.memory_space<vmem>>[vector<16xi32>], vector<16xf32>,
      %sub3A_1534 = arith.subf %get3A_22, %gather3A_1525 : vector<16xf32>
      %sub3A_1535 = arith.subf %get3A_26, %gather3A_1529 : vector<16xf32>
      %sub3A_1536 = arith.subf %get3A_30, %gather3A_1533 : vector<16xf32>
      %mul3A_1537 = arith.mulf %sub3A_1534, %sub3A_1534 : vector<16xf32>
      %mul3A_1538 = arith.mulf %sub3A_1535, %sub3A_1535 : vector<16xf32>
      %add3A_1539 = arith.addf %mul3A_1537, %mul3A_1538 : vector<16xf32>
      %mul3A_1540 = arith.mulf %sub3A_1536, %sub3A_1536 : vector<16xf32>
      %add3A_1541 = arith.addf %add3A_1539, %mul3A_1540 : vector<16xf32>
      %add3A_1542 = arith.constant 1 : i32
      %add3A_1543 = vector.broadcast %add3A_1542 : i32 to vector<16xi32>
      %add3A_1544 = arith.addi %mul3A_1518, %add3A_1543 : vector<16xi32>
      %add3A_1545 = arith.constant 48 : i32
      %add3A_1546 = vector.broadcast %add3A_1545 : i32 to vector<16xi32>
      %add3A_1547 = arith.addi %add3A_1544, %add3A_1546 : vector<16xi32>
      %gather3A_1548 = tpu.vector_load_idx %arg6[%add3A_1547] : memref<240xf32, #tpu.memory_space<vmem>>[vector<16xi32>], vector<16xf32>,
      %add3A_1549 = arith.constant 112 : i32
      %add3A_1550 = vector.broadcast %add3A_1549 : i32 to vector<16xi32>
      %add3A_1551 = arith.addi %add3A_1544, %add3A_1550 : vector<16xi32>
      %gather3A_1552 = tpu.vector_load_idx %arg6[%add3A_1551] : memref<240xf32, #tpu.memory_space<vmem>>[vector<16xi32>], vector<16xf32>,
      %add3A_1553 = arith.constant 176 : i32
      %add3A_1554 = vector.broadcast %add3A_1553 : i32 to vector<16xi32>
      %add3A_1555 = arith.addi %add3A_1544, %add3A_1554 : vector<16xi32>
      %gather3A_1556 = tpu.vector_load_idx %arg6[%add3A_1555] : memref<240xf32, #tpu.memory_space<vmem>>[vector<16xi32>], vector<16xf32>,
      %sub3A_1557 = arith.subf %get3A_22, %gather3A_1548 : vector<16xf32>
      %sub3A_1558 = arith.subf %get3A_26, %gather3A_1552 : vector<16xf32>
      %sub3A_1559 = arith.subf %get3A_30, %gather3A_1556 : vector<16xf32>
      %mul3A_1560 = arith.mulf %sub3A_1557, %sub3A_1557 : vector<16xf32>
      %mul3A_1561 = arith.mulf %sub3A_1558, %sub3A_1558 : vector<16xf32>
      %add3A_1562 = arith.addf %mul3A_1560, %mul3A_1561 : vector<16xf32>
      %mul3A_1563 = arith.mulf %sub3A_1559, %sub3A_1559 : vector<16xf32>
      %add3A_1564 = arith.addf %add3A_1562, %mul3A_1563 : vector<16xf32>
      %add3A_1565 = arith.constant 2 : i32
      %add3A_1566 = vector.broadcast %add3A_1565 : i32 to vector<16xi32>
      %add3A_1567 = arith.addi %mul3A_1518, %add3A_1566 : vector<16xi32>
      %add3A_1568 = arith.constant 48 : i32
      %add3A_1569 = vector.broadcast %add3A_1568 : i32 to vector<16xi32>
      %add3A_1570 = arith.addi %add3A_1567, %add3A_1569 : vector<16xi32>
      %gather3A_1571 = tpu.vector_load_idx %arg6[%add3A_1570] : memref<240xf32, #tpu.memory_space<vmem>>[vector<16xi32>], vector<16xf32>,
      %add3A_1572 = arith.constant 112 : i32
      %add3A_1573 = vector.broadcast %add3A_1572 : i32 to vector<16xi32>
      %add3A_1574 = arith.addi %add3A_1567, %add3A_1573 : vector<16xi32>
      %gather3A_1575 = tpu.vector_load_idx %arg6[%add3A_1574] : memref<240xf32, #tpu.memory_space<vmem>>[vector<16xi32>], vector<16xf32>,
      %add3A_1576 = arith.constant 176 : i32
      %add3A_1577 = vector.broadcast %add3A_1576 : i32 to vector<16xi32>
      %add3A_1578 = arith.addi %add3A_1567, %add3A_1577 : vector<16xi32>
      %gather3A_1579 = tpu.vector_load_idx %arg6[%add3A_1578] : memref<240xf32, #tpu.memory_space<vmem>>[vector<16xi32>], vector<16xf32>,
      %sub3A_1580 = arith.subf %get3A_22, %gather3A_1571 : vector<16xf32>
      %sub3A_1581 = arith.subf %get3A_26, %gather3A_1575 : vector<16xf32>
      %sub3A_1582 = arith.subf %get3A_30, %gather3A_1579 : vector<16xf32>
      %mul3A_1583 = arith.mulf %sub3A_1580, %sub3A_1580 : vector<16xf32>
      %mul3A_1584 = arith.mulf %sub3A_1581, %sub3A_1581 : vector<16xf32>
      %add3A_1585 = arith.addf %mul3A_1583, %mul3A_1584 : vector<16xf32>
      %mul3A_1586 = arith.mulf %sub3A_1582, %sub3A_1582 : vector<16xf32>
      %add3A_1587 = arith.addf %add3A_1585, %mul3A_1586 : vector<16xf32>
      %add3A_1588 = arith.constant 3 : i32
      %add3A_1589 = vector.broadcast %add3A_1588 : i32 to vector<16xi32>
      %add3A_1590 = arith.addi %mul3A_1518, %add3A_1589 : vector<16xi32>
      %add3A_1591 = arith.constant 48 : i32
      %add3A_1592 = vector.broadcast %add3A_1591 : i32 to vector<16xi32>
      %add3A_1593 = arith.addi %add3A_1590, %add3A_1592 : vector<16xi32>
      %gather3A_1594 = tpu.vector_load_idx %arg6[%add3A_1593] : memref<240xf32, #tpu.memory_space<vmem>>[vector<16xi32>], vector<16xf32>,
      %add3A_1595 = arith.constant 112 : i32
      %add3A_1596 = vector.broadcast %add3A_1595 : i32 to vector<16xi32>
      %add3A_1597 = arith.addi %add3A_1590, %add3A_1596 : vector<16xi32>
      %gather3A_1598 = tpu.vector_load_idx %arg6[%add3A_1597] : memref<240xf32, #tpu.memory_space<vmem>>[vector<16xi32>], vector<16xf32>,
      %add3A_1599 = arith.constant 176 : i32
      %add3A_1600 = vector.broadcast %add3A_1599 : i32 to vector<16xi32>
      %add3A_1601 = arith.addi %add3A_1590, %add3A_1600 : vector<16xi32>
      %gather3A_1602 = tpu.vector_load_idx %arg6[%add3A_1601] : memref<240xf32, #tpu.memory_space<vmem>>[vector<16xi32>], vector<16xf32>,
      %sub3A_1603 = arith.subf %get3A_22, %gather3A_1594 : vector<16xf32>
      %sub3A_1604 = arith.subf %get3A_26, %gather3A_1598 : vector<16xf32>
      %sub3A_1605 = arith.subf %get3A_30, %gather3A_1602 : vector<16xf32>
      %mul3A_1606 = arith.mulf %sub3A_1603, %sub3A_1603 : vector<16xf32>
      %mul3A_1607 = arith.mulf %sub3A_1604, %sub3A_1604 : vector<16xf32>
      %add3A_1608 = arith.addf %mul3A_1606, %mul3A_1607 : vector<16xf32>
      %mul3A_1609 = arith.mulf %sub3A_1605, %sub3A_1605 : vector<16xf32>
      %add3A_1610 = arith.addf %add3A_1608, %mul3A_1609 : vector<16xf32>
      %mul3A_1611 = arith.constant 4 : i32
      %mul3A_1612 = vector.broadcast %mul3A_1611 : i32 to vector<16xi32>
      %mul3A_1613 = arith.muli %select_n3A_746, %mul3A_1612 : vector<16xi32>
      %add3A_1614 = arith.constant 0 : i32
      %add3A_1615 = vector.broadcast %add3A_1614 : i32 to vector<16xi32>
      %add3A_1616 = arith.addi %mul3A_1613, %add3A_1615 : vector<16xi32>
      %add3A_1617 = arith.constant 48 : i32
      %add3A_1618 = vector.broadcast %add3A_1617 : i32 to vector<16xi32>
      %add3A_1619 = arith.addi %add3A_1616, %add3A_1618 : vector<16xi32>
      %gather3A_1620 = tpu.vector_load_idx %arg6[%add3A_1619] : memref<240xf32, #tpu.memory_space<vmem>>[vector<16xi32>], vector<16xf32>,
      %add3A_1621 = arith.constant 112 : i32
      %add3A_1622 = vector.broadcast %add3A_1621 : i32 to vector<16xi32>
      %add3A_1623 = arith.addi %add3A_1616, %add3A_1622 : vector<16xi32>
      %gather3A_1624 = tpu.vector_load_idx %arg6[%add3A_1623] : memref<240xf32, #tpu.memory_space<vmem>>[vector<16xi32>], vector<16xf32>,
      %add3A_1625 = arith.constant 176 : i32
      %add3A_1626 = vector.broadcast %add3A_1625 : i32 to vector<16xi32>
      %add3A_1627 = arith.addi %add3A_1616, %add3A_1626 : vector<16xi32>
      %gather3A_1628 = tpu.vector_load_idx %arg6[%add3A_1627] : memref<240xf32, #tpu.memory_space<vmem>>[vector<16xi32>], vector<16xf32>,
      %sub3A_1629 = arith.subf %get3A_22, %gather3A_1620 : vector<16xf32>
      %sub3A_1630 = arith.subf %get3A_26, %gather3A_1624 : vector<16xf32>
      %sub3A_1631 = arith.subf %get3A_30, %gather3A_1628 : vector<16xf32>
      %mul3A_1632 = arith.mulf %sub3A_1629, %sub3A_1629 : vector<16xf32>
      %mul3A_1633 = arith.mulf %sub3A_1630, %sub3A_1630 : vector<16xf32>
      %add3A_1634 = arith.addf %mul3A_1632, %mul3A_1633 : vector<16xf32>
      %mul3A_1635 = arith.mulf %sub3A_1631, %sub3A_1631 : vector<16xf32>
      %add3A_1636 = arith.addf %add3A_1634, %mul3A_1635 : vector<16xf32>
      %add3A_1637 = arith.constant 1 : i32
      %add3A_1638 = vector.broadcast %add3A_1637 : i32 to vector<16xi32>
      %add3A_1639 = arith.addi %mul3A_1613, %add3A_1638 : vector<16xi32>
      %add3A_1640 = arith.constant 48 : i32
      %add3A_1641 = vector.broadcast %add3A_1640 : i32 to vector<16xi32>
      %add3A_1642 = arith.addi %add3A_1639, %add3A_1641 : vector<16xi32>
      %gather3A_1643 = tpu.vector_load_idx %arg6[%add3A_1642] : memref<240xf32, #tpu.memory_space<vmem>>[vector<16xi32>], vector<16xf32>,
      %add3A_1644 = arith.constant 112 : i32
      %add3A_1645 = vector.broadcast %add3A_1644 : i32 to vector<16xi32>
      %add3A_1646 = arith.addi %add3A_1639, %add3A_1645 : vector<16xi32>
      %gather3A_1647 = tpu.vector_load_idx %arg6[%add3A_1646] : memref<240xf32, #tpu.memory_space<vmem>>[vector<16xi32>], vector<16xf32>,
      %add3A_1648 = arith.constant 176 : i32
      %add3A_1649 = vector.broadcast %add3A_1648 : i32 to vector<16xi32>
      %add3A_1650 = arith.addi %add3A_1639, %add3A_1649 : vector<16xi32>
      %gather3A_1651 = tpu.vector_load_idx %arg6[%add3A_1650] : memref<240xf32, #tpu.memory_space<vmem>>[vector<16xi32>], vector<16xf32>,
      %sub3A_1652 = arith.subf %get3A_22, %gather3A_1643 : vector<16xf32>
      %sub3A_1653 = arith.subf %get3A_26, %gather3A_1647 : vector<16xf32>
      %sub3A_1654 = arith.subf %get3A_30, %gather3A_1651 : vector<16xf32>
      %mul3A_1655 = arith.mulf %sub3A_1652, %sub3A_1652 : vector<16xf32>
      %mul3A_1656 = arith.mulf %sub3A_1653, %sub3A_1653 : vector<16xf32>
      %add3A_1657 = arith.addf %mul3A_1655, %mul3A_1656 : vector<16xf32>
      %mul3A_1658 = arith.mulf %sub3A_1654, %sub3A_1654 : vector<16xf32>
      %add3A_1659 = arith.addf %add3A_1657, %mul3A_1658 : vector<16xf32>
      %add3A_1660 = arith.constant 2 : i32
      %add3A_1661 = vector.broadcast %add3A_1660 : i32 to vector<16xi32>
      %add3A_1662 = arith.addi %mul3A_1613, %add3A_1661 : vector<16xi32>
      %add3A_1663 = arith.constant 48 : i32
      %add3A_1664 = vector.broadcast %add3A_1663 : i32 to vector<16xi32>
      %add3A_1665 = arith.addi %add3A_1662, %add3A_1664 : vector<16xi32>
      %gather3A_1666 = tpu.vector_load_idx %arg6[%add3A_1665] : memref<240xf32, #tpu.memory_space<vmem>>[vector<16xi32>], vector<16xf32>,
      %add3A_1667 = arith.constant 112 : i32
      %add3A_1668 = vector.broadcast %add3A_1667 : i32 to vector<16xi32>
      %add3A_1669 = arith.addi %add3A_1662, %add3A_1668 : vector<16xi32>
      %gather3A_1670 = tpu.vector_load_idx %arg6[%add3A_1669] : memref<240xf32, #tpu.memory_space<vmem>>[vector<16xi32>], vector<16xf32>,
      %add3A_1671 = arith.constant 176 : i32
      %add3A_1672 = vector.broadcast %add3A_1671 : i32 to vector<16xi32>
      %add3A_1673 = arith.addi %add3A_1662, %add3A_1672 : vector<16xi32>
      %gather3A_1674 = tpu.vector_load_idx %arg6[%add3A_1673] : memref<240xf32, #tpu.memory_space<vmem>>[vector<16xi32>], vector<16xf32>,
      %sub3A_1675 = arith.subf %get3A_22, %gather3A_1666 : vector<16xf32>
      %sub3A_1676 = arith.subf %get3A_26, %gather3A_1670 : vector<16xf32>
      %sub3A_1677 = arith.subf %get3A_30, %gather3A_1674 : vector<16xf32>
      %mul3A_1678 = arith.mulf %sub3A_1675, %sub3A_1675 : vector<16xf32>
      %mul3A_1679 = arith.mulf %sub3A_1676, %sub3A_1676 : vector<16xf32>
      %add3A_1680 = arith.addf %mul3A_1678, %mul3A_1679 : vector<16xf32>
      %mul3A_1681 = arith.mulf %sub3A_1677, %sub3A_1677 : vector<16xf32>
      %add3A_1682 = arith.addf %add3A_1680, %mul3A_1681 : vector<16xf32>
      %add3A_1683 = arith.constant 3 : i32
      %add3A_1684 = vector.broadcast %add3A_1683 : i32 to vector<16xi32>
      %add3A_1685 = arith.addi %mul3A_1613, %add3A_1684 : vector<16xi32>
      %add3A_1686 = arith.constant 48 : i32
      %add3A_1687 = vector.broadcast %add3A_1686 : i32 to vector<16xi32>
      %add3A_1688 = arith.addi %add3A_1685, %add3A_1687 : vector<16xi32>
      %gather3A_1689 = tpu.vector_load_idx %arg6[%add3A_1688] : memref<240xf32, #tpu.memory_space<vmem>>[vector<16xi32>], vector<16xf32>,
      %add3A_1690 = arith.constant 112 : i32
      %add3A_1691 = vector.broadcast %add3A_1690 : i32 to vector<16xi32>
      %add3A_1692 = arith.addi %add3A_1685, %add3A_1691 : vector<16xi32>
      %gather3A_1693 = tpu.vector_load_idx %arg6[%add3A_1692] : memref<240xf32, #tpu.memory_space<vmem>>[vector<16xi32>], vector<16xf32>,
      %add3A_1694 = arith.constant 176 : i32
      %add3A_1695 = vector.broadcast %add3A_1694 : i32 to vector<16xi32>
      %add3A_1696 = arith.addi %add3A_1685, %add3A_1695 : vector<16xi32>
      %gather3A_1697 = tpu.vector_load_idx %arg6[%add3A_1696] : memref<240xf32, #tpu.memory_space<vmem>>[vector<16xi32>], vector<16xf32>,
      %sub3A_1698 = arith.subf %get3A_22, %gather3A_1689 : vector<16xf32>
      %sub3A_1699 = arith.subf %get3A_26, %gather3A_1693 : vector<16xf32>
      %sub3A_1700 = arith.subf %get3A_30, %gather3A_1697 : vector<16xf32>
      %mul3A_1701 = arith.mulf %sub3A_1698, %sub3A_1698 : vector<16xf32>
      %mul3A_1702 = arith.mulf %sub3A_1699, %sub3A_1699 : vector<16xf32>
      %add3A_1703 = arith.addf %mul3A_1701, %mul3A_1702 : vector<16xf32>
      %mul3A_1704 = arith.mulf %sub3A_1700, %sub3A_1700 : vector<16xf32>
      %add3A_1705 = arith.addf %add3A_1703, %mul3A_1704 : vector<16xf32>
      %mul3A_1706 = arith.constant 4 : i32
      %mul3A_1707 = vector.broadcast %mul3A_1706 : i32 to vector<16xi32>
      %mul3A_1708 = arith.muli %select_n3A_871, %mul3A_1707 : vector<16xi32>
      %add3A_1709 = arith.constant 0 : i32
      %add3A_1710 = vector.broadcast %add3A_1709 : i32 to vector<16xi32>
      %add3A_1711 = arith.addi %mul3A_1708, %add3A_1710 : vector<16xi32>
      %add3A_1712 = arith.constant 48 : i32
      %add3A_1713 = vector.broadcast %add3A_1712 : i32 to vector<16xi32>
      %add3A_1714 = arith.addi %add3A_1711, %add3A_1713 : vector<16xi32>
      %gather3A_1715 = tpu.vector_load_idx %arg6[%add3A_1714] : memref<240xf32, #tpu.memory_space<vmem>>[vector<16xi32>], vector<16xf32>,
      %add3A_1716 = arith.constant 112 : i32
      %add3A_1717 = vector.broadcast %add3A_1716 : i32 to vector<16xi32>
      %add3A_1718 = arith.addi %add3A_1711, %add3A_1717 : vector<16xi32>
      %gather3A_1719 = tpu.vector_load_idx %arg6[%add3A_1718] : memref<240xf32, #tpu.memory_space<vmem>>[vector<16xi32>], vector<16xf32>,
      %add3A_1720 = arith.constant 176 : i32
      %add3A_1721 = vector.broadcast %add3A_1720 : i32 to vector<16xi32>
      %add3A_1722 = arith.addi %add3A_1711, %add3A_1721 : vector<16xi32>
      %gather3A_1723 = tpu.vector_load_idx %arg6[%add3A_1722] : memref<240xf32, #tpu.memory_space<vmem>>[vector<16xi32>], vector<16xf32>,
      %sub3A_1724 = arith.subf %get3A_22, %gather3A_1715 : vector<16xf32>
      %sub3A_1725 = arith.subf %get3A_26, %gather3A_1719 : vector<16xf32>
      %sub3A_1726 = arith.subf %get3A_30, %gather3A_1723 : vector<16xf32>
      %mul3A_1727 = arith.mulf %sub3A_1724, %sub3A_1724 : vector<16xf32>
      %mul3A_1728 = arith.mulf %sub3A_1725, %sub3A_1725 : vector<16xf32>
      %add3A_1729 = arith.addf %mul3A_1727, %mul3A_1728 : vector<16xf32>
      %mul3A_1730 = arith.mulf %sub3A_1726, %sub3A_1726 : vector<16xf32>
      %add3A_1731 = arith.addf %add3A_1729, %mul3A_1730 : vector<16xf32>
      %add3A_1732 = arith.constant 1 : i32
      %add3A_1733 = vector.broadcast %add3A_1732 : i32 to vector<16xi32>
      %add3A_1734 = arith.addi %mul3A_1708, %add3A_1733 : vector<16xi32>
      %add3A_1735 = arith.constant 48 : i32
      %add3A_1736 = vector.broadcast %add3A_1735 : i32 to vector<16xi32>
      %add3A_1737 = arith.addi %add3A_1734, %add3A_1736 : vector<16xi32>
      %gather3A_1738 = tpu.vector_load_idx %arg6[%add3A_1737] : memref<240xf32, #tpu.memory_space<vmem>>[vector<16xi32>], vector<16xf32>,
      %add3A_1739 = arith.constant 112 : i32
      %add3A_1740 = vector.broadcast %add3A_1739 : i32 to vector<16xi32>
      %add3A_1741 = arith.addi %add3A_1734, %add3A_1740 : vector<16xi32>
      %gather3A_1742 = tpu.vector_load_idx %arg6[%add3A_1741] : memref<240xf32, #tpu.memory_space<vmem>>[vector<16xi32>], vector<16xf32>,
      %add3A_1743 = arith.constant 176 : i32
      %add3A_1744 = vector.broadcast %add3A_1743 : i32 to vector<16xi32>
      %add3A_1745 = arith.addi %add3A_1734, %add3A_1744 : vector<16xi32>
      %gather3A_1746 = tpu.vector_load_idx %arg6[%add3A_1745] : memref<240xf32, #tpu.memory_space<vmem>>[vector<16xi32>], vector<16xf32>,
      %sub3A_1747 = arith.subf %get3A_22, %gather3A_1738 : vector<16xf32>
      %sub3A_1748 = arith.subf %get3A_26, %gather3A_1742 : vector<16xf32>
      %sub3A_1749 = arith.subf %get3A_30, %gather3A_1746 : vector<16xf32>
      %mul3A_1750 = arith.mulf %sub3A_1747, %sub3A_1747 : vector<16xf32>
      %mul3A_1751 = arith.mulf %sub3A_1748, %sub3A_1748 : vector<16xf32>
      %add3A_1752 = arith.addf %mul3A_1750, %mul3A_1751 : vector<16xf32>
      %mul3A_1753 = arith.mulf %sub3A_1749, %sub3A_1749 : vector<16xf32>
      %add3A_1754 = arith.addf %add3A_1752, %mul3A_1753 : vector<16xf32>
      %add3A_1755 = arith.constant 2 : i32
      %add3A_1756 = vector.broadcast %add3A_1755 : i32 to vector<16xi32>
      %add3A_1757 = arith.addi %mul3A_1708, %add3A_1756 : vector<16xi32>
      %add3A_1758 = arith.constant 48 : i32
      %add3A_1759 = vector.broadcast %add3A_1758 : i32 to vector<16xi32>
      %add3A_1760 = arith.addi %add3A_1757, %add3A_1759 : vector<16xi32>
      %gather3A_1761 = tpu.vector_load_idx %arg6[%add3A_1760] : memref<240xf32, #tpu.memory_space<vmem>>[vector<16xi32>], vector<16xf32>,
      %add3A_1762 = arith.constant 112 : i32
      %add3A_1763 = vector.broadcast %add3A_1762 : i32 to vector<16xi32>
      %add3A_1764 = arith.addi %add3A_1757, %add3A_1763 : vector<16xi32>
      %gather3A_1765 = tpu.vector_load_idx %arg6[%add3A_1764] : memref<240xf32, #tpu.memory_space<vmem>>[vector<16xi32>], vector<16xf32>,
      %add3A_1766 = arith.constant 176 : i32
      %add3A_1767 = vector.broadcast %add3A_1766 : i32 to vector<16xi32>
      %add3A_1768 = arith.addi %add3A_1757, %add3A_1767 : vector<16xi32>
      %gather3A_1769 = tpu.vector_load_idx %arg6[%add3A_1768] : memref<240xf32, #tpu.memory_space<vmem>>[vector<16xi32>], vector<16xf32>,
      %sub3A_1770 = arith.subf %get3A_22, %gather3A_1761 : vector<16xf32>
      %sub3A_1771 = arith.subf %get3A_26, %gather3A_1765 : vector<16xf32>
      %sub3A_1772 = arith.subf %get3A_30, %gather3A_1769 : vector<16xf32>
      %mul3A_1773 = arith.mulf %sub3A_1770, %sub3A_1770 : vector<16xf32>
      %mul3A_1774 = arith.mulf %sub3A_1771, %sub3A_1771 : vector<16xf32>
      %add3A_1775 = arith.addf %mul3A_1773, %mul3A_1774 : vector<16xf32>
      %mul3A_1776 = arith.mulf %sub3A_1772, %sub3A_1772 : vector<16xf32>
      %add3A_1777 = arith.addf %add3A_1775, %mul3A_1776 : vector<16xf32>
      %add3A_1778 = arith.constant 3 : i32
      %add3A_1779 = vector.broadcast %add3A_1778 : i32 to vector<16xi32>
      %add3A_1780 = arith.addi %mul3A_1708, %add3A_1779 : vector<16xi32>
      %add3A_1781 = arith.constant 48 : i32
      %add3A_1782 = vector.broadcast %add3A_1781 : i32 to vector<16xi32>
      %add3A_1783 = arith.addi %add3A_1780, %add3A_1782 : vector<16xi32>
      %gather3A_1784 = tpu.vector_load_idx %arg6[%add3A_1783] : memref<240xf32, #tpu.memory_space<vmem>>[vector<16xi32>], vector<16xf32>,
      %add3A_1785 = arith.constant 112 : i32
      %add3A_1786 = vector.broadcast %add3A_1785 : i32 to vector<16xi32>
      %add3A_1787 = arith.addi %add3A_1780, %add3A_1786 : vector<16xi32>
      %gather3A_1788 = tpu.vector_load_idx %arg6[%add3A_1787] : memref<240xf32, #tpu.memory_space<vmem>>[vector<16xi32>], vector<16xf32>,
      %add3A_1789 = arith.constant 176 : i32
      %add3A_1790 = vector.broadcast %add3A_1789 : i32 to vector<16xi32>
      %add3A_1791 = arith.addi %add3A_1780, %add3A_1790 : vector<16xi32>
      %gather3A_1792 = tpu.vector_load_idx %arg6[%add3A_1791] : memref<240xf32, #tpu.memory_space<vmem>>[vector<16xi32>], vector<16xf32>,
      %sub3A_1793 = arith.subf %get3A_22, %gather3A_1784 : vector<16xf32>
      %sub3A_1794 = arith.subf %get3A_26, %gather3A_1788 : vector<16xf32>
      %sub3A_1795 = arith.subf %get3A_30, %gather3A_1792 : vector<16xf32>
      %mul3A_1796 = arith.mulf %sub3A_1793, %sub3A_1793 : vector<16xf32>
      %mul3A_1797 = arith.mulf %sub3A_1794, %sub3A_1794 : vector<16xf32>
      %add3A_1798 = arith.addf %mul3A_1796, %mul3A_1797 : vector<16xf32>
      %mul3A_1799 = arith.mulf %sub3A_1795, %sub3A_1795 : vector<16xf32>
      %add3A_1800 = arith.addf %add3A_1798, %mul3A_1799 : vector<16xf32>
      %mul3A_1801 = arith.constant 4 : i32
      %mul3A_1802 = vector.broadcast %mul3A_1801 : i32 to vector<16xi32>
      %mul3A_1803 = arith.muli %select_n3A_996, %mul3A_1802 : vector<16xi32>
      %add3A_1804 = arith.constant 0 : i32
      %add3A_1805 = vector.broadcast %add3A_1804 : i32 to vector<16xi32>
      %add3A_1806 = arith.addi %mul3A_1803, %add3A_1805 : vector<16xi32>
      %add3A_1807 = arith.constant 48 : i32
      %add3A_1808 = vector.broadcast %add3A_1807 : i32 to vector<16xi32>
      %add3A_1809 = arith.addi %add3A_1806, %add3A_1808 : vector<16xi32>
      %gather3A_1810 = tpu.vector_load_idx %arg6[%add3A_1809] : memref<240xf32, #tpu.memory_space<vmem>>[vector<16xi32>], vector<16xf32>,
      %add3A_1811 = arith.constant 112 : i32
      %add3A_1812 = vector.broadcast %add3A_1811 : i32 to vector<16xi32>
      %add3A_1813 = arith.addi %add3A_1806, %add3A_1812 : vector<16xi32>
      %gather3A_1814 = tpu.vector_load_idx %arg6[%add3A_1813] : memref<240xf32, #tpu.memory_space<vmem>>[vector<16xi32>], vector<16xf32>,
      %add3A_1815 = arith.constant 176 : i32
      %add3A_1816 = vector.broadcast %add3A_1815 : i32 to vector<16xi32>
      %add3A_1817 = arith.addi %add3A_1806, %add3A_1816 : vector<16xi32>
      %gather3A_1818 = tpu.vector_load_idx %arg6[%add3A_1817] : memref<240xf32, #tpu.memory_space<vmem>>[vector<16xi32>], vector<16xf32>,
      %sub3A_1819 = arith.subf %get3A_22, %gather3A_1810 : vector<16xf32>
      %sub3A_1820 = arith.subf %get3A_26, %gather3A_1814 : vector<16xf32>
      %sub3A_1821 = arith.subf %get3A_30, %gather3A_1818 : vector<16xf32>
      %mul3A_1822 = arith.mulf %sub3A_1819, %sub3A_1819 : vector<16xf32>
      %mul3A_1823 = arith.mulf %sub3A_1820, %sub3A_1820 : vector<16xf32>
      %add3A_1824 = arith.addf %mul3A_1822, %mul3A_1823 : vector<16xf32>
      %mul3A_1825 = arith.mulf %sub3A_1821, %sub3A_1821 : vector<16xf32>
      %add3A_1826 = arith.addf %add3A_1824, %mul3A_1825 : vector<16xf32>
      %add3A_1827 = arith.constant 1 : i32
      %add3A_1828 = vector.broadcast %add3A_1827 : i32 to vector<16xi32>
      %add3A_1829 = arith.addi %mul3A_1803, %add3A_1828 : vector<16xi32>
      %add3A_1830 = arith.constant 48 : i32
      %add3A_1831 = vector.broadcast %add3A_1830 : i32 to vector<16xi32>
      %add3A_1832 = arith.addi %add3A_1829, %add3A_1831 : vector<16xi32>
      %gather3A_1833 = tpu.vector_load_idx %arg6[%add3A_1832] : memref<240xf32, #tpu.memory_space<vmem>>[vector<16xi32>], vector<16xf32>,
      %add3A_1834 = arith.constant 112 : i32
      %add3A_1835 = vector.broadcast %add3A_1834 : i32 to vector<16xi32>
      %add3A_1836 = arith.addi %add3A_1829, %add3A_1835 : vector<16xi32>
      %gather3A_1837 = tpu.vector_load_idx %arg6[%add3A_1836] : memref<240xf32, #tpu.memory_space<vmem>>[vector<16xi32>], vector<16xf32>,
      %add3A_1838 = arith.constant 176 : i32
      %add3A_1839 = vector.broadcast %add3A_1838 : i32 to vector<16xi32>
      %add3A_1840 = arith.addi %add3A_1829, %add3A_1839 : vector<16xi32>
      %gather3A_1841 = tpu.vector_load_idx %arg6[%add3A_1840] : memref<240xf32, #tpu.memory_space<vmem>>[vector<16xi32>], vector<16xf32>,
      %sub3A_1842 = arith.subf %get3A_22, %gather3A_1833 : vector<16xf32>
      %sub3A_1843 = arith.subf %get3A_26, %gather3A_1837 : vector<16xf32>
      %sub3A_1844 = arith.subf %get3A_30, %gather3A_1841 : vector<16xf32>
      %mul3A_1845 = arith.mulf %sub3A_1842, %sub3A_1842 : vector<16xf32>
      %mul3A_1846 = arith.mulf %sub3A_1843, %sub3A_1843 : vector<16xf32>
      %add3A_1847 = arith.addf %mul3A_1845, %mul3A_1846 : vector<16xf32>
      %mul3A_1848 = arith.mulf %sub3A_1844, %sub3A_1844 : vector<16xf32>
      %add3A_1849 = arith.addf %add3A_1847, %mul3A_1848 : vector<16xf32>
      %add3A_1850 = arith.constant 2 : i32
      %add3A_1851 = vector.broadcast %add3A_1850 : i32 to vector<16xi32>
      %add3A_1852 = arith.addi %mul3A_1803, %add3A_1851 : vector<16xi32>
      %add3A_1853 = arith.constant 48 : i32
      %add3A_1854 = vector.broadcast %add3A_1853 : i32 to vector<16xi32>
      %add3A_1855 = arith.addi %add3A_1852, %add3A_1854 : vector<16xi32>
      %gather3A_1856 = tpu.vector_load_idx %arg6[%add3A_1855] : memref<240xf32, #tpu.memory_space<vmem>>[vector<16xi32>], vector<16xf32>,
      %add3A_1857 = arith.constant 112 : i32
      %add3A_1858 = vector.broadcast %add3A_1857 : i32 to vector<16xi32>
      %add3A_1859 = arith.addi %add3A_1852, %add3A_1858 : vector<16xi32>
      %gather3A_1860 = tpu.vector_load_idx %arg6[%add3A_1859] : memref<240xf32, #tpu.memory_space<vmem>>[vector<16xi32>], vector<16xf32>,
      %add3A_1861 = arith.constant 176 : i32
      %add3A_1862 = vector.broadcast %add3A_1861 : i32 to vector<16xi32>
      %add3A_1863 = arith.addi %add3A_1852, %add3A_1862 : vector<16xi32>
      %gather3A_1864 = tpu.vector_load_idx %arg6[%add3A_1863] : memref<240xf32, #tpu.memory_space<vmem>>[vector<16xi32>], vector<16xf32>,
      %sub3A_1865 = arith.subf %get3A_22, %gather3A_1856 : vector<16xf32>
      %sub3A_1866 = arith.subf %get3A_26, %gather3A_1860 : vector<16xf32>
      %sub3A_1867 = arith.subf %get3A_30, %gather3A_1864 : vector<16xf32>
      %mul3A_1868 = arith.mulf %sub3A_1865, %sub3A_1865 : vector<16xf32>
      %mul3A_1869 = arith.mulf %sub3A_1866, %sub3A_1866 : vector<16xf32>
      %add3A_1870 = arith.addf %mul3A_1868, %mul3A_1869 : vector<16xf32>
      %mul3A_1871 = arith.mulf %sub3A_1867, %sub3A_1867 : vector<16xf32>
      %add3A_1872 = arith.addf %add3A_1870, %mul3A_1871 : vector<16xf32>
      %add3A_1873 = arith.constant 3 : i32
      %add3A_1874 = vector.broadcast %add3A_1873 : i32 to vector<16xi32>
      %add3A_1875 = arith.addi %mul3A_1803, %add3A_1874 : vector<16xi32>
      %add3A_1876 = arith.constant 48 : i32
      %add3A_1877 = vector.broadcast %add3A_1876 : i32 to vector<16xi32>
      %add3A_1878 = arith.addi %add3A_1875, %add3A_1877 : vector<16xi32>
      %gather3A_1879 = tpu.vector_load_idx %arg6[%add3A_1878] : memref<240xf32, #tpu.memory_space<vmem>>[vector<16xi32>], vector<16xf32>,
      %add3A_1880 = arith.constant 112 : i32
      %add3A_1881 = vector.broadcast %add3A_1880 : i32 to vector<16xi32>
      %add3A_1882 = arith.addi %add3A_1875, %add3A_1881 : vector<16xi32>
      %gather3A_1883 = tpu.vector_load_idx %arg6[%add3A_1882] : memref<240xf32, #tpu.memory_space<vmem>>[vector<16xi32>], vector<16xf32>,
      %add3A_1884 = arith.constant 176 : i32
      %add3A_1885 = vector.broadcast %add3A_1884 : i32 to vector<16xi32>
      %add3A_1886 = arith.addi %add3A_1875, %add3A_1885 : vector<16xi32>
      %gather3A_1887 = tpu.vector_load_idx %arg6[%add3A_1886] : memref<240xf32, #tpu.memory_space<vmem>>[vector<16xi32>], vector<16xf32>,
      %sub3A_1888 = arith.subf %get3A_22, %gather3A_1879 : vector<16xf32>
      %sub3A_1889 = arith.subf %get3A_26, %gather3A_1883 : vector<16xf32>
      %sub3A_1890 = arith.subf %get3A_30, %gather3A_1887 : vector<16xf32>
      %mul3A_1891 = arith.mulf %sub3A_1888, %sub3A_1888 : vector<16xf32>
      %mul3A_1892 = arith.mulf %sub3A_1889, %sub3A_1889 : vector<16xf32>
      %add3A_1893 = arith.addf %mul3A_1891, %mul3A_1892 : vector<16xf32>
      %mul3A_1894 = arith.mulf %sub3A_1890, %sub3A_1890 : vector<16xf32>
      %add3A_1895 = arith.addf %add3A_1893, %mul3A_1894 : vector<16xf32>
      %mul3A_1896 = arith.constant 4 : i32
      %mul3A_1897 = vector.broadcast %mul3A_1896 : i32 to vector<16xi32>
      %mul3A_1898 = arith.muli %select_n3A_1121, %mul3A_1897 : vector<16xi32>
      %add3A_1899 = arith.constant 0 : i32
      %add3A_1900 = vector.broadcast %add3A_1899 : i32 to vector<16xi32>
      %add3A_1901 = arith.addi %mul3A_1898, %add3A_1900 : vector<16xi32>
      %add3A_1902 = arith.constant 48 : i32
      %add3A_1903 = vector.broadcast %add3A_1902 : i32 to vector<16xi32>
      %add3A_1904 = arith.addi %add3A_1901, %add3A_1903 : vector<16xi32>
      %gather3A_1905 = tpu.vector_load_idx %arg6[%add3A_1904] : memref<240xf32, #tpu.memory_space<vmem>>[vector<16xi32>], vector<16xf32>,
      %add3A_1906 = arith.constant 112 : i32
      %add3A_1907 = vector.broadcast %add3A_1906 : i32 to vector<16xi32>
      %add3A_1908 = arith.addi %add3A_1901, %add3A_1907 : vector<16xi32>
      %gather3A_1909 = tpu.vector_load_idx %arg6[%add3A_1908] : memref<240xf32, #tpu.memory_space<vmem>>[vector<16xi32>], vector<16xf32>,
      %add3A_1910 = arith.constant 176 : i32
      %add3A_1911 = vector.broadcast %add3A_1910 : i32 to vector<16xi32>
      %add3A_1912 = arith.addi %add3A_1901, %add3A_1911 : vector<16xi32>
      %gather3A_1913 = tpu.vector_load_idx %arg6[%add3A_1912] : memref<240xf32, #tpu.memory_space<vmem>>[vector<16xi32>], vector<16xf32>,
      %sub3A_1914 = arith.subf %get3A_22, %gather3A_1905 : vector<16xf32>
      %sub3A_1915 = arith.subf %get3A_26, %gather3A_1909 : vector<16xf32>
      %sub3A_1916 = arith.subf %get3A_30, %gather3A_1913 : vector<16xf32>
      %mul3A_1917 = arith.mulf %sub3A_1914, %sub3A_1914 : vector<16xf32>
      %mul3A_1918 = arith.mulf %sub3A_1915, %sub3A_1915 : vector<16xf32>
      %add3A_1919 = arith.addf %mul3A_1917, %mul3A_1918 : vector<16xf32>
      %mul3A_1920 = arith.mulf %sub3A_1916, %sub3A_1916 : vector<16xf32>
      %add3A_1921 = arith.addf %add3A_1919, %mul3A_1920 : vector<16xf32>
      %add3A_1922 = arith.constant 1 : i32
      %add3A_1923 = vector.broadcast %add3A_1922 : i32 to vector<16xi32>
      %add3A_1924 = arith.addi %mul3A_1898, %add3A_1923 : vector<16xi32>
      %add3A_1925 = arith.constant 48 : i32
      %add3A_1926 = vector.broadcast %add3A_1925 : i32 to vector<16xi32>
      %add3A_1927 = arith.addi %add3A_1924, %add3A_1926 : vector<16xi32>
      %gather3A_1928 = tpu.vector_load_idx %arg6[%add3A_1927] : memref<240xf32, #tpu.memory_space<vmem>>[vector<16xi32>], vector<16xf32>,
      %add3A_1929 = arith.constant 112 : i32
      %add3A_1930 = vector.broadcast %add3A_1929 : i32 to vector<16xi32>
      %add3A_1931 = arith.addi %add3A_1924, %add3A_1930 : vector<16xi32>
      %gather3A_1932 = tpu.vector_load_idx %arg6[%add3A_1931] : memref<240xf32, #tpu.memory_space<vmem>>[vector<16xi32>], vector<16xf32>,
      %add3A_1933 = arith.constant 176 : i32
      %add3A_1934 = vector.broadcast %add3A_1933 : i32 to vector<16xi32>
      %add3A_1935 = arith.addi %add3A_1924, %add3A_1934 : vector<16xi32>
      %gather3A_1936 = tpu.vector_load_idx %arg6[%add3A_1935] : memref<240xf32, #tpu.memory_space<vmem>>[vector<16xi32>], vector<16xf32>,
      %sub3A_1937 = arith.subf %get3A_22, %gather3A_1928 : vector<16xf32>
      %sub3A_1938 = arith.subf %get3A_26, %gather3A_1932 : vector<16xf32>
      %sub3A_1939 = arith.subf %get3A_30, %gather3A_1936 : vector<16xf32>
      %mul3A_1940 = arith.mulf %sub3A_1937, %sub3A_1937 : vector<16xf32>
      %mul3A_1941 = arith.mulf %sub3A_1938, %sub3A_1938 : vector<16xf32>
      %add3A_1942 = arith.addf %mul3A_1940, %mul3A_1941 : vector<16xf32>
      %mul3A_1943 = arith.mulf %sub3A_1939, %sub3A_1939 : vector<16xf32>
      %add3A_1944 = arith.addf %add3A_1942, %mul3A_1943 : vector<16xf32>
      %add3A_1945 = arith.constant 2 : i32
      %add3A_1946 = vector.broadcast %add3A_1945 : i32 to vector<16xi32>
      %add3A_1947 = arith.addi %mul3A_1898, %add3A_1946 : vector<16xi32>
      %add3A_1948 = arith.constant 48 : i32
      %add3A_1949 = vector.broadcast %add3A_1948 : i32 to vector<16xi32>
      %add3A_1950 = arith.addi %add3A_1947, %add3A_1949 : vector<16xi32>
      %gather3A_1951 = tpu.vector_load_idx %arg6[%add3A_1950] : memref<240xf32, #tpu.memory_space<vmem>>[vector<16xi32>], vector<16xf32>,
      %add3A_1952 = arith.constant 112 : i32
      %add3A_1953 = vector.broadcast %add3A_1952 : i32 to vector<16xi32>
      %add3A_1954 = arith.addi %add3A_1947, %add3A_1953 : vector<16xi32>
      %gather3A_1955 = tpu.vector_load_idx %arg6[%add3A_1954] : memref<240xf32, #tpu.memory_space<vmem>>[vector<16xi32>], vector<16xf32>,
      %add3A_1956 = arith.constant 176 : i32
      %add3A_1957 = vector.broadcast %add3A_1956 : i32 to vector<16xi32>
      %add3A_1958 = arith.addi %add3A_1947, %add3A_1957 : vector<16xi32>
      %gather3A_1959 = tpu.vector_load_idx %arg6[%add3A_1958] : memref<240xf32, #tpu.memory_space<vmem>>[vector<16xi32>], vector<16xf32>,
      %sub3A_1960 = arith.subf %get3A_22, %gather3A_1951 : vector<16xf32>
      %sub3A_1961 = arith.subf %get3A_26, %gather3A_1955 : vector<16xf32>
      %sub3A_1962 = arith.subf %get3A_30, %gather3A_1959 : vector<16xf32>
      %mul3A_1963 = arith.mulf %sub3A_1960, %sub3A_1960 : vector<16xf32>
      %mul3A_1964 = arith.mulf %sub3A_1961, %sub3A_1961 : vector<16xf32>
      %add3A_1965 = arith.addf %mul3A_1963, %mul3A_1964 : vector<16xf32>
      %mul3A_1966 = arith.mulf %sub3A_1962, %sub3A_1962 : vector<16xf32>
      %add3A_1967 = arith.addf %add3A_1965, %mul3A_1966 : vector<16xf32>
      %add3A_1968 = arith.constant 3 : i32
      %add3A_1969 = vector.broadcast %add3A_1968 : i32 to vector<16xi32>
      %add3A_1970 = arith.addi %mul3A_1898, %add3A_1969 : vector<16xi32>
      %add3A_1971 = arith.constant 48 : i32
      %add3A_1972 = vector.broadcast %add3A_1971 : i32 to vector<16xi32>
      %add3A_1973 = arith.addi %add3A_1970, %add3A_1972 : vector<16xi32>
      %gather3A_1974 = tpu.vector_load_idx %arg6[%add3A_1973] : memref<240xf32, #tpu.memory_space<vmem>>[vector<16xi32>], vector<16xf32>,
      %add3A_1975 = arith.constant 112 : i32
      %add3A_1976 = vector.broadcast %add3A_1975 : i32 to vector<16xi32>
      %add3A_1977 = arith.addi %add3A_1970, %add3A_1976 : vector<16xi32>
      %gather3A_1978 = tpu.vector_load_idx %arg6[%add3A_1977] : memref<240xf32, #tpu.memory_space<vmem>>[vector<16xi32>], vector<16xf32>,
      %add3A_1979 = arith.constant 176 : i32
      %add3A_1980 = vector.broadcast %add3A_1979 : i32 to vector<16xi32>
      %add3A_1981 = arith.addi %add3A_1970, %add3A_1980 : vector<16xi32>
      %gather3A_1982 = tpu.vector_load_idx %arg6[%add3A_1981] : memref<240xf32, #tpu.memory_space<vmem>>[vector<16xi32>], vector<16xf32>,
      %sub3A_1983 = arith.subf %get3A_22, %gather3A_1974 : vector<16xf32>
      %sub3A_1984 = arith.subf %get3A_26, %gather3A_1978 : vector<16xf32>
      %sub3A_1985 = arith.subf %get3A_30, %gather3A_1982 : vector<16xf32>
      %mul3A_1986 = arith.mulf %sub3A_1983, %sub3A_1983 : vector<16xf32>
      %mul3A_1987 = arith.mulf %sub3A_1984, %sub3A_1984 : vector<16xf32>
      %add3A_1988 = arith.addf %mul3A_1986, %mul3A_1987 : vector<16xf32>
      %mul3A_1989 = arith.mulf %sub3A_1985, %sub3A_1985 : vector<16xf32>
      %add3A_1990 = arith.addf %add3A_1988, %mul3A_1989 : vector<16xf32>
      %mul3A_1991 = arith.constant 4 : i32
      %mul3A_1992 = vector.broadcast %mul3A_1991 : i32 to vector<16xi32>
      %mul3A_1993 = arith.muli %select_n3A_1246, %mul3A_1992 : vector<16xi32>
      %add3A_1994 = arith.constant 0 : i32
      %add3A_1995 = vector.broadcast %add3A_1994 : i32 to vector<16xi32>
      %add3A_1996 = arith.addi %mul3A_1993, %add3A_1995 : vector<16xi32>
      %add3A_1997 = arith.constant 48 : i32
      %add3A_1998 = vector.broadcast %add3A_1997 : i32 to vector<16xi32>
      %add3A_1999 = arith.addi %add3A_1996, %add3A_1998 : vector<16xi32>
      %gather3A_2000 = tpu.vector_load_idx %arg6[%add3A_1999] : memref<240xf32, #tpu.memory_space<vmem>>[vector<16xi32>], vector<16xf32>,
      %add3A_2001 = arith.constant 112 : i32
      %add3A_2002 = vector.broadcast %add3A_2001 : i32 to vector<16xi32>
      %add3A_2003 = arith.addi %add3A_1996, %add3A_2002 : vector<16xi32>
      %gather3A_2004 = tpu.vector_load_idx %arg6[%add3A_2003] : memref<240xf32, #tpu.memory_space<vmem>>[vector<16xi32>], vector<16xf32>,
      %add3A_2005 = arith.constant 176 : i32
      %add3A_2006 = vector.broadcast %add3A_2005 : i32 to vector<16xi32>
      %add3A_2007 = arith.addi %add3A_1996, %add3A_2006 : vector<16xi32>
      %gather3A_2008 = tpu.vector_load_idx %arg6[%add3A_2007] : memref<240xf32, #tpu.memory_space<vmem>>[vector<16xi32>], vector<16xf32>,
      %sub3A_2009 = arith.subf %get3A_22, %gather3A_2000 : vector<16xf32>
      %sub3A_2010 = arith.subf %get3A_26, %gather3A_2004 : vector<16xf32>
      %sub3A_2011 = arith.subf %get3A_30, %gather3A_2008 : vector<16xf32>
      %mul3A_2012 = arith.mulf %sub3A_2009, %sub3A_2009 : vector<16xf32>
      %mul3A_2013 = arith.mulf %sub3A_2010, %sub3A_2010 : vector<16xf32>
      %add3A_2014 = arith.addf %mul3A_2012, %mul3A_2013 : vector<16xf32>
      %mul3A_2015 = arith.mulf %sub3A_2011, %sub3A_2011 : vector<16xf32>
      %add3A_2016 = arith.addf %add3A_2014, %mul3A_2015 : vector<16xf32>
      %add3A_2017 = arith.constant 1 : i32
      %add3A_2018 = vector.broadcast %add3A_2017 : i32 to vector<16xi32>
      %add3A_2019 = arith.addi %mul3A_1993, %add3A_2018 : vector<16xi32>
      %add3A_2020 = arith.constant 48 : i32
      %add3A_2021 = vector.broadcast %add3A_2020 : i32 to vector<16xi32>
      %add3A_2022 = arith.addi %add3A_2019, %add3A_2021 : vector<16xi32>
      %gather3A_2023 = tpu.vector_load_idx %arg6[%add3A_2022] : memref<240xf32, #tpu.memory_space<vmem>>[vector<16xi32>], vector<16xf32>,
      %add3A_2024 = arith.constant 112 : i32
      %add3A_2025 = vector.broadcast %add3A_2024 : i32 to vector<16xi32>
      %add3A_2026 = arith.addi %add3A_2019, %add3A_2025 : vector<16xi32>
      %gather3A_2027 = tpu.vector_load_idx %arg6[%add3A_2026] : memref<240xf32, #tpu.memory_space<vmem>>[vector<16xi32>], vector<16xf32>,
      %add3A_2028 = arith.constant 176 : i32
      %add3A_2029 = vector.broadcast %add3A_2028 : i32 to vector<16xi32>
      %add3A_2030 = arith.addi %add3A_2019, %add3A_2029 : vector<16xi32>
      %gather3A_2031 = tpu.vector_load_idx %arg6[%add3A_2030] : memref<240xf32, #tpu.memory_space<vmem>>[vector<16xi32>], vector<16xf32>,
      %sub3A_2032 = arith.subf %get3A_22, %gather3A_2023 : vector<16xf32>
      %sub3A_2033 = arith.subf %get3A_26, %gather3A_2027 : vector<16xf32>
      %sub3A_2034 = arith.subf %get3A_30, %gather3A_2031 : vector<16xf32>
      %mul3A_2035 = arith.mulf %sub3A_2032, %sub3A_2032 : vector<16xf32>
      %mul3A_2036 = arith.mulf %sub3A_2033, %sub3A_2033 : vector<16xf32>
      %add3A_2037 = arith.addf %mul3A_2035, %mul3A_2036 : vector<16xf32>
      %mul3A_2038 = arith.mulf %sub3A_2034, %sub3A_2034 : vector<16xf32>
      %add3A_2039 = arith.addf %add3A_2037, %mul3A_2038 : vector<16xf32>
      %add3A_2040 = arith.constant 2 : i32
      %add3A_2041 = vector.broadcast %add3A_2040 : i32 to vector<16xi32>
      %add3A_2042 = arith.addi %mul3A_1993, %add3A_2041 : vector<16xi32>
      %add3A_2043 = arith.constant 48 : i32
      %add3A_2044 = vector.broadcast %add3A_2043 : i32 to vector<16xi32>
      %add3A_2045 = arith.addi %add3A_2042, %add3A_2044 : vector<16xi32>
      %gather3A_2046 = tpu.vector_load_idx %arg6[%add3A_2045] : memref<240xf32, #tpu.memory_space<vmem>>[vector<16xi32>], vector<16xf32>,
      %add3A_2047 = arith.constant 112 : i32
      %add3A_2048 = vector.broadcast %add3A_2047 : i32 to vector<16xi32>
      %add3A_2049 = arith.addi %add3A_2042, %add3A_2048 : vector<16xi32>
      %gather3A_2050 = tpu.vector_load_idx %arg6[%add3A_2049] : memref<240xf32, #tpu.memory_space<vmem>>[vector<16xi32>], vector<16xf32>,
      %add3A_2051 = arith.constant 176 : i32
      %add3A_2052 = vector.broadcast %add3A_2051 : i32 to vector<16xi32>
      %add3A_2053 = arith.addi %add3A_2042, %add3A_2052 : vector<16xi32>
      %gather3A_2054 = tpu.vector_load_idx %arg6[%add3A_2053] : memref<240xf32, #tpu.memory_space<vmem>>[vector<16xi32>], vector<16xf32>,
      %sub3A_2055 = arith.subf %get3A_22, %gather3A_2046 : vector<16xf32>
      %sub3A_2056 = arith.subf %get3A_26, %gather3A_2050 : vector<16xf32>
      %sub3A_2057 = arith.subf %get3A_30, %gather3A_2054 : vector<16xf32>
      %mul3A_2058 = arith.mulf %sub3A_2055, %sub3A_2055 : vector<16xf32>
      %mul3A_2059 = arith.mulf %sub3A_2056, %sub3A_2056 : vector<16xf32>
      %add3A_2060 = arith.addf %mul3A_2058, %mul3A_2059 : vector<16xf32>
      %mul3A_2061 = arith.mulf %sub3A_2057, %sub3A_2057 : vector<16xf32>
      %add3A_2062 = arith.addf %add3A_2060, %mul3A_2061 : vector<16xf32>
      %add3A_2063 = arith.constant 3 : i32
      %add3A_2064 = vector.broadcast %add3A_2063 : i32 to vector<16xi32>
      %add3A_2065 = arith.addi %mul3A_1993, %add3A_2064 : vector<16xi32>
      %add3A_2066 = arith.constant 48 : i32
      %add3A_2067 = vector.broadcast %add3A_2066 : i32 to vector<16xi32>
      %add3A_2068 = arith.addi %add3A_2065, %add3A_2067 : vector<16xi32>
      %gather3A_2069 = tpu.vector_load_idx %arg6[%add3A_2068] : memref<240xf32, #tpu.memory_space<vmem>>[vector<16xi32>], vector<16xf32>,
      %add3A_2070 = arith.constant 112 : i32
      %add3A_2071 = vector.broadcast %add3A_2070 : i32 to vector<16xi32>
      %add3A_2072 = arith.addi %add3A_2065, %add3A_2071 : vector<16xi32>
      %gather3A_2073 = tpu.vector_load_idx %arg6[%add3A_2072] : memref<240xf32, #tpu.memory_space<vmem>>[vector<16xi32>], vector<16xf32>,
      %add3A_2074 = arith.constant 176 : i32
      %add3A_2075 = vector.broadcast %add3A_2074 : i32 to vector<16xi32>
      %add3A_2076 = arith.addi %add3A_2065, %add3A_2075 : vector<16xi32>
      %gather3A_2077 = tpu.vector_load_idx %arg6[%add3A_2076] : memref<240xf32, #tpu.memory_space<vmem>>[vector<16xi32>], vector<16xf32>,
      %sub3A_2078 = arith.subf %get3A_22, %gather3A_2069 : vector<16xf32>
      %sub3A_2079 = arith.subf %get3A_26, %gather3A_2073 : vector<16xf32>
      %sub3A_2080 = arith.subf %get3A_30, %gather3A_2077 : vector<16xf32>
      %mul3A_2081 = arith.mulf %sub3A_2078, %sub3A_2078 : vector<16xf32>
      %mul3A_2082 = arith.mulf %sub3A_2079, %sub3A_2079 : vector<16xf32>
      %add3A_2083 = arith.addf %mul3A_2081, %mul3A_2082 : vector<16xf32>
      %mul3A_2084 = arith.mulf %sub3A_2080, %sub3A_2080 : vector<16xf32>
      %add3A_2085 = arith.addf %add3A_2083, %mul3A_2084 : vector<16xf32>
      %le3A_2086 = arith.cmpf ole, %add3A_1351, %add3A_1374 : vector<16xf32>
      %min3A_2087 = arith.minimumf %add3A_1351, %add3A_1374 : vector<16xf32>
      %select_n3A_2088 = arith.select %le3A_2086, %add3A_1332, %add3A_1354 : vector<16xi1>, vector<16xi32>
      %le3A_2089 = arith.cmpf ole, %add3A_1397, %add3A_1420 : vector<16xf32>
      %min3A_2090 = arith.minimumf %add3A_1397, %add3A_1420 : vector<16xf32>
      %select_n3A_2091 = arith.select %le3A_2089, %add3A_1377, %add3A_1400 : vector<16xi1>, vector<16xi32>
      %le3A_2092 = arith.cmpf ole, %add3A_1446, %add3A_1469 : vector<16xf32>
      %min3A_2093 = arith.minimumf %add3A_1446, %add3A_1469 : vector<16xf32>
      %select_n3A_2094 = arith.select %le3A_2092, %add3A_1426, %add3A_1449 : vector<16xi1>, vector<16xi32>
      %le3A_2095 = arith.cmpf ole, %add3A_1492, %add3A_1515 : vector<16xf32>
      %min3A_2096 = arith.minimumf %add3A_1492, %add3A_1515 : vector<16xf32>
      %select_n3A_2097 = arith.select %le3A_2095, %add3A_1472, %add3A_1495 : vector<16xi1>, vector<16xi32>
      %le3A_2098 = arith.cmpf ole, %add3A_1541, %add3A_1564 : vector<16xf32>
      %min3A_2099 = arith.minimumf %add3A_1541, %add3A_1564 : vector<16xf32>
      %select_n3A_2100 = arith.select %le3A_2098, %add3A_1521, %add3A_1544 : vector<16xi1>, vector<16xi32>
      %le3A_2101 = arith.cmpf ole, %add3A_1587, %add3A_1610 : vector<16xf32>
      %min3A_2102 = arith.minimumf %add3A_1587, %add3A_1610 : vector<16xf32>
      %select_n3A_2103 = arith.select %le3A_2101, %add3A_1567, %add3A_1590 : vector<16xi1>, vector<16xi32>
      %le3A_2104 = arith.cmpf ole, %add3A_1636, %add3A_1659 : vector<16xf32>
      %min3A_2105 = arith.minimumf %add3A_1636, %add3A_1659 : vector<16xf32>
      %select_n3A_2106 = arith.select %le3A_2104, %add3A_1616, %add3A_1639 : vector<16xi1>, vector<16xi32>
      %le3A_2107 = arith.cmpf ole, %add3A_1682, %add3A_1705 : vector<16xf32>
      %min3A_2108 = arith.minimumf %add3A_1682, %add3A_1705 : vector<16xf32>
      %select_n3A_2109 = arith.select %le3A_2107, %add3A_1662, %add3A_1685 : vector<16xi1>, vector<16xi32>
      %le3A_2110 = arith.cmpf ole, %add3A_1731, %add3A_1754 : vector<16xf32>
      %min3A_2111 = arith.minimumf %add3A_1731, %add3A_1754 : vector<16xf32>
      %select_n3A_2112 = arith.select %le3A_2110, %add3A_1711, %add3A_1734 : vector<16xi1>, vector<16xi32>
      %le3A_2113 = arith.cmpf ole, %add3A_1777, %add3A_1800 : vector<16xf32>
      %min3A_2114 = arith.minimumf %add3A_1777, %add3A_1800 : vector<16xf32>
      %select_n3A_2115 = arith.select %le3A_2113, %add3A_1757, %add3A_1780 : vector<16xi1>, vector<16xi32>
      %le3A_2116 = arith.cmpf ole, %add3A_1826, %add3A_1849 : vector<16xf32>
      %min3A_2117 = arith.minimumf %add3A_1826, %add3A_1849 : vector<16xf32>
      %select_n3A_2118 = arith.select %le3A_2116, %add3A_1806, %add3A_1829 : vector<16xi1>, vector<16xi32>
      %le3A_2119 = arith.cmpf ole, %add3A_1872, %add3A_1895 : vector<16xf32>
      %min3A_2120 = arith.minimumf %add3A_1872, %add3A_1895 : vector<16xf32>
      %select_n3A_2121 = arith.select %le3A_2119, %add3A_1852, %add3A_1875 : vector<16xi1>, vector<16xi32>
      %le3A_2122 = arith.cmpf ole, %add3A_1921, %add3A_1944 : vector<16xf32>
      %min3A_2123 = arith.minimumf %add3A_1921, %add3A_1944 : vector<16xf32>
      %select_n3A_2124 = arith.select %le3A_2122, %add3A_1901, %add3A_1924 : vector<16xi1>, vector<16xi32>
      %le3A_2125 = arith.cmpf ole, %add3A_1967, %add3A_1990 : vector<16xf32>
      %min3A_2126 = arith.minimumf %add3A_1967, %add3A_1990 : vector<16xf32>
      %select_n3A_2127 = arith.select %le3A_2125, %add3A_1947, %add3A_1970 : vector<16xi1>, vector<16xi32>
      %le3A_2128 = arith.cmpf ole, %add3A_2016, %add3A_2039 : vector<16xf32>
      %min3A_2129 = arith.minimumf %add3A_2016, %add3A_2039 : vector<16xf32>
      %select_n3A_2130 = arith.select %le3A_2128, %add3A_1996, %add3A_2019 : vector<16xi1>, vector<16xi32>
      %le3A_2131 = arith.cmpf ole, %add3A_2062, %add3A_2085 : vector<16xf32>
      %min3A_2132 = arith.minimumf %add3A_2062, %add3A_2085 : vector<16xf32>
      %select_n3A_2133 = arith.select %le3A_2131, %add3A_2042, %add3A_2065 : vector<16xi1>, vector<16xi32>
      %le3A_2134 = arith.cmpf ole, %min3A_2087, %min3A_2090 : vector<16xf32>
      %min3A_2135 = arith.minimumf %min3A_2087, %min3A_2090 : vector<16xf32>
      %select_n3A_2136 = arith.select %le3A_2134, %select_n3A_2088, %select_n3A_2091 : vector<16xi1>, vector<16xi32>
      %le3A_2137 = arith.cmpf ole, %min3A_2093, %min3A_2096 : vector<16xf32>
      %min3A_2138 = arith.minimumf %min3A_2093, %min3A_2096 : vector<16xf32>
      %select_n3A_2139 = arith.select %le3A_2137, %select_n3A_2094, %select_n3A_2097 : vector<16xi1>, vector<16xi32>
      %le3A_2140 = arith.cmpf ole, %min3A_2099, %min3A_2102 : vector<16xf32>
      %min3A_2141 = arith.minimumf %min3A_2099, %min3A_2102 : vector<16xf32>
      %select_n3A_2142 = arith.select %le3A_2140, %select_n3A_2100, %select_n3A_2103 : vector<16xi1>, vector<16xi32>
      %le3A_2143 = arith.cmpf ole, %min3A_2105, %min3A_2108 : vector<16xf32>
      %min3A_2144 = arith.minimumf %min3A_2105, %min3A_2108 : vector<16xf32>
      %select_n3A_2145 = arith.select %le3A_2143, %select_n3A_2106, %select_n3A_2109 : vector<16xi1>, vector<16xi32>
      %le3A_2146 = arith.cmpf ole, %min3A_2111, %min3A_2114 : vector<16xf32>
      %min3A_2147 = arith.minimumf %min3A_2111, %min3A_2114 : vector<16xf32>
      %select_n3A_2148 = arith.select %le3A_2146, %select_n3A_2112, %select_n3A_2115 : vector<16xi1>, vector<16xi32>
      %le3A_2149 = arith.cmpf ole, %min3A_2117, %min3A_2120 : vector<16xf32>
      %min3A_2150 = arith.minimumf %min3A_2117, %min3A_2120 : vector<16xf32>
      %select_n3A_2151 = arith.select %le3A_2149, %select_n3A_2118, %select_n3A_2121 : vector<16xi1>, vector<16xi32>
      %le3A_2152 = arith.cmpf ole, %min3A_2123, %min3A_2126 : vector<16xf32>
      %min3A_2153 = arith.minimumf %min3A_2123, %min3A_2126 : vector<16xf32>
      %select_n3A_2154 = arith.select %le3A_2152, %select_n3A_2124, %select_n3A_2127 : vector<16xi1>, vector<16xi32>
      %le3A_2155 = arith.cmpf ole, %min3A_2129, %min3A_2132 : vector<16xf32>
      %min3A_2156 = arith.minimumf %min3A_2129, %min3A_2132 : vector<16xf32>
      %select_n3A_2157 = arith.select %le3A_2155, %select_n3A_2130, %select_n3A_2133 : vector<16xi1>, vector<16xi32>
      %le3A_2158 = arith.cmpf ole, %min3A_2135, %min3A_2138 : vector<16xf32>
      %min3A_2159 = arith.minimumf %min3A_2135, %min3A_2138 : vector<16xf32>
      %select_n3A_2160 = arith.select %le3A_2158, %select_n3A_2136, %select_n3A_2139 : vector<16xi1>, vector<16xi32>
      %le3A_2161 = arith.cmpf ole, %min3A_2141, %min3A_2144 : vector<16xf32>
      %min3A_2162 = arith.minimumf %min3A_2141, %min3A_2144 : vector<16xf32>
      %select_n3A_2163 = arith.select %le3A_2161, %select_n3A_2142, %select_n3A_2145 : vector<16xi1>, vector<16xi32>
      %le3A_2164 = arith.cmpf ole, %min3A_2147, %min3A_2150 : vector<16xf32>
      %min3A_2165 = arith.minimumf %min3A_2147, %min3A_2150 : vector<16xf32>
      %select_n3A_2166 = arith.select %le3A_2164, %select_n3A_2148, %select_n3A_2151 : vector<16xi1>, vector<16xi32>
      %le3A_2167 = arith.cmpf ole, %min3A_2153, %min3A_2156 : vector<16xf32>
      %min3A_2168 = arith.minimumf %min3A_2153, %min3A_2156 : vector<16xf32>
      %select_n3A_2169 = arith.select %le3A_2167, %select_n3A_2154, %select_n3A_2157 : vector<16xi1>, vector<16xi32>
      %le3A_2170 = arith.cmpf ole, %min3A_2159, %min3A_2162 : vector<16xf32>
      %min3A_2171 = arith.minimumf %min3A_2159, %min3A_2162 : vector<16xf32>
      %select_n3A_2172 = arith.select %le3A_2170, %select_n3A_2160, %select_n3A_2163 : vector<16xi1>, vector<16xi32>
      %le3A_2173 = arith.cmpf ole, %min3A_2165, %min3A_2168 : vector<16xf32>
      %min3A_2174 = arith.minimumf %min3A_2165, %min3A_2168 : vector<16xf32>
      %select_n3A_2175 = arith.select %le3A_2173, %select_n3A_2166, %select_n3A_2169 : vector<16xi1>, vector<16xi32>
      %le3A_2176 = arith.cmpf ole, %min3A_2171, %min3A_2174 : vector<16xf32>
      %min3A_2177 = arith.minimumf %min3A_2171, %min3A_2174 : vector<16xf32>
      %select_n3A_2178 = arith.select %le3A_2176, %select_n3A_2172, %select_n3A_2175 : vector<16xi1>, vector<16xi32>
      %mul3A_2179 = arith.constant 8 : i32
      %mul3A_2180 = vector.broadcast %mul3A_2179 : i32 to vector<16xi32>
      %mul3A_2181 = arith.muli %iota3A, %mul3A_2180 : vector<16xi32>
      %mul3A_2182 = arith.constant 128 : i32
      %mul3A_2183 = arith.muli %scan3A_16, %mul3A_2182 : i32
      %add3A_2184 = arith.constant 0 : i32
      %add3A_2185 = arith.addi %mul3A_2183, %add3A_2184 : i32
      %add3A_2186 = vector.broadcast %add3A_2185 : i32 to vector<16xi32>
      %add3A_2187 = arith.addi %mul3A_2181, %add3A_2186 : vector<16xi32>
      tpu.vector_store_idx %arg7[%add3A_2187], %select_n3A_2178 : memref<2048xi32, #tpu.memory_space<vmem>>[vector<16xi32>], vector<16xi32>,
      %eq3A_2188 = arith.cmpi eq, %select_n3A_2178, %add3A_1332 : vector<16xi32>
      %broadcast_in_dim3A_2189 = vector.broadcast %scan3A_8 : f32 to vector<16xf32>
      %select_n3A_2190 = arith.select %eq3A_2188, %broadcast_in_dim3A_2189, %add3A_1351 : vector<16xi1>, vector<16xf32>
      %eq3A_2191 = arith.cmpi eq, %select_n3A_2178, %add3A_1354 : vector<16xi32>
      %broadcast_in_dim3A_2192 = vector.broadcast %scan3A_8 : f32 to vector<16xf32>
      %select_n3A_2193 = arith.select %eq3A_2191, %broadcast_in_dim3A_2192, %add3A_1374 : vector<16xi1>, vector<16xf32>
      %eq3A_2194 = arith.cmpi eq, %select_n3A_2178, %add3A_1377 : vector<16xi32>
      %broadcast_in_dim3A_2195 = vector.broadcast %scan3A_8 : f32 to vector<16xf32>
      %select_n3A_2196 = arith.select %eq3A_2194, %broadcast_in_dim3A_2195, %add3A_1397 : vector<16xi1>, vector<16xf32>
      %eq3A_2197 = arith.cmpi eq, %select_n3A_2178, %add3A_1400 : vector<16xi32>
      %broadcast_in_dim3A_2198 = vector.broadcast %scan3A_8 : f32 to vector<16xf32>
      %select_n3A_2199 = arith.select %eq3A_2197, %broadcast_in_dim3A_2198, %add3A_1420 : vector<16xi1>, vector<16xf32>
      %eq3A_2200 = arith.cmpi eq, %select_n3A_2178, %add3A_1426 : vector<16xi32>
      %broadcast_in_dim3A_2201 = vector.broadcast %scan3A_8 : f32 to vector<16xf32>
      %select_n3A_2202 = arith.select %eq3A_2200, %broadcast_in_dim3A_2201, %add3A_1446 : vector<16xi1>, vector<16xf32>
      %eq3A_2203 = arith.cmpi eq, %select_n3A_2178, %add3A_1449 : vector<16xi32>
      %broadcast_in_dim3A_2204 = vector.broadcast %scan3A_8 : f32 to vector<16xf32>
      %select_n3A_2205 = arith.select %eq3A_2203, %broadcast_in_dim3A_2204, %add3A_1469 : vector<16xi1>, vector<16xf32>
      %eq3A_2206 = arith.cmpi eq, %select_n3A_2178, %add3A_1472 : vector<16xi32>
      %broadcast_in_dim3A_2207 = vector.broadcast %scan3A_8 : f32 to vector<16xf32>
      %select_n3A_2208 = arith.select %eq3A_2206, %broadcast_in_dim3A_2207, %add3A_1492 : vector<16xi1>, vector<16xf32>
      %eq3A_2209 = arith.cmpi eq, %select_n3A_2178, %add3A_1495 : vector<16xi32>
      %broadcast_in_dim3A_2210 = vector.broadcast %scan3A_8 : f32 to vector<16xf32>
      %select_n3A_2211 = arith.select %eq3A_2209, %broadcast_in_dim3A_2210, %add3A_1515 : vector<16xi1>, vector<16xf32>
      %eq3A_2212 = arith.cmpi eq, %select_n3A_2178, %add3A_1521 : vector<16xi32>
      %broadcast_in_dim3A_2213 = vector.broadcast %scan3A_8 : f32 to vector<16xf32>
      %select_n3A_2214 = arith.select %eq3A_2212, %broadcast_in_dim3A_2213, %add3A_1541 : vector<16xi1>, vector<16xf32>
      %eq3A_2215 = arith.cmpi eq, %select_n3A_2178, %add3A_1544 : vector<16xi32>
      %broadcast_in_dim3A_2216 = vector.broadcast %scan3A_8 : f32 to vector<16xf32>
      %select_n3A_2217 = arith.select %eq3A_2215, %broadcast_in_dim3A_2216, %add3A_1564 : vector<16xi1>, vector<16xf32>
      %eq3A_2218 = arith.cmpi eq, %select_n3A_2178, %add3A_1567 : vector<16xi32>
      %broadcast_in_dim3A_2219 = vector.broadcast %scan3A_8 : f32 to vector<16xf32>
      %select_n3A_2220 = arith.select %eq3A_2218, %broadcast_in_dim3A_2219, %add3A_1587 : vector<16xi1>, vector<16xf32>
      %eq3A_2221 = arith.cmpi eq, %select_n3A_2178, %add3A_1590 : vector<16xi32>
      %broadcast_in_dim3A_2222 = vector.broadcast %scan3A_8 : f32 to vector<16xf32>
      %select_n3A_2223 = arith.select %eq3A_2221, %broadcast_in_dim3A_2222, %add3A_1610 : vector<16xi1>, vector<16xf32>
      %eq3A_2224 = arith.cmpi eq, %select_n3A_2178, %add3A_1616 : vector<16xi32>
      %broadcast_in_dim3A_2225 = vector.broadcast %scan3A_8 : f32 to vector<16xf32>
      %select_n3A_2226 = arith.select %eq3A_2224, %broadcast_in_dim3A_2225, %add3A_1636 : vector<16xi1>, vector<16xf32>
      %eq3A_2227 = arith.cmpi eq, %select_n3A_2178, %add3A_1639 : vector<16xi32>
      %broadcast_in_dim3A_2228 = vector.broadcast %scan3A_8 : f32 to vector<16xf32>
      %select_n3A_2229 = arith.select %eq3A_2227, %broadcast_in_dim3A_2228, %add3A_1659 : vector<16xi1>, vector<16xf32>
      %eq3A_2230 = arith.cmpi eq, %select_n3A_2178, %add3A_1662 : vector<16xi32>
      %broadcast_in_dim3A_2231 = vector.broadcast %scan3A_8 : f32 to vector<16xf32>
      %select_n3A_2232 = arith.select %eq3A_2230, %broadcast_in_dim3A_2231, %add3A_1682 : vector<16xi1>, vector<16xf32>
      %eq3A_2233 = arith.cmpi eq, %select_n3A_2178, %add3A_1685 : vector<16xi32>
      %broadcast_in_dim3A_2234 = vector.broadcast %scan3A_8 : f32 to vector<16xf32>
      %select_n3A_2235 = arith.select %eq3A_2233, %broadcast_in_dim3A_2234, %add3A_1705 : vector<16xi1>, vector<16xf32>
      %eq3A_2236 = arith.cmpi eq, %select_n3A_2178, %add3A_1711 : vector<16xi32>
      %broadcast_in_dim3A_2237 = vector.broadcast %scan3A_8 : f32 to vector<16xf32>
      %select_n3A_2238 = arith.select %eq3A_2236, %broadcast_in_dim3A_2237, %add3A_1731 : vector<16xi1>, vector<16xf32>
      %eq3A_2239 = arith.cmpi eq, %select_n3A_2178, %add3A_1734 : vector<16xi32>
      %broadcast_in_dim3A_2240 = vector.broadcast %scan3A_8 : f32 to vector<16xf32>
      %select_n3A_2241 = arith.select %eq3A_2239, %broadcast_in_dim3A_2240, %add3A_1754 : vector<16xi1>, vector<16xf32>
      %eq3A_2242 = arith.cmpi eq, %select_n3A_2178, %add3A_1757 : vector<16xi32>
      %broadcast_in_dim3A_2243 = vector.broadcast %scan3A_8 : f32 to vector<16xf32>
      %select_n3A_2244 = arith.select %eq3A_2242, %broadcast_in_dim3A_2243, %add3A_1777 : vector<16xi1>, vector<16xf32>
      %eq3A_2245 = arith.cmpi eq, %select_n3A_2178, %add3A_1780 : vector<16xi32>
      %broadcast_in_dim3A_2246 = vector.broadcast %scan3A_8 : f32 to vector<16xf32>
      %select_n3A_2247 = arith.select %eq3A_2245, %broadcast_in_dim3A_2246, %add3A_1800 : vector<16xi1>, vector<16xf32>
      %eq3A_2248 = arith.cmpi eq, %select_n3A_2178, %add3A_1806 : vector<16xi32>
      %broadcast_in_dim3A_2249 = vector.broadcast %scan3A_8 : f32 to vector<16xf32>
      %select_n3A_2250 = arith.select %eq3A_2248, %broadcast_in_dim3A_2249, %add3A_1826 : vector<16xi1>, vector<16xf32>
      %eq3A_2251 = arith.cmpi eq, %select_n3A_2178, %add3A_1829 : vector<16xi32>
      %broadcast_in_dim3A_2252 = vector.broadcast %scan3A_8 : f32 to vector<16xf32>
      %select_n3A_2253 = arith.select %eq3A_2251, %broadcast_in_dim3A_2252, %add3A_1849 : vector<16xi1>, vector<16xf32>
      %eq3A_2254 = arith.cmpi eq, %select_n3A_2178, %add3A_1852 : vector<16xi32>
      %broadcast_in_dim3A_2255 = vector.broadcast %scan3A_8 : f32 to vector<16xf32>
      %select_n3A_2256 = arith.select %eq3A_2254, %broadcast_in_dim3A_2255, %add3A_1872 : vector<16xi1>, vector<16xf32>
      %eq3A_2257 = arith.cmpi eq, %select_n3A_2178, %add3A_1875 : vector<16xi32>
      %broadcast_in_dim3A_2258 = vector.broadcast %scan3A_8 : f32 to vector<16xf32>
      %select_n3A_2259 = arith.select %eq3A_2257, %broadcast_in_dim3A_2258, %add3A_1895 : vector<16xi1>, vector<16xf32>
      %eq3A_2260 = arith.cmpi eq, %select_n3A_2178, %add3A_1901 : vector<16xi32>
      %broadcast_in_dim3A_2261 = vector.broadcast %scan3A_8 : f32 to vector<16xf32>
      %select_n3A_2262 = arith.select %eq3A_2260, %broadcast_in_dim3A_2261, %add3A_1921 : vector<16xi1>, vector<16xf32>
      %eq3A_2263 = arith.cmpi eq, %select_n3A_2178, %add3A_1924 : vector<16xi32>
      %broadcast_in_dim3A_2264 = vector.broadcast %scan3A_8 : f32 to vector<16xf32>
      %select_n3A_2265 = arith.select %eq3A_2263, %broadcast_in_dim3A_2264, %add3A_1944 : vector<16xi1>, vector<16xf32>
      %eq3A_2266 = arith.cmpi eq, %select_n3A_2178, %add3A_1947 : vector<16xi32>
      %broadcast_in_dim3A_2267 = vector.broadcast %scan3A_8 : f32 to vector<16xf32>
      %select_n3A_2268 = arith.select %eq3A_2266, %broadcast_in_dim3A_2267, %add3A_1967 : vector<16xi1>, vector<16xf32>
      %eq3A_2269 = arith.cmpi eq, %select_n3A_2178, %add3A_1970 : vector<16xi32>
      %broadcast_in_dim3A_2270 = vector.broadcast %scan3A_8 : f32 to vector<16xf32>
      %select_n3A_2271 = arith.select %eq3A_2269, %broadcast_in_dim3A_2270, %add3A_1990 : vector<16xi1>, vector<16xf32>
      %eq3A_2272 = arith.cmpi eq, %select_n3A_2178, %add3A_1996 : vector<16xi32>
      %broadcast_in_dim3A_2273 = vector.broadcast %scan3A_8 : f32 to vector<16xf32>
      %select_n3A_2274 = arith.select %eq3A_2272, %broadcast_in_dim3A_2273, %add3A_2016 : vector<16xi1>, vector<16xf32>
      %eq3A_2275 = arith.cmpi eq, %select_n3A_2178, %add3A_2019 : vector<16xi32>
      %broadcast_in_dim3A_2276 = vector.broadcast %scan3A_8 : f32 to vector<16xf32>
      %select_n3A_2277 = arith.select %eq3A_2275, %broadcast_in_dim3A_2276, %add3A_2039 : vector<16xi1>, vector<16xf32>
      %eq3A_2278 = arith.cmpi eq, %select_n3A_2178, %add3A_2042 : vector<16xi32>
      %broadcast_in_dim3A_2279 = vector.broadcast %scan3A_8 : f32 to vector<16xf32>
      %select_n3A_2280 = arith.select %eq3A_2278, %broadcast_in_dim3A_2279, %add3A_2062 : vector<16xi1>, vector<16xf32>
      %eq3A_2281 = arith.cmpi eq, %select_n3A_2178, %add3A_2065 : vector<16xi32>
      %broadcast_in_dim3A_2282 = vector.broadcast %scan3A_8 : f32 to vector<16xf32>
      %select_n3A_2283 = arith.select %eq3A_2281, %broadcast_in_dim3A_2282, %add3A_2085 : vector<16xi1>, vector<16xf32>
      %le3A_2284 = arith.cmpf ole, %select_n3A_2190, %select_n3A_2193 : vector<16xf32>
      %min3A_2285 = arith.minimumf %select_n3A_2190, %select_n3A_2193 : vector<16xf32>
      %select_n3A_2286 = arith.select %le3A_2284, %add3A_1332, %add3A_1354 : vector<16xi1>, vector<16xi32>
      %le3A_2287 = arith.cmpf ole, %select_n3A_2196, %select_n3A_2199 : vector<16xf32>
      %min3A_2288 = arith.minimumf %select_n3A_2196, %select_n3A_2199 : vector<16xf32>
      %select_n3A_2289 = arith.select %le3A_2287, %add3A_1377, %add3A_1400 : vector<16xi1>, vector<16xi32>
      %le3A_2290 = arith.cmpf ole, %select_n3A_2202, %select_n3A_2205 : vector<16xf32>
      %min3A_2291 = arith.minimumf %select_n3A_2202, %select_n3A_2205 : vector<16xf32>
      %select_n3A_2292 = arith.select %le3A_2290, %add3A_1426, %add3A_1449 : vector<16xi1>, vector<16xi32>
      %le3A_2293 = arith.cmpf ole, %select_n3A_2208, %select_n3A_2211 : vector<16xf32>
      %min3A_2294 = arith.minimumf %select_n3A_2208, %select_n3A_2211 : vector<16xf32>
      %select_n3A_2295 = arith.select %le3A_2293, %add3A_1472, %add3A_1495 : vector<16xi1>, vector<16xi32>
      %le3A_2296 = arith.cmpf ole, %select_n3A_2214, %select_n3A_2217 : vector<16xf32>
      %min3A_2297 = arith.minimumf %select_n3A_2214, %select_n3A_2217 : vector<16xf32>
      %select_n3A_2298 = arith.select %le3A_2296, %add3A_1521, %add3A_1544 : vector<16xi1>, vector<16xi32>
      %le3A_2299 = arith.cmpf ole, %select_n3A_2220, %select_n3A_2223 : vector<16xf32>
      %min3A_2300 = arith.minimumf %select_n3A_2220, %select_n3A_2223 : vector<16xf32>
      %select_n3A_2301 = arith.select %le3A_2299, %add3A_1567, %add3A_1590 : vector<16xi1>, vector<16xi32>
      %le3A_2302 = arith.cmpf ole, %select_n3A_2226, %select_n3A_2229 : vector<16xf32>
      %min3A_2303 = arith.minimumf %select_n3A_2226, %select_n3A_2229 : vector<16xf32>
      %select_n3A_2304 = arith.select %le3A_2302, %add3A_1616, %add3A_1639 : vector<16xi1>, vector<16xi32>
      %le3A_2305 = arith.cmpf ole, %select_n3A_2232, %select_n3A_2235 : vector<16xf32>
      %min3A_2306 = arith.minimumf %select_n3A_2232, %select_n3A_2235 : vector<16xf32>
      %select_n3A_2307 = arith.select %le3A_2305, %add3A_1662, %add3A_1685 : vector<16xi1>, vector<16xi32>
      %le3A_2308 = arith.cmpf ole, %select_n3A_2238, %select_n3A_2241 : vector<16xf32>
      %min3A_2309 = arith.minimumf %select_n3A_2238, %select_n3A_2241 : vector<16xf32>
      %select_n3A_2310 = arith.select %le3A_2308, %add3A_1711, %add3A_1734 : vector<16xi1>, vector<16xi32>
      %le3A_2311 = arith.cmpf ole, %select_n3A_2244, %select_n3A_2247 : vector<16xf32>
      %min3A_2312 = arith.minimumf %select_n3A_2244, %select_n3A_2247 : vector<16xf32>
      %select_n3A_2313 = arith.select %le3A_2311, %add3A_1757, %add3A_1780 : vector<16xi1>, vector<16xi32>
      %le3A_2314 = arith.cmpf ole, %select_n3A_2250, %select_n3A_2253 : vector<16xf32>
      %min3A_2315 = arith.minimumf %select_n3A_2250, %select_n3A_2253 : vector<16xf32>
      %select_n3A_2316 = arith.select %le3A_2314, %add3A_1806, %add3A_1829 : vector<16xi1>, vector<16xi32>
      %le3A_2317 = arith.cmpf ole, %select_n3A_2256, %select_n3A_2259 : vector<16xf32>
      %min3A_2318 = arith.minimumf %select_n3A_2256, %select_n3A_2259 : vector<16xf32>
      %select_n3A_2319 = arith.select %le3A_2317, %add3A_1852, %add3A_1875 : vector<16xi1>, vector<16xi32>
      %le3A_2320 = arith.cmpf ole, %select_n3A_2262, %select_n3A_2265 : vector<16xf32>
      %min3A_2321 = arith.minimumf %select_n3A_2262, %select_n3A_2265 : vector<16xf32>
      %select_n3A_2322 = arith.select %le3A_2320, %add3A_1901, %add3A_1924 : vector<16xi1>, vector<16xi32>
      %le3A_2323 = arith.cmpf ole, %select_n3A_2268, %select_n3A_2271 : vector<16xf32>
      %min3A_2324 = arith.minimumf %select_n3A_2268, %select_n3A_2271 : vector<16xf32>
      %select_n3A_2325 = arith.select %le3A_2323, %add3A_1947, %add3A_1970 : vector<16xi1>, vector<16xi32>
      %le3A_2326 = arith.cmpf ole, %select_n3A_2274, %select_n3A_2277 : vector<16xf32>
      %min3A_2327 = arith.minimumf %select_n3A_2274, %select_n3A_2277 : vector<16xf32>
      %select_n3A_2328 = arith.select %le3A_2326, %add3A_1996, %add3A_2019 : vector<16xi1>, vector<16xi32>
      %le3A_2329 = arith.cmpf ole, %select_n3A_2280, %select_n3A_2283 : vector<16xf32>
      %min3A_2330 = arith.minimumf %select_n3A_2280, %select_n3A_2283 : vector<16xf32>
      %select_n3A_2331 = arith.select %le3A_2329, %add3A_2042, %add3A_2065 : vector<16xi1>, vector<16xi32>
      %le3A_2332 = arith.cmpf ole, %min3A_2285, %min3A_2288 : vector<16xf32>
      %min3A_2333 = arith.minimumf %min3A_2285, %min3A_2288 : vector<16xf32>
      %select_n3A_2334 = arith.select %le3A_2332, %select_n3A_2286, %select_n3A_2289 : vector<16xi1>, vector<16xi32>
      %le3A_2335 = arith.cmpf ole, %min3A_2291, %min3A_2294 : vector<16xf32>
      %min3A_2336 = arith.minimumf %min3A_2291, %min3A_2294 : vector<16xf32>
      %select_n3A_2337 = arith.select %le3A_2335, %select_n3A_2292, %select_n3A_2295 : vector<16xi1>, vector<16xi32>
      %le3A_2338 = arith.cmpf ole, %min3A_2297, %min3A_2300 : vector<16xf32>
      %min3A_2339 = arith.minimumf %min3A_2297, %min3A_2300 : vector<16xf32>
      %select_n3A_2340 = arith.select %le3A_2338, %select_n3A_2298, %select_n3A_2301 : vector<16xi1>, vector<16xi32>
      %le3A_2341 = arith.cmpf ole, %min3A_2303, %min3A_2306 : vector<16xf32>
      %min3A_2342 = arith.minimumf %min3A_2303, %min3A_2306 : vector<16xf32>
      %select_n3A_2343 = arith.select %le3A_2341, %select_n3A_2304, %select_n3A_2307 : vector<16xi1>, vector<16xi32>
      %le3A_2344 = arith.cmpf ole, %min3A_2309, %min3A_2312 : vector<16xf32>
      %min3A_2345 = arith.minimumf %min3A_2309, %min3A_2312 : vector<16xf32>
      %select_n3A_2346 = arith.select %le3A_2344, %select_n3A_2310, %select_n3A_2313 : vector<16xi1>, vector<16xi32>
      %le3A_2347 = arith.cmpf ole, %min3A_2315, %min3A_2318 : vector<16xf32>
      %min3A_2348 = arith.minimumf %min3A_2315, %min3A_2318 : vector<16xf32>
      %select_n3A_2349 = arith.select %le3A_2347, %select_n3A_2316, %select_n3A_2319 : vector<16xi1>, vector<16xi32>
      %le3A_2350 = arith.cmpf ole, %min3A_2321, %min3A_2324 : vector<16xf32>
      %min3A_2351 = arith.minimumf %min3A_2321, %min3A_2324 : vector<16xf32>
      %select_n3A_2352 = arith.select %le3A_2350, %select_n3A_2322, %select_n3A_2325 : vector<16xi1>, vector<16xi32>
      %le3A_2353 = arith.cmpf ole, %min3A_2327, %min3A_2330 : vector<16xf32>
      %min3A_2354 = arith.minimumf %min3A_2327, %min3A_2330 : vector<16xf32>
      %select_n3A_2355 = arith.select %le3A_2353, %select_n3A_2328, %select_n3A_2331 : vector<16xi1>, vector<16xi32>
      %le3A_2356 = arith.cmpf ole, %min3A_2333, %min3A_2336 : vector<16xf32>
      %min3A_2357 = arith.minimumf %min3A_2333, %min3A_2336 : vector<16xf32>
      %select_n3A_2358 = arith.select %le3A_2356, %select_n3A_2334, %select_n3A_2337 : vector<16xi1>, vector<16xi32>
      %le3A_2359 = arith.cmpf ole, %min3A_2339, %min3A_2342 : vector<16xf32>
      %min3A_2360 = arith.minimumf %min3A_2339, %min3A_2342 : vector<16xf32>
      %select_n3A_2361 = arith.select %le3A_2359, %select_n3A_2340, %select_n3A_2343 : vector<16xi1>, vector<16xi32>
      %le3A_2362 = arith.cmpf ole, %min3A_2345, %min3A_2348 : vector<16xf32>
      %min3A_2363 = arith.minimumf %min3A_2345, %min3A_2348 : vector<16xf32>
      %select_n3A_2364 = arith.select %le3A_2362, %select_n3A_2346, %select_n3A_2349 : vector<16xi1>, vector<16xi32>
      %le3A_2365 = arith.cmpf ole, %min3A_2351, %min3A_2354 : vector<16xf32>
      %min3A_2366 = arith.minimumf %min3A_2351, %min3A_2354 : vector<16xf32>
      %select_n3A_2367 = arith.select %le3A_2365, %select_n3A_2352, %select_n3A_2355 : vector<16xi1>, vector<16xi32>
      %le3A_2368 = arith.cmpf ole, %min3A_2357, %min3A_2360 : vector<16xf32>
      %min3A_2369 = arith.minimumf %min3A_2357, %min3A_2360 : vector<16xf32>
      %select_n3A_2370 = arith.select %le3A_2368, %select_n3A_2358, %select_n3A_2361 : vector<16xi1>, vector<16xi32>
      %le3A_2371 = arith.cmpf ole, %min3A_2363, %min3A_2366 : vector<16xf32>
      %min3A_2372 = arith.minimumf %min3A_2363, %min3A_2366 : vector<16xf32>
      %select_n3A_2373 = arith.select %le3A_2371, %select_n3A_2364, %select_n3A_2367 : vector<16xi1>, vector<16xi32>
      %le3A_2374 = arith.cmpf ole, %min3A_2369, %min3A_2372 : vector<16xf32>
      %min3A_2375 = arith.minimumf %min3A_2369, %min3A_2372 : vector<16xf32>
      %select_n3A_2376 = arith.select %le3A_2374, %select_n3A_2370, %select_n3A_2373 : vector<16xi1>, vector<16xi32>
      %mul3A_2377 = arith.constant 8 : i32
      %mul3A_2378 = vector.broadcast %mul3A_2377 : i32 to vector<16xi32>
      %mul3A_2379 = arith.muli %iota3A, %mul3A_2378 : vector<16xi32>
      %mul3A_2380 = arith.constant 128 : i32
      %mul3A_2381 = arith.muli %scan3A_16, %mul3A_2380 : i32
      %add3A_2382 = arith.constant 1 : i32
      %add3A_2383 = arith.addi %mul3A_2381, %add3A_2382 : i32
      %add3A_2384 = vector.broadcast %add3A_2383 : i32 to vector<16xi32>
      %add3A_2385 = arith.addi %mul3A_2379, %add3A_2384 : vector<16xi32>
      tpu.vector_store_idx %arg7[%add3A_2385], %select_n3A_2376 : memref<2048xi32, #tpu.memory_space<vmem>>[vector<16xi32>], vector<16xi32>,
      %eq3A_2386 = arith.cmpi eq, %select_n3A_2376, %add3A_1332 : vector<16xi32>
      %broadcast_in_dim3A_2387 = vector.broadcast %scan3A_8 : f32 to vector<16xf32>
      %select_n3A_2388 = arith.select %eq3A_2386, %broadcast_in_dim3A_2387, %select_n3A_2190 : vector<16xi1>, vector<16xf32>
      %eq3A_2389 = arith.cmpi eq, %select_n3A_2376, %add3A_1354 : vector<16xi32>
      %broadcast_in_dim3A_2390 = vector.broadcast %scan3A_8 : f32 to vector<16xf32>
      %select_n3A_2391 = arith.select %eq3A_2389, %broadcast_in_dim3A_2390, %select_n3A_2193 : vector<16xi1>, vector<16xf32>
      %eq3A_2392 = arith.cmpi eq, %select_n3A_2376, %add3A_1377 : vector<16xi32>
      %broadcast_in_dim3A_2393 = vector.broadcast %scan3A_8 : f32 to vector<16xf32>
      %select_n3A_2394 = arith.select %eq3A_2392, %broadcast_in_dim3A_2393, %select_n3A_2196 : vector<16xi1>, vector<16xf32>
      %eq3A_2395 = arith.cmpi eq, %select_n3A_2376, %add3A_1400 : vector<16xi32>
      %broadcast_in_dim3A_2396 = vector.broadcast %scan3A_8 : f32 to vector<16xf32>
      %select_n3A_2397 = arith.select %eq3A_2395, %broadcast_in_dim3A_2396, %select_n3A_2199 : vector<16xi1>, vector<16xf32>
      %eq3A_2398 = arith.cmpi eq, %select_n3A_2376, %add3A_1426 : vector<16xi32>
      %broadcast_in_dim3A_2399 = vector.broadcast %scan3A_8 : f32 to vector<16xf32>
      %select_n3A_2400 = arith.select %eq3A_2398, %broadcast_in_dim3A_2399, %select_n3A_2202 : vector<16xi1>, vector<16xf32>
      %eq3A_2401 = arith.cmpi eq, %select_n3A_2376, %add3A_1449 : vector<16xi32>
      %broadcast_in_dim3A_2402 = vector.broadcast %scan3A_8 : f32 to vector<16xf32>
      %select_n3A_2403 = arith.select %eq3A_2401, %broadcast_in_dim3A_2402, %select_n3A_2205 : vector<16xi1>, vector<16xf32>
      %eq3A_2404 = arith.cmpi eq, %select_n3A_2376, %add3A_1472 : vector<16xi32>
      %broadcast_in_dim3A_2405 = vector.broadcast %scan3A_8 : f32 to vector<16xf32>
      %select_n3A_2406 = arith.select %eq3A_2404, %broadcast_in_dim3A_2405, %select_n3A_2208 : vector<16xi1>, vector<16xf32>
      %eq3A_2407 = arith.cmpi eq, %select_n3A_2376, %add3A_1495 : vector<16xi32>
      %broadcast_in_dim3A_2408 = vector.broadcast %scan3A_8 : f32 to vector<16xf32>
      %select_n3A_2409 = arith.select %eq3A_2407, %broadcast_in_dim3A_2408, %select_n3A_2211 : vector<16xi1>, vector<16xf32>
      %eq3A_2410 = arith.cmpi eq, %select_n3A_2376, %add3A_1521 : vector<16xi32>
      %broadcast_in_dim3A_2411 = vector.broadcast %scan3A_8 : f32 to vector<16xf32>
      %select_n3A_2412 = arith.select %eq3A_2410, %broadcast_in_dim3A_2411, %select_n3A_2214 : vector<16xi1>, vector<16xf32>
      %eq3A_2413 = arith.cmpi eq, %select_n3A_2376, %add3A_1544 : vector<16xi32>
      %broadcast_in_dim3A_2414 = vector.broadcast %scan3A_8 : f32 to vector<16xf32>
      %select_n3A_2415 = arith.select %eq3A_2413, %broadcast_in_dim3A_2414, %select_n3A_2217 : vector<16xi1>, vector<16xf32>
      %eq3A_2416 = arith.cmpi eq, %select_n3A_2376, %add3A_1567 : vector<16xi32>
      %broadcast_in_dim3A_2417 = vector.broadcast %scan3A_8 : f32 to vector<16xf32>
      %select_n3A_2418 = arith.select %eq3A_2416, %broadcast_in_dim3A_2417, %select_n3A_2220 : vector<16xi1>, vector<16xf32>
      %eq3A_2419 = arith.cmpi eq, %select_n3A_2376, %add3A_1590 : vector<16xi32>
      %broadcast_in_dim3A_2420 = vector.broadcast %scan3A_8 : f32 to vector<16xf32>
      %select_n3A_2421 = arith.select %eq3A_2419, %broadcast_in_dim3A_2420, %select_n3A_2223 : vector<16xi1>, vector<16xf32>
      %eq3A_2422 = arith.cmpi eq, %select_n3A_2376, %add3A_1616 : vector<16xi32>
      %broadcast_in_dim3A_2423 = vector.broadcast %scan3A_8 : f32 to vector<16xf32>
      %select_n3A_2424 = arith.select %eq3A_2422, %broadcast_in_dim3A_2423, %select_n3A_2226 : vector<16xi1>, vector<16xf32>
      %eq3A_2425 = arith.cmpi eq, %select_n3A_2376, %add3A_1639 : vector<16xi32>
      %broadcast_in_dim3A_2426 = vector.broadcast %scan3A_8 : f32 to vector<16xf32>
      %select_n3A_2427 = arith.select %eq3A_2425, %broadcast_in_dim3A_2426, %select_n3A_2229 : vector<16xi1>, vector<16xf32>
      %eq3A_2428 = arith.cmpi eq, %select_n3A_2376, %add3A_1662 : vector<16xi32>
      %broadcast_in_dim3A_2429 = vector.broadcast %scan3A_8 : f32 to vector<16xf32>
      %select_n3A_2430 = arith.select %eq3A_2428, %broadcast_in_dim3A_2429, %select_n3A_2232 : vector<16xi1>, vector<16xf32>
      %eq3A_2431 = arith.cmpi eq, %select_n3A_2376, %add3A_1685 : vector<16xi32>
      %broadcast_in_dim3A_2432 = vector.broadcast %scan3A_8 : f32 to vector<16xf32>
      %select_n3A_2433 = arith.select %eq3A_2431, %broadcast_in_dim3A_2432, %select_n3A_2235 : vector<16xi1>, vector<16xf32>
      %eq3A_2434 = arith.cmpi eq, %select_n3A_2376, %add3A_1711 : vector<16xi32>
      %broadcast_in_dim3A_2435 = vector.broadcast %scan3A_8 : f32 to vector<16xf32>
      %select_n3A_2436 = arith.select %eq3A_2434, %broadcast_in_dim3A_2435, %select_n3A_2238 : vector<16xi1>, vector<16xf32>
      %eq3A_2437 = arith.cmpi eq, %select_n3A_2376, %add3A_1734 : vector<16xi32>
      %broadcast_in_dim3A_2438 = vector.broadcast %scan3A_8 : f32 to vector<16xf32>
      %select_n3A_2439 = arith.select %eq3A_2437, %broadcast_in_dim3A_2438, %select_n3A_2241 : vector<16xi1>, vector<16xf32>
      %eq3A_2440 = arith.cmpi eq, %select_n3A_2376, %add3A_1757 : vector<16xi32>
      %broadcast_in_dim3A_2441 = vector.broadcast %scan3A_8 : f32 to vector<16xf32>
      %select_n3A_2442 = arith.select %eq3A_2440, %broadcast_in_dim3A_2441, %select_n3A_2244 : vector<16xi1>, vector<16xf32>
      %eq3A_2443 = arith.cmpi eq, %select_n3A_2376, %add3A_1780 : vector<16xi32>
      %broadcast_in_dim3A_2444 = vector.broadcast %scan3A_8 : f32 to vector<16xf32>
      %select_n3A_2445 = arith.select %eq3A_2443, %broadcast_in_dim3A_2444, %select_n3A_2247 : vector<16xi1>, vector<16xf32>
      %eq3A_2446 = arith.cmpi eq, %select_n3A_2376, %add3A_1806 : vector<16xi32>
      %broadcast_in_dim3A_2447 = vector.broadcast %scan3A_8 : f32 to vector<16xf32>
      %select_n3A_2448 = arith.select %eq3A_2446, %broadcast_in_dim3A_2447, %select_n3A_2250 : vector<16xi1>, vector<16xf32>
      %eq3A_2449 = arith.cmpi eq, %select_n3A_2376, %add3A_1829 : vector<16xi32>
      %broadcast_in_dim3A_2450 = vector.broadcast %scan3A_8 : f32 to vector<16xf32>
      %select_n3A_2451 = arith.select %eq3A_2449, %broadcast_in_dim3A_2450, %select_n3A_2253 : vector<16xi1>, vector<16xf32>
      %eq3A_2452 = arith.cmpi eq, %select_n3A_2376, %add3A_1852 : vector<16xi32>
      %broadcast_in_dim3A_2453 = vector.broadcast %scan3A_8 : f32 to vector<16xf32>
      %select_n3A_2454 = arith.select %eq3A_2452, %broadcast_in_dim3A_2453, %select_n3A_2256 : vector<16xi1>, vector<16xf32>
      %eq3A_2455 = arith.cmpi eq, %select_n3A_2376, %add3A_1875 : vector<16xi32>
      %broadcast_in_dim3A_2456 = vector.broadcast %scan3A_8 : f32 to vector<16xf32>
      %select_n3A_2457 = arith.select %eq3A_2455, %broadcast_in_dim3A_2456, %select_n3A_2259 : vector<16xi1>, vector<16xf32>
      %eq3A_2458 = arith.cmpi eq, %select_n3A_2376, %add3A_1901 : vector<16xi32>
      %broadcast_in_dim3A_2459 = vector.broadcast %scan3A_8 : f32 to vector<16xf32>
      %select_n3A_2460 = arith.select %eq3A_2458, %broadcast_in_dim3A_2459, %select_n3A_2262 : vector<16xi1>, vector<16xf32>
      %eq3A_2461 = arith.cmpi eq, %select_n3A_2376, %add3A_1924 : vector<16xi32>
      %broadcast_in_dim3A_2462 = vector.broadcast %scan3A_8 : f32 to vector<16xf32>
      %select_n3A_2463 = arith.select %eq3A_2461, %broadcast_in_dim3A_2462, %select_n3A_2265 : vector<16xi1>, vector<16xf32>
      %eq3A_2464 = arith.cmpi eq, %select_n3A_2376, %add3A_1947 : vector<16xi32>
      %broadcast_in_dim3A_2465 = vector.broadcast %scan3A_8 : f32 to vector<16xf32>
      %select_n3A_2466 = arith.select %eq3A_2464, %broadcast_in_dim3A_2465, %select_n3A_2268 : vector<16xi1>, vector<16xf32>
      %eq3A_2467 = arith.cmpi eq, %select_n3A_2376, %add3A_1970 : vector<16xi32>
      %broadcast_in_dim3A_2468 = vector.broadcast %scan3A_8 : f32 to vector<16xf32>
      %select_n3A_2469 = arith.select %eq3A_2467, %broadcast_in_dim3A_2468, %select_n3A_2271 : vector<16xi1>, vector<16xf32>
      %eq3A_2470 = arith.cmpi eq, %select_n3A_2376, %add3A_1996 : vector<16xi32>
      %broadcast_in_dim3A_2471 = vector.broadcast %scan3A_8 : f32 to vector<16xf32>
      %select_n3A_2472 = arith.select %eq3A_2470, %broadcast_in_dim3A_2471, %select_n3A_2274 : vector<16xi1>, vector<16xf32>
      %eq3A_2473 = arith.cmpi eq, %select_n3A_2376, %add3A_2019 : vector<16xi32>
      %broadcast_in_dim3A_2474 = vector.broadcast %scan3A_8 : f32 to vector<16xf32>
      %select_n3A_2475 = arith.select %eq3A_2473, %broadcast_in_dim3A_2474, %select_n3A_2277 : vector<16xi1>, vector<16xf32>
      %eq3A_2476 = arith.cmpi eq, %select_n3A_2376, %add3A_2042 : vector<16xi32>
      %broadcast_in_dim3A_2477 = vector.broadcast %scan3A_8 : f32 to vector<16xf32>
      %select_n3A_2478 = arith.select %eq3A_2476, %broadcast_in_dim3A_2477, %select_n3A_2280 : vector<16xi1>, vector<16xf32>
      %eq3A_2479 = arith.cmpi eq, %select_n3A_2376, %add3A_2065 : vector<16xi32>
      %broadcast_in_dim3A_2480 = vector.broadcast %scan3A_8 : f32 to vector<16xf32>
      %select_n3A_2481 = arith.select %eq3A_2479, %broadcast_in_dim3A_2480, %select_n3A_2283 : vector<16xi1>, vector<16xf32>
      %le3A_2482 = arith.cmpf ole, %select_n3A_2388, %select_n3A_2391 : vector<16xf32>
      %min3A_2483 = arith.minimumf %select_n3A_2388, %select_n3A_2391 : vector<16xf32>
      %select_n3A_2484 = arith.select %le3A_2482, %add3A_1332, %add3A_1354 : vector<16xi1>, vector<16xi32>
      %le3A_2485 = arith.cmpf ole, %select_n3A_2394, %select_n3A_2397 : vector<16xf32>
      %min3A_2486 = arith.minimumf %select_n3A_2394, %select_n3A_2397 : vector<16xf32>
      %select_n3A_2487 = arith.select %le3A_2485, %add3A_1377, %add3A_1400 : vector<16xi1>, vector<16xi32>
      %le3A_2488 = arith.cmpf ole, %select_n3A_2400, %select_n3A_2403 : vector<16xf32>
      %min3A_2489 = arith.minimumf %select_n3A_2400, %select_n3A_2403 : vector<16xf32>
      %select_n3A_2490 = arith.select %le3A_2488, %add3A_1426, %add3A_1449 : vector<16xi1>, vector<16xi32>
      %le3A_2491 = arith.cmpf ole, %select_n3A_2406, %select_n3A_2409 : vector<16xf32>
      %min3A_2492 = arith.minimumf %select_n3A_2406, %select_n3A_2409 : vector<16xf32>
      %select_n3A_2493 = arith.select %le3A_2491, %add3A_1472, %add3A_1495 : vector<16xi1>, vector<16xi32>
      %le3A_2494 = arith.cmpf ole, %select_n3A_2412, %select_n3A_2415 : vector<16xf32>
      %min3A_2495 = arith.minimumf %select_n3A_2412, %select_n3A_2415 : vector<16xf32>
      %select_n3A_2496 = arith.select %le3A_2494, %add3A_1521, %add3A_1544 : vector<16xi1>, vector<16xi32>
      %le3A_2497 = arith.cmpf ole, %select_n3A_2418, %select_n3A_2421 : vector<16xf32>
      %min3A_2498 = arith.minimumf %select_n3A_2418, %select_n3A_2421 : vector<16xf32>
      %select_n3A_2499 = arith.select %le3A_2497, %add3A_1567, %add3A_1590 : vector<16xi1>, vector<16xi32>
      %le3A_2500 = arith.cmpf ole, %select_n3A_2424, %select_n3A_2427 : vector<16xf32>
      %min3A_2501 = arith.minimumf %select_n3A_2424, %select_n3A_2427 : vector<16xf32>
      %select_n3A_2502 = arith.select %le3A_2500, %add3A_1616, %add3A_1639 : vector<16xi1>, vector<16xi32>
      %le3A_2503 = arith.cmpf ole, %select_n3A_2430, %select_n3A_2433 : vector<16xf32>
      %min3A_2504 = arith.minimumf %select_n3A_2430, %select_n3A_2433 : vector<16xf32>
      %select_n3A_2505 = arith.select %le3A_2503, %add3A_1662, %add3A_1685 : vector<16xi1>, vector<16xi32>
      %le3A_2506 = arith.cmpf ole, %select_n3A_2436, %select_n3A_2439 : vector<16xf32>
      %min3A_2507 = arith.minimumf %select_n3A_2436, %select_n3A_2439 : vector<16xf32>
      %select_n3A_2508 = arith.select %le3A_2506, %add3A_1711, %add3A_1734 : vector<16xi1>, vector<16xi32>
      %le3A_2509 = arith.cmpf ole, %select_n3A_2442, %select_n3A_2445 : vector<16xf32>
      %min3A_2510 = arith.minimumf %select_n3A_2442, %select_n3A_2445 : vector<16xf32>
      %select_n3A_2511 = arith.select %le3A_2509, %add3A_1757, %add3A_1780 : vector<16xi1>, vector<16xi32>
      %le3A_2512 = arith.cmpf ole, %select_n3A_2448, %select_n3A_2451 : vector<16xf32>
      %min3A_2513 = arith.minimumf %select_n3A_2448, %select_n3A_2451 : vector<16xf32>
      %select_n3A_2514 = arith.select %le3A_2512, %add3A_1806, %add3A_1829 : vector<16xi1>, vector<16xi32>
      %le3A_2515 = arith.cmpf ole, %select_n3A_2454, %select_n3A_2457 : vector<16xf32>
      %min3A_2516 = arith.minimumf %select_n3A_2454, %select_n3A_2457 : vector<16xf32>
      %select_n3A_2517 = arith.select %le3A_2515, %add3A_1852, %add3A_1875 : vector<16xi1>, vector<16xi32>
      %le3A_2518 = arith.cmpf ole, %select_n3A_2460, %select_n3A_2463 : vector<16xf32>
      %min3A_2519 = arith.minimumf %select_n3A_2460, %select_n3A_2463 : vector<16xf32>
      %select_n3A_2520 = arith.select %le3A_2518, %add3A_1901, %add3A_1924 : vector<16xi1>, vector<16xi32>
      %le3A_2521 = arith.cmpf ole, %select_n3A_2466, %select_n3A_2469 : vector<16xf32>
      %min3A_2522 = arith.minimumf %select_n3A_2466, %select_n3A_2469 : vector<16xf32>
      %select_n3A_2523 = arith.select %le3A_2521, %add3A_1947, %add3A_1970 : vector<16xi1>, vector<16xi32>
      %le3A_2524 = arith.cmpf ole, %select_n3A_2472, %select_n3A_2475 : vector<16xf32>
      %min3A_2525 = arith.minimumf %select_n3A_2472, %select_n3A_2475 : vector<16xf32>
      %select_n3A_2526 = arith.select %le3A_2524, %add3A_1996, %add3A_2019 : vector<16xi1>, vector<16xi32>
      %le3A_2527 = arith.cmpf ole, %select_n3A_2478, %select_n3A_2481 : vector<16xf32>
      %min3A_2528 = arith.minimumf %select_n3A_2478, %select_n3A_2481 : vector<16xf32>
      %select_n3A_2529 = arith.select %le3A_2527, %add3A_2042, %add3A_2065 : vector<16xi1>, vector<16xi32>
      %le3A_2530 = arith.cmpf ole, %min3A_2483, %min3A_2486 : vector<16xf32>
      %min3A_2531 = arith.minimumf %min3A_2483, %min3A_2486 : vector<16xf32>
      %select_n3A_2532 = arith.select %le3A_2530, %select_n3A_2484, %select_n3A_2487 : vector<16xi1>, vector<16xi32>
      %le3A_2533 = arith.cmpf ole, %min3A_2489, %min3A_2492 : vector<16xf32>
      %min3A_2534 = arith.minimumf %min3A_2489, %min3A_2492 : vector<16xf32>
      %select_n3A_2535 = arith.select %le3A_2533, %select_n3A_2490, %select_n3A_2493 : vector<16xi1>, vector<16xi32>
      %le3A_2536 = arith.cmpf ole, %min3A_2495, %min3A_2498 : vector<16xf32>
      %min3A_2537 = arith.minimumf %min3A_2495, %min3A_2498 : vector<16xf32>
      %select_n3A_2538 = arith.select %le3A_2536, %select_n3A_2496, %select_n3A_2499 : vector<16xi1>, vector<16xi32>
      %le3A_2539 = arith.cmpf ole, %min3A_2501, %min3A_2504 : vector<16xf32>
      %min3A_2540 = arith.minimumf %min3A_2501, %min3A_2504 : vector<16xf32>
      %select_n3A_2541 = arith.select %le3A_2539, %select_n3A_2502, %select_n3A_2505 : vector<16xi1>, vector<16xi32>
      %le3A_2542 = arith.cmpf ole, %min3A_2507, %min3A_2510 : vector<16xf32>
      %min3A_2543 = arith.minimumf %min3A_2507, %min3A_2510 : vector<16xf32>
      %select_n3A_2544 = arith.select %le3A_2542, %select_n3A_2508, %select_n3A_2511 : vector<16xi1>, vector<16xi32>
      %le3A_2545 = arith.cmpf ole, %min3A_2513, %min3A_2516 : vector<16xf32>
      %min3A_2546 = arith.minimumf %min3A_2513, %min3A_2516 : vector<16xf32>
      %select_n3A_2547 = arith.select %le3A_2545, %select_n3A_2514, %select_n3A_2517 : vector<16xi1>, vector<16xi32>
      %le3A_2548 = arith.cmpf ole, %min3A_2519, %min3A_2522 : vector<16xf32>
      %min3A_2549 = arith.minimumf %min3A_2519, %min3A_2522 : vector<16xf32>
      %select_n3A_2550 = arith.select %le3A_2548, %select_n3A_2520, %select_n3A_2523 : vector<16xi1>, vector<16xi32>
      %le3A_2551 = arith.cmpf ole, %min3A_2525, %min3A_2528 : vector<16xf32>
      %min3A_2552 = arith.minimumf %min3A_2525, %min3A_2528 : vector<16xf32>
      %select_n3A_2553 = arith.select %le3A_2551, %select_n3A_2526, %select_n3A_2529 : vector<16xi1>, vector<16xi32>
      %le3A_2554 = arith.cmpf ole, %min3A_2531, %min3A_2534 : vector<16xf32>
      %min3A_2555 = arith.minimumf %min3A_2531, %min3A_2534 : vector<16xf32>
      %select_n3A_2556 = arith.select %le3A_2554, %select_n3A_2532, %select_n3A_2535 : vector<16xi1>, vector<16xi32>
      %le3A_2557 = arith.cmpf ole, %min3A_2537, %min3A_2540 : vector<16xf32>
      %min3A_2558 = arith.minimumf %min3A_2537, %min3A_2540 : vector<16xf32>
      %select_n3A_2559 = arith.select %le3A_2557, %select_n3A_2538, %select_n3A_2541 : vector<16xi1>, vector<16xi32>
      %le3A_2560 = arith.cmpf ole, %min3A_2543, %min3A_2546 : vector<16xf32>
      %min3A_2561 = arith.minimumf %min3A_2543, %min3A_2546 : vector<16xf32>
      %select_n3A_2562 = arith.select %le3A_2560, %select_n3A_2544, %select_n3A_2547 : vector<16xi1>, vector<16xi32>
      %le3A_2563 = arith.cmpf ole, %min3A_2549, %min3A_2552 : vector<16xf32>
      %min3A_2564 = arith.minimumf %min3A_2549, %min3A_2552 : vector<16xf32>
      %select_n3A_2565 = arith.select %le3A_2563, %select_n3A_2550, %select_n3A_2553 : vector<16xi1>, vector<16xi32>
      %le3A_2566 = arith.cmpf ole, %min3A_2555, %min3A_2558 : vector<16xf32>
      %min3A_2567 = arith.minimumf %min3A_2555, %min3A_2558 : vector<16xf32>
      %select_n3A_2568 = arith.select %le3A_2566, %select_n3A_2556, %select_n3A_2559 : vector<16xi1>, vector<16xi32>
      %le3A_2569 = arith.cmpf ole, %min3A_2561, %min3A_2564 : vector<16xf32>
      %min3A_2570 = arith.minimumf %min3A_2561, %min3A_2564 : vector<16xf32>
      %select_n3A_2571 = arith.select %le3A_2569, %select_n3A_2562, %select_n3A_2565 : vector<16xi1>, vector<16xi32>
      %le3A_2572 = arith.cmpf ole, %min3A_2567, %min3A_2570 : vector<16xf32>
      %min3A_2573 = arith.minimumf %min3A_2567, %min3A_2570 : vector<16xf32>
      %select_n3A_2574 = arith.select %le3A_2572, %select_n3A_2568, %select_n3A_2571 : vector<16xi1>, vector<16xi32>
      %mul3A_2575 = arith.constant 8 : i32
      %mul3A_2576 = vector.broadcast %mul3A_2575 : i32 to vector<16xi32>
      %mul3A_2577 = arith.muli %iota3A, %mul3A_2576 : vector<16xi32>
      %mul3A_2578 = arith.constant 128 : i32
      %mul3A_2579 = arith.muli %scan3A_16, %mul3A_2578 : i32
      %add3A_2580 = arith.constant 2 : i32
      %add3A_2581 = arith.addi %mul3A_2579, %add3A_2580 : i32
      %add3A_2582 = vector.broadcast %add3A_2581 : i32 to vector<16xi32>
      %add3A_2583 = arith.addi %mul3A_2577, %add3A_2582 : vector<16xi32>
      tpu.vector_store_idx %arg7[%add3A_2583], %select_n3A_2574 : memref<2048xi32, #tpu.memory_space<vmem>>[vector<16xi32>], vector<16xi32>,
      %eq3A_2584 = arith.cmpi eq, %select_n3A_2574, %add3A_1332 : vector<16xi32>
      %broadcast_in_dim3A_2585 = vector.broadcast %scan3A_8 : f32 to vector<16xf32>
      %select_n3A_2586 = arith.select %eq3A_2584, %broadcast_in_dim3A_2585, %select_n3A_2388 : vector<16xi1>, vector<16xf32>
      %eq3A_2587 = arith.cmpi eq, %select_n3A_2574, %add3A_1354 : vector<16xi32>
      %broadcast_in_dim3A_2588 = vector.broadcast %scan3A_8 : f32 to vector<16xf32>
      %select_n3A_2589 = arith.select %eq3A_2587, %broadcast_in_dim3A_2588, %select_n3A_2391 : vector<16xi1>, vector<16xf32>
      %eq3A_2590 = arith.cmpi eq, %select_n3A_2574, %add3A_1377 : vector<16xi32>
      %broadcast_in_dim3A_2591 = vector.broadcast %scan3A_8 : f32 to vector<16xf32>
      %select_n3A_2592 = arith.select %eq3A_2590, %broadcast_in_dim3A_2591, %select_n3A_2394 : vector<16xi1>, vector<16xf32>
      %eq3A_2593 = arith.cmpi eq, %select_n3A_2574, %add3A_1400 : vector<16xi32>
      %broadcast_in_dim3A_2594 = vector.broadcast %scan3A_8 : f32 to vector<16xf32>
      %select_n3A_2595 = arith.select %eq3A_2593, %broadcast_in_dim3A_2594, %select_n3A_2397 : vector<16xi1>, vector<16xf32>
      %eq3A_2596 = arith.cmpi eq, %select_n3A_2574, %add3A_1426 : vector<16xi32>
      %broadcast_in_dim3A_2597 = vector.broadcast %scan3A_8 : f32 to vector<16xf32>
      %select_n3A_2598 = arith.select %eq3A_2596, %broadcast_in_dim3A_2597, %select_n3A_2400 : vector<16xi1>, vector<16xf32>
      %eq3A_2599 = arith.cmpi eq, %select_n3A_2574, %add3A_1449 : vector<16xi32>
      %broadcast_in_dim3A_2600 = vector.broadcast %scan3A_8 : f32 to vector<16xf32>
      %select_n3A_2601 = arith.select %eq3A_2599, %broadcast_in_dim3A_2600, %select_n3A_2403 : vector<16xi1>, vector<16xf32>
      %eq3A_2602 = arith.cmpi eq, %select_n3A_2574, %add3A_1472 : vector<16xi32>
      %broadcast_in_dim3A_2603 = vector.broadcast %scan3A_8 : f32 to vector<16xf32>
      %select_n3A_2604 = arith.select %eq3A_2602, %broadcast_in_dim3A_2603, %select_n3A_2406 : vector<16xi1>, vector<16xf32>
      %eq3A_2605 = arith.cmpi eq, %select_n3A_2574, %add3A_1495 : vector<16xi32>
      %broadcast_in_dim3A_2606 = vector.broadcast %scan3A_8 : f32 to vector<16xf32>
      %select_n3A_2607 = arith.select %eq3A_2605, %broadcast_in_dim3A_2606, %select_n3A_2409 : vector<16xi1>, vector<16xf32>
      %eq3A_2608 = arith.cmpi eq, %select_n3A_2574, %add3A_1521 : vector<16xi32>
      %broadcast_in_dim3A_2609 = vector.broadcast %scan3A_8 : f32 to vector<16xf32>
      %select_n3A_2610 = arith.select %eq3A_2608, %broadcast_in_dim3A_2609, %select_n3A_2412 : vector<16xi1>, vector<16xf32>
      %eq3A_2611 = arith.cmpi eq, %select_n3A_2574, %add3A_1544 : vector<16xi32>
      %broadcast_in_dim3A_2612 = vector.broadcast %scan3A_8 : f32 to vector<16xf32>
      %select_n3A_2613 = arith.select %eq3A_2611, %broadcast_in_dim3A_2612, %select_n3A_2415 : vector<16xi1>, vector<16xf32>
      %eq3A_2614 = arith.cmpi eq, %select_n3A_2574, %add3A_1567 : vector<16xi32>
      %broadcast_in_dim3A_2615 = vector.broadcast %scan3A_8 : f32 to vector<16xf32>
      %select_n3A_2616 = arith.select %eq3A_2614, %broadcast_in_dim3A_2615, %select_n3A_2418 : vector<16xi1>, vector<16xf32>
      %eq3A_2617 = arith.cmpi eq, %select_n3A_2574, %add3A_1590 : vector<16xi32>
      %broadcast_in_dim3A_2618 = vector.broadcast %scan3A_8 : f32 to vector<16xf32>
      %select_n3A_2619 = arith.select %eq3A_2617, %broadcast_in_dim3A_2618, %select_n3A_2421 : vector<16xi1>, vector<16xf32>
      %eq3A_2620 = arith.cmpi eq, %select_n3A_2574, %add3A_1616 : vector<16xi32>
      %broadcast_in_dim3A_2621 = vector.broadcast %scan3A_8 : f32 to vector<16xf32>
      %select_n3A_2622 = arith.select %eq3A_2620, %broadcast_in_dim3A_2621, %select_n3A_2424 : vector<16xi1>, vector<16xf32>
      %eq3A_2623 = arith.cmpi eq, %select_n3A_2574, %add3A_1639 : vector<16xi32>
      %broadcast_in_dim3A_2624 = vector.broadcast %scan3A_8 : f32 to vector<16xf32>
      %select_n3A_2625 = arith.select %eq3A_2623, %broadcast_in_dim3A_2624, %select_n3A_2427 : vector<16xi1>, vector<16xf32>
      %eq3A_2626 = arith.cmpi eq, %select_n3A_2574, %add3A_1662 : vector<16xi32>
      %broadcast_in_dim3A_2627 = vector.broadcast %scan3A_8 : f32 to vector<16xf32>
      %select_n3A_2628 = arith.select %eq3A_2626, %broadcast_in_dim3A_2627, %select_n3A_2430 : vector<16xi1>, vector<16xf32>
      %eq3A_2629 = arith.cmpi eq, %select_n3A_2574, %add3A_1685 : vector<16xi32>
      %broadcast_in_dim3A_2630 = vector.broadcast %scan3A_8 : f32 to vector<16xf32>
      %select_n3A_2631 = arith.select %eq3A_2629, %broadcast_in_dim3A_2630, %select_n3A_2433 : vector<16xi1>, vector<16xf32>
      %eq3A_2632 = arith.cmpi eq, %select_n3A_2574, %add3A_1711 : vector<16xi32>
      %broadcast_in_dim3A_2633 = vector.broadcast %scan3A_8 : f32 to vector<16xf32>
      %select_n3A_2634 = arith.select %eq3A_2632, %broadcast_in_dim3A_2633, %select_n3A_2436 : vector<16xi1>, vector<16xf32>
      %eq3A_2635 = arith.cmpi eq, %select_n3A_2574, %add3A_1734 : vector<16xi32>
      %broadcast_in_dim3A_2636 = vector.broadcast %scan3A_8 : f32 to vector<16xf32>
      %select_n3A_2637 = arith.select %eq3A_2635, %broadcast_in_dim3A_2636, %select_n3A_2439 : vector<16xi1>, vector<16xf32>
      %eq3A_2638 = arith.cmpi eq, %select_n3A_2574, %add3A_1757 : vector<16xi32>
      %broadcast_in_dim3A_2639 = vector.broadcast %scan3A_8 : f32 to vector<16xf32>
      %select_n3A_2640 = arith.select %eq3A_2638, %broadcast_in_dim3A_2639, %select_n3A_2442 : vector<16xi1>, vector<16xf32>
      %eq3A_2641 = arith.cmpi eq, %select_n3A_2574, %add3A_1780 : vector<16xi32>
      %broadcast_in_dim3A_2642 = vector.broadcast %scan3A_8 : f32 to vector<16xf32>
      %select_n3A_2643 = arith.select %eq3A_2641, %broadcast_in_dim3A_2642, %select_n3A_2445 : vector<16xi1>, vector<16xf32>
      %eq3A_2644 = arith.cmpi eq, %select_n3A_2574, %add3A_1806 : vector<16xi32>
      %broadcast_in_dim3A_2645 = vector.broadcast %scan3A_8 : f32 to vector<16xf32>
      %select_n3A_2646 = arith.select %eq3A_2644, %broadcast_in_dim3A_2645, %select_n3A_2448 : vector<16xi1>, vector<16xf32>
      %eq3A_2647 = arith.cmpi eq, %select_n3A_2574, %add3A_1829 : vector<16xi32>
      %broadcast_in_dim3A_2648 = vector.broadcast %scan3A_8 : f32 to vector<16xf32>
      %select_n3A_2649 = arith.select %eq3A_2647, %broadcast_in_dim3A_2648, %select_n3A_2451 : vector<16xi1>, vector<16xf32>
      %eq3A_2650 = arith.cmpi eq, %select_n3A_2574, %add3A_1852 : vector<16xi32>
      %broadcast_in_dim3A_2651 = vector.broadcast %scan3A_8 : f32 to vector<16xf32>
      %select_n3A_2652 = arith.select %eq3A_2650, %broadcast_in_dim3A_2651, %select_n3A_2454 : vector<16xi1>, vector<16xf32>
      %eq3A_2653 = arith.cmpi eq, %select_n3A_2574, %add3A_1875 : vector<16xi32>
      %broadcast_in_dim3A_2654 = vector.broadcast %scan3A_8 : f32 to vector<16xf32>
      %select_n3A_2655 = arith.select %eq3A_2653, %broadcast_in_dim3A_2654, %select_n3A_2457 : vector<16xi1>, vector<16xf32>
      %eq3A_2656 = arith.cmpi eq, %select_n3A_2574, %add3A_1901 : vector<16xi32>
      %broadcast_in_dim3A_2657 = vector.broadcast %scan3A_8 : f32 to vector<16xf32>
      %select_n3A_2658 = arith.select %eq3A_2656, %broadcast_in_dim3A_2657, %select_n3A_2460 : vector<16xi1>, vector<16xf32>
      %eq3A_2659 = arith.cmpi eq, %select_n3A_2574, %add3A_1924 : vector<16xi32>
      %broadcast_in_dim3A_2660 = vector.broadcast %scan3A_8 : f32 to vector<16xf32>
      %select_n3A_2661 = arith.select %eq3A_2659, %broadcast_in_dim3A_2660, %select_n3A_2463 : vector<16xi1>, vector<16xf32>
      %eq3A_2662 = arith.cmpi eq, %select_n3A_2574, %add3A_1947 : vector<16xi32>
      %broadcast_in_dim3A_2663 = vector.broadcast %scan3A_8 : f32 to vector<16xf32>
      %select_n3A_2664 = arith.select %eq3A_2662, %broadcast_in_dim3A_2663, %select_n3A_2466 : vector<16xi1>, vector<16xf32>
      %eq3A_2665 = arith.cmpi eq, %select_n3A_2574, %add3A_1970 : vector<16xi32>
      %broadcast_in_dim3A_2666 = vector.broadcast %scan3A_8 : f32 to vector<16xf32>
      %select_n3A_2667 = arith.select %eq3A_2665, %broadcast_in_dim3A_2666, %select_n3A_2469 : vector<16xi1>, vector<16xf32>
      %eq3A_2668 = arith.cmpi eq, %select_n3A_2574, %add3A_1996 : vector<16xi32>
      %broadcast_in_dim3A_2669 = vector.broadcast %scan3A_8 : f32 to vector<16xf32>
      %select_n3A_2670 = arith.select %eq3A_2668, %broadcast_in_dim3A_2669, %select_n3A_2472 : vector<16xi1>, vector<16xf32>
      %eq3A_2671 = arith.cmpi eq, %select_n3A_2574, %add3A_2019 : vector<16xi32>
      %broadcast_in_dim3A_2672 = vector.broadcast %scan3A_8 : f32 to vector<16xf32>
      %select_n3A_2673 = arith.select %eq3A_2671, %broadcast_in_dim3A_2672, %select_n3A_2475 : vector<16xi1>, vector<16xf32>
      %eq3A_2674 = arith.cmpi eq, %select_n3A_2574, %add3A_2042 : vector<16xi32>
      %broadcast_in_dim3A_2675 = vector.broadcast %scan3A_8 : f32 to vector<16xf32>
      %select_n3A_2676 = arith.select %eq3A_2674, %broadcast_in_dim3A_2675, %select_n3A_2478 : vector<16xi1>, vector<16xf32>
      %eq3A_2677 = arith.cmpi eq, %select_n3A_2574, %add3A_2065 : vector<16xi32>
      %broadcast_in_dim3A_2678 = vector.broadcast %scan3A_8 : f32 to vector<16xf32>
      %select_n3A_2679 = arith.select %eq3A_2677, %broadcast_in_dim3A_2678, %select_n3A_2481 : vector<16xi1>, vector<16xf32>
      %le3A_2680 = arith.cmpf ole, %select_n3A_2586, %select_n3A_2589 : vector<16xf32>
      %min3A_2681 = arith.minimumf %select_n3A_2586, %select_n3A_2589 : vector<16xf32>
      %select_n3A_2682 = arith.select %le3A_2680, %add3A_1332, %add3A_1354 : vector<16xi1>, vector<16xi32>
      %le3A_2683 = arith.cmpf ole, %select_n3A_2592, %select_n3A_2595 : vector<16xf32>
      %min3A_2684 = arith.minimumf %select_n3A_2592, %select_n3A_2595 : vector<16xf32>
      %select_n3A_2685 = arith.select %le3A_2683, %add3A_1377, %add3A_1400 : vector<16xi1>, vector<16xi32>
      %le3A_2686 = arith.cmpf ole, %select_n3A_2598, %select_n3A_2601 : vector<16xf32>
      %min3A_2687 = arith.minimumf %select_n3A_2598, %select_n3A_2601 : vector<16xf32>
      %select_n3A_2688 = arith.select %le3A_2686, %add3A_1426, %add3A_1449 : vector<16xi1>, vector<16xi32>
      %le3A_2689 = arith.cmpf ole, %select_n3A_2604, %select_n3A_2607 : vector<16xf32>
      %min3A_2690 = arith.minimumf %select_n3A_2604, %select_n3A_2607 : vector<16xf32>
      %select_n3A_2691 = arith.select %le3A_2689, %add3A_1472, %add3A_1495 : vector<16xi1>, vector<16xi32>
      %le3A_2692 = arith.cmpf ole, %select_n3A_2610, %select_n3A_2613 : vector<16xf32>
      %min3A_2693 = arith.minimumf %select_n3A_2610, %select_n3A_2613 : vector<16xf32>
      %select_n3A_2694 = arith.select %le3A_2692, %add3A_1521, %add3A_1544 : vector<16xi1>, vector<16xi32>
      %le3A_2695 = arith.cmpf ole, %select_n3A_2616, %select_n3A_2619 : vector<16xf32>
      %min3A_2696 = arith.minimumf %select_n3A_2616, %select_n3A_2619 : vector<16xf32>
      %select_n3A_2697 = arith.select %le3A_2695, %add3A_1567, %add3A_1590 : vector<16xi1>, vector<16xi32>
      %le3A_2698 = arith.cmpf ole, %select_n3A_2622, %select_n3A_2625 : vector<16xf32>
      %min3A_2699 = arith.minimumf %select_n3A_2622, %select_n3A_2625 : vector<16xf32>
      %select_n3A_2700 = arith.select %le3A_2698, %add3A_1616, %add3A_1639 : vector<16xi1>, vector<16xi32>
      %le3A_2701 = arith.cmpf ole, %select_n3A_2628, %select_n3A_2631 : vector<16xf32>
      %min3A_2702 = arith.minimumf %select_n3A_2628, %select_n3A_2631 : vector<16xf32>
      %select_n3A_2703 = arith.select %le3A_2701, %add3A_1662, %add3A_1685 : vector<16xi1>, vector<16xi32>
      %le3A_2704 = arith.cmpf ole, %select_n3A_2634, %select_n3A_2637 : vector<16xf32>
      %min3A_2705 = arith.minimumf %select_n3A_2634, %select_n3A_2637 : vector<16xf32>
      %select_n3A_2706 = arith.select %le3A_2704, %add3A_1711, %add3A_1734 : vector<16xi1>, vector<16xi32>
      %le3A_2707 = arith.cmpf ole, %select_n3A_2640, %select_n3A_2643 : vector<16xf32>
      %min3A_2708 = arith.minimumf %select_n3A_2640, %select_n3A_2643 : vector<16xf32>
      %select_n3A_2709 = arith.select %le3A_2707, %add3A_1757, %add3A_1780 : vector<16xi1>, vector<16xi32>
      %le3A_2710 = arith.cmpf ole, %select_n3A_2646, %select_n3A_2649 : vector<16xf32>
      %min3A_2711 = arith.minimumf %select_n3A_2646, %select_n3A_2649 : vector<16xf32>
      %select_n3A_2712 = arith.select %le3A_2710, %add3A_1806, %add3A_1829 : vector<16xi1>, vector<16xi32>
      %le3A_2713 = arith.cmpf ole, %select_n3A_2652, %select_n3A_2655 : vector<16xf32>
      %min3A_2714 = arith.minimumf %select_n3A_2652, %select_n3A_2655 : vector<16xf32>
      %select_n3A_2715 = arith.select %le3A_2713, %add3A_1852, %add3A_1875 : vector<16xi1>, vector<16xi32>
      %le3A_2716 = arith.cmpf ole, %select_n3A_2658, %select_n3A_2661 : vector<16xf32>
      %min3A_2717 = arith.minimumf %select_n3A_2658, %select_n3A_2661 : vector<16xf32>
      %select_n3A_2718 = arith.select %le3A_2716, %add3A_1901, %add3A_1924 : vector<16xi1>, vector<16xi32>
      %le3A_2719 = arith.cmpf ole, %select_n3A_2664, %select_n3A_2667 : vector<16xf32>
      %min3A_2720 = arith.minimumf %select_n3A_2664, %select_n3A_2667 : vector<16xf32>
      %select_n3A_2721 = arith.select %le3A_2719, %add3A_1947, %add3A_1970 : vector<16xi1>, vector<16xi32>
      %le3A_2722 = arith.cmpf ole, %select_n3A_2670, %select_n3A_2673 : vector<16xf32>
      %min3A_2723 = arith.minimumf %select_n3A_2670, %select_n3A_2673 : vector<16xf32>
      %select_n3A_2724 = arith.select %le3A_2722, %add3A_1996, %add3A_2019 : vector<16xi1>, vector<16xi32>
      %le3A_2725 = arith.cmpf ole, %select_n3A_2676, %select_n3A_2679 : vector<16xf32>
      %min3A_2726 = arith.minimumf %select_n3A_2676, %select_n3A_2679 : vector<16xf32>
      %select_n3A_2727 = arith.select %le3A_2725, %add3A_2042, %add3A_2065 : vector<16xi1>, vector<16xi32>
      %le3A_2728 = arith.cmpf ole, %min3A_2681, %min3A_2684 : vector<16xf32>
      %min3A_2729 = arith.minimumf %min3A_2681, %min3A_2684 : vector<16xf32>
      %select_n3A_2730 = arith.select %le3A_2728, %select_n3A_2682, %select_n3A_2685 : vector<16xi1>, vector<16xi32>
      %le3A_2731 = arith.cmpf ole, %min3A_2687, %min3A_2690 : vector<16xf32>
      %min3A_2732 = arith.minimumf %min3A_2687, %min3A_2690 : vector<16xf32>
      %select_n3A_2733 = arith.select %le3A_2731, %select_n3A_2688, %select_n3A_2691 : vector<16xi1>, vector<16xi32>
      %le3A_2734 = arith.cmpf ole, %min3A_2693, %min3A_2696 : vector<16xf32>
      %min3A_2735 = arith.minimumf %min3A_2693, %min3A_2696 : vector<16xf32>
      %select_n3A_2736 = arith.select %le3A_2734, %select_n3A_2694, %select_n3A_2697 : vector<16xi1>, vector<16xi32>
      %le3A_2737 = arith.cmpf ole, %min3A_2699, %min3A_2702 : vector<16xf32>
      %min3A_2738 = arith.minimumf %min3A_2699, %min3A_2702 : vector<16xf32>
      %select_n3A_2739 = arith.select %le3A_2737, %select_n3A_2700, %select_n3A_2703 : vector<16xi1>, vector<16xi32>
      %le3A_2740 = arith.cmpf ole, %min3A_2705, %min3A_2708 : vector<16xf32>
      %min3A_2741 = arith.minimumf %min3A_2705, %min3A_2708 : vector<16xf32>
      %select_n3A_2742 = arith.select %le3A_2740, %select_n3A_2706, %select_n3A_2709 : vector<16xi1>, vector<16xi32>
      %le3A_2743 = arith.cmpf ole, %min3A_2711, %min3A_2714 : vector<16xf32>
      %min3A_2744 = arith.minimumf %min3A_2711, %min3A_2714 : vector<16xf32>
      %select_n3A_2745 = arith.select %le3A_2743, %select_n3A_2712, %select_n3A_2715 : vector<16xi1>, vector<16xi32>
      %le3A_2746 = arith.cmpf ole, %min3A_2717, %min3A_2720 : vector<16xf32>
      %min3A_2747 = arith.minimumf %min3A_2717, %min3A_2720 : vector<16xf32>
      %select_n3A_2748 = arith.select %le3A_2746, %select_n3A_2718, %select_n3A_2721 : vector<16xi1>, vector<16xi32>
      %le3A_2749 = arith.cmpf ole, %min3A_2723, %min3A_2726 : vector<16xf32>
      %min3A_2750 = arith.minimumf %min3A_2723, %min3A_2726 : vector<16xf32>
      %select_n3A_2751 = arith.select %le3A_2749, %select_n3A_2724, %select_n3A_2727 : vector<16xi1>, vector<16xi32>
      %le3A_2752 = arith.cmpf ole, %min3A_2729, %min3A_2732 : vector<16xf32>
      %min3A_2753 = arith.minimumf %min3A_2729, %min3A_2732 : vector<16xf32>
      %select_n3A_2754 = arith.select %le3A_2752, %select_n3A_2730, %select_n3A_2733 : vector<16xi1>, vector<16xi32>
      %le3A_2755 = arith.cmpf ole, %min3A_2735, %min3A_2738 : vector<16xf32>
      %min3A_2756 = arith.minimumf %min3A_2735, %min3A_2738 : vector<16xf32>
      %select_n3A_2757 = arith.select %le3A_2755, %select_n3A_2736, %select_n3A_2739 : vector<16xi1>, vector<16xi32>
      %le3A_2758 = arith.cmpf ole, %min3A_2741, %min3A_2744 : vector<16xf32>
      %min3A_2759 = arith.minimumf %min3A_2741, %min3A_2744 : vector<16xf32>
      %select_n3A_2760 = arith.select %le3A_2758, %select_n3A_2742, %select_n3A_2745 : vector<16xi1>, vector<16xi32>
      %le3A_2761 = arith.cmpf ole, %min3A_2747, %min3A_2750 : vector<16xf32>
      %min3A_2762 = arith.minimumf %min3A_2747, %min3A_2750 : vector<16xf32>
      %select_n3A_2763 = arith.select %le3A_2761, %select_n3A_2748, %select_n3A_2751 : vector<16xi1>, vector<16xi32>
      %le3A_2764 = arith.cmpf ole, %min3A_2753, %min3A_2756 : vector<16xf32>
      %min3A_2765 = arith.minimumf %min3A_2753, %min3A_2756 : vector<16xf32>
      %select_n3A_2766 = arith.select %le3A_2764, %select_n3A_2754, %select_n3A_2757 : vector<16xi1>, vector<16xi32>
      %le3A_2767 = arith.cmpf ole, %min3A_2759, %min3A_2762 : vector<16xf32>
      %min3A_2768 = arith.minimumf %min3A_2759, %min3A_2762 : vector<16xf32>
      %select_n3A_2769 = arith.select %le3A_2767, %select_n3A_2760, %select_n3A_2763 : vector<16xi1>, vector<16xi32>
      %le3A_2770 = arith.cmpf ole, %min3A_2765, %min3A_2768 : vector<16xf32>
      %min3A_2771 = arith.minimumf %min3A_2765, %min3A_2768 : vector<16xf32>
      %select_n3A_2772 = arith.select %le3A_2770, %select_n3A_2766, %select_n3A_2769 : vector<16xi1>, vector<16xi32>
      %mul3A_2773 = arith.constant 8 : i32
      %mul3A_2774 = vector.broadcast %mul3A_2773 : i32 to vector<16xi32>
      %mul3A_2775 = arith.muli %iota3A, %mul3A_2774 : vector<16xi32>
      %mul3A_2776 = arith.constant 128 : i32
      %mul3A_2777 = arith.muli %scan3A_16, %mul3A_2776 : i32
      %add3A_2778 = arith.constant 3 : i32
      %add3A_2779 = arith.addi %mul3A_2777, %add3A_2778 : i32
      %add3A_2780 = vector.broadcast %add3A_2779 : i32 to vector<16xi32>
      %add3A_2781 = arith.addi %mul3A_2775, %add3A_2780 : vector<16xi32>
      tpu.vector_store_idx %arg7[%add3A_2781], %select_n3A_2772 : memref<2048xi32, #tpu.memory_space<vmem>>[vector<16xi32>], vector<16xi32>,
      %eq3A_2782 = arith.cmpi eq, %select_n3A_2772, %add3A_1332 : vector<16xi32>
      %broadcast_in_dim3A_2783 = vector.broadcast %scan3A_8 : f32 to vector<16xf32>
      %select_n3A_2784 = arith.select %eq3A_2782, %broadcast_in_dim3A_2783, %select_n3A_2586 : vector<16xi1>, vector<16xf32>
      %eq3A_2785 = arith.cmpi eq, %select_n3A_2772, %add3A_1354 : vector<16xi32>
      %broadcast_in_dim3A_2786 = vector.broadcast %scan3A_8 : f32 to vector<16xf32>
      %select_n3A_2787 = arith.select %eq3A_2785, %broadcast_in_dim3A_2786, %select_n3A_2589 : vector<16xi1>, vector<16xf32>
      %eq3A_2788 = arith.cmpi eq, %select_n3A_2772, %add3A_1377 : vector<16xi32>
      %broadcast_in_dim3A_2789 = vector.broadcast %scan3A_8 : f32 to vector<16xf32>
      %select_n3A_2790 = arith.select %eq3A_2788, %broadcast_in_dim3A_2789, %select_n3A_2592 : vector<16xi1>, vector<16xf32>
      %eq3A_2791 = arith.cmpi eq, %select_n3A_2772, %add3A_1400 : vector<16xi32>
      %broadcast_in_dim3A_2792 = vector.broadcast %scan3A_8 : f32 to vector<16xf32>
      %select_n3A_2793 = arith.select %eq3A_2791, %broadcast_in_dim3A_2792, %select_n3A_2595 : vector<16xi1>, vector<16xf32>
      %eq3A_2794 = arith.cmpi eq, %select_n3A_2772, %add3A_1426 : vector<16xi32>
      %broadcast_in_dim3A_2795 = vector.broadcast %scan3A_8 : f32 to vector<16xf32>
      %select_n3A_2796 = arith.select %eq3A_2794, %broadcast_in_dim3A_2795, %select_n3A_2598 : vector<16xi1>, vector<16xf32>
      %eq3A_2797 = arith.cmpi eq, %select_n3A_2772, %add3A_1449 : vector<16xi32>
      %broadcast_in_dim3A_2798 = vector.broadcast %scan3A_8 : f32 to vector<16xf32>
      %select_n3A_2799 = arith.select %eq3A_2797, %broadcast_in_dim3A_2798, %select_n3A_2601 : vector<16xi1>, vector<16xf32>
      %eq3A_2800 = arith.cmpi eq, %select_n3A_2772, %add3A_1472 : vector<16xi32>
      %broadcast_in_dim3A_2801 = vector.broadcast %scan3A_8 : f32 to vector<16xf32>
      %select_n3A_2802 = arith.select %eq3A_2800, %broadcast_in_dim3A_2801, %select_n3A_2604 : vector<16xi1>, vector<16xf32>
      %eq3A_2803 = arith.cmpi eq, %select_n3A_2772, %add3A_1495 : vector<16xi32>
      %broadcast_in_dim3A_2804 = vector.broadcast %scan3A_8 : f32 to vector<16xf32>
      %select_n3A_2805 = arith.select %eq3A_2803, %broadcast_in_dim3A_2804, %select_n3A_2607 : vector<16xi1>, vector<16xf32>
      %eq3A_2806 = arith.cmpi eq, %select_n3A_2772, %add3A_1521 : vector<16xi32>
      %broadcast_in_dim3A_2807 = vector.broadcast %scan3A_8 : f32 to vector<16xf32>
      %select_n3A_2808 = arith.select %eq3A_2806, %broadcast_in_dim3A_2807, %select_n3A_2610 : vector<16xi1>, vector<16xf32>
      %eq3A_2809 = arith.cmpi eq, %select_n3A_2772, %add3A_1544 : vector<16xi32>
      %broadcast_in_dim3A_2810 = vector.broadcast %scan3A_8 : f32 to vector<16xf32>
      %select_n3A_2811 = arith.select %eq3A_2809, %broadcast_in_dim3A_2810, %select_n3A_2613 : vector<16xi1>, vector<16xf32>
      %eq3A_2812 = arith.cmpi eq, %select_n3A_2772, %add3A_1567 : vector<16xi32>
      %broadcast_in_dim3A_2813 = vector.broadcast %scan3A_8 : f32 to vector<16xf32>
      %select_n3A_2814 = arith.select %eq3A_2812, %broadcast_in_dim3A_2813, %select_n3A_2616 : vector<16xi1>, vector<16xf32>
      %eq3A_2815 = arith.cmpi eq, %select_n3A_2772, %add3A_1590 : vector<16xi32>
      %broadcast_in_dim3A_2816 = vector.broadcast %scan3A_8 : f32 to vector<16xf32>
      %select_n3A_2817 = arith.select %eq3A_2815, %broadcast_in_dim3A_2816, %select_n3A_2619 : vector<16xi1>, vector<16xf32>
      %eq3A_2818 = arith.cmpi eq, %select_n3A_2772, %add3A_1616 : vector<16xi32>
      %broadcast_in_dim3A_2819 = vector.broadcast %scan3A_8 : f32 to vector<16xf32>
      %select_n3A_2820 = arith.select %eq3A_2818, %broadcast_in_dim3A_2819, %select_n3A_2622 : vector<16xi1>, vector<16xf32>
      %eq3A_2821 = arith.cmpi eq, %select_n3A_2772, %add3A_1639 : vector<16xi32>
      %broadcast_in_dim3A_2822 = vector.broadcast %scan3A_8 : f32 to vector<16xf32>
      %select_n3A_2823 = arith.select %eq3A_2821, %broadcast_in_dim3A_2822, %select_n3A_2625 : vector<16xi1>, vector<16xf32>
      %eq3A_2824 = arith.cmpi eq, %select_n3A_2772, %add3A_1662 : vector<16xi32>
      %broadcast_in_dim3A_2825 = vector.broadcast %scan3A_8 : f32 to vector<16xf32>
      %select_n3A_2826 = arith.select %eq3A_2824, %broadcast_in_dim3A_2825, %select_n3A_2628 : vector<16xi1>, vector<16xf32>
      %eq3A_2827 = arith.cmpi eq, %select_n3A_2772, %add3A_1685 : vector<16xi32>
      %broadcast_in_dim3A_2828 = vector.broadcast %scan3A_8 : f32 to vector<16xf32>
      %select_n3A_2829 = arith.select %eq3A_2827, %broadcast_in_dim3A_2828, %select_n3A_2631 : vector<16xi1>, vector<16xf32>
      %eq3A_2830 = arith.cmpi eq, %select_n3A_2772, %add3A_1711 : vector<16xi32>
      %broadcast_in_dim3A_2831 = vector.broadcast %scan3A_8 : f32 to vector<16xf32>
      %select_n3A_2832 = arith.select %eq3A_2830, %broadcast_in_dim3A_2831, %select_n3A_2634 : vector<16xi1>, vector<16xf32>
      %eq3A_2833 = arith.cmpi eq, %select_n3A_2772, %add3A_1734 : vector<16xi32>
      %broadcast_in_dim3A_2834 = vector.broadcast %scan3A_8 : f32 to vector<16xf32>
      %select_n3A_2835 = arith.select %eq3A_2833, %broadcast_in_dim3A_2834, %select_n3A_2637 : vector<16xi1>, vector<16xf32>
      %eq3A_2836 = arith.cmpi eq, %select_n3A_2772, %add3A_1757 : vector<16xi32>
      %broadcast_in_dim3A_2837 = vector.broadcast %scan3A_8 : f32 to vector<16xf32>
      %select_n3A_2838 = arith.select %eq3A_2836, %broadcast_in_dim3A_2837, %select_n3A_2640 : vector<16xi1>, vector<16xf32>
      %eq3A_2839 = arith.cmpi eq, %select_n3A_2772, %add3A_1780 : vector<16xi32>
      %broadcast_in_dim3A_2840 = vector.broadcast %scan3A_8 : f32 to vector<16xf32>
      %select_n3A_2841 = arith.select %eq3A_2839, %broadcast_in_dim3A_2840, %select_n3A_2643 : vector<16xi1>, vector<16xf32>
      %eq3A_2842 = arith.cmpi eq, %select_n3A_2772, %add3A_1806 : vector<16xi32>
      %broadcast_in_dim3A_2843 = vector.broadcast %scan3A_8 : f32 to vector<16xf32>
      %select_n3A_2844 = arith.select %eq3A_2842, %broadcast_in_dim3A_2843, %select_n3A_2646 : vector<16xi1>, vector<16xf32>
      %eq3A_2845 = arith.cmpi eq, %select_n3A_2772, %add3A_1829 : vector<16xi32>
      %broadcast_in_dim3A_2846 = vector.broadcast %scan3A_8 : f32 to vector<16xf32>
      %select_n3A_2847 = arith.select %eq3A_2845, %broadcast_in_dim3A_2846, %select_n3A_2649 : vector<16xi1>, vector<16xf32>
      %eq3A_2848 = arith.cmpi eq, %select_n3A_2772, %add3A_1852 : vector<16xi32>
      %broadcast_in_dim3A_2849 = vector.broadcast %scan3A_8 : f32 to vector<16xf32>
      %select_n3A_2850 = arith.select %eq3A_2848, %broadcast_in_dim3A_2849, %select_n3A_2652 : vector<16xi1>, vector<16xf32>
      %eq3A_2851 = arith.cmpi eq, %select_n3A_2772, %add3A_1875 : vector<16xi32>
      %broadcast_in_dim3A_2852 = vector.broadcast %scan3A_8 : f32 to vector<16xf32>
      %select_n3A_2853 = arith.select %eq3A_2851, %broadcast_in_dim3A_2852, %select_n3A_2655 : vector<16xi1>, vector<16xf32>
      %eq3A_2854 = arith.cmpi eq, %select_n3A_2772, %add3A_1901 : vector<16xi32>
      %broadcast_in_dim3A_2855 = vector.broadcast %scan3A_8 : f32 to vector<16xf32>
      %select_n3A_2856 = arith.select %eq3A_2854, %broadcast_in_dim3A_2855, %select_n3A_2658 : vector<16xi1>, vector<16xf32>
      %eq3A_2857 = arith.cmpi eq, %select_n3A_2772, %add3A_1924 : vector<16xi32>
      %broadcast_in_dim3A_2858 = vector.broadcast %scan3A_8 : f32 to vector<16xf32>
      %select_n3A_2859 = arith.select %eq3A_2857, %broadcast_in_dim3A_2858, %select_n3A_2661 : vector<16xi1>, vector<16xf32>
      %eq3A_2860 = arith.cmpi eq, %select_n3A_2772, %add3A_1947 : vector<16xi32>
      %broadcast_in_dim3A_2861 = vector.broadcast %scan3A_8 : f32 to vector<16xf32>
      %select_n3A_2862 = arith.select %eq3A_2860, %broadcast_in_dim3A_2861, %select_n3A_2664 : vector<16xi1>, vector<16xf32>
      %eq3A_2863 = arith.cmpi eq, %select_n3A_2772, %add3A_1970 : vector<16xi32>
      %broadcast_in_dim3A_2864 = vector.broadcast %scan3A_8 : f32 to vector<16xf32>
      %select_n3A_2865 = arith.select %eq3A_2863, %broadcast_in_dim3A_2864, %select_n3A_2667 : vector<16xi1>, vector<16xf32>
      %eq3A_2866 = arith.cmpi eq, %select_n3A_2772, %add3A_1996 : vector<16xi32>
      %broadcast_in_dim3A_2867 = vector.broadcast %scan3A_8 : f32 to vector<16xf32>
      %select_n3A_2868 = arith.select %eq3A_2866, %broadcast_in_dim3A_2867, %select_n3A_2670 : vector<16xi1>, vector<16xf32>
      %eq3A_2869 = arith.cmpi eq, %select_n3A_2772, %add3A_2019 : vector<16xi32>
      %broadcast_in_dim3A_2870 = vector.broadcast %scan3A_8 : f32 to vector<16xf32>
      %select_n3A_2871 = arith.select %eq3A_2869, %broadcast_in_dim3A_2870, %select_n3A_2673 : vector<16xi1>, vector<16xf32>
      %eq3A_2872 = arith.cmpi eq, %select_n3A_2772, %add3A_2042 : vector<16xi32>
      %broadcast_in_dim3A_2873 = vector.broadcast %scan3A_8 : f32 to vector<16xf32>
      %select_n3A_2874 = arith.select %eq3A_2872, %broadcast_in_dim3A_2873, %select_n3A_2676 : vector<16xi1>, vector<16xf32>
      %eq3A_2875 = arith.cmpi eq, %select_n3A_2772, %add3A_2065 : vector<16xi32>
      %broadcast_in_dim3A_2876 = vector.broadcast %scan3A_8 : f32 to vector<16xf32>
      %select_n3A_2877 = arith.select %eq3A_2875, %broadcast_in_dim3A_2876, %select_n3A_2679 : vector<16xi1>, vector<16xf32>
      %le3A_2878 = arith.cmpf ole, %select_n3A_2784, %select_n3A_2787 : vector<16xf32>
      %min3A_2879 = arith.minimumf %select_n3A_2784, %select_n3A_2787 : vector<16xf32>
      %select_n3A_2880 = arith.select %le3A_2878, %add3A_1332, %add3A_1354 : vector<16xi1>, vector<16xi32>
      %le3A_2881 = arith.cmpf ole, %select_n3A_2790, %select_n3A_2793 : vector<16xf32>
      %min3A_2882 = arith.minimumf %select_n3A_2790, %select_n3A_2793 : vector<16xf32>
      %select_n3A_2883 = arith.select %le3A_2881, %add3A_1377, %add3A_1400 : vector<16xi1>, vector<16xi32>
      %le3A_2884 = arith.cmpf ole, %select_n3A_2796, %select_n3A_2799 : vector<16xf32>
      %min3A_2885 = arith.minimumf %select_n3A_2796, %select_n3A_2799 : vector<16xf32>
      %select_n3A_2886 = arith.select %le3A_2884, %add3A_1426, %add3A_1449 : vector<16xi1>, vector<16xi32>
      %le3A_2887 = arith.cmpf ole, %select_n3A_2802, %select_n3A_2805 : vector<16xf32>
      %min3A_2888 = arith.minimumf %select_n3A_2802, %select_n3A_2805 : vector<16xf32>
      %select_n3A_2889 = arith.select %le3A_2887, %add3A_1472, %add3A_1495 : vector<16xi1>, vector<16xi32>
      %le3A_2890 = arith.cmpf ole, %select_n3A_2808, %select_n3A_2811 : vector<16xf32>
      %min3A_2891 = arith.minimumf %select_n3A_2808, %select_n3A_2811 : vector<16xf32>
      %select_n3A_2892 = arith.select %le3A_2890, %add3A_1521, %add3A_1544 : vector<16xi1>, vector<16xi32>
      %le3A_2893 = arith.cmpf ole, %select_n3A_2814, %select_n3A_2817 : vector<16xf32>
      %min3A_2894 = arith.minimumf %select_n3A_2814, %select_n3A_2817 : vector<16xf32>
      %select_n3A_2895 = arith.select %le3A_2893, %add3A_1567, %add3A_1590 : vector<16xi1>, vector<16xi32>
      %le3A_2896 = arith.cmpf ole, %select_n3A_2820, %select_n3A_2823 : vector<16xf32>
      %min3A_2897 = arith.minimumf %select_n3A_2820, %select_n3A_2823 : vector<16xf32>
      %select_n3A_2898 = arith.select %le3A_2896, %add3A_1616, %add3A_1639 : vector<16xi1>, vector<16xi32>
      %le3A_2899 = arith.cmpf ole, %select_n3A_2826, %select_n3A_2829 : vector<16xf32>
      %min3A_2900 = arith.minimumf %select_n3A_2826, %select_n3A_2829 : vector<16xf32>
      %select_n3A_2901 = arith.select %le3A_2899, %add3A_1662, %add3A_1685 : vector<16xi1>, vector<16xi32>
      %le3A_2902 = arith.cmpf ole, %select_n3A_2832, %select_n3A_2835 : vector<16xf32>
      %min3A_2903 = arith.minimumf %select_n3A_2832, %select_n3A_2835 : vector<16xf32>
      %select_n3A_2904 = arith.select %le3A_2902, %add3A_1711, %add3A_1734 : vector<16xi1>, vector<16xi32>
      %le3A_2905 = arith.cmpf ole, %select_n3A_2838, %select_n3A_2841 : vector<16xf32>
      %min3A_2906 = arith.minimumf %select_n3A_2838, %select_n3A_2841 : vector<16xf32>
      %select_n3A_2907 = arith.select %le3A_2905, %add3A_1757, %add3A_1780 : vector<16xi1>, vector<16xi32>
      %le3A_2908 = arith.cmpf ole, %select_n3A_2844, %select_n3A_2847 : vector<16xf32>
      %min3A_2909 = arith.minimumf %select_n3A_2844, %select_n3A_2847 : vector<16xf32>
      %select_n3A_2910 = arith.select %le3A_2908, %add3A_1806, %add3A_1829 : vector<16xi1>, vector<16xi32>
      %le3A_2911 = arith.cmpf ole, %select_n3A_2850, %select_n3A_2853 : vector<16xf32>
      %min3A_2912 = arith.minimumf %select_n3A_2850, %select_n3A_2853 : vector<16xf32>
      %select_n3A_2913 = arith.select %le3A_2911, %add3A_1852, %add3A_1875 : vector<16xi1>, vector<16xi32>
      %le3A_2914 = arith.cmpf ole, %select_n3A_2856, %select_n3A_2859 : vector<16xf32>
      %min3A_2915 = arith.minimumf %select_n3A_2856, %select_n3A_2859 : vector<16xf32>
      %select_n3A_2916 = arith.select %le3A_2914, %add3A_1901, %add3A_1924 : vector<16xi1>, vector<16xi32>
      %le3A_2917 = arith.cmpf ole, %select_n3A_2862, %select_n3A_2865 : vector<16xf32>
      %min3A_2918 = arith.minimumf %select_n3A_2862, %select_n3A_2865 : vector<16xf32>
      %select_n3A_2919 = arith.select %le3A_2917, %add3A_1947, %add3A_1970 : vector<16xi1>, vector<16xi32>
      %le3A_2920 = arith.cmpf ole, %select_n3A_2868, %select_n3A_2871 : vector<16xf32>
      %min3A_2921 = arith.minimumf %select_n3A_2868, %select_n3A_2871 : vector<16xf32>
      %select_n3A_2922 = arith.select %le3A_2920, %add3A_1996, %add3A_2019 : vector<16xi1>, vector<16xi32>
      %le3A_2923 = arith.cmpf ole, %select_n3A_2874, %select_n3A_2877 : vector<16xf32>
      %min3A_2924 = arith.minimumf %select_n3A_2874, %select_n3A_2877 : vector<16xf32>
      %select_n3A_2925 = arith.select %le3A_2923, %add3A_2042, %add3A_2065 : vector<16xi1>, vector<16xi32>
      %le3A_2926 = arith.cmpf ole, %min3A_2879, %min3A_2882 : vector<16xf32>
      %min3A_2927 = arith.minimumf %min3A_2879, %min3A_2882 : vector<16xf32>
      %select_n3A_2928 = arith.select %le3A_2926, %select_n3A_2880, %select_n3A_2883 : vector<16xi1>, vector<16xi32>
      %le3A_2929 = arith.cmpf ole, %min3A_2885, %min3A_2888 : vector<16xf32>
      %min3A_2930 = arith.minimumf %min3A_2885, %min3A_2888 : vector<16xf32>
      %select_n3A_2931 = arith.select %le3A_2929, %select_n3A_2886, %select_n3A_2889 : vector<16xi1>, vector<16xi32>
      %le3A_2932 = arith.cmpf ole, %min3A_2891, %min3A_2894 : vector<16xf32>
      %min3A_2933 = arith.minimumf %min3A_2891, %min3A_2894 : vector<16xf32>
      %select_n3A_2934 = arith.select %le3A_2932, %select_n3A_2892, %select_n3A_2895 : vector<16xi1>, vector<16xi32>
      %le3A_2935 = arith.cmpf ole, %min3A_2897, %min3A_2900 : vector<16xf32>
      %min3A_2936 = arith.minimumf %min3A_2897, %min3A_2900 : vector<16xf32>
      %select_n3A_2937 = arith.select %le3A_2935, %select_n3A_2898, %select_n3A_2901 : vector<16xi1>, vector<16xi32>
      %le3A_2938 = arith.cmpf ole, %min3A_2903, %min3A_2906 : vector<16xf32>
      %min3A_2939 = arith.minimumf %min3A_2903, %min3A_2906 : vector<16xf32>
      %select_n3A_2940 = arith.select %le3A_2938, %select_n3A_2904, %select_n3A_2907 : vector<16xi1>, vector<16xi32>
      %le3A_2941 = arith.cmpf ole, %min3A_2909, %min3A_2912 : vector<16xf32>
      %min3A_2942 = arith.minimumf %min3A_2909, %min3A_2912 : vector<16xf32>
      %select_n3A_2943 = arith.select %le3A_2941, %select_n3A_2910, %select_n3A_2913 : vector<16xi1>, vector<16xi32>
      %le3A_2944 = arith.cmpf ole, %min3A_2915, %min3A_2918 : vector<16xf32>
      %min3A_2945 = arith.minimumf %min3A_2915, %min3A_2918 : vector<16xf32>
      %select_n3A_2946 = arith.select %le3A_2944, %select_n3A_2916, %select_n3A_2919 : vector<16xi1>, vector<16xi32>
      %le3A_2947 = arith.cmpf ole, %min3A_2921, %min3A_2924 : vector<16xf32>
      %min3A_2948 = arith.minimumf %min3A_2921, %min3A_2924 : vector<16xf32>
      %select_n3A_2949 = arith.select %le3A_2947, %select_n3A_2922, %select_n3A_2925 : vector<16xi1>, vector<16xi32>
      %le3A_2950 = arith.cmpf ole, %min3A_2927, %min3A_2930 : vector<16xf32>
      %min3A_2951 = arith.minimumf %min3A_2927, %min3A_2930 : vector<16xf32>
      %select_n3A_2952 = arith.select %le3A_2950, %select_n3A_2928, %select_n3A_2931 : vector<16xi1>, vector<16xi32>
      %le3A_2953 = arith.cmpf ole, %min3A_2933, %min3A_2936 : vector<16xf32>
      %min3A_2954 = arith.minimumf %min3A_2933, %min3A_2936 : vector<16xf32>
      %select_n3A_2955 = arith.select %le3A_2953, %select_n3A_2934, %select_n3A_2937 : vector<16xi1>, vector<16xi32>
      %le3A_2956 = arith.cmpf ole, %min3A_2939, %min3A_2942 : vector<16xf32>
      %min3A_2957 = arith.minimumf %min3A_2939, %min3A_2942 : vector<16xf32>
      %select_n3A_2958 = arith.select %le3A_2956, %select_n3A_2940, %select_n3A_2943 : vector<16xi1>, vector<16xi32>
      %le3A_2959 = arith.cmpf ole, %min3A_2945, %min3A_2948 : vector<16xf32>
      %min3A_2960 = arith.minimumf %min3A_2945, %min3A_2948 : vector<16xf32>
      %select_n3A_2961 = arith.select %le3A_2959, %select_n3A_2946, %select_n3A_2949 : vector<16xi1>, vector<16xi32>
      %le3A_2962 = arith.cmpf ole, %min3A_2951, %min3A_2954 : vector<16xf32>
      %min3A_2963 = arith.minimumf %min3A_2951, %min3A_2954 : vector<16xf32>
      %select_n3A_2964 = arith.select %le3A_2962, %select_n3A_2952, %select_n3A_2955 : vector<16xi1>, vector<16xi32>
      %le3A_2965 = arith.cmpf ole, %min3A_2957, %min3A_2960 : vector<16xf32>
      %min3A_2966 = arith.minimumf %min3A_2957, %min3A_2960 : vector<16xf32>
      %select_n3A_2967 = arith.select %le3A_2965, %select_n3A_2958, %select_n3A_2961 : vector<16xi1>, vector<16xi32>
      %le3A_2968 = arith.cmpf ole, %min3A_2963, %min3A_2966 : vector<16xf32>
      %min3A_2969 = arith.minimumf %min3A_2963, %min3A_2966 : vector<16xf32>
      %select_n3A_2970 = arith.select %le3A_2968, %select_n3A_2964, %select_n3A_2967 : vector<16xi1>, vector<16xi32>
      %mul3A_2971 = arith.constant 8 : i32
      %mul3A_2972 = vector.broadcast %mul3A_2971 : i32 to vector<16xi32>
      %mul3A_2973 = arith.muli %iota3A, %mul3A_2972 : vector<16xi32>
      %mul3A_2974 = arith.constant 128 : i32
      %mul3A_2975 = arith.muli %scan3A_16, %mul3A_2974 : i32
      %add3A_2976 = arith.constant 4 : i32
      %add3A_2977 = arith.addi %mul3A_2975, %add3A_2976 : i32
      %add3A_2978 = vector.broadcast %add3A_2977 : i32 to vector<16xi32>
      %add3A_2979 = arith.addi %mul3A_2973, %add3A_2978 : vector<16xi32>
      tpu.vector_store_idx %arg7[%add3A_2979], %select_n3A_2970 : memref<2048xi32, #tpu.memory_space<vmem>>[vector<16xi32>], vector<16xi32>,
      %eq3A_2980 = arith.cmpi eq, %select_n3A_2970, %add3A_1332 : vector<16xi32>
      %broadcast_in_dim3A_2981 = vector.broadcast %scan3A_8 : f32 to vector<16xf32>
      %select_n3A_2982 = arith.select %eq3A_2980, %broadcast_in_dim3A_2981, %select_n3A_2784 : vector<16xi1>, vector<16xf32>
      %eq3A_2983 = arith.cmpi eq, %select_n3A_2970, %add3A_1354 : vector<16xi32>
      %broadcast_in_dim3A_2984 = vector.broadcast %scan3A_8 : f32 to vector<16xf32>
      %select_n3A_2985 = arith.select %eq3A_2983, %broadcast_in_dim3A_2984, %select_n3A_2787 : vector<16xi1>, vector<16xf32>
      %eq3A_2986 = arith.cmpi eq, %select_n3A_2970, %add3A_1377 : vector<16xi32>
      %broadcast_in_dim3A_2987 = vector.broadcast %scan3A_8 : f32 to vector<16xf32>
      %select_n3A_2988 = arith.select %eq3A_2986, %broadcast_in_dim3A_2987, %select_n3A_2790 : vector<16xi1>, vector<16xf32>
      %eq3A_2989 = arith.cmpi eq, %select_n3A_2970, %add3A_1400 : vector<16xi32>
      %broadcast_in_dim3A_2990 = vector.broadcast %scan3A_8 : f32 to vector<16xf32>
      %select_n3A_2991 = arith.select %eq3A_2989, %broadcast_in_dim3A_2990, %select_n3A_2793 : vector<16xi1>, vector<16xf32>
      %eq3A_2992 = arith.cmpi eq, %select_n3A_2970, %add3A_1426 : vector<16xi32>
      %broadcast_in_dim3A_2993 = vector.broadcast %scan3A_8 : f32 to vector<16xf32>
      %select_n3A_2994 = arith.select %eq3A_2992, %broadcast_in_dim3A_2993, %select_n3A_2796 : vector<16xi1>, vector<16xf32>
      %eq3A_2995 = arith.cmpi eq, %select_n3A_2970, %add3A_1449 : vector<16xi32>
      %broadcast_in_dim3A_2996 = vector.broadcast %scan3A_8 : f32 to vector<16xf32>
      %select_n3A_2997 = arith.select %eq3A_2995, %broadcast_in_dim3A_2996, %select_n3A_2799 : vector<16xi1>, vector<16xf32>
      %eq3A_2998 = arith.cmpi eq, %select_n3A_2970, %add3A_1472 : vector<16xi32>
      %broadcast_in_dim3A_2999 = vector.broadcast %scan3A_8 : f32 to vector<16xf32>
      %select_n3A_3000 = arith.select %eq3A_2998, %broadcast_in_dim3A_2999, %select_n3A_2802 : vector<16xi1>, vector<16xf32>
      %eq3A_3001 = arith.cmpi eq, %select_n3A_2970, %add3A_1495 : vector<16xi32>
      %broadcast_in_dim3A_3002 = vector.broadcast %scan3A_8 : f32 to vector<16xf32>
      %select_n3A_3003 = arith.select %eq3A_3001, %broadcast_in_dim3A_3002, %select_n3A_2805 : vector<16xi1>, vector<16xf32>
      %eq3A_3004 = arith.cmpi eq, %select_n3A_2970, %add3A_1521 : vector<16xi32>
      %broadcast_in_dim3A_3005 = vector.broadcast %scan3A_8 : f32 to vector<16xf32>
      %select_n3A_3006 = arith.select %eq3A_3004, %broadcast_in_dim3A_3005, %select_n3A_2808 : vector<16xi1>, vector<16xf32>
      %eq3A_3007 = arith.cmpi eq, %select_n3A_2970, %add3A_1544 : vector<16xi32>
      %broadcast_in_dim3A_3008 = vector.broadcast %scan3A_8 : f32 to vector<16xf32>
      %select_n3A_3009 = arith.select %eq3A_3007, %broadcast_in_dim3A_3008, %select_n3A_2811 : vector<16xi1>, vector<16xf32>
      %eq3A_3010 = arith.cmpi eq, %select_n3A_2970, %add3A_1567 : vector<16xi32>
      %broadcast_in_dim3A_3011 = vector.broadcast %scan3A_8 : f32 to vector<16xf32>
      %select_n3A_3012 = arith.select %eq3A_3010, %broadcast_in_dim3A_3011, %select_n3A_2814 : vector<16xi1>, vector<16xf32>
      %eq3A_3013 = arith.cmpi eq, %select_n3A_2970, %add3A_1590 : vector<16xi32>
      %broadcast_in_dim3A_3014 = vector.broadcast %scan3A_8 : f32 to vector<16xf32>
      %select_n3A_3015 = arith.select %eq3A_3013, %broadcast_in_dim3A_3014, %select_n3A_2817 : vector<16xi1>, vector<16xf32>
      %eq3A_3016 = arith.cmpi eq, %select_n3A_2970, %add3A_1616 : vector<16xi32>
      %broadcast_in_dim3A_3017 = vector.broadcast %scan3A_8 : f32 to vector<16xf32>
      %select_n3A_3018 = arith.select %eq3A_3016, %broadcast_in_dim3A_3017, %select_n3A_2820 : vector<16xi1>, vector<16xf32>
      %eq3A_3019 = arith.cmpi eq, %select_n3A_2970, %add3A_1639 : vector<16xi32>
      %broadcast_in_dim3A_3020 = vector.broadcast %scan3A_8 : f32 to vector<16xf32>
      %select_n3A_3021 = arith.select %eq3A_3019, %broadcast_in_dim3A_3020, %select_n3A_2823 : vector<16xi1>, vector<16xf32>
      %eq3A_3022 = arith.cmpi eq, %select_n3A_2970, %add3A_1662 : vector<16xi32>
      %broadcast_in_dim3A_3023 = vector.broadcast %scan3A_8 : f32 to vector<16xf32>
      %select_n3A_3024 = arith.select %eq3A_3022, %broadcast_in_dim3A_3023, %select_n3A_2826 : vector<16xi1>, vector<16xf32>
      %eq3A_3025 = arith.cmpi eq, %select_n3A_2970, %add3A_1685 : vector<16xi32>
      %broadcast_in_dim3A_3026 = vector.broadcast %scan3A_8 : f32 to vector<16xf32>
      %select_n3A_3027 = arith.select %eq3A_3025, %broadcast_in_dim3A_3026, %select_n3A_2829 : vector<16xi1>, vector<16xf32>
      %eq3A_3028 = arith.cmpi eq, %select_n3A_2970, %add3A_1711 : vector<16xi32>
      %broadcast_in_dim3A_3029 = vector.broadcast %scan3A_8 : f32 to vector<16xf32>
      %select_n3A_3030 = arith.select %eq3A_3028, %broadcast_in_dim3A_3029, %select_n3A_2832 : vector<16xi1>, vector<16xf32>
      %eq3A_3031 = arith.cmpi eq, %select_n3A_2970, %add3A_1734 : vector<16xi32>
      %broadcast_in_dim3A_3032 = vector.broadcast %scan3A_8 : f32 to vector<16xf32>
      %select_n3A_3033 = arith.select %eq3A_3031, %broadcast_in_dim3A_3032, %select_n3A_2835 : vector<16xi1>, vector<16xf32>
      %eq3A_3034 = arith.cmpi eq, %select_n3A_2970, %add3A_1757 : vector<16xi32>
      %broadcast_in_dim3A_3035 = vector.broadcast %scan3A_8 : f32 to vector<16xf32>
      %select_n3A_3036 = arith.select %eq3A_3034, %broadcast_in_dim3A_3035, %select_n3A_2838 : vector<16xi1>, vector<16xf32>
      %eq3A_3037 = arith.cmpi eq, %select_n3A_2970, %add3A_1780 : vector<16xi32>
      %broadcast_in_dim3A_3038 = vector.broadcast %scan3A_8 : f32 to vector<16xf32>
      %select_n3A_3039 = arith.select %eq3A_3037, %broadcast_in_dim3A_3038, %select_n3A_2841 : vector<16xi1>, vector<16xf32>
      %eq3A_3040 = arith.cmpi eq, %select_n3A_2970, %add3A_1806 : vector<16xi32>
      %broadcast_in_dim3A_3041 = vector.broadcast %scan3A_8 : f32 to vector<16xf32>
      %select_n3A_3042 = arith.select %eq3A_3040, %broadcast_in_dim3A_3041, %select_n3A_2844 : vector<16xi1>, vector<16xf32>
      %eq3A_3043 = arith.cmpi eq, %select_n3A_2970, %add3A_1829 : vector<16xi32>
      %broadcast_in_dim3A_3044 = vector.broadcast %scan3A_8 : f32 to vector<16xf32>
      %select_n3A_3045 = arith.select %eq3A_3043, %broadcast_in_dim3A_3044, %select_n3A_2847 : vector<16xi1>, vector<16xf32>
      %eq3A_3046 = arith.cmpi eq, %select_n3A_2970, %add3A_1852 : vector<16xi32>
      %broadcast_in_dim3A_3047 = vector.broadcast %scan3A_8 : f32 to vector<16xf32>
      %select_n3A_3048 = arith.select %eq3A_3046, %broadcast_in_dim3A_3047, %select_n3A_2850 : vector<16xi1>, vector<16xf32>
      %eq3A_3049 = arith.cmpi eq, %select_n3A_2970, %add3A_1875 : vector<16xi32>
      %broadcast_in_dim3A_3050 = vector.broadcast %scan3A_8 : f32 to vector<16xf32>
      %select_n3A_3051 = arith.select %eq3A_3049, %broadcast_in_dim3A_3050, %select_n3A_2853 : vector<16xi1>, vector<16xf32>
      %eq3A_3052 = arith.cmpi eq, %select_n3A_2970, %add3A_1901 : vector<16xi32>
      %broadcast_in_dim3A_3053 = vector.broadcast %scan3A_8 : f32 to vector<16xf32>
      %select_n3A_3054 = arith.select %eq3A_3052, %broadcast_in_dim3A_3053, %select_n3A_2856 : vector<16xi1>, vector<16xf32>
      %eq3A_3055 = arith.cmpi eq, %select_n3A_2970, %add3A_1924 : vector<16xi32>
      %broadcast_in_dim3A_3056 = vector.broadcast %scan3A_8 : f32 to vector<16xf32>
      %select_n3A_3057 = arith.select %eq3A_3055, %broadcast_in_dim3A_3056, %select_n3A_2859 : vector<16xi1>, vector<16xf32>
      %eq3A_3058 = arith.cmpi eq, %select_n3A_2970, %add3A_1947 : vector<16xi32>
      %broadcast_in_dim3A_3059 = vector.broadcast %scan3A_8 : f32 to vector<16xf32>
      %select_n3A_3060 = arith.select %eq3A_3058, %broadcast_in_dim3A_3059, %select_n3A_2862 : vector<16xi1>, vector<16xf32>
      %eq3A_3061 = arith.cmpi eq, %select_n3A_2970, %add3A_1970 : vector<16xi32>
      %broadcast_in_dim3A_3062 = vector.broadcast %scan3A_8 : f32 to vector<16xf32>
      %select_n3A_3063 = arith.select %eq3A_3061, %broadcast_in_dim3A_3062, %select_n3A_2865 : vector<16xi1>, vector<16xf32>
      %eq3A_3064 = arith.cmpi eq, %select_n3A_2970, %add3A_1996 : vector<16xi32>
      %broadcast_in_dim3A_3065 = vector.broadcast %scan3A_8 : f32 to vector<16xf32>
      %select_n3A_3066 = arith.select %eq3A_3064, %broadcast_in_dim3A_3065, %select_n3A_2868 : vector<16xi1>, vector<16xf32>
      %eq3A_3067 = arith.cmpi eq, %select_n3A_2970, %add3A_2019 : vector<16xi32>
      %broadcast_in_dim3A_3068 = vector.broadcast %scan3A_8 : f32 to vector<16xf32>
      %select_n3A_3069 = arith.select %eq3A_3067, %broadcast_in_dim3A_3068, %select_n3A_2871 : vector<16xi1>, vector<16xf32>
      %eq3A_3070 = arith.cmpi eq, %select_n3A_2970, %add3A_2042 : vector<16xi32>
      %broadcast_in_dim3A_3071 = vector.broadcast %scan3A_8 : f32 to vector<16xf32>
      %select_n3A_3072 = arith.select %eq3A_3070, %broadcast_in_dim3A_3071, %select_n3A_2874 : vector<16xi1>, vector<16xf32>
      %eq3A_3073 = arith.cmpi eq, %select_n3A_2970, %add3A_2065 : vector<16xi32>
      %broadcast_in_dim3A_3074 = vector.broadcast %scan3A_8 : f32 to vector<16xf32>
      %select_n3A_3075 = arith.select %eq3A_3073, %broadcast_in_dim3A_3074, %select_n3A_2877 : vector<16xi1>, vector<16xf32>
      %le3A_3076 = arith.cmpf ole, %select_n3A_2982, %select_n3A_2985 : vector<16xf32>
      %min3A_3077 = arith.minimumf %select_n3A_2982, %select_n3A_2985 : vector<16xf32>
      %select_n3A_3078 = arith.select %le3A_3076, %add3A_1332, %add3A_1354 : vector<16xi1>, vector<16xi32>
      %le3A_3079 = arith.cmpf ole, %select_n3A_2988, %select_n3A_2991 : vector<16xf32>
      %min3A_3080 = arith.minimumf %select_n3A_2988, %select_n3A_2991 : vector<16xf32>
      %select_n3A_3081 = arith.select %le3A_3079, %add3A_1377, %add3A_1400 : vector<16xi1>, vector<16xi32>
      %le3A_3082 = arith.cmpf ole, %select_n3A_2994, %select_n3A_2997 : vector<16xf32>
      %min3A_3083 = arith.minimumf %select_n3A_2994, %select_n3A_2997 : vector<16xf32>
      %select_n3A_3084 = arith.select %le3A_3082, %add3A_1426, %add3A_1449 : vector<16xi1>, vector<16xi32>
      %le3A_3085 = arith.cmpf ole, %select_n3A_3000, %select_n3A_3003 : vector<16xf32>
      %min3A_3086 = arith.minimumf %select_n3A_3000, %select_n3A_3003 : vector<16xf32>
      %select_n3A_3087 = arith.select %le3A_3085, %add3A_1472, %add3A_1495 : vector<16xi1>, vector<16xi32>
      %le3A_3088 = arith.cmpf ole, %select_n3A_3006, %select_n3A_3009 : vector<16xf32>
      %min3A_3089 = arith.minimumf %select_n3A_3006, %select_n3A_3009 : vector<16xf32>
      %select_n3A_3090 = arith.select %le3A_3088, %add3A_1521, %add3A_1544 : vector<16xi1>, vector<16xi32>
      %le3A_3091 = arith.cmpf ole, %select_n3A_3012, %select_n3A_3015 : vector<16xf32>
      %min3A_3092 = arith.minimumf %select_n3A_3012, %select_n3A_3015 : vector<16xf32>
      %select_n3A_3093 = arith.select %le3A_3091, %add3A_1567, %add3A_1590 : vector<16xi1>, vector<16xi32>
      %le3A_3094 = arith.cmpf ole, %select_n3A_3018, %select_n3A_3021 : vector<16xf32>
      %min3A_3095 = arith.minimumf %select_n3A_3018, %select_n3A_3021 : vector<16xf32>
      %select_n3A_3096 = arith.select %le3A_3094, %add3A_1616, %add3A_1639 : vector<16xi1>, vector<16xi32>
      %le3A_3097 = arith.cmpf ole, %select_n3A_3024, %select_n3A_3027 : vector<16xf32>
      %min3A_3098 = arith.minimumf %select_n3A_3024, %select_n3A_3027 : vector<16xf32>
      %select_n3A_3099 = arith.select %le3A_3097, %add3A_1662, %add3A_1685 : vector<16xi1>, vector<16xi32>
      %le3A_3100 = arith.cmpf ole, %select_n3A_3030, %select_n3A_3033 : vector<16xf32>
      %min3A_3101 = arith.minimumf %select_n3A_3030, %select_n3A_3033 : vector<16xf32>
      %select_n3A_3102 = arith.select %le3A_3100, %add3A_1711, %add3A_1734 : vector<16xi1>, vector<16xi32>
      %le3A_3103 = arith.cmpf ole, %select_n3A_3036, %select_n3A_3039 : vector<16xf32>
      %min3A_3104 = arith.minimumf %select_n3A_3036, %select_n3A_3039 : vector<16xf32>
      %select_n3A_3105 = arith.select %le3A_3103, %add3A_1757, %add3A_1780 : vector<16xi1>, vector<16xi32>
      %le3A_3106 = arith.cmpf ole, %select_n3A_3042, %select_n3A_3045 : vector<16xf32>
      %min3A_3107 = arith.minimumf %select_n3A_3042, %select_n3A_3045 : vector<16xf32>
      %select_n3A_3108 = arith.select %le3A_3106, %add3A_1806, %add3A_1829 : vector<16xi1>, vector<16xi32>
      %le3A_3109 = arith.cmpf ole, %select_n3A_3048, %select_n3A_3051 : vector<16xf32>
      %min3A_3110 = arith.minimumf %select_n3A_3048, %select_n3A_3051 : vector<16xf32>
      %select_n3A_3111 = arith.select %le3A_3109, %add3A_1852, %add3A_1875 : vector<16xi1>, vector<16xi32>
      %le3A_3112 = arith.cmpf ole, %select_n3A_3054, %select_n3A_3057 : vector<16xf32>
      %min3A_3113 = arith.minimumf %select_n3A_3054, %select_n3A_3057 : vector<16xf32>
      %select_n3A_3114 = arith.select %le3A_3112, %add3A_1901, %add3A_1924 : vector<16xi1>, vector<16xi32>
      %le3A_3115 = arith.cmpf ole, %select_n3A_3060, %select_n3A_3063 : vector<16xf32>
      %min3A_3116 = arith.minimumf %select_n3A_3060, %select_n3A_3063 : vector<16xf32>
      %select_n3A_3117 = arith.select %le3A_3115, %add3A_1947, %add3A_1970 : vector<16xi1>, vector<16xi32>
      %le3A_3118 = arith.cmpf ole, %select_n3A_3066, %select_n3A_3069 : vector<16xf32>
      %min3A_3119 = arith.minimumf %select_n3A_3066, %select_n3A_3069 : vector<16xf32>
      %select_n3A_3120 = arith.select %le3A_3118, %add3A_1996, %add3A_2019 : vector<16xi1>, vector<16xi32>
      %le3A_3121 = arith.cmpf ole, %select_n3A_3072, %select_n3A_3075 : vector<16xf32>
      %min3A_3122 = arith.minimumf %select_n3A_3072, %select_n3A_3075 : vector<16xf32>
      %select_n3A_3123 = arith.select %le3A_3121, %add3A_2042, %add3A_2065 : vector<16xi1>, vector<16xi32>
      %le3A_3124 = arith.cmpf ole, %min3A_3077, %min3A_3080 : vector<16xf32>
      %min3A_3125 = arith.minimumf %min3A_3077, %min3A_3080 : vector<16xf32>
      %select_n3A_3126 = arith.select %le3A_3124, %select_n3A_3078, %select_n3A_3081 : vector<16xi1>, vector<16xi32>
      %le3A_3127 = arith.cmpf ole, %min3A_3083, %min3A_3086 : vector<16xf32>
      %min3A_3128 = arith.minimumf %min3A_3083, %min3A_3086 : vector<16xf32>
      %select_n3A_3129 = arith.select %le3A_3127, %select_n3A_3084, %select_n3A_3087 : vector<16xi1>, vector<16xi32>
      %le3A_3130 = arith.cmpf ole, %min3A_3089, %min3A_3092 : vector<16xf32>
      %min3A_3131 = arith.minimumf %min3A_3089, %min3A_3092 : vector<16xf32>
      %select_n3A_3132 = arith.select %le3A_3130, %select_n3A_3090, %select_n3A_3093 : vector<16xi1>, vector<16xi32>
      %le3A_3133 = arith.cmpf ole, %min3A_3095, %min3A_3098 : vector<16xf32>
      %min3A_3134 = arith.minimumf %min3A_3095, %min3A_3098 : vector<16xf32>
      %select_n3A_3135 = arith.select %le3A_3133, %select_n3A_3096, %select_n3A_3099 : vector<16xi1>, vector<16xi32>
      %le3A_3136 = arith.cmpf ole, %min3A_3101, %min3A_3104 : vector<16xf32>
      %min3A_3137 = arith.minimumf %min3A_3101, %min3A_3104 : vector<16xf32>
      %select_n3A_3138 = arith.select %le3A_3136, %select_n3A_3102, %select_n3A_3105 : vector<16xi1>, vector<16xi32>
      %le3A_3139 = arith.cmpf ole, %min3A_3107, %min3A_3110 : vector<16xf32>
      %min3A_3140 = arith.minimumf %min3A_3107, %min3A_3110 : vector<16xf32>
      %select_n3A_3141 = arith.select %le3A_3139, %select_n3A_3108, %select_n3A_3111 : vector<16xi1>, vector<16xi32>
      %le3A_3142 = arith.cmpf ole, %min3A_3113, %min3A_3116 : vector<16xf32>
      %min3A_3143 = arith.minimumf %min3A_3113, %min3A_3116 : vector<16xf32>
      %select_n3A_3144 = arith.select %le3A_3142, %select_n3A_3114, %select_n3A_3117 : vector<16xi1>, vector<16xi32>
      %le3A_3145 = arith.cmpf ole, %min3A_3119, %min3A_3122 : vector<16xf32>
      %min3A_3146 = arith.minimumf %min3A_3119, %min3A_3122 : vector<16xf32>
      %select_n3A_3147 = arith.select %le3A_3145, %select_n3A_3120, %select_n3A_3123 : vector<16xi1>, vector<16xi32>
      %le3A_3148 = arith.cmpf ole, %min3A_3125, %min3A_3128 : vector<16xf32>
      %min3A_3149 = arith.minimumf %min3A_3125, %min3A_3128 : vector<16xf32>
      %select_n3A_3150 = arith.select %le3A_3148, %select_n3A_3126, %select_n3A_3129 : vector<16xi1>, vector<16xi32>
      %le3A_3151 = arith.cmpf ole, %min3A_3131, %min3A_3134 : vector<16xf32>
      %min3A_3152 = arith.minimumf %min3A_3131, %min3A_3134 : vector<16xf32>
      %select_n3A_3153 = arith.select %le3A_3151, %select_n3A_3132, %select_n3A_3135 : vector<16xi1>, vector<16xi32>
      %le3A_3154 = arith.cmpf ole, %min3A_3137, %min3A_3140 : vector<16xf32>
      %min3A_3155 = arith.minimumf %min3A_3137, %min3A_3140 : vector<16xf32>
      %select_n3A_3156 = arith.select %le3A_3154, %select_n3A_3138, %select_n3A_3141 : vector<16xi1>, vector<16xi32>
      %le3A_3157 = arith.cmpf ole, %min3A_3143, %min3A_3146 : vector<16xf32>
      %min3A_3158 = arith.minimumf %min3A_3143, %min3A_3146 : vector<16xf32>
      %select_n3A_3159 = arith.select %le3A_3157, %select_n3A_3144, %select_n3A_3147 : vector<16xi1>, vector<16xi32>
      %le3A_3160 = arith.cmpf ole, %min3A_3149, %min3A_3152 : vector<16xf32>
      %min3A_3161 = arith.minimumf %min3A_3149, %min3A_3152 : vector<16xf32>
      %select_n3A_3162 = arith.select %le3A_3160, %select_n3A_3150, %select_n3A_3153 : vector<16xi1>, vector<16xi32>
      %le3A_3163 = arith.cmpf ole, %min3A_3155, %min3A_3158 : vector<16xf32>
      %min3A_3164 = arith.minimumf %min3A_3155, %min3A_3158 : vector<16xf32>
      %select_n3A_3165 = arith.select %le3A_3163, %select_n3A_3156, %select_n3A_3159 : vector<16xi1>, vector<16xi32>
      %le3A_3166 = arith.cmpf ole, %min3A_3161, %min3A_3164 : vector<16xf32>
      %min3A_3167 = arith.minimumf %min3A_3161, %min3A_3164 : vector<16xf32>
      %select_n3A_3168 = arith.select %le3A_3166, %select_n3A_3162, %select_n3A_3165 : vector<16xi1>, vector<16xi32>
      %mul3A_3169 = arith.constant 8 : i32
      %mul3A_3170 = vector.broadcast %mul3A_3169 : i32 to vector<16xi32>
      %mul3A_3171 = arith.muli %iota3A, %mul3A_3170 : vector<16xi32>
      %mul3A_3172 = arith.constant 128 : i32
      %mul3A_3173 = arith.muli %scan3A_16, %mul3A_3172 : i32
      %add3A_3174 = arith.constant 5 : i32
      %add3A_3175 = arith.addi %mul3A_3173, %add3A_3174 : i32
      %add3A_3176 = vector.broadcast %add3A_3175 : i32 to vector<16xi32>
      %add3A_3177 = arith.addi %mul3A_3171, %add3A_3176 : vector<16xi32>
      tpu.vector_store_idx %arg7[%add3A_3177], %select_n3A_3168 : memref<2048xi32, #tpu.memory_space<vmem>>[vector<16xi32>], vector<16xi32>,
      %eq3A_3178 = arith.cmpi eq, %select_n3A_3168, %add3A_1332 : vector<16xi32>
      %broadcast_in_dim3A_3179 = vector.broadcast %scan3A_8 : f32 to vector<16xf32>
      %select_n3A_3180 = arith.select %eq3A_3178, %broadcast_in_dim3A_3179, %select_n3A_2982 : vector<16xi1>, vector<16xf32>
      %eq3A_3181 = arith.cmpi eq, %select_n3A_3168, %add3A_1354 : vector<16xi32>
      %broadcast_in_dim3A_3182 = vector.broadcast %scan3A_8 : f32 to vector<16xf32>
      %select_n3A_3183 = arith.select %eq3A_3181, %broadcast_in_dim3A_3182, %select_n3A_2985 : vector<16xi1>, vector<16xf32>
      %eq3A_3184 = arith.cmpi eq, %select_n3A_3168, %add3A_1377 : vector<16xi32>
      %broadcast_in_dim3A_3185 = vector.broadcast %scan3A_8 : f32 to vector<16xf32>
      %select_n3A_3186 = arith.select %eq3A_3184, %broadcast_in_dim3A_3185, %select_n3A_2988 : vector<16xi1>, vector<16xf32>
      %eq3A_3187 = arith.cmpi eq, %select_n3A_3168, %add3A_1400 : vector<16xi32>
      %broadcast_in_dim3A_3188 = vector.broadcast %scan3A_8 : f32 to vector<16xf32>
      %select_n3A_3189 = arith.select %eq3A_3187, %broadcast_in_dim3A_3188, %select_n3A_2991 : vector<16xi1>, vector<16xf32>
      %eq3A_3190 = arith.cmpi eq, %select_n3A_3168, %add3A_1426 : vector<16xi32>
      %broadcast_in_dim3A_3191 = vector.broadcast %scan3A_8 : f32 to vector<16xf32>
      %select_n3A_3192 = arith.select %eq3A_3190, %broadcast_in_dim3A_3191, %select_n3A_2994 : vector<16xi1>, vector<16xf32>
      %eq3A_3193 = arith.cmpi eq, %select_n3A_3168, %add3A_1449 : vector<16xi32>
      %broadcast_in_dim3A_3194 = vector.broadcast %scan3A_8 : f32 to vector<16xf32>
      %select_n3A_3195 = arith.select %eq3A_3193, %broadcast_in_dim3A_3194, %select_n3A_2997 : vector<16xi1>, vector<16xf32>
      %eq3A_3196 = arith.cmpi eq, %select_n3A_3168, %add3A_1472 : vector<16xi32>
      %broadcast_in_dim3A_3197 = vector.broadcast %scan3A_8 : f32 to vector<16xf32>
      %select_n3A_3198 = arith.select %eq3A_3196, %broadcast_in_dim3A_3197, %select_n3A_3000 : vector<16xi1>, vector<16xf32>
      %eq3A_3199 = arith.cmpi eq, %select_n3A_3168, %add3A_1495 : vector<16xi32>
      %broadcast_in_dim3A_3200 = vector.broadcast %scan3A_8 : f32 to vector<16xf32>
      %select_n3A_3201 = arith.select %eq3A_3199, %broadcast_in_dim3A_3200, %select_n3A_3003 : vector<16xi1>, vector<16xf32>
      %eq3A_3202 = arith.cmpi eq, %select_n3A_3168, %add3A_1521 : vector<16xi32>
      %broadcast_in_dim3A_3203 = vector.broadcast %scan3A_8 : f32 to vector<16xf32>
      %select_n3A_3204 = arith.select %eq3A_3202, %broadcast_in_dim3A_3203, %select_n3A_3006 : vector<16xi1>, vector<16xf32>
      %eq3A_3205 = arith.cmpi eq, %select_n3A_3168, %add3A_1544 : vector<16xi32>
      %broadcast_in_dim3A_3206 = vector.broadcast %scan3A_8 : f32 to vector<16xf32>
      %select_n3A_3207 = arith.select %eq3A_3205, %broadcast_in_dim3A_3206, %select_n3A_3009 : vector<16xi1>, vector<16xf32>
      %eq3A_3208 = arith.cmpi eq, %select_n3A_3168, %add3A_1567 : vector<16xi32>
      %broadcast_in_dim3A_3209 = vector.broadcast %scan3A_8 : f32 to vector<16xf32>
      %select_n3A_3210 = arith.select %eq3A_3208, %broadcast_in_dim3A_3209, %select_n3A_3012 : vector<16xi1>, vector<16xf32>
      %eq3A_3211 = arith.cmpi eq, %select_n3A_3168, %add3A_1590 : vector<16xi32>
      %broadcast_in_dim3A_3212 = vector.broadcast %scan3A_8 : f32 to vector<16xf32>
      %select_n3A_3213 = arith.select %eq3A_3211, %broadcast_in_dim3A_3212, %select_n3A_3015 : vector<16xi1>, vector<16xf32>
      %eq3A_3214 = arith.cmpi eq, %select_n3A_3168, %add3A_1616 : vector<16xi32>
      %broadcast_in_dim3A_3215 = vector.broadcast %scan3A_8 : f32 to vector<16xf32>
      %select_n3A_3216 = arith.select %eq3A_3214, %broadcast_in_dim3A_3215, %select_n3A_3018 : vector<16xi1>, vector<16xf32>
      %eq3A_3217 = arith.cmpi eq, %select_n3A_3168, %add3A_1639 : vector<16xi32>
      %broadcast_in_dim3A_3218 = vector.broadcast %scan3A_8 : f32 to vector<16xf32>
      %select_n3A_3219 = arith.select %eq3A_3217, %broadcast_in_dim3A_3218, %select_n3A_3021 : vector<16xi1>, vector<16xf32>
      %eq3A_3220 = arith.cmpi eq, %select_n3A_3168, %add3A_1662 : vector<16xi32>
      %broadcast_in_dim3A_3221 = vector.broadcast %scan3A_8 : f32 to vector<16xf32>
      %select_n3A_3222 = arith.select %eq3A_3220, %broadcast_in_dim3A_3221, %select_n3A_3024 : vector<16xi1>, vector<16xf32>
      %eq3A_3223 = arith.cmpi eq, %select_n3A_3168, %add3A_1685 : vector<16xi32>
      %broadcast_in_dim3A_3224 = vector.broadcast %scan3A_8 : f32 to vector<16xf32>
      %select_n3A_3225 = arith.select %eq3A_3223, %broadcast_in_dim3A_3224, %select_n3A_3027 : vector<16xi1>, vector<16xf32>
      %eq3A_3226 = arith.cmpi eq, %select_n3A_3168, %add3A_1711 : vector<16xi32>
      %broadcast_in_dim3A_3227 = vector.broadcast %scan3A_8 : f32 to vector<16xf32>
      %select_n3A_3228 = arith.select %eq3A_3226, %broadcast_in_dim3A_3227, %select_n3A_3030 : vector<16xi1>, vector<16xf32>
      %eq3A_3229 = arith.cmpi eq, %select_n3A_3168, %add3A_1734 : vector<16xi32>
      %broadcast_in_dim3A_3230 = vector.broadcast %scan3A_8 : f32 to vector<16xf32>
      %select_n3A_3231 = arith.select %eq3A_3229, %broadcast_in_dim3A_3230, %select_n3A_3033 : vector<16xi1>, vector<16xf32>
      %eq3A_3232 = arith.cmpi eq, %select_n3A_3168, %add3A_1757 : vector<16xi32>
      %broadcast_in_dim3A_3233 = vector.broadcast %scan3A_8 : f32 to vector<16xf32>
      %select_n3A_3234 = arith.select %eq3A_3232, %broadcast_in_dim3A_3233, %select_n3A_3036 : vector<16xi1>, vector<16xf32>
      %eq3A_3235 = arith.cmpi eq, %select_n3A_3168, %add3A_1780 : vector<16xi32>
      %broadcast_in_dim3A_3236 = vector.broadcast %scan3A_8 : f32 to vector<16xf32>
      %select_n3A_3237 = arith.select %eq3A_3235, %broadcast_in_dim3A_3236, %select_n3A_3039 : vector<16xi1>, vector<16xf32>
      %eq3A_3238 = arith.cmpi eq, %select_n3A_3168, %add3A_1806 : vector<16xi32>
      %broadcast_in_dim3A_3239 = vector.broadcast %scan3A_8 : f32 to vector<16xf32>
      %select_n3A_3240 = arith.select %eq3A_3238, %broadcast_in_dim3A_3239, %select_n3A_3042 : vector<16xi1>, vector<16xf32>
      %eq3A_3241 = arith.cmpi eq, %select_n3A_3168, %add3A_1829 : vector<16xi32>
      %broadcast_in_dim3A_3242 = vector.broadcast %scan3A_8 : f32 to vector<16xf32>
      %select_n3A_3243 = arith.select %eq3A_3241, %broadcast_in_dim3A_3242, %select_n3A_3045 : vector<16xi1>, vector<16xf32>
      %eq3A_3244 = arith.cmpi eq, %select_n3A_3168, %add3A_1852 : vector<16xi32>
      %broadcast_in_dim3A_3245 = vector.broadcast %scan3A_8 : f32 to vector<16xf32>
      %select_n3A_3246 = arith.select %eq3A_3244, %broadcast_in_dim3A_3245, %select_n3A_3048 : vector<16xi1>, vector<16xf32>
      %eq3A_3247 = arith.cmpi eq, %select_n3A_3168, %add3A_1875 : vector<16xi32>
      %broadcast_in_dim3A_3248 = vector.broadcast %scan3A_8 : f32 to vector<16xf32>
      %select_n3A_3249 = arith.select %eq3A_3247, %broadcast_in_dim3A_3248, %select_n3A_3051 : vector<16xi1>, vector<16xf32>
      %eq3A_3250 = arith.cmpi eq, %select_n3A_3168, %add3A_1901 : vector<16xi32>
      %broadcast_in_dim3A_3251 = vector.broadcast %scan3A_8 : f32 to vector<16xf32>
      %select_n3A_3252 = arith.select %eq3A_3250, %broadcast_in_dim3A_3251, %select_n3A_3054 : vector<16xi1>, vector<16xf32>
      %eq3A_3253 = arith.cmpi eq, %select_n3A_3168, %add3A_1924 : vector<16xi32>
      %broadcast_in_dim3A_3254 = vector.broadcast %scan3A_8 : f32 to vector<16xf32>
      %select_n3A_3255 = arith.select %eq3A_3253, %broadcast_in_dim3A_3254, %select_n3A_3057 : vector<16xi1>, vector<16xf32>
      %eq3A_3256 = arith.cmpi eq, %select_n3A_3168, %add3A_1947 : vector<16xi32>
      %broadcast_in_dim3A_3257 = vector.broadcast %scan3A_8 : f32 to vector<16xf32>
      %select_n3A_3258 = arith.select %eq3A_3256, %broadcast_in_dim3A_3257, %select_n3A_3060 : vector<16xi1>, vector<16xf32>
      %eq3A_3259 = arith.cmpi eq, %select_n3A_3168, %add3A_1970 : vector<16xi32>
      %broadcast_in_dim3A_3260 = vector.broadcast %scan3A_8 : f32 to vector<16xf32>
      %select_n3A_3261 = arith.select %eq3A_3259, %broadcast_in_dim3A_3260, %select_n3A_3063 : vector<16xi1>, vector<16xf32>
      %eq3A_3262 = arith.cmpi eq, %select_n3A_3168, %add3A_1996 : vector<16xi32>
      %broadcast_in_dim3A_3263 = vector.broadcast %scan3A_8 : f32 to vector<16xf32>
      %select_n3A_3264 = arith.select %eq3A_3262, %broadcast_in_dim3A_3263, %select_n3A_3066 : vector<16xi1>, vector<16xf32>
      %eq3A_3265 = arith.cmpi eq, %select_n3A_3168, %add3A_2019 : vector<16xi32>
      %broadcast_in_dim3A_3266 = vector.broadcast %scan3A_8 : f32 to vector<16xf32>
      %select_n3A_3267 = arith.select %eq3A_3265, %broadcast_in_dim3A_3266, %select_n3A_3069 : vector<16xi1>, vector<16xf32>
      %eq3A_3268 = arith.cmpi eq, %select_n3A_3168, %add3A_2042 : vector<16xi32>
      %broadcast_in_dim3A_3269 = vector.broadcast %scan3A_8 : f32 to vector<16xf32>
      %select_n3A_3270 = arith.select %eq3A_3268, %broadcast_in_dim3A_3269, %select_n3A_3072 : vector<16xi1>, vector<16xf32>
      %eq3A_3271 = arith.cmpi eq, %select_n3A_3168, %add3A_2065 : vector<16xi32>
      %broadcast_in_dim3A_3272 = vector.broadcast %scan3A_8 : f32 to vector<16xf32>
      %select_n3A_3273 = arith.select %eq3A_3271, %broadcast_in_dim3A_3272, %select_n3A_3075 : vector<16xi1>, vector<16xf32>
      %le3A_3274 = arith.cmpf ole, %select_n3A_3180, %select_n3A_3183 : vector<16xf32>
      %min3A_3275 = arith.minimumf %select_n3A_3180, %select_n3A_3183 : vector<16xf32>
      %select_n3A_3276 = arith.select %le3A_3274, %add3A_1332, %add3A_1354 : vector<16xi1>, vector<16xi32>
      %le3A_3277 = arith.cmpf ole, %select_n3A_3186, %select_n3A_3189 : vector<16xf32>
      %min3A_3278 = arith.minimumf %select_n3A_3186, %select_n3A_3189 : vector<16xf32>
      %select_n3A_3279 = arith.select %le3A_3277, %add3A_1377, %add3A_1400 : vector<16xi1>, vector<16xi32>
      %le3A_3280 = arith.cmpf ole, %select_n3A_3192, %select_n3A_3195 : vector<16xf32>
      %min3A_3281 = arith.minimumf %select_n3A_3192, %select_n3A_3195 : vector<16xf32>
      %select_n3A_3282 = arith.select %le3A_3280, %add3A_1426, %add3A_1449 : vector<16xi1>, vector<16xi32>
      %le3A_3283 = arith.cmpf ole, %select_n3A_3198, %select_n3A_3201 : vector<16xf32>
      %min3A_3284 = arith.minimumf %select_n3A_3198, %select_n3A_3201 : vector<16xf32>
      %select_n3A_3285 = arith.select %le3A_3283, %add3A_1472, %add3A_1495 : vector<16xi1>, vector<16xi32>
      %le3A_3286 = arith.cmpf ole, %select_n3A_3204, %select_n3A_3207 : vector<16xf32>
      %min3A_3287 = arith.minimumf %select_n3A_3204, %select_n3A_3207 : vector<16xf32>
      %select_n3A_3288 = arith.select %le3A_3286, %add3A_1521, %add3A_1544 : vector<16xi1>, vector<16xi32>
      %le3A_3289 = arith.cmpf ole, %select_n3A_3210, %select_n3A_3213 : vector<16xf32>
      %min3A_3290 = arith.minimumf %select_n3A_3210, %select_n3A_3213 : vector<16xf32>
      %select_n3A_3291 = arith.select %le3A_3289, %add3A_1567, %add3A_1590 : vector<16xi1>, vector<16xi32>
      %le3A_3292 = arith.cmpf ole, %select_n3A_3216, %select_n3A_3219 : vector<16xf32>
      %min3A_3293 = arith.minimumf %select_n3A_3216, %select_n3A_3219 : vector<16xf32>
      %select_n3A_3294 = arith.select %le3A_3292, %add3A_1616, %add3A_1639 : vector<16xi1>, vector<16xi32>
      %le3A_3295 = arith.cmpf ole, %select_n3A_3222, %select_n3A_3225 : vector<16xf32>
      %min3A_3296 = arith.minimumf %select_n3A_3222, %select_n3A_3225 : vector<16xf32>
      %select_n3A_3297 = arith.select %le3A_3295, %add3A_1662, %add3A_1685 : vector<16xi1>, vector<16xi32>
      %le3A_3298 = arith.cmpf ole, %select_n3A_3228, %select_n3A_3231 : vector<16xf32>
      %min3A_3299 = arith.minimumf %select_n3A_3228, %select_n3A_3231 : vector<16xf32>
      %select_n3A_3300 = arith.select %le3A_3298, %add3A_1711, %add3A_1734 : vector<16xi1>, vector<16xi32>
      %le3A_3301 = arith.cmpf ole, %select_n3A_3234, %select_n3A_3237 : vector<16xf32>
      %min3A_3302 = arith.minimumf %select_n3A_3234, %select_n3A_3237 : vector<16xf32>
      %select_n3A_3303 = arith.select %le3A_3301, %add3A_1757, %add3A_1780 : vector<16xi1>, vector<16xi32>
      %le3A_3304 = arith.cmpf ole, %select_n3A_3240, %select_n3A_3243 : vector<16xf32>
      %min3A_3305 = arith.minimumf %select_n3A_3240, %select_n3A_3243 : vector<16xf32>
      %select_n3A_3306 = arith.select %le3A_3304, %add3A_1806, %add3A_1829 : vector<16xi1>, vector<16xi32>
      %le3A_3307 = arith.cmpf ole, %select_n3A_3246, %select_n3A_3249 : vector<16xf32>
      %min3A_3308 = arith.minimumf %select_n3A_3246, %select_n3A_3249 : vector<16xf32>
      %select_n3A_3309 = arith.select %le3A_3307, %add3A_1852, %add3A_1875 : vector<16xi1>, vector<16xi32>
      %le3A_3310 = arith.cmpf ole, %select_n3A_3252, %select_n3A_3255 : vector<16xf32>
      %min3A_3311 = arith.minimumf %select_n3A_3252, %select_n3A_3255 : vector<16xf32>
      %select_n3A_3312 = arith.select %le3A_3310, %add3A_1901, %add3A_1924 : vector<16xi1>, vector<16xi32>
      %le3A_3313 = arith.cmpf ole, %select_n3A_3258, %select_n3A_3261 : vector<16xf32>
      %min3A_3314 = arith.minimumf %select_n3A_3258, %select_n3A_3261 : vector<16xf32>
      %select_n3A_3315 = arith.select %le3A_3313, %add3A_1947, %add3A_1970 : vector<16xi1>, vector<16xi32>
      %le3A_3316 = arith.cmpf ole, %select_n3A_3264, %select_n3A_3267 : vector<16xf32>
      %min3A_3317 = arith.minimumf %select_n3A_3264, %select_n3A_3267 : vector<16xf32>
      %select_n3A_3318 = arith.select %le3A_3316, %add3A_1996, %add3A_2019 : vector<16xi1>, vector<16xi32>
      %le3A_3319 = arith.cmpf ole, %select_n3A_3270, %select_n3A_3273 : vector<16xf32>
      %min3A_3320 = arith.minimumf %select_n3A_3270, %select_n3A_3273 : vector<16xf32>
      %select_n3A_3321 = arith.select %le3A_3319, %add3A_2042, %add3A_2065 : vector<16xi1>, vector<16xi32>
      %le3A_3322 = arith.cmpf ole, %min3A_3275, %min3A_3278 : vector<16xf32>
      %min3A_3323 = arith.minimumf %min3A_3275, %min3A_3278 : vector<16xf32>
      %select_n3A_3324 = arith.select %le3A_3322, %select_n3A_3276, %select_n3A_3279 : vector<16xi1>, vector<16xi32>
      %le3A_3325 = arith.cmpf ole, %min3A_3281, %min3A_3284 : vector<16xf32>
      %min3A_3326 = arith.minimumf %min3A_3281, %min3A_3284 : vector<16xf32>
      %select_n3A_3327 = arith.select %le3A_3325, %select_n3A_3282, %select_n3A_3285 : vector<16xi1>, vector<16xi32>
      %le3A_3328 = arith.cmpf ole, %min3A_3287, %min3A_3290 : vector<16xf32>
      %min3A_3329 = arith.minimumf %min3A_3287, %min3A_3290 : vector<16xf32>
      %select_n3A_3330 = arith.select %le3A_3328, %select_n3A_3288, %select_n3A_3291 : vector<16xi1>, vector<16xi32>
      %le3A_3331 = arith.cmpf ole, %min3A_3293, %min3A_3296 : vector<16xf32>
      %min3A_3332 = arith.minimumf %min3A_3293, %min3A_3296 : vector<16xf32>
      %select_n3A_3333 = arith.select %le3A_3331, %select_n3A_3294, %select_n3A_3297 : vector<16xi1>, vector<16xi32>
      %le3A_3334 = arith.cmpf ole, %min3A_3299, %min3A_3302 : vector<16xf32>
      %min3A_3335 = arith.minimumf %min3A_3299, %min3A_3302 : vector<16xf32>
      %select_n3A_3336 = arith.select %le3A_3334, %select_n3A_3300, %select_n3A_3303 : vector<16xi1>, vector<16xi32>
      %le3A_3337 = arith.cmpf ole, %min3A_3305, %min3A_3308 : vector<16xf32>
      %min3A_3338 = arith.minimumf %min3A_3305, %min3A_3308 : vector<16xf32>
      %select_n3A_3339 = arith.select %le3A_3337, %select_n3A_3306, %select_n3A_3309 : vector<16xi1>, vector<16xi32>
      %le3A_3340 = arith.cmpf ole, %min3A_3311, %min3A_3314 : vector<16xf32>
      %min3A_3341 = arith.minimumf %min3A_3311, %min3A_3314 : vector<16xf32>
      %select_n3A_3342 = arith.select %le3A_3340, %select_n3A_3312, %select_n3A_3315 : vector<16xi1>, vector<16xi32>
      %le3A_3343 = arith.cmpf ole, %min3A_3317, %min3A_3320 : vector<16xf32>
      %min3A_3344 = arith.minimumf %min3A_3317, %min3A_3320 : vector<16xf32>
      %select_n3A_3345 = arith.select %le3A_3343, %select_n3A_3318, %select_n3A_3321 : vector<16xi1>, vector<16xi32>
      %le3A_3346 = arith.cmpf ole, %min3A_3323, %min3A_3326 : vector<16xf32>
      %min3A_3347 = arith.minimumf %min3A_3323, %min3A_3326 : vector<16xf32>
      %select_n3A_3348 = arith.select %le3A_3346, %select_n3A_3324, %select_n3A_3327 : vector<16xi1>, vector<16xi32>
      %le3A_3349 = arith.cmpf ole, %min3A_3329, %min3A_3332 : vector<16xf32>
      %min3A_3350 = arith.minimumf %min3A_3329, %min3A_3332 : vector<16xf32>
      %select_n3A_3351 = arith.select %le3A_3349, %select_n3A_3330, %select_n3A_3333 : vector<16xi1>, vector<16xi32>
      %le3A_3352 = arith.cmpf ole, %min3A_3335, %min3A_3338 : vector<16xf32>
      %min3A_3353 = arith.minimumf %min3A_3335, %min3A_3338 : vector<16xf32>
      %select_n3A_3354 = arith.select %le3A_3352, %select_n3A_3336, %select_n3A_3339 : vector<16xi1>, vector<16xi32>
      %le3A_3355 = arith.cmpf ole, %min3A_3341, %min3A_3344 : vector<16xf32>
      %min3A_3356 = arith.minimumf %min3A_3341, %min3A_3344 : vector<16xf32>
      %select_n3A_3357 = arith.select %le3A_3355, %select_n3A_3342, %select_n3A_3345 : vector<16xi1>, vector<16xi32>
      %le3A_3358 = arith.cmpf ole, %min3A_3347, %min3A_3350 : vector<16xf32>
      %min3A_3359 = arith.minimumf %min3A_3347, %min3A_3350 : vector<16xf32>
      %select_n3A_3360 = arith.select %le3A_3358, %select_n3A_3348, %select_n3A_3351 : vector<16xi1>, vector<16xi32>
      %le3A_3361 = arith.cmpf ole, %min3A_3353, %min3A_3356 : vector<16xf32>
      %min3A_3362 = arith.minimumf %min3A_3353, %min3A_3356 : vector<16xf32>
      %select_n3A_3363 = arith.select %le3A_3361, %select_n3A_3354, %select_n3A_3357 : vector<16xi1>, vector<16xi32>
      %le3A_3364 = arith.cmpf ole, %min3A_3359, %min3A_3362 : vector<16xf32>
      %min3A_3365 = arith.minimumf %min3A_3359, %min3A_3362 : vector<16xf32>
      %select_n3A_3366 = arith.select %le3A_3364, %select_n3A_3360, %select_n3A_3363 : vector<16xi1>, vector<16xi32>
      %mul3A_3367 = arith.constant 8 : i32
      %mul3A_3368 = vector.broadcast %mul3A_3367 : i32 to vector<16xi32>
      %mul3A_3369 = arith.muli %iota3A, %mul3A_3368 : vector<16xi32>
      %mul3A_3370 = arith.constant 128 : i32
      %mul3A_3371 = arith.muli %scan3A_16, %mul3A_3370 : i32
      %add3A_3372 = arith.constant 6 : i32
      %add3A_3373 = arith.addi %mul3A_3371, %add3A_3372 : i32
      %add3A_3374 = vector.broadcast %add3A_3373 : i32 to vector<16xi32>
      %add3A_3375 = arith.addi %mul3A_3369, %add3A_3374 : vector<16xi32>
      tpu.vector_store_idx %arg7[%add3A_3375], %select_n3A_3366 : memref<2048xi32, #tpu.memory_space<vmem>>[vector<16xi32>], vector<16xi32>,
      %eq3A_3376 = arith.cmpi eq, %select_n3A_3366, %add3A_1332 : vector<16xi32>
      %broadcast_in_dim3A_3377 = vector.broadcast %scan3A_8 : f32 to vector<16xf32>
      %select_n3A_3378 = arith.select %eq3A_3376, %broadcast_in_dim3A_3377, %select_n3A_3180 : vector<16xi1>, vector<16xf32>
      %eq3A_3379 = arith.cmpi eq, %select_n3A_3366, %add3A_1354 : vector<16xi32>
      %broadcast_in_dim3A_3380 = vector.broadcast %scan3A_8 : f32 to vector<16xf32>
      %select_n3A_3381 = arith.select %eq3A_3379, %broadcast_in_dim3A_3380, %select_n3A_3183 : vector<16xi1>, vector<16xf32>
      %eq3A_3382 = arith.cmpi eq, %select_n3A_3366, %add3A_1377 : vector<16xi32>
      %broadcast_in_dim3A_3383 = vector.broadcast %scan3A_8 : f32 to vector<16xf32>
      %select_n3A_3384 = arith.select %eq3A_3382, %broadcast_in_dim3A_3383, %select_n3A_3186 : vector<16xi1>, vector<16xf32>
      %eq3A_3385 = arith.cmpi eq, %select_n3A_3366, %add3A_1400 : vector<16xi32>
      %broadcast_in_dim3A_3386 = vector.broadcast %scan3A_8 : f32 to vector<16xf32>
      %select_n3A_3387 = arith.select %eq3A_3385, %broadcast_in_dim3A_3386, %select_n3A_3189 : vector<16xi1>, vector<16xf32>
      %eq3A_3388 = arith.cmpi eq, %select_n3A_3366, %add3A_1426 : vector<16xi32>
      %broadcast_in_dim3A_3389 = vector.broadcast %scan3A_8 : f32 to vector<16xf32>
      %select_n3A_3390 = arith.select %eq3A_3388, %broadcast_in_dim3A_3389, %select_n3A_3192 : vector<16xi1>, vector<16xf32>
      %eq3A_3391 = arith.cmpi eq, %select_n3A_3366, %add3A_1449 : vector<16xi32>
      %broadcast_in_dim3A_3392 = vector.broadcast %scan3A_8 : f32 to vector<16xf32>
      %select_n3A_3393 = arith.select %eq3A_3391, %broadcast_in_dim3A_3392, %select_n3A_3195 : vector<16xi1>, vector<16xf32>
      %eq3A_3394 = arith.cmpi eq, %select_n3A_3366, %add3A_1472 : vector<16xi32>
      %broadcast_in_dim3A_3395 = vector.broadcast %scan3A_8 : f32 to vector<16xf32>
      %select_n3A_3396 = arith.select %eq3A_3394, %broadcast_in_dim3A_3395, %select_n3A_3198 : vector<16xi1>, vector<16xf32>
      %eq3A_3397 = arith.cmpi eq, %select_n3A_3366, %add3A_1495 : vector<16xi32>
      %broadcast_in_dim3A_3398 = vector.broadcast %scan3A_8 : f32 to vector<16xf32>
      %select_n3A_3399 = arith.select %eq3A_3397, %broadcast_in_dim3A_3398, %select_n3A_3201 : vector<16xi1>, vector<16xf32>
      %eq3A_3400 = arith.cmpi eq, %select_n3A_3366, %add3A_1521 : vector<16xi32>
      %broadcast_in_dim3A_3401 = vector.broadcast %scan3A_8 : f32 to vector<16xf32>
      %select_n3A_3402 = arith.select %eq3A_3400, %broadcast_in_dim3A_3401, %select_n3A_3204 : vector<16xi1>, vector<16xf32>
      %eq3A_3403 = arith.cmpi eq, %select_n3A_3366, %add3A_1544 : vector<16xi32>
      %broadcast_in_dim3A_3404 = vector.broadcast %scan3A_8 : f32 to vector<16xf32>
      %select_n3A_3405 = arith.select %eq3A_3403, %broadcast_in_dim3A_3404, %select_n3A_3207 : vector<16xi1>, vector<16xf32>
      %eq3A_3406 = arith.cmpi eq, %select_n3A_3366, %add3A_1567 : vector<16xi32>
      %broadcast_in_dim3A_3407 = vector.broadcast %scan3A_8 : f32 to vector<16xf32>
      %select_n3A_3408 = arith.select %eq3A_3406, %broadcast_in_dim3A_3407, %select_n3A_3210 : vector<16xi1>, vector<16xf32>
      %eq3A_3409 = arith.cmpi eq, %select_n3A_3366, %add3A_1590 : vector<16xi32>
      %broadcast_in_dim3A_3410 = vector.broadcast %scan3A_8 : f32 to vector<16xf32>
      %select_n3A_3411 = arith.select %eq3A_3409, %broadcast_in_dim3A_3410, %select_n3A_3213 : vector<16xi1>, vector<16xf32>
      %eq3A_3412 = arith.cmpi eq, %select_n3A_3366, %add3A_1616 : vector<16xi32>
      %broadcast_in_dim3A_3413 = vector.broadcast %scan3A_8 : f32 to vector<16xf32>
      %select_n3A_3414 = arith.select %eq3A_3412, %broadcast_in_dim3A_3413, %select_n3A_3216 : vector<16xi1>, vector<16xf32>
      %eq3A_3415 = arith.cmpi eq, %select_n3A_3366, %add3A_1639 : vector<16xi32>
      %broadcast_in_dim3A_3416 = vector.broadcast %scan3A_8 : f32 to vector<16xf32>
      %select_n3A_3417 = arith.select %eq3A_3415, %broadcast_in_dim3A_3416, %select_n3A_3219 : vector<16xi1>, vector<16xf32>
      %eq3A_3418 = arith.cmpi eq, %select_n3A_3366, %add3A_1662 : vector<16xi32>
      %broadcast_in_dim3A_3419 = vector.broadcast %scan3A_8 : f32 to vector<16xf32>
      %select_n3A_3420 = arith.select %eq3A_3418, %broadcast_in_dim3A_3419, %select_n3A_3222 : vector<16xi1>, vector<16xf32>
      %eq3A_3421 = arith.cmpi eq, %select_n3A_3366, %add3A_1685 : vector<16xi32>
      %broadcast_in_dim3A_3422 = vector.broadcast %scan3A_8 : f32 to vector<16xf32>
      %select_n3A_3423 = arith.select %eq3A_3421, %broadcast_in_dim3A_3422, %select_n3A_3225 : vector<16xi1>, vector<16xf32>
      %eq3A_3424 = arith.cmpi eq, %select_n3A_3366, %add3A_1711 : vector<16xi32>
      %broadcast_in_dim3A_3425 = vector.broadcast %scan3A_8 : f32 to vector<16xf32>
      %select_n3A_3426 = arith.select %eq3A_3424, %broadcast_in_dim3A_3425, %select_n3A_3228 : vector<16xi1>, vector<16xf32>
      %eq3A_3427 = arith.cmpi eq, %select_n3A_3366, %add3A_1734 : vector<16xi32>
      %broadcast_in_dim3A_3428 = vector.broadcast %scan3A_8 : f32 to vector<16xf32>
      %select_n3A_3429 = arith.select %eq3A_3427, %broadcast_in_dim3A_3428, %select_n3A_3231 : vector<16xi1>, vector<16xf32>
      %eq3A_3430 = arith.cmpi eq, %select_n3A_3366, %add3A_1757 : vector<16xi32>
      %broadcast_in_dim3A_3431 = vector.broadcast %scan3A_8 : f32 to vector<16xf32>
      %select_n3A_3432 = arith.select %eq3A_3430, %broadcast_in_dim3A_3431, %select_n3A_3234 : vector<16xi1>, vector<16xf32>
      %eq3A_3433 = arith.cmpi eq, %select_n3A_3366, %add3A_1780 : vector<16xi32>
      %broadcast_in_dim3A_3434 = vector.broadcast %scan3A_8 : f32 to vector<16xf32>
      %select_n3A_3435 = arith.select %eq3A_3433, %broadcast_in_dim3A_3434, %select_n3A_3237 : vector<16xi1>, vector<16xf32>
      %eq3A_3436 = arith.cmpi eq, %select_n3A_3366, %add3A_1806 : vector<16xi32>
      %broadcast_in_dim3A_3437 = vector.broadcast %scan3A_8 : f32 to vector<16xf32>
      %select_n3A_3438 = arith.select %eq3A_3436, %broadcast_in_dim3A_3437, %select_n3A_3240 : vector<16xi1>, vector<16xf32>
      %eq3A_3439 = arith.cmpi eq, %select_n3A_3366, %add3A_1829 : vector<16xi32>
      %broadcast_in_dim3A_3440 = vector.broadcast %scan3A_8 : f32 to vector<16xf32>
      %select_n3A_3441 = arith.select %eq3A_3439, %broadcast_in_dim3A_3440, %select_n3A_3243 : vector<16xi1>, vector<16xf32>
      %eq3A_3442 = arith.cmpi eq, %select_n3A_3366, %add3A_1852 : vector<16xi32>
      %broadcast_in_dim3A_3443 = vector.broadcast %scan3A_8 : f32 to vector<16xf32>
      %select_n3A_3444 = arith.select %eq3A_3442, %broadcast_in_dim3A_3443, %select_n3A_3246 : vector<16xi1>, vector<16xf32>
      %eq3A_3445 = arith.cmpi eq, %select_n3A_3366, %add3A_1875 : vector<16xi32>
      %broadcast_in_dim3A_3446 = vector.broadcast %scan3A_8 : f32 to vector<16xf32>
      %select_n3A_3447 = arith.select %eq3A_3445, %broadcast_in_dim3A_3446, %select_n3A_3249 : vector<16xi1>, vector<16xf32>
      %eq3A_3448 = arith.cmpi eq, %select_n3A_3366, %add3A_1901 : vector<16xi32>
      %broadcast_in_dim3A_3449 = vector.broadcast %scan3A_8 : f32 to vector<16xf32>
      %select_n3A_3450 = arith.select %eq3A_3448, %broadcast_in_dim3A_3449, %select_n3A_3252 : vector<16xi1>, vector<16xf32>
      %eq3A_3451 = arith.cmpi eq, %select_n3A_3366, %add3A_1924 : vector<16xi32>
      %broadcast_in_dim3A_3452 = vector.broadcast %scan3A_8 : f32 to vector<16xf32>
      %select_n3A_3453 = arith.select %eq3A_3451, %broadcast_in_dim3A_3452, %select_n3A_3255 : vector<16xi1>, vector<16xf32>
      %eq3A_3454 = arith.cmpi eq, %select_n3A_3366, %add3A_1947 : vector<16xi32>
      %broadcast_in_dim3A_3455 = vector.broadcast %scan3A_8 : f32 to vector<16xf32>
      %select_n3A_3456 = arith.select %eq3A_3454, %broadcast_in_dim3A_3455, %select_n3A_3258 : vector<16xi1>, vector<16xf32>
      %eq3A_3457 = arith.cmpi eq, %select_n3A_3366, %add3A_1970 : vector<16xi32>
      %broadcast_in_dim3A_3458 = vector.broadcast %scan3A_8 : f32 to vector<16xf32>
      %select_n3A_3459 = arith.select %eq3A_3457, %broadcast_in_dim3A_3458, %select_n3A_3261 : vector<16xi1>, vector<16xf32>
      %eq3A_3460 = arith.cmpi eq, %select_n3A_3366, %add3A_1996 : vector<16xi32>
      %broadcast_in_dim3A_3461 = vector.broadcast %scan3A_8 : f32 to vector<16xf32>
      %select_n3A_3462 = arith.select %eq3A_3460, %broadcast_in_dim3A_3461, %select_n3A_3264 : vector<16xi1>, vector<16xf32>
      %eq3A_3463 = arith.cmpi eq, %select_n3A_3366, %add3A_2019 : vector<16xi32>
      %broadcast_in_dim3A_3464 = vector.broadcast %scan3A_8 : f32 to vector<16xf32>
      %select_n3A_3465 = arith.select %eq3A_3463, %broadcast_in_dim3A_3464, %select_n3A_3267 : vector<16xi1>, vector<16xf32>
      %eq3A_3466 = arith.cmpi eq, %select_n3A_3366, %add3A_2042 : vector<16xi32>
      %broadcast_in_dim3A_3467 = vector.broadcast %scan3A_8 : f32 to vector<16xf32>
      %select_n3A_3468 = arith.select %eq3A_3466, %broadcast_in_dim3A_3467, %select_n3A_3270 : vector<16xi1>, vector<16xf32>
      %eq3A_3469 = arith.cmpi eq, %select_n3A_3366, %add3A_2065 : vector<16xi32>
      %broadcast_in_dim3A_3470 = vector.broadcast %scan3A_8 : f32 to vector<16xf32>
      %select_n3A_3471 = arith.select %eq3A_3469, %broadcast_in_dim3A_3470, %select_n3A_3273 : vector<16xi1>, vector<16xf32>
      %le3A_3472 = arith.cmpf ole, %select_n3A_3378, %select_n3A_3381 : vector<16xf32>
      %min3A_3473 = arith.minimumf %select_n3A_3378, %select_n3A_3381 : vector<16xf32>
      %select_n3A_3474 = arith.select %le3A_3472, %add3A_1332, %add3A_1354 : vector<16xi1>, vector<16xi32>
      %le3A_3475 = arith.cmpf ole, %select_n3A_3384, %select_n3A_3387 : vector<16xf32>
      %min3A_3476 = arith.minimumf %select_n3A_3384, %select_n3A_3387 : vector<16xf32>
      %select_n3A_3477 = arith.select %le3A_3475, %add3A_1377, %add3A_1400 : vector<16xi1>, vector<16xi32>
      %le3A_3478 = arith.cmpf ole, %select_n3A_3390, %select_n3A_3393 : vector<16xf32>
      %min3A_3479 = arith.minimumf %select_n3A_3390, %select_n3A_3393 : vector<16xf32>
      %select_n3A_3480 = arith.select %le3A_3478, %add3A_1426, %add3A_1449 : vector<16xi1>, vector<16xi32>
      %le3A_3481 = arith.cmpf ole, %select_n3A_3396, %select_n3A_3399 : vector<16xf32>
      %min3A_3482 = arith.minimumf %select_n3A_3396, %select_n3A_3399 : vector<16xf32>
      %select_n3A_3483 = arith.select %le3A_3481, %add3A_1472, %add3A_1495 : vector<16xi1>, vector<16xi32>
      %le3A_3484 = arith.cmpf ole, %select_n3A_3402, %select_n3A_3405 : vector<16xf32>
      %min3A_3485 = arith.minimumf %select_n3A_3402, %select_n3A_3405 : vector<16xf32>
      %select_n3A_3486 = arith.select %le3A_3484, %add3A_1521, %add3A_1544 : vector<16xi1>, vector<16xi32>
      %le3A_3487 = arith.cmpf ole, %select_n3A_3408, %select_n3A_3411 : vector<16xf32>
      %min3A_3488 = arith.minimumf %select_n3A_3408, %select_n3A_3411 : vector<16xf32>
      %select_n3A_3489 = arith.select %le3A_3487, %add3A_1567, %add3A_1590 : vector<16xi1>, vector<16xi32>
      %le3A_3490 = arith.cmpf ole, %select_n3A_3414, %select_n3A_3417 : vector<16xf32>
      %min3A_3491 = arith.minimumf %select_n3A_3414, %select_n3A_3417 : vector<16xf32>
      %select_n3A_3492 = arith.select %le3A_3490, %add3A_1616, %add3A_1639 : vector<16xi1>, vector<16xi32>
      %le3A_3493 = arith.cmpf ole, %select_n3A_3420, %select_n3A_3423 : vector<16xf32>
      %min3A_3494 = arith.minimumf %select_n3A_3420, %select_n3A_3423 : vector<16xf32>
      %select_n3A_3495 = arith.select %le3A_3493, %add3A_1662, %add3A_1685 : vector<16xi1>, vector<16xi32>
      %le3A_3496 = arith.cmpf ole, %select_n3A_3426, %select_n3A_3429 : vector<16xf32>
      %min3A_3497 = arith.minimumf %select_n3A_3426, %select_n3A_3429 : vector<16xf32>
      %select_n3A_3498 = arith.select %le3A_3496, %add3A_1711, %add3A_1734 : vector<16xi1>, vector<16xi32>
      %le3A_3499 = arith.cmpf ole, %select_n3A_3432, %select_n3A_3435 : vector<16xf32>
      %min3A_3500 = arith.minimumf %select_n3A_3432, %select_n3A_3435 : vector<16xf32>
      %select_n3A_3501 = arith.select %le3A_3499, %add3A_1757, %add3A_1780 : vector<16xi1>, vector<16xi32>
      %le3A_3502 = arith.cmpf ole, %select_n3A_3438, %select_n3A_3441 : vector<16xf32>
      %min3A_3503 = arith.minimumf %select_n3A_3438, %select_n3A_3441 : vector<16xf32>
      %select_n3A_3504 = arith.select %le3A_3502, %add3A_1806, %add3A_1829 : vector<16xi1>, vector<16xi32>
      %le3A_3505 = arith.cmpf ole, %select_n3A_3444, %select_n3A_3447 : vector<16xf32>
      %min3A_3506 = arith.minimumf %select_n3A_3444, %select_n3A_3447 : vector<16xf32>
      %select_n3A_3507 = arith.select %le3A_3505, %add3A_1852, %add3A_1875 : vector<16xi1>, vector<16xi32>
      %le3A_3508 = arith.cmpf ole, %select_n3A_3450, %select_n3A_3453 : vector<16xf32>
      %min3A_3509 = arith.minimumf %select_n3A_3450, %select_n3A_3453 : vector<16xf32>
      %select_n3A_3510 = arith.select %le3A_3508, %add3A_1901, %add3A_1924 : vector<16xi1>, vector<16xi32>
      %le3A_3511 = arith.cmpf ole, %select_n3A_3456, %select_n3A_3459 : vector<16xf32>
      %min3A_3512 = arith.minimumf %select_n3A_3456, %select_n3A_3459 : vector<16xf32>
      %select_n3A_3513 = arith.select %le3A_3511, %add3A_1947, %add3A_1970 : vector<16xi1>, vector<16xi32>
      %le3A_3514 = arith.cmpf ole, %select_n3A_3462, %select_n3A_3465 : vector<16xf32>
      %min3A_3515 = arith.minimumf %select_n3A_3462, %select_n3A_3465 : vector<16xf32>
      %select_n3A_3516 = arith.select %le3A_3514, %add3A_1996, %add3A_2019 : vector<16xi1>, vector<16xi32>
      %le3A_3517 = arith.cmpf ole, %select_n3A_3468, %select_n3A_3471 : vector<16xf32>
      %min3A_3518 = arith.minimumf %select_n3A_3468, %select_n3A_3471 : vector<16xf32>
      %select_n3A_3519 = arith.select %le3A_3517, %add3A_2042, %add3A_2065 : vector<16xi1>, vector<16xi32>
      %le3A_3520 = arith.cmpf ole, %min3A_3473, %min3A_3476 : vector<16xf32>
      %min3A_3521 = arith.minimumf %min3A_3473, %min3A_3476 : vector<16xf32>
      %select_n3A_3522 = arith.select %le3A_3520, %select_n3A_3474, %select_n3A_3477 : vector<16xi1>, vector<16xi32>
      %le3A_3523 = arith.cmpf ole, %min3A_3479, %min3A_3482 : vector<16xf32>
      %min3A_3524 = arith.minimumf %min3A_3479, %min3A_3482 : vector<16xf32>
      %select_n3A_3525 = arith.select %le3A_3523, %select_n3A_3480, %select_n3A_3483 : vector<16xi1>, vector<16xi32>
      %le3A_3526 = arith.cmpf ole, %min3A_3485, %min3A_3488 : vector<16xf32>
      %min3A_3527 = arith.minimumf %min3A_3485, %min3A_3488 : vector<16xf32>
      %select_n3A_3528 = arith.select %le3A_3526, %select_n3A_3486, %select_n3A_3489 : vector<16xi1>, vector<16xi32>
      %le3A_3529 = arith.cmpf ole, %min3A_3491, %min3A_3494 : vector<16xf32>
      %min3A_3530 = arith.minimumf %min3A_3491, %min3A_3494 : vector<16xf32>
      %select_n3A_3531 = arith.select %le3A_3529, %select_n3A_3492, %select_n3A_3495 : vector<16xi1>, vector<16xi32>
      %le3A_3532 = arith.cmpf ole, %min3A_3497, %min3A_3500 : vector<16xf32>
      %min3A_3533 = arith.minimumf %min3A_3497, %min3A_3500 : vector<16xf32>
      %select_n3A_3534 = arith.select %le3A_3532, %select_n3A_3498, %select_n3A_3501 : vector<16xi1>, vector<16xi32>
      %le3A_3535 = arith.cmpf ole, %min3A_3503, %min3A_3506 : vector<16xf32>
      %min3A_3536 = arith.minimumf %min3A_3503, %min3A_3506 : vector<16xf32>
      %select_n3A_3537 = arith.select %le3A_3535, %select_n3A_3504, %select_n3A_3507 : vector<16xi1>, vector<16xi32>
      %le3A_3538 = arith.cmpf ole, %min3A_3509, %min3A_3512 : vector<16xf32>
      %min3A_3539 = arith.minimumf %min3A_3509, %min3A_3512 : vector<16xf32>
      %select_n3A_3540 = arith.select %le3A_3538, %select_n3A_3510, %select_n3A_3513 : vector<16xi1>, vector<16xi32>
      %le3A_3541 = arith.cmpf ole, %min3A_3515, %min3A_3518 : vector<16xf32>
      %min3A_3542 = arith.minimumf %min3A_3515, %min3A_3518 : vector<16xf32>
      %select_n3A_3543 = arith.select %le3A_3541, %select_n3A_3516, %select_n3A_3519 : vector<16xi1>, vector<16xi32>
      %le3A_3544 = arith.cmpf ole, %min3A_3521, %min3A_3524 : vector<16xf32>
      %min3A_3545 = arith.minimumf %min3A_3521, %min3A_3524 : vector<16xf32>
      %select_n3A_3546 = arith.select %le3A_3544, %select_n3A_3522, %select_n3A_3525 : vector<16xi1>, vector<16xi32>
      %le3A_3547 = arith.cmpf ole, %min3A_3527, %min3A_3530 : vector<16xf32>
      %min3A_3548 = arith.minimumf %min3A_3527, %min3A_3530 : vector<16xf32>
      %select_n3A_3549 = arith.select %le3A_3547, %select_n3A_3528, %select_n3A_3531 : vector<16xi1>, vector<16xi32>
      %le3A_3550 = arith.cmpf ole, %min3A_3533, %min3A_3536 : vector<16xf32>
      %min3A_3551 = arith.minimumf %min3A_3533, %min3A_3536 : vector<16xf32>
      %select_n3A_3552 = arith.select %le3A_3550, %select_n3A_3534, %select_n3A_3537 : vector<16xi1>, vector<16xi32>
      %le3A_3553 = arith.cmpf ole, %min3A_3539, %min3A_3542 : vector<16xf32>
      %min3A_3554 = arith.minimumf %min3A_3539, %min3A_3542 : vector<16xf32>
      %select_n3A_3555 = arith.select %le3A_3553, %select_n3A_3540, %select_n3A_3543 : vector<16xi1>, vector<16xi32>
      %le3A_3556 = arith.cmpf ole, %min3A_3545, %min3A_3548 : vector<16xf32>
      %min3A_3557 = arith.minimumf %min3A_3545, %min3A_3548 : vector<16xf32>
      %select_n3A_3558 = arith.select %le3A_3556, %select_n3A_3546, %select_n3A_3549 : vector<16xi1>, vector<16xi32>
      %le3A_3559 = arith.cmpf ole, %min3A_3551, %min3A_3554 : vector<16xf32>
      %min3A_3560 = arith.minimumf %min3A_3551, %min3A_3554 : vector<16xf32>
      %select_n3A_3561 = arith.select %le3A_3559, %select_n3A_3552, %select_n3A_3555 : vector<16xi1>, vector<16xi32>
      %le3A_3562 = arith.cmpf ole, %min3A_3557, %min3A_3560 : vector<16xf32>
      %min3A_3563 = arith.minimumf %min3A_3557, %min3A_3560 : vector<16xf32>
      %select_n3A_3564 = arith.select %le3A_3562, %select_n3A_3558, %select_n3A_3561 : vector<16xi1>, vector<16xi32>
      %mul3A_3565 = arith.constant 8 : i32
      %mul3A_3566 = vector.broadcast %mul3A_3565 : i32 to vector<16xi32>
      %mul3A_3567 = arith.muli %iota3A, %mul3A_3566 : vector<16xi32>
      %mul3A_3568 = arith.constant 128 : i32
      %mul3A_3569 = arith.muli %scan3A_16, %mul3A_3568 : i32
      %add3A_3570 = arith.constant 7 : i32
      %add3A_3571 = arith.addi %mul3A_3569, %add3A_3570 : i32
      %add3A_3572 = vector.broadcast %add3A_3571 : i32 to vector<16xi32>
      %add3A_3573 = arith.addi %mul3A_3567, %add3A_3572 : vector<16xi32>
      tpu.vector_store_idx %arg7[%add3A_3573], %select_n3A_3564 : memref<2048xi32, #tpu.memory_space<vmem>>[vector<16xi32>], vector<16xi32>,
      %eq3A_3574 = arith.cmpi eq, %select_n3A_3564, %add3A_1332 : vector<16xi32>
      %broadcast_in_dim3A_3575 = vector.broadcast %scan3A_8 : f32 to vector<16xf32>
      %select_n3A_3576 = arith.select %eq3A_3574, %broadcast_in_dim3A_3575, %select_n3A_3378 : vector<16xi1>, vector<16xf32>
      %eq3A_3577 = arith.cmpi eq, %select_n3A_3564, %add3A_1354 : vector<16xi32>
      %broadcast_in_dim3A_3578 = vector.broadcast %scan3A_8 : f32 to vector<16xf32>
      %select_n3A_3579 = arith.select %eq3A_3577, %broadcast_in_dim3A_3578, %select_n3A_3381 : vector<16xi1>, vector<16xf32>
      %eq3A_3580 = arith.cmpi eq, %select_n3A_3564, %add3A_1377 : vector<16xi32>
      %broadcast_in_dim3A_3581 = vector.broadcast %scan3A_8 : f32 to vector<16xf32>
      %select_n3A_3582 = arith.select %eq3A_3580, %broadcast_in_dim3A_3581, %select_n3A_3384 : vector<16xi1>, vector<16xf32>
      %eq3A_3583 = arith.cmpi eq, %select_n3A_3564, %add3A_1400 : vector<16xi32>
      %broadcast_in_dim3A_3584 = vector.broadcast %scan3A_8 : f32 to vector<16xf32>
      %select_n3A_3585 = arith.select %eq3A_3583, %broadcast_in_dim3A_3584, %select_n3A_3387 : vector<16xi1>, vector<16xf32>
      %eq3A_3586 = arith.cmpi eq, %select_n3A_3564, %add3A_1426 : vector<16xi32>
      %broadcast_in_dim3A_3587 = vector.broadcast %scan3A_8 : f32 to vector<16xf32>
      %select_n3A_3588 = arith.select %eq3A_3586, %broadcast_in_dim3A_3587, %select_n3A_3390 : vector<16xi1>, vector<16xf32>
      %eq3A_3589 = arith.cmpi eq, %select_n3A_3564, %add3A_1449 : vector<16xi32>
      %broadcast_in_dim3A_3590 = vector.broadcast %scan3A_8 : f32 to vector<16xf32>
      %select_n3A_3591 = arith.select %eq3A_3589, %broadcast_in_dim3A_3590, %select_n3A_3393 : vector<16xi1>, vector<16xf32>
      %eq3A_3592 = arith.cmpi eq, %select_n3A_3564, %add3A_1472 : vector<16xi32>
      %broadcast_in_dim3A_3593 = vector.broadcast %scan3A_8 : f32 to vector<16xf32>
      %select_n3A_3594 = arith.select %eq3A_3592, %broadcast_in_dim3A_3593, %select_n3A_3396 : vector<16xi1>, vector<16xf32>
      %eq3A_3595 = arith.cmpi eq, %select_n3A_3564, %add3A_1495 : vector<16xi32>
      %broadcast_in_dim3A_3596 = vector.broadcast %scan3A_8 : f32 to vector<16xf32>
      %select_n3A_3597 = arith.select %eq3A_3595, %broadcast_in_dim3A_3596, %select_n3A_3399 : vector<16xi1>, vector<16xf32>
      %eq3A_3598 = arith.cmpi eq, %select_n3A_3564, %add3A_1521 : vector<16xi32>
      %broadcast_in_dim3A_3599 = vector.broadcast %scan3A_8 : f32 to vector<16xf32>
      %select_n3A_3600 = arith.select %eq3A_3598, %broadcast_in_dim3A_3599, %select_n3A_3402 : vector<16xi1>, vector<16xf32>
      %eq3A_3601 = arith.cmpi eq, %select_n3A_3564, %add3A_1544 : vector<16xi32>
      %broadcast_in_dim3A_3602 = vector.broadcast %scan3A_8 : f32 to vector<16xf32>
      %select_n3A_3603 = arith.select %eq3A_3601, %broadcast_in_dim3A_3602, %select_n3A_3405 : vector<16xi1>, vector<16xf32>
      %eq3A_3604 = arith.cmpi eq, %select_n3A_3564, %add3A_1567 : vector<16xi32>
      %broadcast_in_dim3A_3605 = vector.broadcast %scan3A_8 : f32 to vector<16xf32>
      %select_n3A_3606 = arith.select %eq3A_3604, %broadcast_in_dim3A_3605, %select_n3A_3408 : vector<16xi1>, vector<16xf32>
      %eq3A_3607 = arith.cmpi eq, %select_n3A_3564, %add3A_1590 : vector<16xi32>
      %broadcast_in_dim3A_3608 = vector.broadcast %scan3A_8 : f32 to vector<16xf32>
      %select_n3A_3609 = arith.select %eq3A_3607, %broadcast_in_dim3A_3608, %select_n3A_3411 : vector<16xi1>, vector<16xf32>
      %eq3A_3610 = arith.cmpi eq, %select_n3A_3564, %add3A_1616 : vector<16xi32>
      %broadcast_in_dim3A_3611 = vector.broadcast %scan3A_8 : f32 to vector<16xf32>
      %select_n3A_3612 = arith.select %eq3A_3610, %broadcast_in_dim3A_3611, %select_n3A_3414 : vector<16xi1>, vector<16xf32>
      %eq3A_3613 = arith.cmpi eq, %select_n3A_3564, %add3A_1639 : vector<16xi32>
      %broadcast_in_dim3A_3614 = vector.broadcast %scan3A_8 : f32 to vector<16xf32>
      %select_n3A_3615 = arith.select %eq3A_3613, %broadcast_in_dim3A_3614, %select_n3A_3417 : vector<16xi1>, vector<16xf32>
      %eq3A_3616 = arith.cmpi eq, %select_n3A_3564, %add3A_1662 : vector<16xi32>
      %broadcast_in_dim3A_3617 = vector.broadcast %scan3A_8 : f32 to vector<16xf32>
      %select_n3A_3618 = arith.select %eq3A_3616, %broadcast_in_dim3A_3617, %select_n3A_3420 : vector<16xi1>, vector<16xf32>
      %eq3A_3619 = arith.cmpi eq, %select_n3A_3564, %add3A_1685 : vector<16xi32>
      %broadcast_in_dim3A_3620 = vector.broadcast %scan3A_8 : f32 to vector<16xf32>
      %select_n3A_3621 = arith.select %eq3A_3619, %broadcast_in_dim3A_3620, %select_n3A_3423 : vector<16xi1>, vector<16xf32>
      %eq3A_3622 = arith.cmpi eq, %select_n3A_3564, %add3A_1711 : vector<16xi32>
      %broadcast_in_dim3A_3623 = vector.broadcast %scan3A_8 : f32 to vector<16xf32>
      %select_n3A_3624 = arith.select %eq3A_3622, %broadcast_in_dim3A_3623, %select_n3A_3426 : vector<16xi1>, vector<16xf32>
      %eq3A_3625 = arith.cmpi eq, %select_n3A_3564, %add3A_1734 : vector<16xi32>
      %broadcast_in_dim3A_3626 = vector.broadcast %scan3A_8 : f32 to vector<16xf32>
      %select_n3A_3627 = arith.select %eq3A_3625, %broadcast_in_dim3A_3626, %select_n3A_3429 : vector<16xi1>, vector<16xf32>
      %eq3A_3628 = arith.cmpi eq, %select_n3A_3564, %add3A_1757 : vector<16xi32>
      %broadcast_in_dim3A_3629 = vector.broadcast %scan3A_8 : f32 to vector<16xf32>
      %select_n3A_3630 = arith.select %eq3A_3628, %broadcast_in_dim3A_3629, %select_n3A_3432 : vector<16xi1>, vector<16xf32>
      %eq3A_3631 = arith.cmpi eq, %select_n3A_3564, %add3A_1780 : vector<16xi32>
      %broadcast_in_dim3A_3632 = vector.broadcast %scan3A_8 : f32 to vector<16xf32>
      %select_n3A_3633 = arith.select %eq3A_3631, %broadcast_in_dim3A_3632, %select_n3A_3435 : vector<16xi1>, vector<16xf32>
      %eq3A_3634 = arith.cmpi eq, %select_n3A_3564, %add3A_1806 : vector<16xi32>
      %broadcast_in_dim3A_3635 = vector.broadcast %scan3A_8 : f32 to vector<16xf32>
      %select_n3A_3636 = arith.select %eq3A_3634, %broadcast_in_dim3A_3635, %select_n3A_3438 : vector<16xi1>, vector<16xf32>
      %eq3A_3637 = arith.cmpi eq, %select_n3A_3564, %add3A_1829 : vector<16xi32>
      %broadcast_in_dim3A_3638 = vector.broadcast %scan3A_8 : f32 to vector<16xf32>
      %select_n3A_3639 = arith.select %eq3A_3637, %broadcast_in_dim3A_3638, %select_n3A_3441 : vector<16xi1>, vector<16xf32>
      %eq3A_3640 = arith.cmpi eq, %select_n3A_3564, %add3A_1852 : vector<16xi32>
      %broadcast_in_dim3A_3641 = vector.broadcast %scan3A_8 : f32 to vector<16xf32>
      %select_n3A_3642 = arith.select %eq3A_3640, %broadcast_in_dim3A_3641, %select_n3A_3444 : vector<16xi1>, vector<16xf32>
      %eq3A_3643 = arith.cmpi eq, %select_n3A_3564, %add3A_1875 : vector<16xi32>
      %broadcast_in_dim3A_3644 = vector.broadcast %scan3A_8 : f32 to vector<16xf32>
      %select_n3A_3645 = arith.select %eq3A_3643, %broadcast_in_dim3A_3644, %select_n3A_3447 : vector<16xi1>, vector<16xf32>
      %eq3A_3646 = arith.cmpi eq, %select_n3A_3564, %add3A_1901 : vector<16xi32>
      %broadcast_in_dim3A_3647 = vector.broadcast %scan3A_8 : f32 to vector<16xf32>
      %select_n3A_3648 = arith.select %eq3A_3646, %broadcast_in_dim3A_3647, %select_n3A_3450 : vector<16xi1>, vector<16xf32>
      %eq3A_3649 = arith.cmpi eq, %select_n3A_3564, %add3A_1924 : vector<16xi32>
      %broadcast_in_dim3A_3650 = vector.broadcast %scan3A_8 : f32 to vector<16xf32>
      %select_n3A_3651 = arith.select %eq3A_3649, %broadcast_in_dim3A_3650, %select_n3A_3453 : vector<16xi1>, vector<16xf32>
      %eq3A_3652 = arith.cmpi eq, %select_n3A_3564, %add3A_1947 : vector<16xi32>
      %broadcast_in_dim3A_3653 = vector.broadcast %scan3A_8 : f32 to vector<16xf32>
      %select_n3A_3654 = arith.select %eq3A_3652, %broadcast_in_dim3A_3653, %select_n3A_3456 : vector<16xi1>, vector<16xf32>
      %eq3A_3655 = arith.cmpi eq, %select_n3A_3564, %add3A_1970 : vector<16xi32>
      %broadcast_in_dim3A_3656 = vector.broadcast %scan3A_8 : f32 to vector<16xf32>
      %select_n3A_3657 = arith.select %eq3A_3655, %broadcast_in_dim3A_3656, %select_n3A_3459 : vector<16xi1>, vector<16xf32>
      %eq3A_3658 = arith.cmpi eq, %select_n3A_3564, %add3A_1996 : vector<16xi32>
      %broadcast_in_dim3A_3659 = vector.broadcast %scan3A_8 : f32 to vector<16xf32>
      %select_n3A_3660 = arith.select %eq3A_3658, %broadcast_in_dim3A_3659, %select_n3A_3462 : vector<16xi1>, vector<16xf32>
      %eq3A_3661 = arith.cmpi eq, %select_n3A_3564, %add3A_2019 : vector<16xi32>
      %broadcast_in_dim3A_3662 = vector.broadcast %scan3A_8 : f32 to vector<16xf32>
      %select_n3A_3663 = arith.select %eq3A_3661, %broadcast_in_dim3A_3662, %select_n3A_3465 : vector<16xi1>, vector<16xf32>
      %eq3A_3664 = arith.cmpi eq, %select_n3A_3564, %add3A_2042 : vector<16xi32>
      %broadcast_in_dim3A_3665 = vector.broadcast %scan3A_8 : f32 to vector<16xf32>
      %select_n3A_3666 = arith.select %eq3A_3664, %broadcast_in_dim3A_3665, %select_n3A_3468 : vector<16xi1>, vector<16xf32>
      %eq3A_3667 = arith.cmpi eq, %select_n3A_3564, %add3A_2065 : vector<16xi32>
      %broadcast_in_dim3A_3668 = vector.broadcast %scan3A_8 : f32 to vector<16xf32>
      %select_n3A_3669 = arith.select %eq3A_3667, %broadcast_in_dim3A_3668, %select_n3A_3471 : vector<16xi1>, vector<16xf32>
    }
    %scan3A_13 = arith.constant 16 : i32
    %mul3A_14 = arith.constant 8 : i32
    %mul3A_15 = arith.muli %mul3A_2, %mul3A_14 : i32
    "tpu.region"() ({
      %run_scoped3A = tpu.sem_alloc : memref<!tpu.dma_semaphore, #tpu.memory_space<semaphore_mem>>
      %dma_start3A = tpu.memref_slice %arg4[%mul3A_15] : memref<65536xi32, #tpu.memory_space<hbm>> -> memref<2048xi32, #tpu.memory_space<hbm>>
      %dma_start3A_16 = tpu.memref_slice %arg4[%mul3A_15] : memref<65536xi32, #tpu.memory_space<hbm>> -> memref<2048xi32, #tpu.memory_space<hbm>>
      tpu.enqueue_dma source(%arg7 : memref<2048xi32, #tpu.memory_space<vmem>>) target(%dma_start3A_16 : memref<2048xi32, #tpu.memory_space<hbm>>) target_semaphore(%run_scoped3A : memref<!tpu.dma_semaphore, #tpu.memory_space<semaphore_mem>>)
      %dma_wait3A = tpu.memref_slice %arg4[%mul3A_15] : memref<65536xi32, #tpu.memory_space<hbm>> -> memref<2048xi32, #tpu.memory_space<hbm>>
      %dma_wait3A_17 = tpu.memref_slice %arg4[%mul3A_15] : memref<65536xi32, #tpu.memory_space<hbm>> -> memref<2048xi32, #tpu.memory_space<hbm>>
      tpu.wait_dma2 semaphore(%run_scoped3A : memref<!tpu.dma_semaphore, #tpu.memory_space<semaphore_mem>>) src(%arg7 : memref<2048xi32, #tpu.memory_space<vmem>>) dst(%dma_wait3A_17 : memref<2048xi32, #tpu.memory_space<hbm>>)
      tpu.yield
    }) : () -> ()
    return
  }
}

module attributes {stable_mosaic.version = 14 : i64} {
  func.func @_pos_body(%arg0: i32, %arg1: memref<1024x2048xf32, #tpu.memory_space<vmem>>, %arg2: memref<2048x8xf32, #tpu.memory_space<vmem>>, %arg3: memref<8x1024xf32, #tpu.memory_space<vmem>>) attributes {dimension_semantics = [#tpu.dimension_semantics<arbitrary>], iteration_bounds = array<i64: 8>, scalar_prefetch = 0 : i64, scratch_operands = 0 : i64, tpu.core_type = #tpu.core_type<tc>, window_params = [{transform_indices = @transform_0, window_bounds = array<i64: 1024, 2048>}, {pipeline_mode = #tpu.pipeline_mode<synchronous>, transform_indices = @transform_1, window_bounds = array<i64: 2048, 8>}, {transform_indices = @transform_2, window_bounds = array<i64: 8, 1024>}]} {
    %get3A = arith.constant 0 : index
    %get3A_0 = arith.constant 0 : index
    %get3A_1 = vector.load %arg1[%get3A, %get3A_0] : memref<1024x2048xf32, #tpu.memory_space<vmem>>, vector<1024x2048xf32>
    %get3A_2 = arith.constant 0 : index
    %get3A_3 = arith.constant 0 : index
    %get3A_4 = vector.load %arg2[%get3A_2, %get3A_3] : memref<2048x8xf32, #tpu.memory_space<vmem>>, vector<2048x8xf32>
    %dot_general3A = arith.constant dense<0.000000e+00> : vector<1024x8xf32>
    %dot_general3A_5 = tpu.matmul %get3A_1, %get3A_4, %dot_general3A {dimension_numbers = #tpu.dot_dimension_numbers<[1], [0], [0], [1], [0, 0, 1, 1], [], []>, transpose_lhs_hint = false} : vector<1024x2048xf32>, vector<2048x8xf32>, vector<1024x8xf32> -> vector<1024x8xf32>
    %transpose3A = tpu.transpose %dot_general3A_5, [1, 0] : vector<1024x8xf32> -> vector<8x1024xf32>
    %swap3A = arith.constant 0 : index
    %swap3A_6 = arith.constant 0 : index
    %swap3A_7 = vector.load %arg3[%swap3A, %swap3A_6] : memref<8x1024xf32, #tpu.memory_space<vmem>>, vector<8x1024xf32>
    tpu.vector_store %arg3[%swap3A, %swap3A_6], %transpose3A {strides = array<i32>} : memref<8x1024xf32, #tpu.memory_space<vmem>>, vector<8x1024xf32>,
    return
  }
  func.func @transform_0(%arg0: i32) -> (i32, i32) {
    %add3A = arith.constant 0 : i32
    %add3A_0 = arith.addi %arg0, %add3A : i32
    %c0_i32 = arith.constant 0 : i32
    %c0_i32_1 = arith.constant 0 : i32
    return %add3A_0, %c0_i32 : i32, i32
  }
  func.func @transform_1(%arg0: i32) -> (i32, i32) {
    %c0_i32 = arith.constant 0 : i32
    %c0_i32_0 = arith.constant 0 : i32
    %c0_i32_1 = arith.constant 0 : i32
    return %c0_i32, %c0_i32_0 : i32, i32
  }
  func.func @transform_2(%arg0: i32) -> (i32, i32) {
    %c0_i32 = arith.constant 0 : i32
    %c0_i32_0 = arith.constant 0 : i32
    return %c0_i32, %arg0 : i32, i32
  }
}

</mosaic_0001>

<sc_bundles>
// kernel: kernel.4.cloned.1.call-start
scs
__scs_entry_jumppad:
0x0: {  	(pc) =	sbr.rel $0x88, $3  }
0x1: {  	(tag) =	ssettag $0x0;
	lr =	simm.s32 $0x1  }
0x2: {  	[smem:$0x3F9D] =	sst lr;
	_ =	strace $0xD0000000  }
0x3: {  	_ = 	snop  }
0x4: {  	_ = 	snop  }
0x5: {  	_ = 	snop  }
0x6: {  	_ = 	snop  }
0x7: {  	_ = 	snop  }
__scs_overlays_trampoline_lowered:
0x8: {  	[smem:$0x3FAC] =	sst s0  }
0x9: {  	[smem:$0x3FAD] =	sst s1  }
0xa: {  	[smem:$0x3FAE] =	sst s2  }
0xb: {  	[smem:$0x3FAF] =	sst s3  }
0xc: {  	[smem:$0x3FB0] =	sst s4  }
0xd: {  	[smem:$0x3FB1] =	sst s5  }
0xe: {  	[smem:$0x3FB2] =	sst s6  }
0xf: {  	[smem:$0x3FB3] =	sst s7  }
0x10: {  	[smem:$0x3FB4] =	sst s8  }
0x11: {  	[smem:$0x3FB5] =	sst s9;
	s0 =	simm.s32 @!p0 $0x0  }
0x12: {  	s1 =	sld [smem:$0x3F9B];
	s0 =	simm.s32 @p0 $0x1  }
0x13: {  	[smem:$0x3FB6] =	sst s0;
	s0 =	simm.s32 @!p1 $0x0  }
0x14: {  	s2 =	sld [smem:$0x3F9A];
	s0 =	simm.s32 @p1 $0x1  }
0x15: {  	[smem:$0x3FB7] =	sst s0;
	s0 =	simm.s32 @!p2 $0x0  }
0x16: {  	s3 =	sld [smem:$0x3FDB];
	s0 =	simm.s32 @p2 $0x1  }
0x17: {  	s4 =	simm.s32 $0x1BF5;
	[smem:$0x3FB9] =	sst s0  }
0x18: {  	s0 =	sld [smem:$0x3F9C];
	_ =	swait.ge [sflag:s4], $0x0  }
0x19: {  	s7 =	sld [smem:$0x3F9D]  }
0x1a: {  	s8 =	sadd.s32 $0xFFFFE003, lr  }
0x1b: {  	s9 =	sadd.s32 $0xFFFFFEF7, lr;
	s5 =	simm.s32 $0xFFFFFFFF;
	p2 =	slt.u32 s8, $0xFFFFF086  }
0x1c: {  	p1 =	slt.u32 s9, $0xF7A;
	s5 =	simm.s32 @!p2 $0x0  }
0x1d: {  	s5 =	simm.s32 @p1 $0x1;
	p0 =	seq.s32 s7, s2  }
0x1e: {  	s7 =	smul.u32 @!p0 $0xF7A, s2;
	p2 =	seq.s32 @!p0 s5, $0x0  }
0x1f: {  	s9 =	smul.u32 $0xF7A, s1;
	s8 =	simm.s32 @!p0 $0x1BF5;
	p2 =	por !p2, p0  }
0x20: {  	[sflag:s8] =	ssyncset.s32 @!p0 $0xFFFFF086;
	s6 =	sadd.s32 @!p0 s3, s7;
	s7 =	simm.s32 @!p0 $0x108  }
0x21: {  	s3 =	sadd.s32 s3, s9;
	s6 =	sadd.s32 @!p0 $0x88, s6;
	s7 =	simm.s32 @p2 $0x1082  }
0x22: {  	[simem:s7], [sflag:s8] =	dma.local @!p0 [hbm:s6], $0xF7A  }
0x23: {  	s9 =	sor.u32 $0xD0000000, s2;
	s6 =	simm.s32 $0x108;
	_ =	swait.ge @!p0 [sflag:s8], $0x0  }
0x24: {  	s3 =	sadd.s32 $0x88, s3;
	s6 =	simm.s32 @!p1 $0x1082;
	[sflag:s4] =	ssyncset.s32 $0xFFFFF086  }
0x25: {  	[simem:s6], [sflag:s4] =	dma.local [hbm:s3], $0xF7A  }
0x26: {  	[smem:$0x3F9D] =	sst s1;
	(tag) =	ssettag s2;
	_ =	strace s9  }
0x27: {  	s1 =	sld [smem:$0x3FAD]  }
0x28: {  	s2 =	sld [smem:$0x3FAE]  }
0x29: {  	s4 =	sld [smem:$0x3FB0]  }
0x2a: {  	p0 =	seq.s32 s5, $0x0;
	s5 =	sld [smem:$0x3FB1]  }
0x2b: {  	s6 =	sld [smem:$0x3FB2]  }
0x2c: {  	s7 =	sld [smem:$0x3FB3]  }
0x2d: {  	s3 =	simm.s32 $0x108;
	s8 =	sld [smem:$0x3FB4]  }
0x2e: {  	s3 =	simm.s32 @!p0 $0x1082;
	s9 =	sld [smem:$0x3FB5]  }
0x2f: {  	lr =	sadd.s32 s0, s3;
	s0 =	sld [smem:$0x3FAC]  }
0x30: {  	s3 =	sld [smem:$0x3FAF]  }
0x31: {  	[smem:$0x3FB8] =	sst s10  }
0x32: {  	s10 =	sld [smem:$0x3FB6];
	_ =	sdelay $0x3  }
0x33: {  	p0 =	seq.s32 s10, $0x1;
	s10 =	sld [smem:$0x3FB8];
	_ =	sdelay $0x3  }
0x34: {  	[smem:$0x3FB8] =	sst s10  }
0x35: {  	s10 =	sld [smem:$0x3FB7];
	_ =	sdelay $0x3  }
0x36: {  	p1 =	seq.s32 s10, $0x1;
	s10 =	sld [smem:$0x3FB8];
	_ =	sdelay $0x3  }
0x37: {  	[smem:$0x3FB8] =	sst s10  }
0x38: {  	s10 =	sld [smem:$0x3FB9]  }
0x39: {  	_ = 	snop;
	(pc) =	sbr.ind lr, $3  }
0x3a: {  	_ = 	snop  }
0x3b: {  	_ = 	snop  }
0x3c: {  	p2 =	seq.s32 s10, $0x1;
	s10 =	sld [smem:$0x3FB8]  }
0x3d: {  	_ =	shalt  }
0x3e: {  	_ =	shalt  }
0x3f: {  	_ =	shalt  }
0x40: {  	_ =	shalt  }
0x41: {  	_ =	shalt  }
0x42: {  	_ =	shalt  }
0x43: {  	_ =	shalt  }
0x44: {  	_ =	shalt  }
0x45: {  	_ =	shalt  }
0x46: {  	_ =	shalt  }
0x47: {  	_ =	shalt  }
0x48: {  	_ =	shalt  }
0x49: {  	_ =	shalt  }
0x4a: {  	_ =	shalt  }
0x4b: {  	_ =	shalt  }
0x4c: {  	_ =	shalt  }
0x4d: {  	_ =	shalt  }
0x4e: {  	_ =	shalt  }
0x4f: {  	_ =	shalt  }
0x50: {  	_ =	shalt  }
0x51: {  	_ =	shalt  }
0x52: {  	_ =	shalt  }
0x53: {  	_ =	shalt  }
0x54: {  	_ =	shalt  }
0x55: {  	_ =	shalt  }
0x56: {  	_ =	shalt  }
0x57: {  	_ =	shalt  }
0x58: {  	_ =	shalt  }
0x59: {  	_ =	shalt  }
0x5a: {  	_ =	shalt  }
0x5b: {  	_ =	shalt  }
0x5c: {  	_ =	shalt  }
0x5d: {  	_ =	shalt  }
0x5e: {  	_ =	shalt  }
0x5f: {  	_ =	shalt  }
0x60: {  	_ =	shalt  }
0x61: {  	_ =	shalt  }
0x62: {  	_ =	shalt  }
0x63: {  	_ =	shalt  }
0x64: {  	_ =	shalt  }
0x65: {  	_ =	shalt  }
0x66: {  	_ =	shalt  }
0x67: {  	_ =	shalt  }
0x68: {  	_ =	shalt  }
0x69: {  	_ =	shalt  }
0x6a: {  	_ =	shalt  }
0x6b: {  	_ =	shalt  }
0x6c: {  	_ =	shalt  }
0x6d: {  	_ =	shalt  }
0x6e: {  	_ =	shalt  }
0x6f: {  	_ =	shalt  }
0x70: {  	_ =	shalt  }
0x71: {  	_ =	shalt  }
0x72: {  	_ =	shalt  }
0x73: {  	_ =	shalt  }
0x74: {  	_ =	shalt  }
0x75: {  	_ =	shalt  }
0x76: {  	_ =	shalt  }
0x77: {  	_ =	shalt  }
0x78: {  	_ =	shalt  }
0x79: {  	_ =	shalt  }
0x7a: {  	_ =	shalt  }
0x7b: {  	_ =	shalt  }
0x7c: {  	_ =	shalt  }
0x7d: {  	_ =	shalt  }
0x7e: {  	_ =	shalt  }
0x7f: {  	_ =	shalt  }
0x80: {  	_ =	shalt  }
0x81: {  	_ =	shalt  }
0x82: {  	_ =	shalt  }
0x83: {  	_ =	shalt  }
0x84: {  	_ =	shalt  }
0x85: {  	_ =	shalt  }
0x86: {  	_ =	shalt  }
0x87: {  	_ =	shalt  }
.Lfunc_end0:
.L_simem_size_0:
called_computation_lowered:
.L_overlay_start_0:
0x88: {  	s2 =	sld [smem:$0x3FD9]  }
0x89: {  	s3 =	sld [smem:$0x3FFE];
	_ =	sdelay $0x1  }
0x8a: {  	s1 =	srdreg.scid  }
0x8b: {  	s0 =	sand.u32 $0x1, s1  }
0x8c: {  	s17 =	sshll.u32 s0, $0xA;
	s2 =	sadd.s32 s3, s2  }
0x8d: {  	s2 =	sadd.s32 s2, s17  }
0x8e: {  	[smem:$0x3FC4] =	sst s2  }
0x8f: {  	_ = 	snop  }
0x90: {  	s2 =	sld [smem:$0x3FD0];
	(tm) =	ssettm $0x1  }
0x91: {  	s18 =	sld [smem:$0x3FFB];
	_ =	sdelay $0x3  }
0x92: {  	_ =	strace s18  }
0x93: {  	s3 =	sld [smem:$0x3FFC];
	_ =	sdelay $0x3  }
0x94: {  	_ =	strace s3  }
0x95: {  	s3 =	sld [smem:$0x3FFD];
	_ =	sdelay $0x3  }
0x96: {  	_ =	strace s3  }
0x97: {  	_ =	strace $0x8FFFFFFF  }
0x98: {  	s19 =	sld [smem:$0x3FDB];
	_ =	sdelay $0x1  }
0x99: {  	s4 =	simm.s32 $_scs_section_size  }
0x9a: {  	s5 =	simm.s32 $_size__tile_overlayer_lowered;
	s6 =	simm.s32 $_tile_overlayer_lowered  }
0x9b: {  	s22 =	simm.s32 $0x1BFF;
	s21 =	sshll.u32 s6, $0x1;
	s3 =	sadd.s32 s4, s19  }
0x9c: {  	s7 =	simm.s32 $0x0;
	s20 =	sshll.u32 s5, $0x1;
	s5 =	sadd.s32 s21, s3  }
0x9d: {  	[timem:s7], [sflag:s22] =	dma.local [hbm:s5], s20  }
0x9e: {  	_ =	swait.ge [sflag:s22], s20  }
0x9f: {  	s4 =	ssub.s32 $0x0, s20;
	[sflag:s22] =	ssyncset.done $0x0  }
0xa0: {  	[sflag:s22] =	ssyncadd.s32 s4;
	_ =	sdelay $0x1  }
0xa1: {  	s23 =	simm.s32 $0x1B8B  }
0xa2: {  	_ =	swait.ge [sflag:s23], $0x1  }
0xa3: {  	[sflag:s23] =	ssyncset.done $0x0  }
0xa4: {  	s25 =	simm.s32 $0x1B8E;
	s24 =	sld [smem:$0x3FFE];
	[sflag:s23] =	ssyncadd.s32 $0xFFFFFFFF  }
0xa5: {  	s26 =	simm.s32 $execute0_lowered;
	[smem:$0x3FD2] =	sst s25  }
0xa6: {  	s5 =	sshll.u32 s26, $0x1;
	_ =	strace $0x80000046;
	[dreg:$0x1] =	wrdreg $0xFFFFFFFF  }
0xa7: {  	s28 =	simm.s32 $_size_execute0_lowered;
	s3 =	sadd.s32 s3, s5;
	[dreg:$0x0] =	wrdreg $0x0  }
0xa8: {  	s5 =	sshll.u32 s28, $0x1;
	[dreg:$0x2] =	wrdreg s3  }
0xa9: {  	[dreg:$0x3] =	wrdreg s5  }
0xaa: {  	[dreg:$0x4] =	wrdreg $0xC0  }
0xab: {  	_ =	task [dreg:s7], $0x5FFFF  }
0xac: {  	[dreg:$0x1] =	wrdreg $0xFFFFFFFF  }
0xad: {  	[dreg:$0x0] =	wrdreg $0x60  }
0xae: {  	[dreg:$0x2] =	wrdreg s2  }
0xaf: {  	[dreg:$0x3] =	wrdreg s24  }
0xb0: {  	[dreg:$0x4] =	wrdreg $0x9  }
0xb1: {  	_ =	task.clear_ibuf [dreg:s7], $0x5FFFF;
	_ =	strace $0x90000046  }
0xb2: {  	s29 =	simm.s32 $0x9;
	_ =	strace $0x80000048  }
0xb3: {  	_ =	swait.ge [sflag:s29], $0x1  }
0xb4: {  	[sflag:s29] =	ssyncadd.s32 $0xFFFFFFFF  }
0xb5: {  	_ =	strace $0x90000048  }
0xb6: {  	_ =	sfence  }
0xb7: {  	s30 =	sld [smem:$0x0];
	_ =	sdelay $0x2  }
0xb8: {  	s31 =	sshll.u32 s1, $0xD;
	s1 =	sshrl.u32 s1, $0x2  }
0xb9: {  	s3 =	sand.u32 $0x4000, s31;
	s1 =	sadd.s32 s1, s30  }
0xba: {  	s0 =	sor.u32 s3, s0;
	s1 =	sshll.u32 s1, $0x11  }
0xbb: {  	s0 =	sor.u32 s1, s0  }
0xbc: {  	s0 =	sadd.s32 $0x8F2B, s0  }
0xbd: {  	[sflag:s0] =	ssyncadd.remote.s32 $0x1  }
0xbe: {  	_ =	sfence.sel $0xFFFF  }
0xbf: {  	[dreg:$0x0] =	wrdreg $0xFFFFFFFF;
	(pc) =	sbr.abs _section_cstart, $3  }
0xc0: {  	[dreg:$0x1] =	wrdreg $0xFFFFFFFF  }
0xc1: {  	_ =	task.clear_ibuf [dreg:s7], $0x2FFFF;
	_ =	strace $0x9FFFFFFF  }
0xc2: {  	(tm) =	ssettm $0x7FFFFFFF  }
0xc3: {  	_ =	shalt  }
tec
execute0_lowered:
.L_overlay_start_1:
0x0: {  	(tag) =	ssettag $0x1  }
0x1: {  	s4 =	rddreg [dreg:$0x0]  }
0x2: {  	s5 =	rddreg [dreg:$0x1]  }
0x3: {  	s0 =	rddreg [dreg:$0x2];
	s2 =	simm.s32 $0x0;
	s3 =	srdreg.scid;
	v0 =	vlaneseq.u32  }
0x4: {  	s1 =	stileid.u32;
	s9 =	simm.s32 $0x1;
	s10 =	simm.s32 $0x400;
	v45 =	vmul.u32 $0x8, v0  }
0x5: {  	s11 =	simm.s32 $0x500;
	[smem:$0x7FF] =	sst s2;
	s3 =	sand.u32 $0x1, s3  }
0x6: {  	s6 =	sshll.u32 s1, $0x9;
	s7 =	sshll.u32 s3, $0x8;
	_ =	strace $0x80000047;
	v50 =	vor.u32 $0x1, v45;
	[tilespmem:$0x1FFB0] =	vst v45  }
0x7: {  	v41 =	vimm.s32 $0x0;
	s12 =	simm.s32 $0x0;
	s8 =	ssub.s32 $0x2, s3;
	s6 =	sor.u32 s7, s6;
	v51 =	vor.u32 $0x2, v45;
	[tilespmem:$0x1FFC0] =	vst v50  }
0x8: {  	v42 =	vimm.s32 $0x3;
	v43 =	vimm.s32 $0x5;
	s3 =	sadd.s32 $0x200, s5;
	s31 =	sshrl.u32 s8, $0x1;
	v24 =	vor.u32 $0x3, v45;
	s5 =	sadd.s32 s6, s5;
	[tilespmem:$0x1FFD0] =	vst v51  }
0x9: {  	v44 =	vimm.s32 $0x7;
	v46 =	vimm.s32 $0x9;
	v25 =	vor.u32 $0x4, v45;
	s7 =	ssub.s32 s8, s31;
	s4 =	sadd.s32 s4, s6;
	s8 =	simm.s32 $0x200;
	[tilespmem:$0x1FFE0] =	vst v24  }
0xa: {  	v47 =	vimm.s32 $0xB;
	v48 =	vimm.s32 $0xD;
	v49 =	vimm.s32 $0xF;
	[tilespmem:$0x1FFF0] =	vst v25;
	s5 =	sadd.s32 $0x400, s5;
	s6 =	smax.u32 s7, $0x1;
	s7 =	sadd.s32 $0x80, s4  }
.LBB2_1:
0xb: {  	[tilespmem:s2], [sflag:$0x1] =	stream.linear.gather [hbm4b:s4+s2], $0x180, $0x38;
	[tilespmem:$0xD00] =	vst v63  }
0xc: {  	_ = 	snop  }
0xd: {  	[tilespmem:s8], [sflag:$0x1] =	stream.linear.gather [hbm4b:s7+s2], $0x180, $0x38;
	[tilespmem:$0xD00] =	vst v63  }
0xe: {  	_ =	swait.ge [sflag:s9], $0x300  }
0xf: {  	[sflag:s9] =	ssyncset.done $0x0  }
0x10: {  	[sflag:s9] =	ssyncadd.s32 $0xFFFFFD00  }
0x11: {  	[tilespmem:s10], [sflag:$0x1] =	stream.linear.gather [hbm4b:s3+s2], $0x100, $0x38;
	[tilespmem:$0xD00] =	vst v63  }
0x12: {  	_ =	swait.ge [sflag:s9], $0x100  }
0x13: {  	[sflag:s9] =	ssyncset.done $0x0  }
0x14: {  	[sflag:s9] =	ssyncadd.s32 $0xFFFFFF00  }
0x15: {  	v0 =	vld [tilespmem:$0x400]  }
0x16: {  	v1 =	vld [tilespmem:$0x410]  }
0x17: {  	v2 =	vld [tilespmem:$0x420];
	_ =	sdelay $0x2  }
0x18: {  	v3 =	vbroadcast v0, $0x0  }
0x19: {  	v10 =	vbroadcast v1, $0x0  }
0x1a: {  	v11 =	vbroadcast v2, $0x0;
	[tilespmem:$0x1FCB0] =	vst v3  }
0x1b: {  	v12 =	vbroadcast v0, $0x1;
	[tilespmem:$0x1FCC0] =	vst v10  }
0x1c: {  	v13 =	vbroadcast v1, $0x1;
	[tilespmem:$0x1FCD0] =	vst v11  }
0x1d: {  	v14 =	vbroadcast v2, $0x1;
	[tilespmem:$0x1FCE0] =	vst v12  }
0x1e: {  	v15 =	vbroadcast v0, $0x2;
	[tilespmem:$0x1FCF0] =	vst v13  }
0x1f: {  	v16 =	vbroadcast v1, $0x2;
	[tilespmem:$0x1FD00] =	vst v14  }
0x20: {  	v17 =	vbroadcast v2, $0x2;
	[tilespmem:$0x1FD10] =	vst v15  }
0x21: {  	v18 =	vbroadcast v0, $0x3;
	[tilespmem:$0x1FD20] =	vst v16  }
0x22: {  	v19 =	vbroadcast v1, $0x3;
	[tilespmem:$0x1FD30] =	vst v17  }
0x23: {  	v20 =	vbroadcast v2, $0x3;
	[tilespmem:$0x1FD40] =	vst v18  }
0x24: {  	v21 =	vbroadcast v0, $0x4;
	[tilespmem:$0x1FD50] =	vst v19  }
0x25: {  	v22 =	vbroadcast v1, $0x4;
	[tilespmem:$0x1FD60] =	vst v20  }
0x26: {  	v23 =	vbroadcast v2, $0x4;
	[tilespmem:$0x1FD70] =	vst v21  }
0x27: {  	v24 =	vbroadcast v0, $0x5;
	[tilespmem:$0x1FD80] =	vst v22  }
0x28: {  	v25 =	vbroadcast v1, $0x5;
	[tilespmem:$0x1FD90] =	vst v23  }
0x29: {  	v26 =	vbroadcast v2, $0x5;
	[tilespmem:$0x1FDA0] =	vst v24  }
0x2a: {  	v27 =	vbroadcast v0, $0x6;
	[tilespmem:$0x1FDB0] =	vst v25  }
0x2b: {  	v28 =	vbroadcast v1, $0x6;
	[tilespmem:$0x1FDC0] =	vst v26  }
0x2c: {  	v29 =	vbroadcast v2, $0x6;
	[tilespmem:$0x1FDD0] =	vst v27  }
0x2d: {  	v30 =	vbroadcast v0, $0x7;
	[tilespmem:$0x1FDE0] =	vst v28  }
0x2e: {  	v31 =	vbroadcast v1, $0x7;
	[tilespmem:$0x1FDF0] =	vst v29  }
0x2f: {  	v32 =	vbroadcast v2, $0x7;
	[tilespmem:$0x1FE00] =	vst v30  }
0x30: {  	v33 =	vbroadcast v0, $0x8;
	[tilespmem:$0x1FE10] =	vst v31  }
0x31: {  	v34 =	vbroadcast v1, $0x8;
	[tilespmem:$0x1FE20] =	vst v32  }
0x32: {  	v35 =	vbroadcast v2, $0x8;
	[tilespmem:$0x1FE30] =	vst v33  }
0x33: {  	v36 =	vbroadcast v0, $0x9;
	[tilespmem:$0x1FE40] =	vst v34  }
0x34: {  	v37 =	vbroadcast v1, $0x9;
	[tilespmem:$0x1FE50] =	vst v35  }
0x35: {  	v38 =	vbroadcast v2, $0x9;
	[tilespmem:$0x1FE60] =	vst v36  }
0x36: {  	v39 =	vbroadcast v0, $0xA;
	[tilespmem:$0x1FE70] =	vst v37  }
0x37: {  	v40 =	vbroadcast v1, $0xA;
	[tilespmem:$0x1FE80] =	vst v38  }
0x38: {  	v45 =	vbroadcast v2, $0xA;
	[tilespmem:$0x1FE90] =	vst v39  }
0x39: {  	v50 =	vbroadcast v0, $0xB;
	[tilespmem:$0x1FEA0] =	vst v40  }
0x3a: {  	v51 =	vbroadcast v1, $0xB;
	[tilespmem:$0x1FEB0] =	vst v45  }
0x3b: {  	v52 =	vbroadcast v2, $0xB;
	[tilespmem:$0x1FEC0] =	vst v50  }
0x3c: {  	v53 =	vbroadcast v0, $0xC;
	[tilespmem:$0x1FED0] =	vst v51  }
0x3d: {  	v54 =	vbroadcast v1, $0xC;
	[tilespmem:$0x1FEE0] =	vst v52  }
0x3e: {  	v55 =	vbroadcast v2, $0xC;
	[tilespmem:$0x1FEF0] =	vst v53  }
0x3f: {  	v56 =	vbroadcast v0, $0xD;
	[tilespmem:$0x1FF00] =	vst v54  }
0x40: {  	v57 =	vbroadcast v1, $0xD;
	[tilespmem:$0x1FF10] =	vst v55  }
0x41: {  	v58 =	vbroadcast v2, $0xD;
	[tilespmem:$0x1FF20] =	vst v56  }
0x42: {  	v59 =	vbroadcast v0, $0xE;
	[tilespmem:$0x1FF30] =	vst v57  }
0x43: {  	v60 =	vbroadcast v1, $0xE;
	[tilespmem:$0x1FF40] =	vst v58  }
0x44: {  	v61 =	vbroadcast v2, $0xE;
	[tilespmem:$0x1FF50] =	vst v59  }
0x45: {  	v0 =	vbroadcast v0, $0xF;
	[tilespmem:$0x1FF60] =	vst v60  }
0x46: {  	v62 =	vbroadcast v1, $0xF;
	[tilespmem:$0x1FF70] =	vst v61  }
0x47: {  	v63 =	vbroadcast v2, $0xF;
	[tilespmem:$0x1FF80] =	vst v0  }
0x48: {  	[tilespmem:$0x1FF90] =	vst v62  }
0x49: {  	s13 =	simm.s32 $0x0;
	s14 =	simm.s32 $0x0;
	s15 =	simm.s32 $0x0;
	[tilespmem:$0x1FFA0] =	vst v63  }
.LBB2_2:
0x4a: {  	v0 =	vld [tilespmem:$0x1FCB0]  }
0x4b: {  	v1 =	vld [tilespmem:$0x1FCC0]  }
0x4c: {  	v2 =	vld [tilespmem:$0x1FCD0]  }
0x4d: {  	v3 =	vld [tilespmem:$0x1FCE0]  }
0x4e: {  	v4 =	vld [tilespmem:$0x1FCF0]  }
0x4f: {  	v57 =	vld [tilespmem:$0x1FD10]  }
0x50: {  	s16 =	sand.u32 $0x70, s15;
	s17 =	sand.u32 $0x200, s13;
	v5 =	vld [tilespmem:$0x1FD20]  }
0x51: {  	v6 =	vld [tilespmem:$0x1FD50];
	s16 =	sor.u32 s16, s17  }
0x52: {  	v25 =	vld [tilespmem:s16+$0x0]  }
0x53: {  	v26 =	vld [tilespmem:s16+$0x80]  }
0x54: {  	v24 =	vld [tilespmem:s16+$0x100]  }
0x55: {  	v7 =	vld [tilespmem:$0x1FD30]  }
0x56: {  	v8 =	vld [tilespmem:$0x1FD70]  }
0x57: {  	v9 =	vld [tilespmem:$0x1FD80]  }
0x58: {  	v10 =	vld [tilespmem:$0x1FDC0];
	v0 =	vsub.f32 v25, v0;
	v1 =	vsub.f32 v26, v1  }
0x59: {  	v11 =	vld [tilespmem:$0x1FDF0];
	v2 =	vsub.f32 v24, v2;
	v3 =	vsub.f32 v25, v3  }
0x5a: {  	v61 =	vld [tilespmem:$0x1FD40];
	v4 =	vsub.f32 v26, v4;
	v5 =	vsub.f32 v26, v5  }
0x5b: {  	v62 =	vld [tilespmem:$0x1FD60];
	v6 =	vsub.f32 v26, v6;
	v7 =	vsub.f32 v24, v7  }
0x5c: {  	v23 =	vld [tilespmem:$0x1FE10];
	v8 =	vsub.f32 v25, v8;
	v9 =	vsub.f32 v26, v9;
	v0 =	vmul.f32 v0, v0  }
0x5d: {  	v31 =	vld [tilespmem:$0x1FE40];
	v10 =	vsub.f32 v24, v10;
	v1 =	vmul.f32 v1, v1;
	v54 =	vmul.f32 v2, v2  }
0x5e: {  	v58 =	vld [tilespmem:$0x1FD00];
	v11 =	vsub.f32 v24, v11;
	v55 =	vmul.f32 v3, v3;
	v56 =	vmul.f32 v4, v4  }
0x5f: {  	v16 =	vld [tilespmem:$0x1FDD0];
	v4 =	vsub.f32 v25, v57;
	v60 =	vmul.f32 v5, v5;
	v5 =	vsub.f32 v25, v61  }
0x60: {  	v17 =	vld [tilespmem:$0x1FDE0];
	v3 =	vsub.f32 v24, v62;
	v6 =	vmul.f32 v6, v6;
	v8 =	vmul.f32 v8, v8  }
0x61: {  	v30 =	vld [tilespmem:$0x1FE30];
	v9 =	vmul.f32 v9, v9;
	v19 =	vmul.f32 v10, v10;
	v10 =	vsub.f32 v26, v23  }
0x62: {  	v12 =	vld [tilespmem:$0x1FD90];
	v21 =	vmul.f32 v11, v11;
	v11 =	vsub.f32 v26, v31;
	v0 =	vadd.f32 v1, v0  }
0x63: {  	v14 =	vld [tilespmem:$0x1FDA0];
	v7 =	vmul.f32 v7, v7;
	v1 =	vsub.f32 v24, v58;
	v2 =	vadd.f32 v56, v55  }
0x64: {  	v15 =	vld [tilespmem:$0x1FDB0];
	v59 =	vmul.f32 v4, v4;
	v5 =	vmul.f32 v5, v5;
	v13 =	vadd.f32 v9, v8  }
0x65: {  	v22 =	vld [tilespmem:$0x1FE00];
	v63 =	vmul.f32 v3, v3;
	v8 =	vsub.f32 v25, v16;
	v9 =	vsub.f32 v26, v17  }
0x66: {  	v32 =	vld [tilespmem:$0x1FE50];
	v29 =	vmul.f32 v10, v10;
	v10 =	vsub.f32 v25, v30;
	v11 =	vmul.f32 v11, v11  }
0x67: {  	v16 =	vld [tilespmem:$0x1FEF0];
	v0 =	vadd.f32 v54, v0;
	v4 =	vadd.f32 v60, v59;
	v1 =	vmul.f32 v1, v1  }
0x68: {  	v17 =	vld [tilespmem:$0x1FF00];
	v5 =	vadd.f32 v6, v5;
	v6 =	vsub.f32 v25, v14;
	v8 =	vmul.f32 v8, v8  }
0x69: {  	v55 =	vld [tilespmem:$0x1FF40];
	v9 =	vmul.f32 v9, v9;
	v3 =	vadd.f32 v1, v2;
	v1 =	vadd.f32 v7, v4  }
0x6a: {  	v10 =	vmul.f32 v10, v10;
	v14 =	vld [tilespmem:$0x1FED0];
	v2 =	vadd.f32 v63, v5;
	v4 =	vsub.f32 v24, v12  }
0x6b: {  	v56 =	vld [tilespmem:$0x1FF50];
	v7 =	vsub.f32 v26, v15;
	v20 =	vadd.f32 v9, v8  }
0x6c: {  	v27 =	vld [tilespmem:$0x1FE20];
	v6 =	vmul.f32 v6, v6;
	v9 =	vsub.f32 v25, v22;
	v10 =	vadd.f32 v11, v10  }
0x6d: {  	v33 =	vld [tilespmem:$0x1FE70];
	v16 =	vsub.f32 v25, v16;
	v17 =	vsub.f32 v26, v17;
	v4 =	vmul.f32 v4, v4  }
0x6e: {  	v12 =	vld [tilespmem:$0x1FE60];
	v7 =	vmul.f32 v7, v7;
	v28 =	vmul.f32 v9, v9;
	v9 =	vsub.f32 v24, v32  }
0x6f: {  	v15 =	vld [tilespmem:$0x1FEB0];
	vm0 =	vle.f32 v0, v3;
	v14 =	vsub.f32 v26, v14;
	v50 =	vmul.f32 v16, v16  }
0x70: {  	v22 =	vld [tilespmem:$0x1FFA0];
	v51 =	vmul.f32 v17, v17;
	v16 =	vsub.f32 v24, v55;
	v17 =	vsub.f32 v25, v56  }
0x71: {  	v36 =	vld [tilespmem:$0x1FE80];
	vm14 =	vle.f32 v1, v2;
	v4 =	vadd.f32 v4, v13;
	v18 =	vadd.f32 v7, v6  }
0x72: {  	v35 =	vld [tilespmem:$0x1FE90];
	vm0 =	vmneg vm0;
	v6 =	vadd.f32 v21, v20;
	v7 =	vsub.f32 v24, v27  }
0x73: {  	v40 =	vld [tilespmem:$0x1FEE0];
	v8 =	vadd.f32 v29, v28;
	v9 =	vmul.f32 v9, v9;
	v12 =	vsub.f32 v25, v12  }
0x74: {  	v13 =	vld [tilespmem:$0x1FEA0];
	v15 =	vsub.f32 v24, v15;
	v14 =	vmul.f32 v14, v14;
	v17 =	vmul.f32 v17, v17  }
0x75: {  	v20 =	vld [tilespmem:$0x1FF90];
	v22 =	vsub.f32 v24, v22;
	v57 =	vmul.f32 v16, v16;
	v5 =	vadd.f32 v19, v18  }
0x76: {  	v21 =	vld [tilespmem:$0x1FF70];
	v7 =	vmul.f32 v7, v7;
	v10 =	vadd.f32 v9, v10;
	v9 =	vsub.f32 v24, v36  }
0x77: {  	v39 =	vld [tilespmem:$0x1FEC0];
	v36 =	vmin.f32 v0, v3;
	v34 =	vmul.f32 v12, v12;
	v12 =	vsub.f32 v25, v35  }
0x78: {  	v18 =	vld [tilespmem:$0x1FF60];
	v15 =	vmul.f32 v15, v15;
	v61 =	vmul.f32 v22, v22;
	v7 =	vadd.f32 v7, v8  }
0x79: {  	v19 =	vld [tilespmem:$0x1FF80];
	v8 =	vsub.f32 v26, v33;
	v9 =	vmul.f32 v9, v9;
	vm15 =	vle.f32 v4, v5  }
0x7a: {  	v13 =	vsub.f32 v26, v13;
	v37 =	vmul.f32 v12, v12;
	v12 =	vsub.f32 v24, v40  }
0x7b: {  	v20 =	vsub.f32 v26, v20;
	v21 =	vsub.f32 v24, v21;
	v40 =	vmin.f32 v4, v5  }
0x7c: {  	v52 =	vld [tilespmem:$0x1FF10];
	v8 =	vmul.f32 v8, v8;
	vm4 =	vle.f32 v6, v7;
	v38 =	vmul.f32 v13, v13  }
0x7d: {  	v13 =	vsub.f32 v25, v39;
	v12 =	vmul.f32 v12, v12;
	v18 =	vsub.f32 v26, v18  }
0x7e: {  	v53 =	vld [tilespmem:$0x1FF20];
	v19 =	vsub.f32 v25, v19;
	v20 =	vmul.f32 v20, v20;
	v59 =	vmul.f32 v21, v21  }
0x7f: {  	v54 =	vld [tilespmem:$0x1FF30];
	v39 =	vsel vm14, $0x2, v42;
	v23 =	vsel vm4, $0x6, v44;
	v8 =	vadd.f32 v8, v34  }
0x80: {  	v11 =	vadd.f32 v38, v37;
	v13 =	vmul.f32 v13, v13;
	v18 =	vmul.f32 v18, v18  }
0x81: {  	v19 =	vmul.f32 v19, v19;
	v8 =	vadd.f32 v9, v8;
	v9 =	vsub.f32 v24, v52  }
0x82: {  	v37 =	vsel vm0, $0x1, v41;
	v45 =	vadd.f32 v14, v13;
	v11 =	vadd.f32 v15, v11  }
0x83: {  	v38 =	vmin.f32 v1, v2;
	v13 =	vadd.f32 v51, v50;
	v14 =	vsub.f32 v25, v53  }
0x84: {  	vm9 =	vle.f32 v36, v38;
	v15 =	vsub.f32 v26, v54;
	v58 =	vadd.f32 v18, v17  }
0x85: {  	v60 =	vadd.f32 v20, v19;
	v50 =	vmin.f32 v6, v7;
	v17 =	vsel vm9, v37, v39  }
0x86: {  	v9 =	vmul.f32 v9, v9;
	vm5 =	vle.f32 v10, v8;
	v27 =	vmin.f32 v10, v8  }
0x87: {  	vm10 =	vle.f32 v40, v50;
	v51 =	vmin.f32 v40, v50;
	v12 =	vadd.f32 v12, v45  }
0x88: {  	v14 =	vmul.f32 v14, v14;
	v15 =	vmul.f32 v15, v15;
	v62 =	vadd.f32 v59, v58  }
0x89: {  	v63 =	vadd.f32 v61, v60;
	v45 =	vsel vm15, $0x4, v43;
	v28 =	vsel vm5, $0x8, v46  }
0x8a: {  	v13 =	vadd.f32 v9, v13;
	v9 =	vmin.f32 v36, v38;
	v52 =	vsel vm10, v45, v23  }
0x8b: {  	v14 =	vadd.f32 v15, v14;
	vm6 =	vle.f32 v11, v12;
	v29 =	vmin.f32 v11, v12  }
0x8c: {  	vm8 =	vle.f32 v62, v63;
	v33 =	vmin.f32 v62, v63;
	vm13 =	vle.f32 v9, v51  }
0x8d: {  	v9 =	vmin.f32 v9, v51;
	v30 =	vsel vm6, $0xA, v47;
	v14 =	vadd.f32 v57, v14  }
0x8e: {  	v34 =	vsel vm8, $0xE, v49;
	vm11 =	vle.f32 v27, v29;
	v53 =	vmin.f32 v27, v29  }
0x8f: {  	v54 =	vsel vm11, v28, v30;
	vm7 =	vle.f32 v13, v14;
	v31 =	vmin.f32 v13, v14  }
0x90: {  	v32 =	vsel vm7, $0xC, v48;
	vm12 =	vle.f32 v31, v33;
	v55 =	vmin.f32 v31, v33  }
0x91: {  	v56 =	vsel vm12, v32, v34;
	vm1 =	vle.f32 v53, v55;
	v57 =	vmin.f32 v53, v55  }
0x92: {  	v17 =	vsel vm13, v17, v52;
	v58 =	vsel vm1, v54, v56;
	vm14 =	vle.f32 v9, v57  }
0x93: {  	v9 =	vsel vm14, v17, v58  }
0x94: {  	vm0 =	veq.s32 v9, $0x0  }
0x95: {  	vm15 =	veq.s32 v9, $0x1;
	vm4 =	veq.s32 v9, $0x2;
	vm5 =	veq.s32 v9, $0x3  }
0x96: {  	vm2 =	veq.s32 v9, $0x4;
	vm6 =	veq.s32 v9, $0x5;
	vm7 =	veq.s32 v9, $0x6  }
0x97: {  	vm8 =	veq.s32 v9, $0x7;
	vm9 =	veq.s32 v9, $0x8;
	vm10 =	veq.s32 v9, $0x9  }
0x98: {  	vm11 =	veq.s32 v9, $0xA;
	vm12 =	veq.s32 v9, $0xB;
	vm13 =	veq.s32 v9, $0xC  }
0x99: {  	vm14 =	veq.s32 v9, $0xD;
	v0 =	vsel vm0, $0x7F800000, v0;
	v3 =	vsel vm15, $0x7F800000, v3  }
0x9a: {  	v1 =	vsel vm4, $0x7F800000, v1;
	v2 =	vsel vm5, $0x7F800000, v2;
	v4 =	vsel vm2, $0x7F800000, v4  }
0x9b: {  	v5 =	vsel vm6, $0x7F800000, v5;
	v6 =	vsel vm7, $0x7F800000, v6;
	v7 =	vsel vm8, $0x7F800000, v7  }
0x9c: {  	v17 =	vsel vm9, $0x7F800000, v10;
	v8 =	vsel vm10, $0x7F800000, v8;
	v11 =	vsel vm11, $0x7F800000, v11  }
0x9d: {  	v12 =	vsel vm12, $0x7F800000, v12;
	v13 =	vsel vm13, $0x7F800000, v13;
	v14 =	vsel vm14, $0x7F800000, v14  }
0x9e: {  	vm15 =	veq.s32 v9, $0xE;
	vm4 =	veq.s32 v9, $0xF;
	vm5 =	vle.f32 v0, v3  }
0x9f: {  	v15 =	vsel vm15, $0x7F800000, v62;
	v16 =	vsel vm4, $0x7F800000, v63;
	v59 =	vmin.f32 v0, v3  }
0xa0: {  	vm7 =	vle.f32 v1, v2;
	v61 =	vmin.f32 v1, v2;
	vm8 =	vle.f32 v4, v5  }
0xa1: {  	v63 =	vmin.f32 v4, v5;
	vm9 =	vle.f32 v6, v7;
	v37 =	vmin.f32 v6, v7  }
0xa2: {  	vm10 =	vle.f32 v17, v8;
	v39 =	vmin.f32 v17, v8;
	vm11 =	vle.f32 v11, v12  }
0xa3: {  	v45 =	vmin.f32 v11, v12;
	vm12 =	vle.f32 v13, v14;
	v51 =	vmin.f32 v13, v14  }
0xa4: {  	vm6 =	vmneg vm5;
	v62 =	vsel vm7, $0x2, v42;
	v36 =	vsel vm8, $0x4, v43  }
0xa5: {  	v38 =	vsel vm9, $0x6, v44;
	v40 =	vsel vm10, $0x8, v46;
	v50 =	vsel vm11, $0xA, v47  }
0xa6: {  	v52 =	vsel vm12, $0xC, v48;
	vm13 =	vle.f32 v15, v16;
	v53 =	vmin.f32 v15, v16  }
0xa7: {  	vm14 =	vle.f32 v59, v61;
	v10 =	vmin.f32 v59, v61;
	vm15 =	vle.f32 v63, v37  }
0xa8: {  	v54 =	vmin.f32 v63, v37;
	vm4 =	vle.f32 v39, v45;
	v56 =	vmin.f32 v39, v45  }
0xa9: {  	v60 =	vsel vm6, $0x1, v41;
	v35 =	vsel vm13, $0xE, v49;
	v55 =	vsel vm15, v36, v38  }
0xaa: {  	v57 =	vsel vm4, v40, v50;
	vm5 =	vle.f32 v51, v53;
	v58 =	vmin.f32 v51, v53  }
0xab: {  	vm6 =	vle.f32 v10, v54;
	v10 =	vmin.f32 v10, v54;
	v18 =	vsel vm14, v60, v62  }
0xac: {  	v59 =	vsel vm5, v52, v35;
	vm7 =	vle.f32 v56, v58;
	v60 =	vmin.f32 v56, v58  }
0xad: {  	v18 =	vsel vm6, v18, v55;
	v61 =	vsel vm7, v57, v59;
	vm8 =	vle.f32 v10, v60  }
0xae: {  	v10 =	vsel vm8, v18, v61  }
0xaf: {  	vm0 =	veq.s32 v10, $0x0  }
0xb0: {  	vm9 =	veq.s32 v10, $0x1;
	vm10 =	veq.s32 v10, $0x2;
	vm11 =	veq.s32 v10, $0x3  }
0xb1: {  	vm12 =	veq.s32 v10, $0x4;
	vm13 =	veq.s32 v10, $0x5;
	vm14 =	veq.s32 v10, $0x6  }
0xb2: {  	vm15 =	veq.s32 v10, $0x7;
	vm4 =	veq.s32 v10, $0x8;
	vm5 =	veq.s32 v10, $0x9  }
0xb3: {  	vm6 =	veq.s32 v10, $0xA;
	vm7 =	veq.s32 v10, $0xB;
	vm8 =	veq.s32 v10, $0xC  }
0xb4: {  	v0 =	vsel vm0, $0x7F800000, v0;
	v3 =	vsel vm9, $0x7F800000, v3;
	v1 =	vsel vm10, $0x7F800000, v1  }
0xb5: {  	v2 =	vsel vm11, $0x7F800000, v2;
	v4 =	vsel vm12, $0x7F800000, v4;
	v5 =	vsel vm13, $0x7F800000, v5  }
0xb6: {  	v6 =	vsel vm14, $0x7F800000, v6;
	v7 =	vsel vm15, $0x7F800000, v7;
	v17 =	vsel vm4, $0x7F800000, v17  }
0xb7: {  	v8 =	vsel vm5, $0x7F800000, v8;
	v18 =	vsel vm6, $0x7F800000, v11;
	vm9 =	veq.s32 v10, $0xD  }
0xb8: {  	v12 =	vsel vm7, $0x7F800000, v12;
	v13 =	vsel vm8, $0x7F800000, v13;
	vm10 =	veq.s32 v10, $0xE  }
0xb9: {  	vm11 =	veq.s32 v10, $0xF;
	v14 =	vsel vm9, $0x7F800000, v14;
	vm12 =	vle.f32 v0, v3  }
0xba: {  	v15 =	vsel vm10, $0x7F800000, v15;
	v16 =	vsel vm11, $0x7F800000, v16;
	v62 =	vmin.f32 v0, v3  }
0xbb: {  	vm14 =	vle.f32 v1, v2;
	v40 =	vmin.f32 v1, v2;
	vm15 =	vle.f32 v4, v5  }
0xbc: {  	v50 =	vmin.f32 v4, v5;
	vm4 =	vle.f32 v6, v7;
	v52 =	vmin.f32 v6, v7  }
0xbd: {  	vm5 =	vle.f32 v17, v8;
	v54 =	vmin.f32 v17, v8;
	vm6 =	vle.f32 v18, v12  }
0xbe: {  	v56 =	vmin.f32 v18, v12;
	vm13 =	vmneg vm12;
	v45 =	vsel vm14, $0x2, v42  }
0xbf: {  	v51 =	vsel vm15, $0x4, v43;
	v53 =	vsel vm4, $0x6, v44;
	v55 =	vsel vm5, $0x8, v46  }
0xc0: {  	v57 =	vsel vm6, $0xA, v47;
	vm7 =	vle.f32 v13, v14;
	v58 =	vmin.f32 v13, v14  }
0xc1: {  	vm8 =	vle.f32 v15, v16;
	v60 =	vmin.f32 v15, v16;
	vm9 =	vle.f32 v62, v40  }
0xc2: {  	v11 =	vmin.f32 v62, v40;
	vm10 =	vle.f32 v50, v52;
	v61 =	vmin.f32 v50, v52  }
0xc3: {  	vm11 =	vle.f32 v54, v56;
	v63 =	vsel vm13, $0x1, v41;
	v59 =	vsel vm7, $0xC, v48  }
0xc4: {  	v36 =	vsel vm8, $0xE, v49;
	v62 =	vsel vm10, v51, v53;
	v32 =	vsel vm11, v55, v57  }
0xc5: {  	vm12 =	vle.f32 v58, v60;
	v37 =	vmin.f32 v58, v60;
	vm13 =	vle.f32 v11, v61  }
0xc6: {  	v11 =	vmin.f32 v11, v61;
	v19 =	vsel vm9, v63, v45;
	v63 =	vmin.f32 v54, v56  }
0xc7: {  	v38 =	vsel vm12, v59, v36;
	vm14 =	vle.f32 v63, v37;
	v39 =	vmin.f32 v63, v37  }
0xc8: {  	v19 =	vsel vm13, v19, v62;
	v40 =	vsel vm14, v32, v38;
	vm15 =	vle.f32 v11, v39  }
0xc9: {  	v11 =	vsel vm15, v19, v40  }
0xca: {  	vm0 =	veq.s32 v11, $0x0  }
0xcb: {  	vm4 =	veq.s32 v11, $0x1;
	vm5 =	veq.s32 v11, $0x2;
	vm6 =	veq.s32 v11, $0x3  }
0xcc: {  	vm7 =	veq.s32 v11, $0x4;
	vm8 =	veq.s32 v11, $0x5;
	vm9 =	veq.s32 v11, $0x6  }
0xcd: {  	vm10 =	veq.s32 v11, $0x7;
	vm11 =	veq.s32 v11, $0x8;
	vm12 =	veq.s32 v11, $0x9  }
0xce: {  	vm13 =	veq.s32 v11, $0xA;
	vm14 =	veq.s32 v11, $0xB;
	vm15 =	veq.s32 v11, $0xC  }
0xcf: {  	v0 =	vsel vm0, $0x7F800000, v0;
	v3 =	vsel vm4, $0x7F800000, v3;
	v1 =	vsel vm5, $0x7F800000, v1  }
0xd0: {  	v2 =	vsel vm6, $0x7F800000, v2;
	v4 =	vsel vm7, $0x7F800000, v4;
	v5 =	vsel vm8, $0x7F800000, v5  }
0xd1: {  	v6 =	vsel vm9, $0x7F800000, v6;
	v7 =	vsel vm10, $0x7F800000, v7;
	v17 =	vsel vm11, $0x7F800000, v17  }
0xd2: {  	v8 =	vsel vm12, $0x7F800000, v8;
	v18 =	vsel vm13, $0x7F800000, v18;
	vm4 =	veq.s32 v11, $0xD  }
0xd3: {  	v12 =	vsel vm14, $0x7F800000, v12;
	v13 =	vsel vm15, $0x7F800000, v13;
	vm5 =	veq.s32 v11, $0xE  }
0xd4: {  	vm6 =	veq.s32 v11, $0xF;
	v19 =	vsel vm4, $0x7F800000, v14;
	vm7 =	vle.f32 v0, v3  }
0xd5: {  	v15 =	vsel vm5, $0x7F800000, v15;
	v16 =	vsel vm6, $0x7F800000, v16;
	v45 =	vmin.f32 v0, v3  }
0xd6: {  	vm9 =	vle.f32 v1, v2;
	v51 =	vmin.f32 v1, v2;
	vm10 =	vle.f32 v4, v5  }
0xd7: {  	v53 =	vmin.f32 v4, v5;
	vm11 =	vle.f32 v6, v7;
	v55 =	vmin.f32 v6, v7  }
0xd8: {  	vm12 =	vle.f32 v17, v8;
	v57 =	vmin.f32 v17, v8;
	vm13 =	vle.f32 v18, v12  }
0xd9: {  	v59 =	vmin.f32 v18, v12;
	vm8 =	vmneg vm7;
	v52 =	vsel vm9, $0x2, v42  }
0xda: {  	v54 =	vsel vm10, $0x4, v43;
	v56 =	vsel vm11, $0x6, v44;
	v58 =	vsel vm12, $0x8, v46  }
0xdb: {  	v60 =	vsel vm13, $0xA, v47;
	vm14 =	vle.f32 v13, v19;
	v61 =	vmin.f32 v13, v19  }
0xdc: {  	vm15 =	vle.f32 v15, v16;
	v63 =	vmin.f32 v15, v16;
	vm4 =	vle.f32 v45, v51  }
0xdd: {  	v14 =	vmin.f32 v45, v51;
	vm5 =	vle.f32 v53, v55;
	v39 =	vmin.f32 v53, v55  }
0xde: {  	vm6 =	vle.f32 v57, v59;
	v45 =	vmin.f32 v57, v59;
	v50 =	vsel vm8, $0x1, v41  }
0xdf: {  	v62 =	vsel vm14, $0xC, v48;
	v37 =	vsel vm15, $0xE, v49;
	v40 =	vsel vm5, v54, v56  }
0xe0: {  	vm7 =	vle.f32 v61, v63;
	v51 =	vmin.f32 v61, v63;
	vm8 =	vle.f32 v14, v39  }
0xe1: {  	v14 =	vmin.f32 v14, v39;
	v20 =	vsel vm4, v50, v52;
	v50 =	vsel vm6, v58, v60  }
0xe2: {  	v52 =	vsel vm7, v62, v37;
	vm9 =	vle.f32 v45, v51;
	v53 =	vmin.f32 v45, v51  }
0xe3: {  	v20 =	vsel vm8, v20, v40;
	v54 =	vsel vm9, v50, v52;
	vm10 =	vle.f32 v14, v53  }
0xe4: {  	v14 =	vsel vm10, v20, v54  }
0xe5: {  	vm0 =	veq.s32 v14, $0x0  }
0xe6: {  	vm11 =	veq.s32 v14, $0x1;
	vm12 =	veq.s32 v14, $0x2;
	vm13 =	veq.s32 v14, $0x3  }
0xe7: {  	vm14 =	veq.s32 v14, $0x4;
	vm15 =	veq.s32 v14, $0x5;
	vm4 =	veq.s32 v14, $0x6  }
0xe8: {  	vm5 =	veq.s32 v14, $0x7;
	vm6 =	veq.s32 v14, $0x8;
	vm7 =	veq.s32 v14, $0x9  }
0xe9: {  	vm8 =	veq.s32 v14, $0xA;
	vm9 =	veq.s32 v14, $0xB;
	vm10 =	veq.s32 v14, $0xC  }
0xea: {  	v0 =	vsel vm0, $0x7F800000, v0;
	v3 =	vsel vm11, $0x7F800000, v3;
	v1 =	vsel vm12, $0x7F800000, v1  }
0xeb: {  	v2 =	vsel vm13, $0x7F800000, v2;
	v4 =	vsel vm14, $0x7F800000, v4;
	v5 =	vsel vm15, $0x7F800000, v5  }
0xec: {  	v6 =	vsel vm4, $0x7F800000, v6;
	v7 =	vsel vm5, $0x7F800000, v7;
	v17 =	vsel vm6, $0x7F800000, v17  }
0xed: {  	v8 =	vsel vm7, $0x7F800000, v8;
	v18 =	vsel vm8, $0x7F800000, v18;
	vm11 =	veq.s32 v14, $0xD  }
0xee: {  	v12 =	vsel vm9, $0x7F800000, v12;
	v13 =	vsel vm10, $0x7F800000, v13;
	vm12 =	veq.s32 v14, $0xE  }
0xef: {  	vm13 =	veq.s32 v14, $0xF;
	v19 =	vsel vm11, $0x7F800000, v19;
	vm14 =	vle.f32 v0, v3  }
0xf0: {  	v15 =	vsel vm12, $0x7F800000, v15;
	v20 =	vsel vm13, $0x7F800000, v16;
	v55 =	vmin.f32 v0, v3  }
0xf1: {  	vm4 =	vle.f32 v1, v2;
	v57 =	vmin.f32 v1, v2;
	vm5 =	vle.f32 v4, v5  }
0xf2: {  	v59 =	vmin.f32 v4, v5;
	vm6 =	vle.f32 v6, v7;
	v61 =	vmin.f32 v6, v7  }
0xf3: {  	vm7 =	vle.f32 v17, v8;
	v63 =	vmin.f32 v17, v8;
	vm8 =	vle.f32 v18, v12  }
0xf4: {  	v45 =	vmin.f32 v18, v12;
	vm15 =	vmneg vm14;
	v58 =	vsel vm4, $0x2, v42  }
0xf5: {  	v60 =	vsel vm5, $0x4, v43;
	v62 =	vsel vm6, $0x6, v44;
	v40 =	vsel vm7, $0x8, v46  }
0xf6: {  	v50 =	vsel vm8, $0xA, v47;
	vm9 =	vle.f32 v13, v19;
	v51 =	vmin.f32 v13, v19  }
0xf7: {  	vm10 =	vle.f32 v15, v20;
	v53 =	vmin.f32 v15, v20;
	vm11 =	vle.f32 v55, v57  }
0xf8: {  	v16 =	vmin.f32 v55, v57;
	vm12 =	vle.f32 v59, v61;
	v54 =	vmin.f32 v59, v61  }
0xf9: {  	vm13 =	vle.f32 v63, v45;
	v56 =	vsel vm15, $0x1, v41;
	v52 =	vsel vm9, $0xC, v48  }
0xfa: {  	v38 =	vsel vm10, $0xE, v49;
	v55 =	vsel vm12, v60, v62;
	v57 =	vsel vm13, v40, v50  }
0xfb: {  	vm14 =	vle.f32 v51, v53;
	vm15 =	vle.f32 v16, v54;
	v16 =	vmin.f32 v16, v54  }
0xfc: {  	v21 =	vsel vm11, v56, v58;
	v56 =	vmin.f32 v63, v45;
	v58 =	vmin.f32 v51, v53  }
0xfd: {  	v59 =	vsel vm14, v52, v38;
	vm4 =	vle.f32 v56, v58;
	v60 =	vmin.f32 v56, v58  }
0xfe: {  	v21 =	vsel vm15, v21, v55;
	v61 =	vsel vm4, v57, v59;
	vm5 =	vle.f32 v16, v60  }
0xff: {  	v16 =	vsel vm5, v21, v61  }
0x100: {  	v28 =	vshll.u32 v9, $0x2;
	vm0 =	veq.s32 v16, $0x0  }
0x101: {  	vm6 =	veq.s32 v16, $0x1;
	vm7 =	veq.s32 v16, $0x2;
	vm8 =	veq.s32 v16, $0x3  }
0x102: {  	vm9 =	veq.s32 v16, $0x4;
	vm10 =	veq.s32 v16, $0x5;
	vm11 =	veq.s32 v16, $0x6  }
0x103: {  	vm12 =	veq.s32 v16, $0x7;
	vm13 =	veq.s32 v16, $0x8;
	vm14 =	veq.s32 v16, $0x9  }
0x104: {  	vm15 =	veq.s32 v16, $0xA;
	vm4 =	veq.s32 v16, $0xB;
	vm5 =	veq.s32 v16, $0xC  }
0x105: {  	v0 =	vsel vm0, $0x7F800000, v0;
	v3 =	vsel vm6, $0x7F800000, v3;
	v1 =	vsel vm7, $0x7F800000, v1  }
0x106: {  	v2 =	vsel vm8, $0x7F800000, v2;
	v4 =	vsel vm9, $0x7F800000, v4;
	v5 =	vsel vm10, $0x7F800000, v5  }
0x107: {  	v6 =	vsel vm11, $0x7F800000, v6;
	v7 =	vsel vm12, $0x7F800000, v7;
	v17 =	vsel vm13, $0x7F800000, v17  }
0x108: {  	v8 =	vsel vm14, $0x7F800000, v8;
	v18 =	vsel vm15, $0x7F800000, v18;
	vm6 =	veq.s32 v16, $0xD  }
0x109: {  	v12 =	vsel vm4, $0x7F800000, v12;
	v13 =	vsel vm5, $0x7F800000, v13;
	vm7 =	veq.s32 v16, $0xE  }
0x10a: {  	vm8 =	veq.s32 v16, $0xF;
	v21 =	vsel vm6, $0x7F800000, v19;
	vm9 =	vle.f32 v0, v3  }
0x10b: {  	v15 =	vsel vm7, $0x7F800000, v15;
	v20 =	vsel vm8, $0x7F800000, v20;
	v62 =	vmin.f32 v0, v3  }
0x10c: {  	vm11 =	vle.f32 v1, v2;
	v45 =	vmin.f32 v1, v2;
	vm12 =	vle.f32 v4, v5  }
0x10d: {  	v51 =	vmin.f32 v4, v5;
	vm13 =	vle.f32 v6, v7;
	v53 =	vmin.f32 v6, v7  }
0x10e: {  	vm14 =	vle.f32 v17, v8;
	v55 =	vmin.f32 v17, v8;
	vm15 =	vle.f32 v18, v12  }
0x10f: {  	v57 =	vmin.f32 v18, v12;
	vm10 =	vmneg vm9;
	v50 =	vsel vm11, $0x2, v42  }
0x110: {  	v52 =	vsel vm12, $0x4, v43;
	v54 =	vsel vm13, $0x6, v44;
	v56 =	vsel vm14, $0x8, v46  }
0x111: {  	v58 =	vsel vm15, $0xA, v47;
	vm4 =	vle.f32 v13, v21;
	v59 =	vmin.f32 v13, v21  }
0x112: {  	vm5 =	vle.f32 v15, v20;
	v61 =	vmin.f32 v15, v20;
	vm6 =	vle.f32 v62, v45  }
0x113: {  	v19 =	vmin.f32 v62, v45;
	vm7 =	vle.f32 v51, v53;
	v62 =	vmin.f32 v51, v53  }
0x114: {  	vm8 =	vle.f32 v55, v57;
	v34 =	vmin.f32 v55, v57;
	v63 =	vsel vm10, $0x1, v41  }
0x115: {  	v60 =	vsel vm4, $0xC, v48;
	v39 =	vsel vm5, $0xE, v49;
	v35 =	vsel vm8, v56, v58  }
0x116: {  	vm9 =	vle.f32 v59, v61;
	v38 =	vmin.f32 v59, v61;
	vm10 =	vle.f32 v19, v62  }
0x117: {  	v19 =	vmin.f32 v19, v62;
	v22 =	vsel vm6, v63, v50;
	v63 =	vsel vm7, v52, v54  }
0x118: {  	v40 =	vsel vm9, v60, v39;
	vm11 =	vle.f32 v34, v38;
	v45 =	vmin.f32 v34, v38  }
0x119: {  	v22 =	vsel vm10, v22, v63;
	v50 =	vsel vm11, v35, v40;
	vm12 =	vle.f32 v19, v45  }
0x11a: {  	v30 =	vadd.s32 $0x30, v28;
	v19 =	vsel vm12, v22, v50  }
0x11b: {  	v31 =	vadd.s32 $0x70, v28;
	v33 =	vadd.s32 $0xB0, v28;
	vm0 =	veq.s32 v19, $0x0  }
0x11c: {  	vm13 =	veq.s32 v19, $0x1;
	vm14 =	veq.s32 v19, $0x2;
	vm15 =	veq.s32 v19, $0x3  }
0x11d: {  	vm4 =	veq.s32 v19, $0x4;
	vm5 =	veq.s32 v19, $0x5;
	vm6 =	veq.s32 v19, $0x6  }
0x11e: {  	vm7 =	veq.s32 v19, $0x7;
	vm8 =	veq.s32 v19, $0x8;
	vm9 =	veq.s32 v19, $0x9  }
0x11f: {  	vm10 =	veq.s32 v19, $0xA;
	vm11 =	veq.s32 v19, $0xB;
	vm12 =	veq.s32 v19, $0xC  }
0x120: {  	v0 =	vsel vm0, $0x7F800000, v0;
	v3 =	vsel vm13, $0x7F800000, v3;
	v1 =	vsel vm14, $0x7F800000, v1  }
0x121: {  	v2 =	vsel vm15, $0x7F800000, v2;
	v4 =	vsel vm4, $0x7F800000, v4;
	v5 =	vsel vm5, $0x7F800000, v5  }
0x122: {  	v6 =	vsel vm6, $0x7F800000, v6;
	v7 =	vsel vm7, $0x7F800000, v7;
	v17 =	vsel vm8, $0x7F800000, v17  }
0x123: {  	v8 =	vsel vm9, $0x7F800000, v8;
	v18 =	vsel vm10, $0x7F800000, v18;
	vm13 =	veq.s32 v19, $0xD  }
0x124: {  	v12 =	vsel vm11, $0x7F800000, v12;
	v13 =	vsel vm12, $0x7F800000, v13;
	vm14 =	veq.s32 v19, $0xE  }
0x125: {  	vm15 =	veq.s32 v19, $0xF;
	v21 =	vsel vm13, $0x7F800000, v21;
	vm4 =	vle.f32 v0, v3  }
0x126: {  	v15 =	vsel vm14, $0x7F800000, v15;
	v20 =	vsel vm15, $0x7F800000, v20;
	v51 =	vmin.f32 v0, v3  }
0x127: {  	vm6 =	vle.f32 v1, v2;
	v53 =	vmin.f32 v1, v2;
	vm7 =	vle.f32 v4, v5  }
0x128: {  	v55 =	vmin.f32 v4, v5;
	vm8 =	vle.f32 v6, v7;
	v57 =	vmin.f32 v6, v7  }
0x129: {  	vm9 =	vle.f32 v17, v8;
	v59 =	vmin.f32 v17, v8;
	vm10 =	vle.f32 v18, v12  }
0x12a: {  	v61 =	vmin.f32 v18, v12;
	vm5 =	vmneg vm4;
	v54 =	vsel vm6, $0x2, v42  }
0x12b: {  	v56 =	vsel vm7, $0x4, v43;
	v58 =	vsel vm8, $0x6, v44;
	v60 =	vsel vm9, $0x8, v46  }
0x12c: {  	v62 =	vsel vm10, $0xA, v47;
	vm11 =	vle.f32 v13, v21;
	v63 =	vmin.f32 v13, v21  }
0x12d: {  	vm12 =	vle.f32 v15, v20;
	v50 =	vmin.f32 v15, v20;
	vm13 =	vle.f32 v51, v53  }
0x12e: {  	v22 =	vmin.f32 v51, v53;
	vm14 =	vle.f32 v55, v57;
	v51 =	vmin.f32 v55, v57  }
0x12f: {  	vm15 =	vle.f32 v59, v61;
	v53 =	vmin.f32 v59, v61;
	v52 =	vsel vm5, $0x1, v41  }
0x130: {  	v45 =	vsel vm11, $0xC, v48;
	v40 =	vsel vm12, $0xE, v49;
	vm4 =	vle.f32 v63, v50  }
0x131: {  	v55 =	vmin.f32 v63, v50;
	vm5 =	vle.f32 v22, v51;
	v22 =	vmin.f32 v22, v51  }
0x132: {  	v23 =	vsel vm13, v52, v54;
	v52 =	vsel vm14, v56, v58;
	v54 =	vsel vm15, v60, v62  }
0x133: {  	v56 =	vsel vm4, v45, v40;
	vm6 =	vle.f32 v53, v55;
	v57 =	vmin.f32 v53, v55  }
0x134: {  	v23 =	vsel vm5, v23, v52;
	v58 =	vsel vm6, v54, v56;
	vm7 =	vle.f32 v22, v57  }
0x135: {  	v51 =	vadd.s32 $0x72, v28;
	v53 =	vadd.s32 $0x33, v28;
	v22 =	vsel vm7, v23, v58  }
0x136: {  	v55 =	vadd.s32 $0x73, v28;
	v52 =	vadd.s32 $0xB2, v28;
	vm0 =	veq.s32 v22, $0x0  }
0x137: {  	vm8 =	veq.s32 v22, $0x1;
	vm9 =	veq.s32 v22, $0x2;
	vm10 =	veq.s32 v22, $0x3  }
0x138: {  	vm11 =	veq.s32 v22, $0x4;
	vm12 =	veq.s32 v22, $0x5;
	vm13 =	veq.s32 v22, $0x6  }
0x139: {  	vm14 =	veq.s32 v22, $0x7;
	vm15 =	veq.s32 v22, $0x8;
	vm4 =	veq.s32 v22, $0x9  }
0x13a: {  	vm5 =	veq.s32 v22, $0xA;
	vm6 =	veq.s32 v22, $0xB;
	vm7 =	veq.s32 v22, $0xC  }
0x13b: {  	v0 =	vsel vm0, $0x7F800000, v0;
	v3 =	vsel vm8, $0x7F800000, v3;
	v1 =	vsel vm9, $0x7F800000, v1  }
0x13c: {  	v2 =	vsel vm10, $0x7F800000, v2;
	v4 =	vsel vm11, $0x7F800000, v4;
	v5 =	vsel vm12, $0x7F800000, v5  }
0x13d: {  	v6 =	vsel vm13, $0x7F800000, v6;
	v7 =	vsel vm14, $0x7F800000, v7;
	v17 =	vsel vm15, $0x7F800000, v17  }
0x13e: {  	v8 =	vsel vm4, $0x7F800000, v8;
	v18 =	vsel vm5, $0x7F800000, v18;
	v12 =	vsel vm6, $0x7F800000, v12  }
0x13f: {  	v37 =	vld.idx.msk [tilespmem:v30+s10+$0x0], $0xffff;
	vm8 =	veq.s32 v22, $0xD;
	v13 =	vsel vm7, $0x7F800000, v13;
	vm9 =	veq.s32 v22, $0xE  }
0x140: {  	v40 =	vld.idx.msk [tilespmem:v31+s10+$0x0], $0xffff;
	vm10 =	veq.s32 v22, $0xF;
	v21 =	vsel vm8, $0x7F800000, v21;
	v15 =	vsel vm9, $0x7F800000, v15  }
0x141: {  	vm11 =	vle.f32 v0, v3;
	v20 =	vsel vm10, $0x7F800000, v20;
	v0 =	vmin.f32 v0, v3  }
0x142: {  	vm13 =	vle.f32 v1, v2;
	v1 =	vmin.f32 v1, v2;
	vm14 =	vle.f32 v4, v5  }
0x143: {  	v4 =	vmin.f32 v4, v5;
	vm15 =	vle.f32 v6, v7;
	v6 =	vmin.f32 v6, v7  }
0x144: {  	vm4 =	vle.f32 v17, v8;
	v8 =	vmin.f32 v17, v8;
	vm5 =	vle.f32 v18, v12  }
0x145: {  	v12 =	vmin.f32 v18, v12;
	v2 =	vsub.f32 v25, v37;
	v50 =	vsub.f32 v26, v40  }
0x146: {  	v37 =	vor.u32 $0x1, v28;
	vm12 =	vmneg vm11;
	v60 =	vsel vm13, $0x2, v42  }
0x147: {  	v61 =	vsel vm14, $0x4, v43;
	v62 =	vsel vm15, $0x6, v44;
	v63 =	vsel vm4, $0x8, v46  }
0x148: {  	v32 =	vsel vm5, $0xA, v47;
	vm6 =	vle.f32 v13, v21;
	v13 =	vmin.f32 v13, v21  }
0x149: {  	vm7 =	vle.f32 v15, v20;
	v15 =	vmin.f32 v15, v20;
	vm8 =	vle.f32 v0, v1  }
0x14a: {  	v0 =	vmin.f32 v0, v1;
	vm9 =	vle.f32 v4, v6;
	v38 =	vmin.f32 v4, v6  }
0x14b: {  	vm10 =	vle.f32 v8, v12;
	v44 =	vadd.s32 $0x31, v28;
	v46 =	vadd.s32 $0x71, v28  }
0x14c: {  	v21 =	vshll.u32 v10, $0x2;
	v59 =	vsel vm12, $0x1, v41;
	v34 =	vsel vm6, $0xC, v48  }
0x14d: {  	v35 =	vsel vm7, $0xE, v49;
	v39 =	vsel vm9, v61, v62;
	v41 =	vmin.f32 v8, v12  }
0x14e: {  	v42 =	vsel vm10, v63, v32;
	vm11 =	vle.f32 v13, v15;
	v45 =	vmin.f32 v13, v15  }
0x14f: {  	v57 =	vld.idx.msk [tilespmem:v51+s10+$0x0], $0xffff;
	vm12 =	vle.f32 v0, v38;
	v48 =	vadd.s32 $0xB1, v28;
	v0 =	vmin.f32 v0, v38  }
0x150: {  	v43 =	vld.idx.msk [tilespmem:v33+s10+$0x0], $0xffff;
	v49 =	vadd.s32 $0x32, v28;
	v2 =	vmul.f32 v2, v2;
	v4 =	vmul.f32 v50, v50  }
0x151: {  	v58 =	vld.idx.msk [tilespmem:v52+s10+$0x0], $0xffff;
	v63 =	vadd.s32 $0x30, v21;
	v23 =	vadd.s32 $0x70, v21;
	v27 =	vadd.s32 $0xB0, v21  }
0x152: {  	v20 =	vld.idx.msk [tilespmem:v55+s10+$0x0], $0xffff;
	v29 =	vadd.s32 $0x31, v21;
	v31 =	vadd.s32 $0x71, v21;
	v32 =	vadd.s32 $0xB1, v21  }
0x153: {  	v62 =	vld.idx.msk [tilespmem:v53+s10+$0x0], $0xffff;
	v50 =	vadd.s32 $0xB2, v21;
	v53 =	vadd.s32 $0x33, v21;
	v36 =	vsel vm8, v59, v60  }
0x154: {  	v47 =	vsel vm11, v34, v35;
	vm13 =	vle.f32 v41, v45;
	v6 =	vmin.f32 v41, v45;
	v9 =	vld.idx.msk [tilespmem:v44+s10+$0x0], $0xffff  }
0x155: {  	v1 =	vsel vm12, v36, v39;
	v7 =	vsel vm13, v42, v47;
	vm14 =	vle.f32 v0, v6;
	v13 =	vld.idx.msk [tilespmem:v46+s10+$0x0], $0xffff  }
0x156: {  	v59 =	vadd.s32 $0xB3, v28;
	v0 =	vsel vm14, v1, v7;
	v1 =	vsub.f32 v26, v57;
	v54 =	vld.idx.msk [tilespmem:v48+s10+$0x0], $0xffff  }
0x157: {  	v55 =	vadd.s32 $0xB3, v21;
	v45 =	vadd.s32 $0x32, v21;
	v2 =	vadd.f32 v4, v2;
	v3 =	vld.idx.msk [tilespmem:v49+s10+$0x0], $0xffff  }
0x158: {  	v8 =	vsub.f32 v24, v43;
	v10 =	vsub.f32 v26, v20;
	v1 =	vmul.f32 v1, v1;
	v12 =	vld.idx.msk [tilespmem:v23+s10+$0x0], $0xffff  }
0x159: {  	v7 =	vsub.f32 v25, v62;
	v38 =	vld.idx.msk [tilespmem:v29+s10+$0x0], $0xffff;
	v48 =	vadd.s32 $0x72, v21;
	v62 =	vshll.u32 v11, $0x2  }
0x15a: {  	v52 =	vld.idx.msk [tilespmem:v32+s10+$0x0], $0xffff;
	v29 =	vor.u32 $0x1, v21;
	v56 =	vmul.f32 v8, v8;
	v36 =	vmul.f32 v10, v10  }
0x15b: {  	v4 =	vld.idx.msk [tilespmem:v59+s10+$0x0], $0xffff;
	v11 =	vadd.s32 $0x30, v62;
	v20 =	vadd.s32 $0xB0, v62;
	v42 =	vadd.s32 $0x71, v62  }
0x15c: {  	v8 =	vld.idx.msk [tilespmem:v63+s10+$0x0], $0xffff;
	v43 =	vadd.s32 $0xB1, v62;
	v34 =	vadd.f32 v56, v2;
	v2 =	vsub.f32 v24, v58  }
0x15d: {  	v10 =	vld.idx.msk [tilespmem:v45+s10+$0x0], $0xffff;
	v59 =	vadd.s32 $0xB3, v62;
	v60 =	vsub.f32 v25, v9;
	v61 =	vsub.f32 v26, v13  }
0x15e: {  	v35 =	vmul.f32 v7, v7;
	v18 =	vsub.f32 v24, v54;
	v3 =	vsub.f32 v25, v3  }
0x15f: {  	v2 =	vmul.f32 v2, v2;
	v51 =	vsub.f32 v26, v12;
	v54 =	vadd.s32 $0x73, v21  }
0x160: {  	v7 =	vsub.f32 v25, v38;
	v12 =	vsub.f32 v24, v52;
	v5 =	vmul.f32 v60, v60  }
0x161: {  	v33 =	vld.idx.msk [tilespmem:v27+s10+$0x0], $0xffff;
	v6 =	vmul.f32 v61, v61;
	v46 =	vsub.f32 v24, v4;
	v49 =	vsub.f32 v25, v8  }
0x162: {  	v13 =	vld.idx.msk [tilespmem:v53+s10+$0x0], $0xffff;
	v60 =	vadd.s32 $0x70, v62;
	v61 =	vor.u32 $0x2, v28;
	v23 =	vsub.f32 v25, v10  }
0x163: {  	v4 =	vld.idx.msk [tilespmem:v48+s10+$0x0], $0xffff;
	v48 =	vadd.s32 $0xB2, v62;
	v30 =	vmul.f32 v18, v18;
	v3 =	vmul.f32 v3, v3  }
0x164: {  	v8 =	vld.idx.msk [tilespmem:v50+s10+$0x0], $0xffff;
	v50 =	vadd.s32 $0x33, v62;
	v9 =	vmul.f32 v51, v51;
	v7 =	vmul.f32 v7, v7  }
0x165: {  	v47 =	vld.idx.msk [tilespmem:v31+s10+$0x0], $0xffff;
	[tilespmem:$0x1FB50] =	vst v61;
	v15 =	vmul.f32 v12, v12;
	v61 =	vshll.u32 v14, $0x2;
	v5 =	vadd.f32 v6, v5  }
0x166: {  	v6 =	vmul.f32 v49, v49;
	v1 =	vadd.f32 v1, v3;
	v3 =	vsub.f32 v24, v33  }
0x167: {  	v14 =	vadd.s32 $0xB0, v61;
	v45 =	vsub.f32 v25, v13;
	v44 =	vadd.f32 v30, v5  }
0x168: {  	v27 =	vld.idx.msk [tilespmem:v11+s10+$0x0], $0xffff;
	v31 =	vadd.s32 $0x71, v61;
	v5 =	vadd.f32 v36, v35;
	v6 =	vadd.f32 v9, v6  }
0x169: {  	v63 =	vld.idx.msk [tilespmem:v54+s10+$0x0], $0xffff;
	v36 =	vadd.s32 $0x31, v62;
	v30 =	vor.u32 $0x3, v28;
	v54 =	vadd.s32 $0x73, v62  }
0x16a: {  	v41 =	vadd.f32 v2, v1;
	v1 =	vmul.f32 v46, v46;
	v2 =	vsub.f32 v26, v47  }
0x16b: {  	v18 =	vld.idx.msk [tilespmem:v55+s10+$0x0], $0xffff;
	v3 =	vmul.f32 v3, v3;
	v4 =	vsub.f32 v26, v4;
	v38 =	vsub.f32 v24, v8  }
0x16c: {  	v9 =	vld.idx.msk [tilespmem:v43+s10+$0x0], $0xffff;
	v46 =	vadd.s32 $0x32, v62;
	v47 =	vadd.s32 $0x72, v62;
	v12 =	vmul.f32 v45, v45  }
0x16d: {  	v39 =	vld.idx.msk [tilespmem:v60+s10+$0x0], $0xffff;
	v10 =	vsub.f32 v25, v27;
	v60 =	vadd.s32 $0x30, v61;
	v45 =	vadd.s32 $0x72, v61  }
0x16e: {  	v8 =	vld.idx.msk [tilespmem:v42+s10+$0x0], $0xffff;
	v42 =	vor.u32 $0x2, v21;
	vm15 =	vle.f32 v34, v44;
	v2 =	vmul.f32 v2, v2  }
0x16f: {  	v56 =	vld.idx.msk [tilespmem:v48+s10+$0x0], $0xffff;
	v57 =	vadd.f32 v1, v5;
	v40 =	vadd.f32 v3, v6;
	v4 =	vmul.f32 v4, v4  }
0x170: {  	v5 =	vsub.f32 v24, v18;
	v6 =	vld.idx.msk [tilespmem:v20+s10+$0x0], $0xffff;
	v10 =	vmul.f32 v10, v10;
	v20 =	vadd.s32 $0x70, v61  }
0x171: {  	v18 =	vld.idx.msk [tilespmem:v14+s10+$0x0], $0xffff;
	v2 =	vadd.f32 v2, v7;
	v7 =	vmul.f32 v23, v23;
	v1 =	vsub.f32 v26, v63  }
0x172: {  	v11 =	vld.idx.msk [tilespmem:v36+s10+$0x0], $0xffff;
	v5 =	vmul.f32 v5, v5;
	v9 =	vsub.f32 v24, v9;
	v23 =	vadd.s32 $0x31, v61  }
0x173: {  	v63 =	vld.idx.msk [tilespmem:v50+s10+$0x0], $0xffff;
	v36 =	vadd.s32 $0xB1, v61;
	vm4 =	vle.f32 v41, v57;
	v3 =	vsub.f32 v26, v39  }
0x174: {  	v49 =	vld.idx.msk [tilespmem:v46+s10+$0x0], $0xffff;
	v8 =	vsub.f32 v26, v8;
	v39 =	vadd.s32 $0x32, v61;
	v33 =	vadd.f32 v15, v2  }
0x175: {  	v52 =	vld.idx.msk [tilespmem:v47+s10+$0x0], $0xffff;
	v4 =	vadd.f32 v4, v7;
	v1 =	vmul.f32 v1, v1;
	v2 =	vmul.f32 v38, v38  }
0x176: {  	v35 =	vld.idx.msk [tilespmem:v60+s10+$0x0], $0xffff;
	v32 =	vmul.f32 v9, v9;
	v3 =	vmul.f32 v3, v3;
	v55 =	vsub.f32 v24, v6  }
0x177: {  	v7 =	vld.idx.msk [tilespmem:v59+s10+$0x0], $0xffff;
	v8 =	vmul.f32 v8, v8;
	v1 =	vadd.f32 v1, v12;
	v53 =	vadd.f32 v2, v4  }
0x178: {  	v2 =	vld.idx.msk [tilespmem:v54+s10+$0x0], $0xffff;
	v54 =	vadd.s32 $0xB2, v61;
	v3 =	vadd.f32 v3, v10;
	v58 =	vsub.f32 v25, v11  }
0x179: {  	v38 =	vld.idx.msk [tilespmem:v20+s10+$0x0], $0xffff;
	vm5 =	vle.f32 v40, v33;
	v11 =	vsub.f32 v25, v63;
	v27 =	vadd.f32 v5, v1  }
0x17a: {  	v4 =	vmul.f32 v55, v55;
	v47 =	vld.idx.msk [tilespmem:v23+s10+$0x0], $0xffff;
	v12 =	vsub.f32 v25, v49;
	v1 =	vsub.f32 v26, v52  }
0x17b: {  	v63 =	vld.idx.msk [tilespmem:v36+s10+$0x0], $0xffff;
	v23 =	vadd.s32 $0x33, v61;
	v5 =	vsub.f32 v24, v56;
	v60 =	vsub.f32 v25, v35  }
0x17c: {  	v20 =	vld.idx.msk [tilespmem:v39+s10+$0x0], $0xffff;
	v35 =	vadd.s32 $0xB3, v61;
	v39 =	vsub.f32 v24, v18;
	v6 =	vmul.f32 v58, v58  }
0x17d: {  	v56 =	vadd.f32 v4, v3;
	v55 =	vmul.f32 v11, v11;
	v12 =	vmul.f32 v12, v12  }
0x17e: {  	v59 =	vsub.f32 v24, v7;
	v1 =	vmul.f32 v1, v1;
	v5 =	vmul.f32 v5, v5  }
0x17f: {  	v17 =	vsub.f32 v26, v38;
	v7 =	vmul.f32 v60, v60;
	v2 =	vsub.f32 v26, v2  }
0x180: {  	v58 =	vld.idx.msk [tilespmem:v31+s10+$0x0], $0xffff;
	vm6 =	vle.f32 v53, v27;
	v6 =	vadd.f32 v8, v6;
	v1 =	vadd.f32 v1, v12  }
0x181: {  	v31 =	vld.idx.msk [tilespmem:v45+s10+$0x0], $0xffff;
	v3 =	vsub.f32 v25, v47;
	v8 =	vsub.f32 v24, v63;
	v2 =	vmul.f32 v2, v2  }
0x182: {  	v46 =	vadd.f32 v32, v6;
	v6 =	vmul.f32 v59, v59;
	v32 =	vadd.s32 $0x73, v61  }
0x183: {  	v4 =	vld.idx.msk [tilespmem:v54+s10+$0x0], $0xffff;
	v50 =	vadd.f32 v5, v1;
	v1 =	vadd.f32 v2, v55;
	v55 =	vshll.u32 v16, $0x2  }
0x184: {  	v9 =	vsub.f32 v25, v20;
	v13 =	vld.idx.msk [tilespmem:v35+s10+$0x0], $0xffff;
	v35 =	vor.u32 $0x3, v21;
	v43 =	vadd.s32 $0x30, v55  }
0x185: {  	v5 =	vsub.f32 v26, v58;
	v3 =	vmul.f32 v3, v3;
	v45 =	vadd.s32 $0x70, v55  }
0x186: {  	v11 =	vsub.f32 v26, v31;
	v47 =	vmul.f32 v8, v8;
	[tilespmem:$0x1FA10] =	vst v46;
	v46 =	vadd.s32 $0xB0, v55  }
0x187: {  	v10 =	vld.idx.msk [tilespmem:v23+s10+$0x0], $0xffff;
	v2 =	vmul.f32 v17, v17;
	v9 =	vmul.f32 v9, v9;
	v16 =	vadd.s32 $0x31, v55  }
0x188: {  	v5 =	vmul.f32 v5, v5;
	v4 =	vsub.f32 v24, v4;
	v48 =	vadd.s32 $0x71, v55;
	v12 =	vld.idx.msk [tilespmem:v32+s10+$0x0], $0xffff  }
0x189: {  	v11 =	vmul.f32 v11, v11;
	v49 =	vadd.s32 $0xB1, v55;
	v36 =	vadd.f32 v6, v1;
	v6 =	vld.idx.msk [tilespmem:v43+s10+$0x0], $0xffff  }
0x18a: {  	v14 =	vmovc v21;
	v18 =	vadd.s32 $0x32, v55;
	v21 =	vadd.s32 $0x72, v55;
	v2 =	vadd.f32 v2, v7;
	v7 =	vld.idx.msk [tilespmem:v45+s10+$0x0], $0xffff  }
0x18b: {  	v23 =	vadd.s32 $0xB2, v55;
	v31 =	vadd.s32 $0x33, v55;
	v1 =	vmul.f32 v39, v39;
	v54 =	vld.idx.msk [tilespmem:v46+s10+$0x0], $0xffff  }
0x18c: {  	v52 =	vsub.f32 v25, v10;
	v39 =	vadd.s32 $0x73, v55;
	v3 =	vadd.f32 v5, v3;
	v63 =	vld.idx.msk [tilespmem:v16+s10+$0x0], $0xffff  }
0x18d: {  	v9 =	vadd.f32 v11, v9;
	v4 =	vmul.f32 v4, v4;
	v60 =	vsub.f32 v24, v13;
	v20 =	vld.idx.msk [tilespmem:v48+s10+$0x0], $0xffff  }
0x18e: {  	v32 =	vor.u32 $0x1, v62;
	v1 =	vadd.f32 v1, v2;
	vm8 =	vle.f32 v50, v36;
	v11 =	vld.idx.msk [tilespmem:v49+s10+$0x0], $0xffff  }
0x18f: {  	v58 =	vadd.f32 v47, v3;
	v51 =	vadd.f32 v4, v9;
	v38 =	vmul.f32 v60, v60;
	v43 =	vld.idx.msk [tilespmem:v18+s10+$0x0], $0xffff  }
0x190: {  	[tilespmem:$0x1F9B0] =	vst v1;
	v1 =	vmul.f32 v52, v52;
	v16 =	vshll.u32 v19, $0x2;
	v46 =	vld.idx.msk [tilespmem:v21+s10+$0x0], $0xffff;
	v49 =	vadd.s32 $0xB3, v55  }
0x191: {  	v15 =	vld.idx.msk [tilespmem:v31+s10+$0x0], $0xffff;
	v52 =	vor.u32 $0x2, v62;
	v47 =	vadd.s32 $0x30, v16;
	v59 =	vsub.f32 v26, v12  }
0x192: {  	v48 =	vadd.s32 $0x70, v16;
	v6 =	vsub.f32 v25, v6;
	v7 =	vsub.f32 v26, v7  }
0x193: {  	v19 =	vadd.s32 $0xB0, v16;
	v2 =	vsub.f32 v24, v54;
	v5 =	vsub.f32 v25, v63  }
0x194: {  	v3 =	vmul.f32 v59, v59;
	v45 =	vsub.f32 v26, v20;
	v11 =	vsub.f32 v24, v11  }
0x195: {  	v31 =	vadd.s32 $0x31, v16;
	v20 =	vsub.f32 v25, v43;
	v21 =	vsub.f32 v26, v46  }
0x196: {  	v13 =	vld.idx.msk [tilespmem:v23+s10+$0x0], $0xffff;
	[tilespmem:$0x1F9C0] =	vst v51;
	v43 =	vadd.s32 $0x71, v16;
	v51 =	vsub.f32 v25, v15;
	v1 =	vadd.f32 v3, v1  }
0x197: {  	v23 =	vld.idx.msk [tilespmem:v47+s10+$0x0], $0xffff;
	v47 =	vor.u32 $0x3, v62;
	v6 =	vmul.f32 v6, v6;
	v7 =	vmul.f32 v7, v7  }
0x198: {  	v4 =	vld.idx.msk [tilespmem:v19+s10+$0x0], $0xffff;
	v19 =	vshll.u32 v22, $0x2;
	v5 =	vmul.f32 v5, v5;
	v9 =	vmul.f32 v45, v45  }
0x199: {  	v2 =	vmul.f32 v2, v2;
	v63 =	vmul.f32 v11, v11;
	v60 =	vadd.f32 v38, v1;
	v1 =	vld.idx.msk [tilespmem:v39+s10+$0x0], $0xffff  }
0x19a: {  	v45 =	vadd.s32 $0x30, v19;
	v39 =	vld.idx.msk [tilespmem:v48+s10+$0x0], $0xffff;
	v6 =	vadd.f32 v7, v6;
	v54 =	vadd.f32 v9, v5  }
0x19b: {  	v38 =	vsub.f32 v24, v13;
	v48 =	vld.idx.msk [tilespmem:v49+s10+$0x0], $0xffff;
	v49 =	vadd.s32 $0xB1, v16;
	v13 =	vmul.f32 v51, v51  }
0x19c: {  	v5 =	vmul.f32 v20, v20;
	v59 =	vadd.f32 v2, v6;
	v63 =	vadd.f32 v63, v54  }
0x19d: {  	v9 =	vld.idx.msk [tilespmem:v31+s10+$0x0], $0xffff;
	v6 =	vmul.f32 v21, v21;
	v2 =	vmul.f32 v38, v38;
	v54 =	vadd.s32 $0x32, v16  }
0x19e: {  	v10 =	vld.idx.msk [tilespmem:v43+s10+$0x0], $0xffff;
	v7 =	vsub.f32 v25, v23;
	v21 =	vadd.s32 $0x33, v16;
	v4 =	vsub.f32 v24, v4  }
0x19f: {  	v38 =	vadd.s32 $0x73, v16;
	v1 =	vsub.f32 v26, v1;
	v5 =	vadd.f32 v6, v5  }
0x1a0: {  	v20 =	vadd.s32 $0x72, v16;
	v3 =	vsub.f32 v26, v39;
	v23 =	vsub.f32 v24, v48  }
0x1a1: {  	v31 =	vld.idx.msk [tilespmem:v49+s10+$0x0], $0xffff;
	v7 =	vmul.f32 v7, v7;
	v39 =	vadd.s32 $0xB2, v16;
	v48 =	vadd.s32 $0xB3, v16  }
0x1a2: {  	v9 =	vsub.f32 v25, v9;
	v1 =	vmul.f32 v1, v1;
	v2 =	vadd.f32 v2, v5;
	v6 =	vld.idx.msk [tilespmem:v54+s10+$0x0], $0xffff  }
0x1a3: {  	v4 =	vmul.f32 v4, v4;
	v3 =	vmul.f32 v3, v3;
	v10 =	vsub.f32 v26, v10;
	v49 =	vld.idx.msk [tilespmem:v21+s10+$0x0], $0xffff  }
0x1a4: {  	v46 =	vadd.s32 $0x70, v19;
	v11 =	vld.idx.msk [tilespmem:v38+s10+$0x0], $0xffff;
	v9 =	vmul.f32 v9, v9;
	[tilespmem:$0x1FA70] =	vst v2;
	v1 =	vadd.f32 v1, v13  }
0x1a5: {  	v2 =	vmul.f32 v23, v23;
	v3 =	vadd.f32 v3, v7;
	v7 =	vld.idx.msk [tilespmem:v20+s10+$0x0], $0xffff;
	v10 =	vmul.f32 v10, v10  }
0x1a6: {  	v20 =	vadd.s32 $0xB0, v19;
	v23 =	vor.u32 $0x1, v61;
	v5 =	vsub.f32 v24, v31  }
0x1a7: {  	v38 =	vld.idx.msk [tilespmem:v48+s10+$0x0], $0xffff;
	v48 =	vadd.s32 $0xB1, v19;
	v43 =	vadd.f32 v2, v1;
	v51 =	vadd.f32 v4, v3  }
0x1a8: {  	v1 =	vld.idx.msk [tilespmem:v39+s10+$0x0], $0xffff;
	v2 =	vadd.s32 $0x31, v19;
	v54 =	vadd.f32 v10, v9;
	v39 =	vadd.s32 $0x71, v19  }
0x1a9: {  	v10 =	vld.idx.msk [tilespmem:v45+s10+$0x0], $0xffff;
	v31 =	vmul.f32 v5, v5;
	v6 =	vsub.f32 v25, v6;
	v49 =	vsub.f32 v25, v49  }
0x1aa: {  	[tilespmem:$0x1FA90] =	vst v51;
	v11 =	vsub.f32 v26, v11;
	v51 =	vld.idx.msk [tilespmem:v46+s10+$0x0], $0xffff;
	v46 =	vadd.s32 $0x33, v19;
	v7 =	vsub.f32 v26, v7  }
0x1ab: {  	v45 =	vadd.f32 v31, v54;
	v18 =	vld.idx.msk [tilespmem:v20+s10+$0x0], $0xffff;
	v31 =	vadd.s32 $0x32, v19;
	v54 =	vmul.f32 v6, v6  }
0x1ac: {  	v20 =	vmul.f32 v49, v49;
	v11 =	vmul.f32 v11, v11;
	v21 =	vsub.f32 v24, v38;
	v38 =	vld.idx.msk [tilespmem:v48+s10+$0x0], $0xffff  }
0x1ad: {  	v48 =	vadd.s32 $0x73, v19;
	v49 =	vadd.s32 $0xB2, v19;
	v17 =	vmul.f32 v7, v7;
	v22 =	vld.idx.msk [tilespmem:v39+s10+$0x0], $0xffff  }
0x1ae: {  	v1 =	vsub.f32 v24, v1;
	v2 =	vld.idx.msk [tilespmem:v2+s10+$0x0], $0xffff;
	v39 =	vadd.s32 $0x72, v19;
	v10 =	vsub.f32 v25, v10  }
0x1af: {  	v7 =	vadd.f32 v11, v20;
	v4 =	vmul.f32 v21, v21;
	v15 =	vsub.f32 v26, v51  }
0x1b0: {  	v20 =	vadd.s32 $0xB3, v19;
	v3 =	vadd.f32 v17, v54;
	v1 =	vmul.f32 v1, v1  }
0x1b1: {  	v10 =	vmul.f32 v10, v10;
	v6 =	vsub.f32 v24, v18;
	v51 =	vmul.f32 v15, v15  }
0x1b2: {  	v13 =	vld.idx.msk [tilespmem:v46+s10+$0x0], $0xffff;
	v11 =	vsub.f32 v24, v38;
	v5 =	vsub.f32 v26, v22;
	v22 =	vshll.u32 v0, $0x2  }
0x1b3: {  	v2 =	vsub.f32 v25, v2;
	v12 =	vld.idx.msk [tilespmem:v39+s10+$0x0], $0xffff;
	v6 =	vmul.f32 v6, v6;
	v54 =	vadd.s32 $0x30, v22  }
0x1b4: {  	v9 =	vld.idx.msk [tilespmem:v31+s10+$0x0], $0xffff;
	v38 =	vadd.s32 $0x70, v22;
	v0 =	vadd.f32 v51, v10;
	v46 =	vmul.f32 v11, v11  }
0x1b5: {  	v10 =	vld.idx.msk [tilespmem:v48+s10+$0x0], $0xffff;
	v39 =	vadd.s32 $0x31, v22;
	v2 =	vmul.f32 v2, v2;
	v5 =	vmul.f32 v5, v5  }
0x1b6: {  	v11 =	vld.idx.msk [tilespmem:v49+s10+$0x0], $0xffff;
	v49 =	vadd.f32 v1, v3;
	v3 =	vadd.s32 $0xB0, v22;
	v0 =	vadd.f32 v6, v0  }
0x1b7: {  	v31 =	vadd.f32 v4, v7;
	v18 =	vadd.s32 $0x71, v22;
	v1 =	vld.idx.msk [tilespmem:v20+s10+$0x0], $0xffff;
	v2 =	vadd.f32 v5, v2  }
0x1b8: {  	v48 =	vadd.s32 $0x72, v22;
	v21 =	vadd.s32 $0x73, v22;
	[tilespmem:$0x1FAD0] =	vst v0;
	v20 =	vsub.f32 v26, v12;
	v0 =	vld.idx.msk [tilespmem:v54+s10+$0x0], $0xffff  }
0x1b9: {  	v51 =	vadd.f32 v46, v2;
	v2 =	vadd.s32 $0xB1, v22;
	v54 =	vsub.f32 v25, v9;
	v6 =	vld.idx.msk [tilespmem:v38+s10+$0x0], $0xffff  }
0x1ba: {  	v46 =	vadd.s32 $0x32, v22;
	v38 =	vsub.f32 v25, v13;
	v10 =	vsub.f32 v26, v10;
	v39 =	vld.idx.msk [tilespmem:v39+s10+$0x0], $0xffff  }
0x1bb: {  	v3 =	vld.idx.msk [tilespmem:v3+s10+$0x0], $0xffff;
	v11 =	vsub.f32 v24, v11;
	v5 =	vmul.f32 v20, v20;
	v4 =	vmul.f32 v54, v54  }
0x1bc: {  	v1 =	vsub.f32 v24, v1;
	v9 =	vmul.f32 v38, v38;
	v10 =	vmul.f32 v10, v10  }
0x1bd: {  	[tilespmem:$0x1F9D0] =	vst v51;
	v51 =	vld.idx.msk [tilespmem:v18+s10+$0x0], $0xffff;
	v54 =	vadd.s32 $0x33, v22;
	v11 =	vmul.f32 v11, v11;
	v4 =	vadd.f32 v5, v4  }
0x1be: {  	v1 =	vmul.f32 v1, v1;
	v38 =	vld.idx.msk [tilespmem:v21+s10+$0x0], $0xffff;
	v9 =	vadd.f32 v10, v9;
	v0 =	vsub.f32 v25, v0  }
0x1bf: {  	v13 =	vld.idx.msk [tilespmem:v48+s10+$0x0], $0xffff;
	v5 =	vadd.s32 $0xB2, v22;
	v6 =	vsub.f32 v26, v6;
	v12 =	vsub.f32 v25, v39  }
0x1c0: {  	v7 =	vld.idx.msk [tilespmem:v46+s10+$0x0], $0xffff;
	v46 =	vadd.s32 $0xB3, v22;
	v3 =	vsub.f32 v24, v3;
	v39 =	vadd.f32 v11, v4  }
0x1c1: {  	v2 =	vld.idx.msk [tilespmem:v2+s10+$0x0], $0xffff;
	v21 =	vadd.f32 v1, v9;
	v11 =	vor.u32 $0x2, v61;
	v0 =	vmul.f32 v0, v0  }
0x1c2: {  	v15 =	vsub.f32 v26, v51;
	v17 =	vld.idx.msk [tilespmem:v54+s10+$0x0], $0xffff;
	v54 =	vmul.f32 v6, v6;
	v48 =	vmul.f32 v12, v12  }
0x1c3: {  	v12 =	vor.u32 $0x1, v55;
	v3 =	vmul.f32 v3, v3;
	v6 =	vsub.f32 v26, v38  }
0x1c4: {  	v38 =	vsel vm15, v28, v37;
	vm15 =	vle.f32 v59, v63;
	v51 =	vmul.f32 v15, v15;
	v5 =	vld.idx.msk [tilespmem:v5+s10+$0x0], $0xffff  }
0x1c5: {  	v0 =	vadd.f32 v54, v0;
	v15 =	vsub.f32 v26, v13;
	v6 =	vmul.f32 v6, v6;
	v54 =	vld.idx.msk [tilespmem:v46+s10+$0x0], $0xffff  }
0x1c6: {  	v8 =	vld [tilespmem:$0x1FB50];
	v13 =	vor.u32 $0x2, v55;
	v26 =	vmin.f32 v34, v44;
	v2 =	vsub.f32 v24, v2  }
0x1c7: {  	v46 =	vor.u32 $0x3, v61;
	v7 =	vsub.f32 v25, v7;
	v1 =	vadd.f32 v51, v48  }
0x1c8: {  	v9 =	vmul.f32 v15, v15;
	v18 =	vsub.f32 v25, v17;
	v17 =	vmin.f32 v41, v57  }
0x1c9: {  	v7 =	vmul.f32 v7, v7;
	v2 =	vmul.f32 v2, v2;
	vm9 =	vle.f32 v26, v17  }
0x1ca: {  	[tilespmem:$0x1F9E0] =	vst v33;
	v5 =	vsub.f32 v24, v5;
	v10 =	vmul.f32 v18, v18;
	v4 =	vsub.f32 v24, v54  }
0x1cb: {  	[tilespmem:$0x1F9F0] =	vst v27;
	v7 =	vadd.f32 v9, v7;
	v48 =	vadd.f32 v2, v1;
	v18 =	vsel vm4, v8, v30  }
0x1cc: {  	[tilespmem:$0x1FA00] =	vst v56;
	v24 =	vadd.f32 v3, v0;
	v20 =	vadd.f32 v6, v10;
	v25 =	vmul.f32 v4, v4  }
0x1cd: {  	[tilespmem:$0x1FA30] =	vst v36;
	v0 =	vmin.f32 v26, v17;
	v26 =	vmin.f32 v50, v36;
	v1 =	vsel vm9, v38, v18;
	v36 =	vld [tilespmem:$0x1F9B0]  }
0x1ce: {  	[tilespmem:$0x1FA20] =	vst v50;
	v50 =	vor.u32 $0x3, v55;
	v5 =	vmul.f32 v5, v5;
	v54 =	vadd.f32 v25, v20;
	v20 =	vld [tilespmem:$0x1FA10]  }
0x1cf: {  	[tilespmem:$0x1FA60] =	vst v63;
	v18 =	vmin.f32 v59, v63;
	v63 =	vor.u32 $0x1, v19;
	v6 =	vmin.f32 v53, v27  }
0x1d0: {  	[tilespmem:$0x1FA40] =	vst v58;
	v27 =	vsel vm8, v52, v47;
	v4 =	vmin.f32 v40, v33;
	v51 =	vadd.f32 v5, v7  }
0x1d1: {  	v33 =	vmovc v14;
	v5 =	vsel vm5, v14, v29;
	v7 =	vsel vm6, v42, v35;
	vm11 =	vle.f32 v4, v6  }
0x1d2: {  	v14 =	vmovc v42;
	v4 =	vmin.f32 v4, v6;
	v5 =	vsel vm11, v5, v7;
	vm10 =	vle.f32 v36, v58  }
0x1d3: {  	v38 =	vsel vm10, v61, v23;
	vm7 =	vle.f32 v56, v20;
	v9 =	vmin.f32 v56, v20;
	v56 =	vmovc v23;
	v23 =	vld [tilespmem:$0x1FA70]  }
0x1d4: {  	v42 =	vmovc v32;
	vm10 =	vle.f32 v39, v21;
	v25 =	vsel vm7, v62, v32;
	v32 =	vmin.f32 v36, v58;
	v58 =	vld [tilespmem:$0x1F9C0]  }
0x1d5: {  	vm13 =	vle.f32 v9, v26;
	v2 =	vmin.f32 v9, v26;
	vm7 =	vle.f32 v49, v31  }
0x1d6: {  	v3 =	vsel vm13, v25, v27;
	v25 =	vsel vm15, v55, v12;
	vm15 =	vle.f32 v0, v4  }
0x1d7: {  	v27 =	vld [tilespmem:$0x1FA90];
	vm13 =	vle.f32 v51, v54;
	v0 =	vmin.f32 v0, v4;
	v1 =	vsel vm15, v1, v5  }
0x1d8: {  	[tilespmem:$0x1FA80] =	vst v43;
	vm4 =	vle.f32 v23, v43;
	v10 =	vmin.f32 v23, v43;
	v43 =	vor.u32 $0x3, v16  }
0x1d9: {  	v20 =	vmovc v52;
	vm12 =	vle.f32 v58, v60;
	v52 =	vmin.f32 v58, v60;
	vm5 =	vle.f32 v18, v10  }
0x1da: {  	[tilespmem:$0x1FAA0] =	vst v45;
	v26 =	vsel vm4, v13, v50;
	v9 =	vmin.f32 v18, v10;
	v15 =	vsel vm12, v11, v46  }
0x1db: {  	[tilespmem:$0x1FAC0] =	vst v31;
	vm14 =	vle.f32 v32, v52;
	v6 =	vmin.f32 v32, v52;
	v10 =	vsel vm5, v25, v26  }
0x1dc: {  	v17 =	vmovc v47;
	v47 =	vmovc v11;
	vm6 =	vle.f32 v27, v45;
	v32 =	vor.u32 $0x1, v16;
	v11 =	vmin.f32 v27, v45  }
0x1dd: {  	[tilespmem:$0x1FAB0] =	vst v49;
	v23 =	vld [tilespmem:$0x1F9D0];
	v45 =	vmin.f32 v49, v31;
	v31 =	vor.u32 $0x2, v19;
	vm12 =	vle.f32 v24, v48  }
0x1de: {  	[tilespmem:$0x1FC20] =	vst v13;
	v52 =	vld [tilespmem:$0x1FAD0];
	v7 =	vsel vm14, v38, v15;
	v38 =	vor.u32 $0x2, v16;
	vm8 =	vle.f32 v11, v45  }
0x1df: {  	[tilespmem:$0x1FC40] =	vst v32;
	v13 =	vsel vm6, v16, v32;
	v11 =	vmin.f32 v11, v45;
	v32 =	vor.u32 $0x3, v19  }
0x1e0: {  	[tilespmem:$0x1FAE0] =	vst v39;
	v45 =	vmin.f32 v51, v54;
	vm4 =	vle.f32 v2, v6;
	v2 =	vmin.f32 v2, v6  }
0x1e1: {  	[tilespmem:$0x1FC50] =	vst v38;
	v49 =	vsel vm7, v38, v43;
	v38 =	vmin.f32 v39, v21;
	v39 =	vsel vm10, v31, v32  }
0x1e2: {  	[tilespmem:$0x1FA50] =	vst v59;
	v3 =	vsel vm4, v3, v7;
	vm5 =	vle.f32 v9, v11;
	vm7 =	vle.f32 v0, v2  }
0x1e3: {  	v59 =	vmovc v12;
	v0 =	vmin.f32 v0, v2;
	v12 =	vsel vm8, v13, v49;
	v13 =	vmin.f32 v52, v23  }
0x1e4: {  	vm9 =	vle.f32 v52, v23;
	v52 =	vor.u32 $0x1, v22;
	vm11 =	vle.f32 v13, v38  }
0x1e5: {  	[tilespmem:$0x1FC70] =	vst v63;
	v18 =	vsel vm9, v19, v63;
	v13 =	vmin.f32 v13, v38;
	v63 =	vor.u32 $0x2, v22  }
0x1e6: {  	[tilespmem:$0x1FC60] =	vst v43;
	v49 =	vsel vm12, v22, v52;
	v15 =	vsel vm11, v18, v39;
	v39 =	vmovc v24;
	v24 =	vor.u32 $0x3, v22  }
0x1e7: {  	[tilespmem:$0x1FC80] =	vst v31;
	v38 =	vmin.f32 v9, v11;
	v43 =	vmin.f32 v39, v48;
	v31 =	vsel vm13, v63, v24  }
0x1e8: {  	vm14 =	vle.f32 v43, v45;
	v18 =	vmin.f32 v43, v45;
	v43 =	vsel vm5, v10, v12  }
0x1e9: {  	[tilespmem:$0x1FC90] =	vst v32;
	v32 =	vsel vm14, v49, v31;
	vm6 =	vle.f32 v13, v18;
	v45 =	vmin.f32 v13, v18  }
0x1ea: {  	v49 =	vsel vm6, v15, v32;
	vm8 =	vle.f32 v38, v45;
	v9 =	vmin.f32 v38, v45  }
0x1eb: {  	v10 =	vsel vm7, v1, v3;
	vm9 =	vle.f32 v0, v9;
	v11 =	vsel vm8, v43, v49  }
0x1ec: {  	v13 =	vld [tilespmem:$0x1F9F0];
	v38 =	vsel vm9, v10, v11  }
0x1ed: {  	vm10 =	veq.s32 v38, v28;
	vm11 =	veq.s32 v38, v37;
	vm12 =	veq.s32 v38, v8  }
0x1ee: {  	vm2 =	veq.s32 v38, v30;
	vm14 =	veq.s32 v38, v33;
	vm15 =	veq.s32 v38, v29  }
0x1ef: {  	vm4 =	veq.s32 v38, v14;
	vm5 =	veq.s32 v38, v35;
	vm9 =	veq.s32 v38, v62  }
0x1f0: {  	v45 =	vld [tilespmem:$0x1F9E0];
	v15 =	vsel vm10, $0x7F800000, v34;
	v18 =	vsel vm11, $0x7F800000, v44;
	v26 =	vsel vm12, $0x7F800000, v41  }
0x1f1: {  	v43 =	vsel vm2, $0x7F800000, v57;
	v41 =	vmovc v33;
	v31 =	vsel vm14, $0x7F800000, v40;
	v33 =	vsel vm5, $0x7F800000, v13  }
0x1f2: {  	v2 =	vld [tilespmem:$0x1FA40];
	vm11 =	veq.s32 v38, v20;
	vm12 =	veq.s32 v38, v17;
	vm14 =	veq.s32 v38, v56  }
0x1f3: {  	[tilespmem:$0x1FB60] =	vst v30;
	v32 =	vmin.f32 v15, v18;
	v34 =	vmin.f32 v26, v43;
	vm6 =	vle.f32 v15, v18  }
0x1f4: {  	[tilespmem:$0x1FB90] =	vst v14;
	vm7 =	vle.f32 v26, v43;
	vm13 =	vle.f32 v32, v34;
	v49 =	vmin.f32 v32, v34  }
0x1f5: {  	[tilespmem:$0x1FBB0] =	vst v42;
	v12 =	vmovc v8;
	v57 =	vmovc v14;
	v44 =	vld [tilespmem:$0x1FA20];
	v32 =	vsel vm15, $0x7F800000, v45;
	v45 =	vsel vm4, $0x7F800000, v53;
	v14 =	vsel vm6, v28, v37  }
0x1f6: {  	v7 =	vsel vm7, v12, v30;
	v30 =	vmovc v42;
	vm4 =	veq.s32 v38, v42;
	v42 =	vld [tilespmem:$0x1FA10];
	vm3 =	vle.f32 v45, v33  }
0x1f7: {  	[tilespmem:$0x1FB40] =	vst v37;
	v9 =	vsel vm14, $0x7F800000, v2;
	v53 =	vmovc v28;
	vm10 =	vle.f32 v31, v32;
	v40 =	vsel vm3, v57, v35;
	v57 =	vld [tilespmem:$0x1FA30]  }
0x1f8: {  	vm15 =	veq.s32 v38, v47;
	v28 =	vsel vm13, v14, v7;
	v37 =	vsel vm10, v41, v29;
	v14 =	vmovc v41;
	v41 =	vld [tilespmem:$0x1FA00]  }
0x1f9: {  	v25 =	vmin.f32 v31, v32;
	v27 =	vmin.f32 v45, v33;
	vm13 =	veq.s32 v38, v61  }
0x1fa: {  	v10 =	vsel vm15, $0x7F800000, v58;
	vm8 =	vle.f32 v25, v27;
	v25 =	vmin.f32 v25, v27  }
0x1fb: {  	v36 =	vsel vm13, $0x7F800000, v36;
	vm10 =	veq.s32 v38, v59;
	v37 =	vsel vm8, v37, v40  }
0x1fc: {  	[tilespmem:$0x1FBA0] =	vst v35;
	v34 =	vsel vm11, $0x7F800000, v44;
	v40 =	vld [tilespmem:$0x1FA60];
	v42 =	vsel vm4, $0x7F800000, v42;
	vm4 =	veq.s32 v38, v46  }
0x1fd: {  	[tilespmem:$0x1FBE0] =	vst v56;
	v3 =	vmovc v56;
	v44 =	vld [tilespmem:$0x1FC20];
	v56 =	vsel vm4, $0x7F800000, v60;
	v35 =	vsel vm12, $0x7F800000, v57;
	v41 =	vsel vm9, $0x7F800000, v41  }
0x1fe: {  	[tilespmem:$0x1FB80] =	vst v29;
	v29 =	vld [tilespmem:$0x1FA50];
	v6 =	vmin.f32 v34, v35;
	vm5 =	vle.f32 v41, v42;
	v5 =	vmin.f32 v41, v42  }
0x1ff: {  	vm7 =	vle.f32 v5, v6;
	v7 =	vsel vm5, v62, v30;
	v30 =	vmin.f32 v5, v6;
	v5 =	vld [tilespmem:$0x1FA70]  }
0x200: {  	vm13 =	vle.f32 v36, v9;
	vm12 =	veq.s32 v38, v50;
	vm14 =	vle.f32 v10, v56;
	v6 =	vld [tilespmem:$0x1FA80]  }
0x201: {  	[tilespmem:$0x1FC00] =	vst v46;
	vm6 =	vle.f32 v34, v35;
	vm9 =	veq.s32 v38, v55;
	v12 =	vsel vm10, $0x7F800000, v40  }
0x202: {  	[tilespmem:$0x1FBD0] =	vst v17;
	v1 =	vld [tilespmem:$0x1FC60];
	vm11 =	veq.s32 v38, v44;
	v8 =	vsel vm6, v20, v17;
	v17 =	vmin.f32 v36, v9  }
0x203: {  	[tilespmem:$0x1FBC0] =	vst v20;
	v20 =	vmin.f32 v10, v56;
	v27 =	vsel vm7, v7, v8;
	v8 =	vsel vm14, v47, v46;
	v46 =	vld [tilespmem:$0x1FAA0]  }
0x204: {  	[tilespmem:$0x1FBF0] =	vst v47;
	v11 =	vsel vm9, $0x7F800000, v29;
	vm8 =	vle.f32 v17, v20;
	v7 =	vsel vm13, v61, v3;
	v3 =	vld [tilespmem:$0x1FC50]  }
0x205: {  	[tilespmem:$0x1FAF0] =	vst v28;
	v28 =	vmin.f32 v17, v20;
	v47 =	vld [tilespmem:$0x1FAB0];
	v57 =	vsel vm11, $0x7F800000, v5;
	v60 =	vsel vm12, $0x7F800000, v6  }
0x206: {  	v17 =	vmin.f32 v11, v12;
	v29 =	vsel vm8, v7, v8;
	v5 =	vld [tilespmem:$0x1FAD0];
	v0 =	vmin.f32 v57, v60  }
0x207: {  	vm10 =	vle.f32 v57, v60;
	vm15 =	vle.f32 v17, v0;
	v7 =	vmin.f32 v17, v0;
	v0 =	vld [tilespmem:$0x1FC40]  }
0x208: {  	vm9 =	vle.f32 v11, v12;
	v40 =	vsel vm10, v44, v50;
	v44 =	vld [tilespmem:$0x1FA90]  }
0x209: {  	v20 =	vsel vm9, v55, v59;
	v17 =	vld [tilespmem:$0x1FC80]  }
0x20a: {  	v8 =	vsel vm15, v20, v40;
	v20 =	vld [tilespmem:$0x1FC70]  }
0x20b: {  	v4 =	vld [tilespmem:$0x1FAC0];
	vm13 =	veq.s32 v38, v1  }
0x20c: {  	vm14 =	veq.s32 v38, v19;
	vm8 =	veq.s32 v38, v16;
	v6 =	vld [tilespmem:$0x1FAE0];
	vm12 =	veq.s32 v38, v3  }
0x20d: {  	v40 =	vsel vm14, $0x7F800000, v5;
	vm14 =	veq.s32 v38, v63;
	vm11 =	veq.s32 v38, v0  }
0x20e: {  	v5 =	vld [tilespmem:$0x1FC90];
	v58 =	vsel vm8, $0x7F800000, v44;
	v44 =	vsel vm12, $0x7F800000, v47;
	vm4 =	veq.s32 v38, v17  }
0x20f: {  	[tilespmem:$0x1FC10] =	vst v59;
	vm12 =	veq.s32 v38, v22;
	v59 =	vsel vm11, $0x7F800000, v46;
	vm15 =	veq.s32 v38, v20  }
0x210: {  	v46 =	vsel vm13, $0x7F800000, v4;
	vm13 =	veq.s32 v38, v52;
	v47 =	vsel vm15, $0x7F800000, v23  }
0x211: {  	v23 =	vsel vm4, $0x7F800000, v6;
	vm6 =	vle.f32 v58, v59;
	v13 =	vmin.f32 v58, v59  }
0x212: {  	v2 =	vmin.f32 v44, v46;
	vm7 =	vle.f32 v44, v46;
	vm15 =	veq.s32 v38, v24  }
0x213: {  	vm5 =	veq.s32 v38, v5;
	vm8 =	vle.f32 v13, v2;
	v4 =	vsel vm6, v16, v0  }
0x214: {  	v3 =	vsel vm7, v3, v1;
	v1 =	vmin.f32 v40, v47;
	v2 =	vmin.f32 v13, v2  }
0x215: {  	vm10 =	vle.f32 v40, v47;
	vm6 =	vle.f32 v49, v25;
	vm7 =	vle.f32 v30, v28  }
0x216: {  	v28 =	vmin.f32 v30, v28;
	v21 =	vsel vm5, $0x7F800000, v21;
	v6 =	vsel vm8, v4, v3  }
0x217: {  	v13 =	vsel vm10, v19, v20;
	v0 =	vmin.f32 v23, v21;
	vm11 =	vle.f32 v23, v21  }
0x218: {  	v27 =	vsel vm7, v27, v29;
	vm9 =	vle.f32 v1, v0;
	v20 =	vsel vm11, v17, v5  }
0x219: {  	v3 =	vmin.f32 v1, v0;
	v17 =	vsel vm12, $0x7F800000, v39;
	v5 =	vsel vm9, v13, v20  }
0x21a: {  	[tilespmem:$0x1FCA0] =	vst v24;
	v13 =	vsel vm13, $0x7F800000, v48;
	v20 =	vsel vm14, $0x7F800000, v51;
	v0 =	vmovc v24;
	v24 =	vsel vm15, $0x7F800000, v54  }
0x21b: {  	vm8 =	vle.f32 v7, v2;
	v48 =	vmin.f32 v17, v13;
	v51 =	vmin.f32 v20, v24  }
0x21c: {  	vm5 =	vle.f32 v48, v51;
	v4 =	vmin.f32 v48, v51;
	v48 =	vmin.f32 v49, v25;
	v49 =	vld [tilespmem:$0x1FAF0]  }
0x21d: {  	v2 =	vmin.f32 v7, v2;
	vm4 =	vle.f32 v17, v13;
	vm1 =	vle.f32 v20, v24  }
0x21e: {  	v6 =	vsel vm8, v8, v6;
	v54 =	vsel vm4, v22, v52;
	v0 =	vsel vm1, v63, v0  }
0x21f: {  	v0 =	vsel vm5, v54, v0;
	vm9 =	vle.f32 v3, v4;
	v3 =	vmin.f32 v3, v4;
	v54 =	vld [tilespmem:$0x1FB40]  }
0x220: {  	vm10 =	vle.f32 v48, v28;
	v1 =	vmin.f32 v48, v28;
	v48 =	vld [tilespmem:$0x1FB90];
	v0 =	vsel vm9, v5, v0  }
0x221: {  	vm11 =	vle.f32 v2, v3;
	v2 =	vmin.f32 v2, v3;
	v25 =	vsel vm6, v49, v37  }
0x222: {  	vm12 =	vle.f32 v1, v2;
	v0 =	vsel vm11, v6, v0;
	v37 =	vld [tilespmem:$0x1FB80];
	v51 =	vsel vm10, v25, v27  }
0x223: {  	v49 =	vld [tilespmem:$0x1FBA0];
	v39 =	vsel vm12, v51, v0  }
0x224: {  	vm13 =	veq.s32 v39, v53  }
0x225: {  	v51 =	vld [tilespmem:$0x1FB50];
	vm14 =	veq.s32 v39, v54;
	vm5 =	veq.s32 v39, v14;
	vm7 =	veq.s32 v39, v48  }
0x226: {  	vm12 =	veq.s32 v39, v62;
	v25 =	vsel vm13, $0x7F800000, v15;
	v1 =	vsel vm14, $0x7F800000, v18  }
0x227: {  	v3 =	vsel vm5, $0x7F800000, v31;
	v45 =	vsel vm7, $0x7F800000, v45;
	v41 =	vsel vm12, $0x7F800000, v41  }
0x228: {  	v0 =	vld [tilespmem:$0x1FBB0];
	v29 =	vmin.f32 v25, v1;
	vm6 =	veq.s32 v39, v37;
	vm8 =	veq.s32 v39, v49  }
0x229: {  	v15 =	vld [tilespmem:$0x1FB60];
	vm9 =	vle.f32 v25, v1;
	v4 =	vsel vm6, $0x7F800000, v32;
	v5 =	vsel vm8, $0x7F800000, v33  }
0x22a: {  	v6 =	vsel vm9, v53, v54;
	vm8 =	veq.s32 v39, v61;
	vm15 =	veq.s32 v39, v51  }
0x22b: {  	v31 =	vmin.f32 v3, v4;
	v32 =	vmin.f32 v45, v5;
	vm13 =	vle.f32 v3, v4  }
0x22c: {  	vm14 =	vle.f32 v45, v5;
	v8 =	vsel vm8, $0x7F800000, v36;
	v2 =	vsel vm15, $0x7F800000, v26  }
0x22d: {  	vm11 =	vle.f32 v31, v32;
	v33 =	vsel vm13, v14, v37;
	v37 =	vsel vm14, v48, v49;
	v48 =	vld [tilespmem:$0x1FBC0]  }
0x22e: {  	v26 =	vmin.f32 v31, v32;
	vm15 =	veq.s32 v39, v0;
	v49 =	vld [tilespmem:$0x1FBD0];
	vm2 =	veq.s32 v39, v15  }
0x22f: {  	v27 =	vsel vm11, v33, v37;
	v42 =	vsel vm15, $0x7F800000, v42;
	v33 =	vld [tilespmem:$0x1FBE0];
	v43 =	vsel vm2, $0x7F800000, v43  }
0x230: {  	vm12 =	vle.f32 v41, v42;
	v30 =	vmin.f32 v2, v43;
	vm10 =	vle.f32 v2, v43  }
0x231: {  	v37 =	vsel vm12, v62, v0;
	vm4 =	vle.f32 v29, v30;
	v18 =	vmin.f32 v29, v30  }
0x232: {  	v0 =	vld [tilespmem:$0x1FC20];
	v30 =	vsel vm10, v51, v15;
	v51 =	vmin.f32 v41, v42;
	vm6 =	veq.s32 v39, v48  }
0x233: {  	v54 =	vmovc v53;
	v53 =	vsel vm4, v6, v30;
	vm7 =	veq.s32 v39, v49;
	v6 =	vsel vm6, $0x7F800000, v34;
	v34 =	vld [tilespmem:$0x1FBF0]  }
0x234: {  	vm4 =	veq.s32 v39, v55;
	v7 =	vsel vm7, $0x7F800000, v35;
	vm9 =	veq.s32 v39, v33;
	v35 =	vld [tilespmem:$0x1FC00]  }
0x235: {  	v11 =	vsel vm4, $0x7F800000, v11;
	vm7 =	veq.s32 v39, v50;
	v9 =	vsel vm9, $0x7F800000, v9  }
0x236: {  	v36 =	vmin.f32 v6, v7;
	vm13 =	vle.f32 v6, v7;
	v60 =	vsel vm7, $0x7F800000, v60  }
0x237: {  	vm14 =	vle.f32 v51, v36;
	v30 =	vsel vm13, v48, v49;
	v28 =	vmin.f32 v51, v36;
	v36 =	vld [tilespmem:$0x1FC10]  }
0x238: {  	v48 =	vmin.f32 v8, v9;
	vm6 =	veq.s32 v39, v0;
	vm8 =	vle.f32 v8, v9  }
0x239: {  	v29 =	vsel vm14, v37, v30;
	vm10 =	veq.s32 v39, v34;
	vm11 =	veq.s32 v39, v35  }
0x23a: {  	v57 =	vsel vm6, $0x7F800000, v57;
	v10 =	vsel vm10, $0x7F800000, v10;
	v56 =	vsel vm11, $0x7F800000, v56  }
0x23b: {  	v51 =	vsel vm8, v61, v33;
	vm13 =	vle.f32 v57, v60;
	v49 =	vmin.f32 v10, v56  }
0x23c: {  	vm5 =	veq.s32 v39, v36;
	vm9 =	vle.f32 v10, v56;
	vm15 =	vle.f32 v48, v49  }
0x23d: {  	v30 =	vmin.f32 v48, v49;
	v12 =	vsel vm5, $0x7F800000, v12;
	v37 =	vsel vm9, v34, v35  }
0x23e: {  	v49 =	vmin.f32 v57, v60;
	v48 =	vmin.f32 v11, v12;
	v31 =	vsel vm15, v51, v37;
	v37 =	vld [tilespmem:$0x1FC50]  }
0x23f: {  	vm12 =	vle.f32 v11, v12;
	vm10 =	vle.f32 v48, v49;
	v32 =	vmin.f32 v48, v49;
	v49 =	vld [tilespmem:$0x1FC40]  }
0x240: {  	[tilespmem:$0x1FC30] =	vst v50;
	v51 =	vsel vm12, v55, v36;
	v36 =	vsel vm13, v0, v50;
	v50 =	vld [tilespmem:$0x1FC60]  }
0x241: {  	v0 =	vld [tilespmem:$0x1FC70]  }
0x242: {  	v48 =	vld [tilespmem:$0x1FC80]  }
0x243: {  	vm11 =	veq.s32 v39, v16;
	v33 =	vsel vm10, v51, v36;
	v51 =	vld [tilespmem:$0x1FC90]  }
0x244: {  	v58 =	vsel vm11, $0x7F800000, v58;
	vm5 =	veq.s32 v39, v19  }
0x245: {  	v15 =	vsel vm5, $0x7F800000, v40;
	vm15 =	veq.s32 v39, v37;
	vm14 =	veq.s32 v39, v49  }
0x246: {  	vm4 =	veq.s32 v39, v50;
	v44 =	vsel vm15, $0x7F800000, v44;
	vm6 =	veq.s32 v39, v0  }
0x247: {  	vm7 =	veq.s32 v39, v48;
	v59 =	vsel vm14, $0x7F800000, v59;
	v46 =	vsel vm4, $0x7F800000, v46  }
0x248: {  	vm8 =	veq.s32 v39, v51;
	v47 =	vsel vm6, $0x7F800000, v47;
	v23 =	vsel vm7, $0x7F800000, v23  }
0x249: {  	v21 =	vsel vm8, $0x7F800000, v21;
	vm9 =	vle.f32 v58, v59;
	v34 =	vmin.f32 v58, v59  }
0x24a: {  	v35 =	vmin.f32 v44, v46;
	vm10 =	vle.f32 v44, v46;
	vm13 =	vle.f32 v15, v47  }
0x24b: {  	vm11 =	vle.f32 v34, v35;
	v36 =	vsel vm9, v16, v49;
	v40 =	vsel vm10, v37, v50  }
0x24c: {  	v49 =	vmin.f32 v15, v47;
	v37 =	vmin.f32 v23, v21;
	v34 =	vmin.f32 v34, v35  }
0x24d: {  	vm14 =	vle.f32 v23, v21;
	v0 =	vsel vm13, v19, v0;
	v35 =	vsel vm11, v36, v40  }
0x24e: {  	vm12 =	vle.f32 v49, v37;
	v36 =	vmin.f32 v49, v37;
	v37 =	vsel vm14, v48, v51  }
0x24f: {  	v40 =	vsel vm12, v0, v37;
	v0 =	vld [tilespmem:$0x1FCA0];
	_ =	sdelay $0x1  }
0x250: {  	vm5 =	veq.s32 v39, v63;
	vm15 =	veq.s32 v39, v22;
	vm4 =	veq.s32 v39, v52  }
0x251: {  	v20 =	vsel vm5, $0x7F800000, v20;
	v17 =	vsel vm15, $0x7F800000, v17;
	v13 =	vsel vm4, $0x7F800000, v13  }
0x252: {  	vm7 =	vle.f32 v17, v13;
	vm9 =	vle.f32 v18, v26;
	v18 =	vmin.f32 v18, v26  }
0x253: {  	vm10 =	vle.f32 v28, v30;
	v49 =	vmin.f32 v17, v13;
	vm6 =	veq.s32 v39, v0  }
0x254: {  	[tilespmem:$0x1FB00] =	vst v52;
	v52 =	vsel vm7, v22, v52;
	vm11 =	vle.f32 v32, v34;
	v24 =	vsel vm6, $0x7F800000, v24  }
0x255: {  	v48 =	vsel vm11, v33, v35;
	vm1 =	vle.f32 v20, v24;
	v50 =	vmin.f32 v20, v24  }
0x256: {  	vm8 =	vle.f32 v49, v50;
	v37 =	vsel vm1, v63, v0;
	v49 =	vmin.f32 v49, v50  }
0x257: {  	[tilespmem:$0x1FB10] =	vst v63;
	v33 =	vld [tilespmem:$0x1FB60];
	v63 =	vsel vm10, v29, v31;
	v0 =	vsel vm8, v52, v37;
	v52 =	vsel vm9, v53, v27  }
0x258: {  	v53 =	vmin.f32 v28, v30;
	vm12 =	vle.f32 v36, v49;
	v49 =	vmin.f32 v36, v49;
	v36 =	vld [tilespmem:$0x1FB80]  }
0x259: {  	v37 =	vmin.f32 v32, v34;
	vm13 =	vle.f32 v18, v53;
	v18 =	vmin.f32 v18, v53;
	v53 =	vld [tilespmem:$0x1FB40]  }
0x25a: {  	v0 =	vsel vm12, v40, v0;
	vm14 =	vle.f32 v37, v49;
	v50 =	vmin.f32 v37, v49;
	v49 =	vld [tilespmem:$0x1FBA0]  }
0x25b: {  	vm15 =	vle.f32 v18, v50;
	v52 =	vsel vm13, v52, v63;
	v0 =	vsel vm14, v48, v0;
	v63 =	vld [tilespmem:$0x1FB50]  }
0x25c: {  	v48 =	vld [tilespmem:$0x1FB90];
	v40 =	vsel vm15, v52, v0  }
0x25d: {  	vm4 =	veq.s32 v40, v54;
	vm2 =	veq.s32 v40, v33;
	vm8 =	veq.s32 v40, v14  }
0x25e: {  	vm15 =	veq.s32 v40, v62;
	v37 =	vsel vm4, $0x7F800000, v25;
	v43 =	vsel vm2, $0x7F800000, v43  }
0x25f: {  	vm9 =	veq.s32 v40, v36;
	v3 =	vsel vm8, $0x7F800000, v3;
	v18 =	vsel vm15, $0x7F800000, v41  }
0x260: {  	vm5 =	veq.s32 v40, v53;
	v4 =	vsel vm9, $0x7F800000, v4;
	vm11 =	veq.s32 v40, v49  }
0x261: {  	vm6 =	veq.s32 v40, v63;
	v1 =	vsel vm5, $0x7F800000, v1;
	vm10 =	veq.s32 v40, v48  }
0x262: {  	v5 =	vsel vm11, $0x7F800000, v5;
	v52 =	vmin.f32 v3, v4;
	vm8 =	vle.f32 v3, v4  }
0x263: {  	v2 =	vsel vm6, $0x7F800000, v2;
	v34 =	vmin.f32 v37, v1;
	v45 =	vsel vm10, $0x7F800000, v45  }
0x264: {  	v41 =	vld [tilespmem:$0x1FBD0];
	vm12 =	vle.f32 v37, v1;
	v35 =	vmin.f32 v2, v43;
	vm13 =	vle.f32 v2, v43  }
0x265: {  	v50 =	vsel vm12, v54, v53;
	v53 =	vmin.f32 v45, v5;
	v26 =	vsel vm13, v63, v33;
	v63 =	vld [tilespmem:$0x1FBB0]  }
0x266: {  	vm9 =	vle.f32 v45, v5;
	vm7 =	vle.f32 v34, v35;
	v25 =	vmin.f32 v34, v35;
	v33 =	vld [tilespmem:$0x1FBC0]  }
0x267: {  	vm14 =	vle.f32 v52, v53;
	v35 =	vsel vm8, v14, v36;
	v36 =	vsel vm9, v48, v49;
	v48 =	vld [tilespmem:$0x1FC00]  }
0x268: {  	v28 =	vsel vm14, v35, v36;
	v35 =	vld [tilespmem:$0x1FBE0]  }
0x269: {  	v36 =	vld [tilespmem:$0x1FBF0]  }
0x26a: {  	v27 =	vmin.f32 v52, v53  }
0x26b: {  	vm12 =	veq.s32 v40, v41;
	vm13 =	veq.s32 v40, v61;
	v26 =	vsel vm7, v50, v26  }
0x26c: {  	v7 =	vsel vm12, $0x7F800000, v7;
	v8 =	vsel vm13, $0x7F800000, v8;
	vm11 =	veq.s32 v40, v33  }
0x26d: {  	v50 =	vld [tilespmem:$0x1FC30];
	vm10 =	veq.s32 v40, v63;
	vm4 =	veq.s32 v40, v48;
	v6 =	vsel vm11, $0x7F800000, v6  }
0x26e: {  	vm14 =	veq.s32 v40, v35;
	vm15 =	veq.s32 v40, v36;
	v56 =	vsel vm4, $0x7F800000, v56  }
0x26f: {  	v9 =	vsel vm14, $0x7F800000, v9;
	v10 =	vsel vm15, $0x7F800000, v10;
	vm6 =	vle.f32 v6, v7  }
0x270: {  	v32 =	vsel vm6, v33, v41;
	v0 =	vmin.f32 v8, v9;
	v41 =	vmin.f32 v10, v56  }
0x271: {  	v42 =	vsel vm10, $0x7F800000, v42;
	vm8 =	vle.f32 v0, v41;
	v31 =	vmin.f32 v0, v41;
	v41 =	vld [tilespmem:$0x1FC20]  }
0x272: {  	vm9 =	veq.s32 v40, v55;
	vm12 =	veq.s32 v40, v50;
	vm5 =	vle.f32 v18, v42;
	v0 =	vld [tilespmem:$0x1FC10]  }
0x273: {  	v52 =	vmin.f32 v18, v42;
	v53 =	vmin.f32 v6, v7;
	v60 =	vsel vm12, $0x7F800000, v60  }
0x274: {  	vm7 =	vle.f32 v52, v53;
	v63 =	vsel vm5, v62, v63;
	v29 =	vmin.f32 v52, v53  }
0x275: {  	vm13 =	vle.f32 v8, v9;
	vm14 =	vle.f32 v10, v56;
	v30 =	vsel vm7, v63, v32  }
0x276: {  	v49 =	vsel vm13, v61, v35;
	v52 =	vsel vm14, v36, v48;
	vm11 =	veq.s32 v40, v41  }
0x277: {  	v32 =	vsel vm8, v49, v52;
	v49 =	vld [tilespmem:$0x1FC40];
	vm10 =	veq.s32 v40, v0;
	v57 =	vsel vm11, $0x7F800000, v57  }
0x278: {  	v11 =	vsel vm9, $0x7F800000, v11;
	v12 =	vsel vm10, $0x7F800000, v12;
	vm10 =	vle.f32 v57, v60  }
0x279: {  	v53 =	vmin.f32 v11, v12;
	v63 =	vmin.f32 v57, v60;
	v48 =	vsel vm10, v41, v50;
	v50 =	vld [tilespmem:$0x1FC60]  }
0x27a: {  	vm9 =	vle.f32 v11, v12;
	vm15 =	vle.f32 v53, v63;
	v33 =	vmin.f32 v53, v63;
	v63 =	vld [tilespmem:$0x1FC70]  }
0x27b: {  	v36 =	vsel vm9, v55, v0;
	v53 =	vld [tilespmem:$0x1FC80]  }
0x27c: {  	vm8 =	veq.s32 v40, v16;
	vm11 =	veq.s32 v40, v49;
	v34 =	vsel vm15, v36, v48;
	v48 =	vld [tilespmem:$0x1FC50]  }
0x27d: {  	vm5 =	veq.s32 v40, v51;
	v58 =	vsel vm8, $0x7F800000, v58;
	v59 =	vsel vm11, $0x7F800000, v59  }
0x27e: {  	vm14 =	veq.s32 v40, v19;
	v21 =	vsel vm5, $0x7F800000, v21;
	vm6 =	vle.f32 v58, v59  }
0x27f: {  	v15 =	vsel vm14, $0x7F800000, v15;
	v35 =	vmin.f32 v58, v59;
	v41 =	vsel vm6, v16, v49  }
0x280: {  	vm13 =	veq.s32 v40, v50;
	vm15 =	veq.s32 v40, v63;
	vm4 =	veq.s32 v40, v53  }
0x281: {  	vm12 =	veq.s32 v40, v48;
	v46 =	vsel vm13, $0x7F800000, v46;
	v47 =	vsel vm15, $0x7F800000, v47  }
0x282: {  	v23 =	vsel vm4, $0x7F800000, v23;
	v44 =	vsel vm12, $0x7F800000, v44;
	v0 =	vmin.f32 v15, v47  }
0x283: {  	vm10 =	vle.f32 v15, v47;
	v36 =	vmin.f32 v44, v46;
	vm7 =	vle.f32 v44, v46  }
0x284: {  	vm11 =	vle.f32 v23, v21;
	vm8 =	vle.f32 v35, v36;
	v49 =	vsel vm7, v48, v50  }
0x285: {  	v48 =	vmin.f32 v23, v21;
	v35 =	vmin.f32 v35, v36;
	v36 =	vsel vm8, v41, v49  }
0x286: {  	vm9 =	vle.f32 v0, v48;
	v41 =	vmin.f32 v0, v48;
	v0 =	vsel vm11, v53, v51;
	v51 =	vld [tilespmem:$0x1FB00]  }
0x287: {  	v52 =	vsel vm10, v19, v63;
	v48 =	vld [tilespmem:$0x1FB10]  }
0x288: {  	v49 =	vsel vm9, v52, v0;
	v0 =	vld [tilespmem:$0x1FCA0];
	_ =	sdelay $0x1  }
0x289: {  	vm6 =	vle.f32 v25, v27;
	v25 =	vmin.f32 v25, v27;
	vm12 =	veq.s32 v40, v22  }
0x28a: {  	v26 =	vsel vm6, v26, v28;
	v17 =	vsel vm12, $0x7F800000, v17;
	vm7 =	vle.f32 v29, v31  }
0x28b: {  	vm8 =	vle.f32 v33, v35;
	vm13 =	veq.s32 v40, v51;
	vm14 =	veq.s32 v40, v48  }
0x28c: {  	v13 =	vsel vm13, $0x7F800000, v13;
	vm15 =	veq.s32 v40, v0;
	v20 =	vsel vm14, $0x7F800000, v20  }
0x28d: {  	v24 =	vsel vm15, $0x7F800000, v24;
	vm4 =	vle.f32 v17, v13;
	v50 =	vmin.f32 v17, v13  }
0x28e: {  	vm1 =	vle.f32 v20, v24;
	v52 =	vmin.f32 v20, v24;
	v53 =	vsel vm4, v22, v51  }
0x28f: {  	v51 =	vsel vm7, v30, v32;
	vm5 =	vle.f32 v50, v52;
	v0 =	vsel vm1, v48, v0  }
0x290: {  	v50 =	vmin.f32 v50, v52;
	v48 =	vmin.f32 v29, v31;
	v52 =	vmin.f32 v33, v35  }
0x291: {  	v0 =	vsel vm5, v53, v0;
	v53 =	vsel vm8, v34, v36;
	vm9 =	vle.f32 v41, v50  }
0x292: {  	v28 =	vld [tilespmem:$0x1FB40];
	v33 =	vmin.f32 v41, v50;
	vm10 =	vle.f32 v25, v48;
	v25 =	vmin.f32 v25, v48  }
0x293: {  	v36 =	vld [tilespmem:$0x1FB50];
	v0 =	vsel vm9, v49, v0;
	vm11 =	vle.f32 v52, v33;
	v34 =	vmin.f32 v52, v33  }
0x294: {  	v35 =	vsel vm10, v26, v51;
	v51 =	vld [tilespmem:$0x1FB80];
	vm12 =	vle.f32 v25, v34;
	v0 =	vsel vm11, v53, v0  }
0x295: {  	v52 =	vld [tilespmem:$0x1FB90];
	v41 =	vsel vm12, v35, v0  }
0x296: {  	v53 =	vld [tilespmem:$0x1FBA0];
	vm13 =	veq.s32 v41, v54  }
0x297: {  	v0 =	vld [tilespmem:$0x1FBB0];
	vm14 =	veq.s32 v41, v28;
	vm5 =	veq.s32 v41, v14;
	v48 =	vsel vm13, $0x7F800000, v37  }
0x298: {  	vm15 =	veq.s32 v41, v36;
	v37 =	vld [tilespmem:$0x1FB60];
	v1 =	vsel vm14, $0x7F800000, v1;
	v3 =	vsel vm5, $0x7F800000, v3  }
0x299: {  	v2 =	vsel vm15, $0x7F800000, v2;
	v49 =	vmin.f32 v48, v1;
	vm6 =	veq.s32 v41, v51  }
0x29a: {  	vm7 =	veq.s32 v41, v52;
	vm9 =	vle.f32 v48, v1;
	v4 =	vsel vm6, $0x7F800000, v4  }
0x29b: {  	v45 =	vsel vm7, $0x7F800000, v45;
	vm8 =	veq.s32 v41, v53;
	v33 =	vsel vm9, v54, v28  }
0x29c: {  	v5 =	vsel vm8, $0x7F800000, v5;
	v34 =	vmin.f32 v3, v4;
	vm13 =	vle.f32 v3, v4  }
0x29d: {  	vm15 =	veq.s32 v41, v0;
	v35 =	vmin.f32 v45, v5;
	vm2 =	veq.s32 v41, v37  }
0x29e: {  	vm14 =	vle.f32 v45, v5;
	v25 =	vsel vm15, $0x7F800000, v42;
	v43 =	vsel vm2, $0x7F800000, v43  }
0x29f: {  	v42 =	vld [tilespmem:$0x1FBD0];
	vm11 =	vle.f32 v34, v35;
	v50 =	vmin.f32 v2, v43;
	vm10 =	vle.f32 v2, v43  }
0x2a0: {  	vm4 =	vle.f32 v49, v50;
	v26 =	vmin.f32 v49, v50;
	v27 =	vsel vm10, v36, v37;
	v49 =	vld [tilespmem:$0x1FC00]  }
0x2a1: {  	v36 =	vsel vm13, v14, v51;
	v37 =	vsel vm14, v52, v53;
	v27 =	vsel vm4, v33, v27;
	v33 =	vld [tilespmem:$0x1FBC0]  }
0x2a2: {  	v29 =	vsel vm11, v36, v37;
	v36 =	vld [tilespmem:$0x1FBE0]  }
0x2a3: {  	vm12 =	veq.s32 v41, v62;
	v37 =	vld [tilespmem:$0x1FBF0]  }
0x2a4: {  	v18 =	vsel vm12, $0x7F800000, v18;
	vm8 =	veq.s32 v41, v61  }
0x2a5: {  	v8 =	vsel vm8, $0x7F800000, v8;
	vm12 =	vle.f32 v18, v25;
	vm7 =	veq.s32 v41, v42  }
0x2a6: {  	v0 =	vsel vm12, v62, v0;
	v52 =	vmin.f32 v18, v25;
	v7 =	vsel vm7, $0x7F800000, v7  }
0x2a7: {  	vm11 =	veq.s32 v41, v49;
	vm6 =	veq.s32 v41, v33;
	vm9 =	veq.s32 v41, v36  }
0x2a8: {  	vm10 =	veq.s32 v41, v37;
	v56 =	vsel vm11, $0x7F800000, v56;
	v6 =	vsel vm6, $0x7F800000, v6  }
0x2a9: {  	v9 =	vsel vm9, $0x7F800000, v9;
	v53 =	vmin.f32 v6, v7;
	vm13 =	vle.f32 v6, v7  }
0x2aa: {  	[tilespmem:$0x1FB70] =	vst v14;
	v14 =	vld [tilespmem:$0x1FC30];
	v10 =	vsel vm10, $0x7F800000, v10;
	vm14 =	vle.f32 v52, v53;
	v33 =	vsel vm13, v33, v42  }
0x2ab: {  	v50 =	vmin.f32 v10, v56;
	v42 =	vmin.f32 v8, v9;
	v31 =	vsel vm14, v0, v33;
	v0 =	vld [tilespmem:$0x1FC10]  }
0x2ac: {  	vm15 =	vle.f32 v42, v50;
	v32 =	vmin.f32 v42, v50;
	v42 =	vld [tilespmem:$0x1FC20];
	_ =	sdelay $0x2  }
0x2ad: {  	v28 =	vmin.f32 v34, v35;
	vm4 =	veq.s32 v41, v55;
	vm7 =	veq.s32 v41, v14  }
0x2ae: {  	v11 =	vsel vm4, $0x7F800000, v11;
	v60 =	vsel vm7, $0x7F800000, v60;
	vm8 =	vle.f32 v8, v9  }
0x2af: {  	vm9 =	vle.f32 v10, v56;
	vm5 =	veq.s32 v41, v0;
	vm6 =	veq.s32 v41, v42  }
0x2b0: {  	v30 =	vmin.f32 v52, v53;
	v12 =	vsel vm5, $0x7F800000, v12;
	v57 =	vsel vm6, $0x7F800000, v57  }
0x2b1: {  	v52 =	vsel vm9, v37, v49;
	v53 =	vmin.f32 v11, v12;
	v49 =	vmin.f32 v57, v60  }
0x2b2: {  	vm12 =	vle.f32 v11, v12;
	vm10 =	vle.f32 v53, v49;
	v34 =	vmin.f32 v53, v49;
	v49 =	vld [tilespmem:$0x1FC40]  }
0x2b3: {  	v51 =	vsel vm8, v61, v36;
	vm13 =	vle.f32 v57, v60;
	v50 =	vsel vm12, v55, v0;
	v0 =	vld [tilespmem:$0x1FC80]  }
0x2b4: {  	v33 =	vsel vm15, v51, v52;
	v51 =	vsel vm13, v42, v14;
	v53 =	vld [tilespmem:$0x1FC90]  }
0x2b5: {  	v35 =	vsel vm10, v50, v51;
	v51 =	vld [tilespmem:$0x1FC50]  }
0x2b6: {  	v50 =	vld [tilespmem:$0x1FC60]  }
0x2b7: {  	vm11 =	veq.s32 v41, v16;
	vm5 =	veq.s32 v41, v19;
	vm6 =	veq.s32 v41, v63  }
0x2b8: {  	v58 =	vsel vm11, $0x7F800000, v58;
	v15 =	vsel vm5, $0x7F800000, v15;
	v47 =	vsel vm6, $0x7F800000, v47  }
0x2b9: {  	vm13 =	vle.f32 v15, v47;
	vm14 =	veq.s32 v41, v49;
	vm7 =	veq.s32 v41, v0  }
0x2ba: {  	vm8 =	veq.s32 v41, v53;
	v59 =	vsel vm14, $0x7F800000, v59;
	vm15 =	veq.s32 v41, v51  }
0x2bb: {  	vm4 =	veq.s32 v41, v50;
	v23 =	vsel vm7, $0x7F800000, v23;
	v21 =	vsel vm8, $0x7F800000, v21  }
0x2bc: {  	v44 =	vsel vm15, $0x7F800000, v44;
	v46 =	vsel vm4, $0x7F800000, v46;
	vm9 =	vle.f32 v58, v59  }
0x2bd: {  	v36 =	vmin.f32 v58, v59;
	v52 =	vmin.f32 v23, v21;
	vm14 =	vle.f32 v23, v21  }
0x2be: {  	v37 =	vmin.f32 v44, v46;
	vm10 =	vle.f32 v44, v46;
	v42 =	vsel vm9, v16, v49  }
0x2bf: {  	v14 =	vmovc v49;
	v53 =	vsel vm14, v0, v53;
	v0 =	vld [tilespmem:$0x1FB00];
	vm11 =	vle.f32 v36, v37;
	v49 =	vsel vm10, v51, v50  }
0x2c0: {  	v50 =	vmin.f32 v15, v47;
	v36 =	vmin.f32 v36, v37;
	v51 =	vld [tilespmem:$0x1FCA0];
	v37 =	vsel vm11, v42, v49  }
0x2c1: {  	vm12 =	vle.f32 v50, v52;
	v42 =	vmin.f32 v50, v52;
	v52 =	vsel vm13, v19, v63;
	v63 =	vld [tilespmem:$0x1FB10]  }
0x2c2: {  	vm15 =	veq.s32 v41, v22  }
0x2c3: {  	v17 =	vsel vm15, $0x7F800000, v17;
	vm9 =	vle.f32 v26, v28;
	v26 =	vmin.f32 v26, v28  }
0x2c4: {  	v27 =	vsel vm9, v27, v29;
	vm10 =	vle.f32 v30, v32;
	vm11 =	vle.f32 v34, v36  }
0x2c5: {  	v49 =	vsel vm12, v52, v53;
	vm4 =	veq.s32 v41, v0;
	vm6 =	veq.s32 v41, v51  }
0x2c6: {  	v13 =	vsel vm4, $0x7F800000, v13;
	vm5 =	veq.s32 v41, v63;
	v24 =	vsel vm6, $0x7F800000, v24  }
0x2c7: {  	vm7 =	vle.f32 v17, v13;
	v50 =	vmin.f32 v17, v13;
	v20 =	vsel vm5, $0x7F800000, v20  }
0x2c8: {  	v53 =	vsel vm7, v22, v0;
	vm1 =	vle.f32 v20, v24;
	v52 =	vmin.f32 v20, v24  }
0x2c9: {  	vm8 =	vle.f32 v50, v52;
	v63 =	vsel vm1, v63, v51;
	v50 =	vmin.f32 v50, v52  }
0x2ca: {  	v51 =	vmin.f32 v30, v32;
	v52 =	vsel vm10, v31, v33;
	v0 =	vsel vm8, v53, v63  }
0x2cb: {  	v53 =	vmin.f32 v34, v36;
	v63 =	vsel vm11, v35, v37;
	vm12 =	vle.f32 v42, v50  }
0x2cc: {  	v36 =	vmin.f32 v42, v50;
	vm13 =	vle.f32 v26, v51;
	v26 =	vmin.f32 v26, v51  }
0x2cd: {  	v0 =	vsel vm12, v49, v0;
	vm14 =	vle.f32 v53, v36;
	v37 =	vmin.f32 v53, v36  }
0x2ce: {  	v42 =	vsel vm13, v27, v52;
	vm15 =	vle.f32 v26, v37;
	v0 =	vsel vm14, v63, v0  }
0x2cf: {  	v50 =	vld [tilespmem:$0x1FB60];
	v42 =	vsel vm15, v42, v0  }
0x2d0: {  	v49 =	vld [tilespmem:$0x1FB50];
	vm4 =	veq.s32 v42, v54  }
0x2d1: {  	v51 =	vsel vm4, $0x7F800000, v48;
	v48 =	vld [tilespmem:$0x1FB40]  }
0x2d2: {  	v36 =	vld [tilespmem:$0x1FB80]  }
0x2d3: {  	v37 =	vld [tilespmem:$0x1FB90]  }
0x2d4: {  	vm2 =	veq.s32 v42, v50  }
0x2d5: {  	v26 =	vsel vm2, $0x7F800000, v43;
	v43 =	vld [tilespmem:$0x1FBA0]  }
0x2d6: {  	vm5 =	veq.s32 v42, v48  }
0x2d7: {  	[tilespmem:$0x1FB30] =	vst v54;
	v29 =	vmovc v54;
	vm6 =	veq.s32 v42, v49;
	vm9 =	veq.s32 v42, v36;
	v54 =	vsel vm5, $0x7F800000, v1;
	v1 =	vld [tilespmem:$0x1FB70]  }
0x2d8: {  	v28 =	vsel vm6, $0x7F800000, v2;
	v4 =	vsel vm9, $0x7F800000, v4;
	vm10 =	veq.s32 v42, v37  }
0x2d9: {  	v53 =	vld [tilespmem:$0x1FBB0];
	v35 =	vmin.f32 v28, v26;
	v45 =	vsel vm10, $0x7F800000, v45;
	vm13 =	vle.f32 v28, v26  }
0x2da: {  	v49 =	vsel vm13, v49, v50;
	vm11 =	veq.s32 v42, v43;
	v34 =	vmin.f32 v51, v54  }
0x2db: {  	vm12 =	vle.f32 v51, v54;
	v5 =	vsel vm11, $0x7F800000, v5;
	vm7 =	vle.f32 v34, v35  }
0x2dc: {  	v2 =	vld [tilespmem:$0x1FBC0];
	v48 =	vsel vm12, v29, v48;
	vm9 =	vle.f32 v45, v5;
	vm8 =	veq.s32 v42, v1  }
0x2dd: {  	v27 =	vsel vm7, v48, v49;
	v49 =	vsel vm9, v37, v43;
	v37 =	vld [tilespmem:$0x1FBE0];
	v3 =	vsel vm8, $0x7F800000, v3  }
0x2de: {  	vm15 =	veq.s32 v42, v62;
	vm10 =	veq.s32 v42, v53;
	v43 =	vld [tilespmem:$0x1FBF0];
	vm8 =	vle.f32 v3, v4  }
0x2df: {  	v52 =	vmin.f32 v45, v5;
	v50 =	vmin.f32 v3, v4;
	v48 =	vsel vm8, v1, v36;
	v1 =	vld [tilespmem:$0x1FBD0]  }
0x2e0: {  	v18 =	vsel vm15, $0x7F800000, v18;
	v25 =	vsel vm10, $0x7F800000, v25;
	vm14 =	vle.f32 v50, v52  }
0x2e1: {  	vm13 =	veq.s32 v42, v61;
	vm5 =	vle.f32 v18, v25;
	v30 =	vsel vm14, v48, v49;
	v48 =	vld [tilespmem:$0x1FC00]  }
0x2e2: {  	v8 =	vsel vm13, $0x7F800000, v8;
	vm11 =	veq.s32 v42, v2;
	v53 =	vsel vm5, v62, v53  }
0x2e3: {  	v6 =	vsel vm11, $0x7F800000, v6;
	v29 =	vmin.f32 v50, v52;
	vm15 =	veq.s32 v42, v43  }
0x2e4: {  	v50 =	vmin.f32 v18, v25;
	vm14 =	veq.s32 v42, v37;
	vm12 =	veq.s32 v42, v1  }
0x2e5: {  	v10 =	vsel vm15, $0x7F800000, v10;
	v9 =	vsel vm14, $0x7F800000, v9;
	v7 =	vsel vm12, $0x7F800000, v7  }
0x2e6: {  	vm4 =	veq.s32 v42, v48;
	v52 =	vmin.f32 v6, v7;
	vm6 =	vle.f32 v6, v7  }
0x2e7: {  	v56 =	vsel vm4, $0x7F800000, v56;
	vm7 =	vle.f32 v50, v52;
	v0 =	vsel vm6, v2, v1  }
0x2e8: {  	v1 =	vmin.f32 v8, v9;
	v2 =	vmin.f32 v10, v56;
	v32 =	vsel vm7, v53, v0;
	v0 =	vld [tilespmem:$0x1FC10]  }
0x2e9: {  	vm8 =	vle.f32 v1, v2;
	v33 =	vmin.f32 v1, v2;
	v2 =	vld [tilespmem:$0x1FC20]  }
0x2ea: {  	v1 =	vld [tilespmem:$0x1FC30];
	_ =	sdelay $0x1  }
0x2eb: {  	v63 =	vmin.f32 v34, v35;
	vm9 =	veq.s32 v42, v55  }
0x2ec: {  	v11 =	vsel vm9, $0x7F800000, v11;
	vm13 =	vle.f32 v8, v9;
	vm14 =	vle.f32 v10, v56  }
0x2ed: {  	v49 =	vsel vm13, v61, v37;
	v31 =	vmin.f32 v50, v52;
	v50 =	vsel vm14, v43, v48  }
0x2ee: {  	vm10 =	veq.s32 v42, v0;
	vm11 =	veq.s32 v42, v2;
	vm12 =	veq.s32 v42, v1  }
0x2ef: {  	v12 =	vsel vm10, $0x7F800000, v12;
	v57 =	vsel vm11, $0x7F800000, v57;
	v60 =	vsel vm12, $0x7F800000, v60  }
0x2f0: {  	v34 =	vsel vm8, v49, v50;
	v49 =	vld [tilespmem:$0x1FC50];
	v52 =	vmin.f32 v11, v12;
	vm10 =	vle.f32 v57, v60  }
0x2f1: {  	v53 =	vmin.f32 v57, v60;
	vm9 =	vle.f32 v11, v12;
	v1 =	vsel vm10, v2, v1;
	v2 =	vld [tilespmem:$0x1FC60]  }
0x2f2: {  	vm15 =	vle.f32 v52, v53;
	v35 =	vmin.f32 v52, v53;
	v0 =	vsel vm9, v55, v0;
	v53 =	vld [tilespmem:$0x1FC90]  }
0x2f3: {  	v36 =	vsel vm15, v0, v1;
	v0 =	vld [tilespmem:$0x1FC70]  }
0x2f4: {  	vm14 =	veq.s32 v42, v19;
	vm8 =	veq.s32 v42, v16;
	v1 =	vld [tilespmem:$0x1FC80]  }
0x2f5: {  	v15 =	vsel vm14, $0x7F800000, v15;
	vm11 =	veq.s32 v42, v14;
	vm12 =	veq.s32 v42, v49  }
0x2f6: {  	v58 =	vsel vm8, $0x7F800000, v58;
	v59 =	vsel vm11, $0x7F800000, v59;
	v44 =	vsel vm12, $0x7F800000, v44  }
0x2f7: {  	vm6 =	vle.f32 v58, v59;
	v37 =	vmin.f32 v58, v59;
	vm13 =	veq.s32 v42, v2  }
0x2f8: {  	v48 =	vsel vm6, v16, v14;
	vm5 =	veq.s32 v42, v53;
	v46 =	vsel vm13, $0x7F800000, v46  }
0x2f9: {  	vm15 =	veq.s32 v42, v0;
	vm4 =	veq.s32 v42, v1;
	v21 =	vsel vm5, $0x7F800000, v21  }
0x2fa: {  	v47 =	vsel vm15, $0x7F800000, v47;
	v43 =	vmin.f32 v44, v46;
	vm7 =	vle.f32 v44, v46  }
0x2fb: {  	v23 =	vsel vm4, $0x7F800000, v23;
	vm8 =	vle.f32 v37, v43;
	v49 =	vsel vm7, v49, v2  }
0x2fc: {  	v2 =	vmin.f32 v15, v47;
	v14 =	vmin.f32 v23, v21;
	v37 =	vmin.f32 v37, v43  }
0x2fd: {  	vm10 =	vle.f32 v15, v47;
	vm11 =	vle.f32 v23, v21;
	v43 =	vsel vm8, v48, v49  }
0x2fe: {  	vm9 =	vle.f32 v2, v14;
	v48 =	vmin.f32 v2, v14;
	v2 =	vsel vm11, v1, v53;
	v1 =	vld [tilespmem:$0x1FB10]  }
0x2ff: {  	v0 =	vsel vm10, v19, v0;
	v14 =	vld [tilespmem:$0x1FCA0]  }
0x300: {  	v49 =	vsel vm9, v0, v2;
	v2 =	vld [tilespmem:$0x1FB00]  }
0x301: {  	vm12 =	veq.s32 v42, v22  }
0x302: {  	v17 =	vsel vm12, $0x7F800000, v17;
	vm6 =	vle.f32 v63, v29  }
0x303: {  	v27 =	vsel vm6, v27, v30;
	vm7 =	vle.f32 v31, v33;
	vm8 =	vle.f32 v35, v37  }
0x304: {  	v37 =	vmin.f32 v35, v37;
	vm14 =	veq.s32 v42, v1;
	vm15 =	veq.s32 v42, v14  }
0x305: {  	vm13 =	veq.s32 v42, v2;
	v20 =	vsel vm14, $0x7F800000, v20;
	v24 =	vsel vm15, $0x7F800000, v24  }
0x306: {  	v43 =	vsel vm8, v36, v43;
	v13 =	vsel vm13, $0x7F800000, v13;
	vm1 =	vle.f32 v20, v24  }
0x307: {  	v52 =	vmin.f32 v20, v24;
	vm4 =	vle.f32 v17, v13;
	v50 =	vmin.f32 v17, v13  }
0x308: {  	v14 =	vsel vm1, v1, v14;
	vm5 =	vle.f32 v50, v52;
	v53 =	vsel vm4, v22, v2  }
0x309: {  	v36 =	vld [tilespmem:$0x1FB30];
	v50 =	vmin.f32 v50, v52;
	v0 =	vsel vm5, v53, v14;
	v53 =	vmin.f32 v63, v29  }
0x30a: {  	v52 =	vld [tilespmem:$0x1FB40];
	v63 =	vmin.f32 v31, v33;
	v14 =	vsel vm7, v32, v34;
	vm9 =	vle.f32 v48, v50  }
0x30b: {  	v48 =	vmin.f32 v48, v50;
	vm10 =	vle.f32 v53, v63;
	v2 =	vmin.f32 v53, v63;
	v53 =	vld [tilespmem:$0x1FB50]  }
0x30c: {  	v0 =	vsel vm9, v49, v0;
	vm11 =	vle.f32 v37, v48;
	v49 =	vmin.f32 v37, v48;
	v63 =	vld [tilespmem:$0x1FB60]  }
0x30d: {  	v48 =	vld [tilespmem:$0x1FB70];
	vm12 =	vle.f32 v2, v49;
	v50 =	vsel vm10, v27, v14;
	v0 =	vsel vm11, v43, v0  }
0x30e: {  	v49 =	vld [tilespmem:$0x1FB80];
	v43 =	vsel vm12, v50, v0  }
0x30f: {  	v34 =	vld [tilespmem:$0x1FBB0];
	vm13 =	veq.s32 v43, v36;
	vm14 =	veq.s32 v43, v52  }
0x310: {  	v50 =	vld [tilespmem:$0x1FB90];
	vm12 =	veq.s32 v43, v62;
	v27 =	vsel vm13, $0x7F800000, v51;
	v2 =	vsel vm14, $0x7F800000, v54  }
0x311: {  	vm15 =	veq.s32 v43, v53;
	vm2 =	veq.s32 v43, v63;
	v35 =	vmin.f32 v27, v2  }
0x312: {  	vm5 =	veq.s32 v43, v48;
	vm9 =	vle.f32 v27, v2;
	v28 =	vsel vm15, $0x7F800000, v28  }
0x313: {  	v51 =	vld [tilespmem:$0x1FBA0];
	v29 =	vsel vm2, $0x7F800000, v26;
	vm6 =	veq.s32 v43, v49;
	v26 =	vsel vm5, $0x7F800000, v3  }
0x314: {  	v52 =	vsel vm9, v36, v52;
	vm15 =	veq.s32 v43, v34;
	v37 =	vmin.f32 v28, v29  }
0x315: {  	v3 =	vsel vm6, $0x7F800000, v4;
	vm7 =	veq.s32 v43, v50;
	vm10 =	vle.f32 v28, v29  }
0x316: {  	v36 =	vld [tilespmem:$0x1FBC0];
	v4 =	vsel vm15, $0x7F800000, v25;
	vm4 =	vle.f32 v35, v37;
	v32 =	vmin.f32 v35, v37  }
0x317: {  	v0 =	vld [tilespmem:$0x1FC20];
	v30 =	vsel vm7, $0x7F800000, v45;
	v53 =	vsel vm10, v53, v63;
	v54 =	vmin.f32 v26, v3  }
0x318: {  	vm13 =	vle.f32 v26, v3;
	v37 =	vld [tilespmem:$0x1FBD0];
	vm8 =	veq.s32 v43, v51;
	v1 =	vsel vm4, v52, v53  }
0x319: {  	v33 =	vsel vm13, v48, v49;
	v48 =	vld [tilespmem:$0x1FBE0];
	vm4 =	veq.s32 v43, v55;
	v45 =	vsel vm8, $0x7F800000, v5  }
0x31a: {  	v49 =	vld [tilespmem:$0x1FBF0];
	v5 =	vsel vm12, $0x7F800000, v18;
	vm8 =	veq.s32 v43, v61;
	v63 =	vmin.f32 v30, v45  }
0x31b: {  	vm14 =	vle.f32 v30, v45;
	vm6 =	veq.s32 v43, v36;
	v8 =	vsel vm8, $0x7F800000, v8  }
0x31c: {  	vm12 =	vle.f32 v5, v4;
	vm11 =	vle.f32 v54, v63;
	v31 =	vmin.f32 v54, v63  }
0x31d: {  	[tilespmem:$0x1FB20] =	vst v1;
	v1 =	vld [tilespmem:$0x1FC30];
	v35 =	vsel vm14, v50, v51;
	v25 =	vsel vm6, $0x7F800000, v6;
	v63 =	vmin.f32 v5, v4  }
0x31e: {  	v50 =	vsel vm12, v62, v34;
	vm6 =	veq.s32 v43, v0;
	v33 =	vsel vm11, v33, v35  }
0x31f: {  	v51 =	vld [tilespmem:$0x1FC00];
	vm7 =	veq.s32 v43, v37;
	vm9 =	veq.s32 v43, v48;
	vm10 =	veq.s32 v43, v49  }
0x320: {  	v18 =	vsel vm7, $0x7F800000, v7;
	v9 =	vsel vm9, $0x7F800000, v9;
	v14 =	vsel vm10, $0x7F800000, v10  }
0x321: {  	v7 =	vmin.f32 v25, v18;
	vm13 =	vle.f32 v25, v18;
	v10 =	vsel vm6, $0x7F800000, v57  }
0x322: {  	vm7 =	veq.s32 v43, v1;
	vm14 =	vle.f32 v63, v7;
	v52 =	vsel vm13, v36, v37  }
0x323: {  	v37 =	vmin.f32 v63, v7;
	v7 =	vsel vm4, $0x7F800000, v11;
	v11 =	vsel vm7, $0x7F800000, v60  }
0x324: {  	vm11 =	veq.s32 v43, v51;
	v34 =	vsel vm14, v50, v52;
	v50 =	vld [tilespmem:$0x1FC10];
	vm13 =	vle.f32 v10, v11  }
0x325: {  	v53 =	vmin.f32 v8, v9;
	v56 =	vsel vm11, $0x7F800000, v56;
	v60 =	vsel vm13, v0, v1;
	v1 =	vld [tilespmem:$0x1FC70]  }
0x326: {  	vm8 =	vle.f32 v8, v9;
	v0 =	vld [tilespmem:$0x1FC90];
	v54 =	vmin.f32 v14, v56;
	vm9 =	vle.f32 v14, v56  }
0x327: {  	v63 =	vsel vm8, v61, v48;
	vm15 =	vle.f32 v53, v54;
	v52 =	vsel vm9, v49, v51;
	v51 =	vld [tilespmem:$0x1FC50]  }
0x328: {  	v36 =	vsel vm15, v63, v52;
	v52 =	vld [tilespmem:$0x1FC40]  }
0x329: {  	vm11 =	veq.s32 v43, v16;
	v35 =	vmin.f32 v53, v54;
	v63 =	vld [tilespmem:$0x1FC60];
	vm5 =	veq.s32 v43, v50  }
0x32a: {  	v54 =	vmin.f32 v10, v11;
	v12 =	vsel vm5, $0x7F800000, v12;
	vm5 =	veq.s32 v43, v19  }
0x32b: {  	vm6 =	veq.s32 v43, v1;
	vm8 =	veq.s32 v43, v0;
	v53 =	vmin.f32 v7, v12  }
0x32c: {  	vm12 =	vle.f32 v7, v12;
	vm10 =	vle.f32 v53, v54;
	v48 =	vmin.f32 v53, v54  }
0x32d: {  	v57 =	vsel vm12, v55, v50;
	vm15 =	veq.s32 v43, v51;
	v54 =	vld [tilespmem:$0x1FC80];
	vm14 =	veq.s32 v43, v52  }
0x32e: {  	v49 =	vsel vm10, v57, v60;
	v60 =	vsel vm11, $0x7F800000, v58;
	vm4 =	veq.s32 v43, v63  }
0x32f: {  	v58 =	vsel vm15, $0x7F800000, v44;
	v44 =	vsel vm5, $0x7F800000, v15;
	v15 =	vsel vm8, $0x7F800000, v21  }
0x330: {  	v59 =	vsel vm14, $0x7F800000, v59;
	v57 =	vsel vm4, $0x7F800000, v46;
	v46 =	vsel vm6, $0x7F800000, v47  }
0x331: {  	vm9 =	vle.f32 v60, v59;
	v21 =	vmin.f32 v60, v59;
	vm10 =	vle.f32 v58, v57  }
0x332: {  	vm13 =	vle.f32 v44, v46;
	v47 =	vsel vm9, v16, v52;
	vm7 =	veq.s32 v43, v54  }
0x333: {  	v50 =	vsel vm10, v51, v63;
	v6 =	vsel vm7, $0x7F800000, v23;
	v23 =	vmin.f32 v58, v57  }
0x334: {  	v51 =	vmin.f32 v44, v46;
	vm11 =	vle.f32 v21, v23;
	v63 =	vmin.f32 v6, v15  }
0x335: {  	vm14 =	vle.f32 v6, v15;
	v47 =	vsel vm11, v47, v50;
	vm12 =	vle.f32 v51, v63  }
0x336: {  	v50 =	vmin.f32 v51, v63;
	v63 =	vsel vm13, v19, v1;
	v1 =	vsel vm14, v54, v0;
	v54 =	vld [tilespmem:$0x1FB10]  }
0x337: {  	v0 =	vld [tilespmem:$0x1FCA0]  }
0x338: {  	v51 =	vsel vm12, v63, v1;
	v63 =	vld [tilespmem:$0x1FB00];
	_ =	sdelay $0x2  }
0x339: {  	vm15 =	veq.s32 v43, v22  }
0x33a: {  	v53 =	vmin.f32 v21, v23;
	v21 =	vsel vm15, $0x7F800000, v17  }
0x33b: {  	vm6 =	veq.s32 v43, v54;
	vm7 =	veq.s32 v43, v0;
	vm5 =	veq.s32 v43, v63  }
0x33c: {  	v17 =	vsel vm7, $0x7F800000, v24;
	v23 =	vsel vm5, $0x7F800000, v13;
	v13 =	vsel vm6, $0x7F800000, v20  }
0x33d: {  	vm10 =	vle.f32 v32, v31;
	v20 =	vmin.f32 v21, v23;
	v24 =	vmin.f32 v13, v17  }
0x33e: {  	vm9 =	vle.f32 v20, v24;
	v20 =	vmin.f32 v20, v24;
	v24 =	vmin.f32 v32, v31;
	v32 =	vld [tilespmem:$0x1FB20];
	_ =	sdelay $0x1  }
0x33f: {  	vm8 =	vle.f32 v21, v23;
	vm1 =	vle.f32 v13, v17  }
0x340: {  	vm11 =	vle.f32 v37, v35;
	v52 =	vsel vm8, v22, v63;
	v1 =	vsel vm1, v54, v0  }
0x341: {  	vm12 =	vle.f32 v48, v53;
	v0 =	vsel vm9, v52, v1;
	vm13 =	vle.f32 v50, v20  }
0x342: {  	v20 =	vmin.f32 v50, v20;
	v1 =	vld [tilespmem:$0x1FB60];
	v0 =	vsel vm13, v51, v0;
	v31 =	vsel vm10, v32, v33  }
0x343: {  	v32 =	vmin.f32 v37, v35;
	v33 =	vsel vm11, v34, v36;
	v36 =	vmin.f32 v48, v53;
	v53 =	vld [tilespmem:$0x1FB50]  }
0x344: {  	v37 =	vsel vm12, v49, v47;
	vm15 =	vle.f32 v36, v20;
	v20 =	vmin.f32 v36, v20;
	v36 =	vld [tilespmem:$0x1FB30]  }
0x345: {  	vm14 =	vle.f32 v24, v32;
	v24 =	vmin.f32 v24, v32;
	v0 =	vsel vm15, v37, v0;
	v37 =	vld [tilespmem:$0x1FB40]  }
0x346: {  	vm4 =	vle.f32 v24, v20;
	v34 =	vsel vm14, v31, v33  }
0x347: {  	v0 =	vsel vm4, v34, v0  }
0x348: {  	vm2 =	veq.s32 v0, v1  }
0x349: {  	vm7 =	veq.s32 v0, v53;
	v35 =	vsel vm2, $0x7F800000, v29;
	vm5 =	veq.s32 v0, v36  }
0x34a: {  	v34 =	vsel vm7, $0x7F800000, v28;
	vm6 =	veq.s32 v0, v37;
	v52 =	vsel vm5, $0x7F800000, v27  }
0x34b: {  	vm8 =	vle.f32 v34, v35;
	v24 =	vmin.f32 v34, v35;
	v34 =	vld [tilespmem:$0x1FBB0];
	v2 =	vsel vm6, $0x7F800000, v2  }
0x34c: {  	vm0 =	vle.f32 v52, v2  }
0x34d: {  	v20 =	vsel vm0, v36, v37;
	v36 =	vld [tilespmem:$0x1FB90]  }
0x34e: {  	v37 =	vld [tilespmem:$0x1FBA0];
	_ =	sdelay $0x1  }
0x34f: {  	vm15 =	veq.s32 v0, v62;
	vm4 =	veq.s32 v0, v34  }
0x350: {  	v5 =	vsel vm15, $0x7F800000, v5;
	v35 =	vsel vm4, $0x7F800000, v4  }
0x351: {  	v33 =	vld [tilespmem:$0x1FB70];
	v27 =	vsel vm8, v53, v1;
	v2 =	vmin.f32 v52, v2;
	vm5 =	vle.f32 v5, v35  }
0x352: {  	v31 =	vld [tilespmem:$0x1FB80];
	v1 =	vmin.f32 v5, v35;
	vm11 =	veq.s32 v0, v36;
	vm12 =	veq.s32 v0, v37  }
0x353: {  	v5 =	vsel vm5, v62, v34;
	v62 =	vld [tilespmem:$0x1FC00];
	v52 =	vsel vm11, $0x7F800000, v30;
	v53 =	vsel vm12, $0x7F800000, v45  }
0x354: {  	vm14 =	vle.f32 v52, v53;
	v28 =	vmin.f32 v52, v53;
	v52 =	vld [tilespmem:$0x1FBE0]  }
0x355: {  	v53 =	vld [tilespmem:$0x1FBF0]  }
0x356: {  	v29 =	vsel vm14, v36, v37;
	v36 =	vld [tilespmem:$0x1FBC0]  }
0x357: {  	vm9 =	veq.s32 v0, v33;
	vm10 =	veq.s32 v0, v31;
	v37 =	vld [tilespmem:$0x1FBD0]  }
0x358: {  	v26 =	vsel vm9, $0x7F800000, v26;
	v3 =	vsel vm10, $0x7F800000, v3  }
0x359: {  	vm8 =	veq.s32 v0, v61;
	vm13 =	vle.f32 v26, v3;
	v3 =	vmin.f32 v26, v3  }
0x35a: {  	v8 =	vsel vm8, $0x7F800000, v8;
	v26 =	vsel vm13, v33, v31;
	vm13 =	veq.s32 v0, v62  }
0x35b: {  	vm9 =	veq.s32 v0, v52;
	vm12 =	veq.s32 v0, v53;
	vm6 =	veq.s32 v0, v36  }
0x35c: {  	vm7 =	veq.s32 v0, v37;
	v9 =	vsel vm9, $0x7F800000, v9;
	v14 =	vsel vm12, $0x7F800000, v14  }
0x35d: {  	v25 =	vsel vm6, $0x7F800000, v25;
	v18 =	vsel vm7, $0x7F800000, v18;
	vm11 =	vle.f32 v8, v9  }
0x35e: {  	v8 =	vmin.f32 v8, v9;
	vm10 =	vle.f32 v25, v18;
	v18 =	vmin.f32 v25, v18  }
0x35f: {  	v9 =	vsel vm11, v61, v52;
	v52 =	vld [tilespmem:$0x1FC20];
	v25 =	vsel vm10, v36, v37;
	v36 =	vsel vm13, $0x7F800000, v56  }
0x360: {  	v37 =	vld [tilespmem:$0x1FC10];
	vm2 =	vle.f32 v14, v36  }
0x361: {  	v30 =	vsel vm2, v53, v62;
	v53 =	vld [tilespmem:$0x1FC30];
	_ =	sdelay $0x1  }
0x362: {  	vm14 =	veq.s32 v0, v55  }
0x363: {  	v7 =	vsel vm14, $0x7F800000, v7;
	vm12 =	veq.s32 v0, v19;
	vm6 =	veq.s32 v0, v16  }
0x364: {  	v31 =	vsel vm6, $0x7F800000, v60;
	v56 =	vld [tilespmem:$0x1FC40];
	v4 =	vmin.f32 v14, v36;
	vm15 =	veq.s32 v0, v37  }
0x365: {  	vm4 =	veq.s32 v0, v52;
	v12 =	vsel vm15, $0x7F800000, v12;
	vm5 =	veq.s32 v0, v53  }
0x366: {  	v62 =	vld [tilespmem:$0x1FC60];
	v10 =	vsel vm4, $0x7F800000, v10;
	vm1 =	vle.f32 v7, v12;
	v11 =	vsel vm5, $0x7F800000, v11  }
0x367: {  	v50 =	vld [tilespmem:$0x1FFC0];
	v14 =	vsel vm1, v55, v37;
	v55 =	vmov s14;
	vm8 =	vle.f32 v10, v11  }
0x368: {  	v7 =	vmin.f32 v7, v12;
	v12 =	vshrl.u32 v55, $0x7;
	v33 =	vsel vm8, v52, v53;
	v53 =	vld [tilespmem:$0x1FC50]  }
0x369: {  	v45 =	vld [tilespmem:$0x1FFB0];
	vm6 =	veq.s32 v0, v22;
	vm7 =	veq.s32 v0, v56;
	v12 =	vshll.u32 v12, $0x7  }
0x36a: {  	v60 =	vsel vm7, $0x7F800000, v59;
	vm7 =	veq.s32 v0, v63;
	v12 =	vbroadcast v12, $0x0  }
0x36b: {  	v51 =	vld [tilespmem:$0x1FFD0];
	vm9 =	vle.f32 v31, v60;
	vm11 =	veq.s32 v0, v62;
	v31 =	vmin.f32 v31, v60  }
0x36c: {  	v16 =	vsel vm9, v16, v56;
	v56 =	vsel vm11, $0x7F800000, v57;
	v59 =	vor.u32 v50, v12;
	v50 =	vld [tilespmem:$0x1FC90]  }
0x36d: {  	v57 =	vsel vm12, $0x7F800000, v44;
	v10 =	vmin.f32 v10, v11;
	vm10 =	veq.s32 v0, v53  }
0x36e: {  	v55 =	vor.u32 $0x6, v45;
	v52 =	vor.u32 $0x5, v45;
	v61 =	vsel vm10, $0x7F800000, v58;
	v58 =	vld [tilespmem:$0x1FC70]  }
0x36f: {  	v11 =	vor.u32 v45, v12;
	vm10 =	veq.s32 v0, v54;
	vm14 =	vle.f32 v61, v56  }
0x370: {  	v34 =	vmin.f32 v61, v56;
	v61 =	vld [tilespmem:$0x1FC80];
	v13 =	vsel vm10, $0x7F800000, v13;
	v35 =	vsel vm14, v53, v62  }
0x371: {  	v62 =	vor.u32 v51, v12;
	vm5 =	veq.s32 v0, v50;
	vm14 =	vle.f32 v3, v28  }
0x372: {  	v3 =	vmin.f32 v3, v28;
	v51 =	vmin.f32 v31, v34;
	v56 =	vsel vm5, $0x7F800000, v15  }
0x373: {  	v29 =	vsel vm14, v26, v29;
	vm5 =	vle.f32 v7, v10;
	vm13 =	veq.s32 v0, v58  }
0x374: {  	[tilespmem:v11+s11+$0x0] =	vst.idx.msk $0xffff, v38;
	v7 =	vmin.f32 v7, v10;
	v38 =	vsel vm5, v14, v33;
	v60 =	vsel vm13, $0x7F800000, v46  }
0x375: {  	vm4 =	veq.s32 v0, v61;
	vm13 =	vle.f32 v2, v24;
	v2 =	vmin.f32 v2, v24  }
0x376: {  	vm15 =	vle.f32 v57, v60;
	v36 =	vmin.f32 v57, v60;
	v6 =	vsel vm4, $0x7F800000, v6  }
0x377: {  	v57 =	vsel vm6, $0x7F800000, v21;
	v20 =	vsel vm13, v20, v27;
	vm4 =	vle.f32 v8, v4  }
0x378: {  	v32 =	vld [tilespmem:$0x1FFF0];
	v4 =	vmin.f32 v8, v4;
	vm6 =	vle.f32 v31, v34;
	v19 =	vsel vm15, v19, v58  }
0x379: {  	[tilespmem:v59+s11+$0x0] =	vst.idx.msk $0xffff, v39;
	v58 =	vsel vm7, $0x7F800000, v23;
	vm8 =	vle.f32 v6, v56;
	v6 =	vmin.f32 v6, v56  }
0x37a: {  	vm15 =	vle.f32 v1, v18;
	v1 =	vmin.f32 v1, v18;
	v37 =	vsel vm4, v9, v30  }
0x37b: {  	v16 =	vsel vm6, v16, v35;
	v18 =	vor.u32 v52, v12;
	v59 =	vsel vm8, v61, v50  }
0x37c: {  	v60 =	vld [tilespmem:$0x1FCA0];
	vm9 =	vle.f32 v57, v58;
	v15 =	vmin.f32 v57, v58;
	v5 =	vsel vm15, v5, v25  }
0x37d: {  	v50 =	vor.u32 v32, v12;
	vm7 =	vle.f32 v36, v6;
	v61 =	vsel vm9, v22, v63;
	v63 =	vld [tilespmem:$0x1FFE0]  }
0x37e: {  	v6 =	vmin.f32 v36, v6;
	vm10 =	vle.f32 v1, v4;
	v1 =	vmin.f32 v1, v4  }
0x37f: {  	v57 =	vor.u32 v55, v12;
	v58 =	vor.u32 $0x7, v45;
	v11 =	vsel vm7, v19, v59  }
0x380: {  	vm9 =	vle.f32 v2, v3;
	v2 =	vmin.f32 v2, v3;
	v56 =	vsel vm10, v5, v37  }
0x381: {  	v8 =	vor.u32 v58, v12;
	vm13 =	vle.f32 v2, v1;
	vm11 =	veq.s32 v0, v60  }
0x382: {  	[tilespmem:v62+s11+$0x0] =	vst.idx.msk $0xffff, v40;
	v1 =	vmin.f32 v2, v1;
	v17 =	vsel vm11, $0x7F800000, v17;
	v28 =	vor.u32 v63, v12  }
0x383: {  	vm11 =	vle.f32 v7, v51;
	v7 =	vmin.f32 v7, v51;
	vm12 =	vle.f32 v13, v17  }
0x384: {  	v13 =	vmin.f32 v13, v17;
	v9 =	vsel vm11, v38, v16;
	v62 =	vsel vm12, v54, v60  }
0x385: {  	vm8 =	vle.f32 v15, v13;
	v13 =	vmin.f32 v15, v13;
	v54 =	vsel vm9, v20, v29  }
0x386: {  	p0 =	sne.s32 s15, $0xF0;
	v53 =	vsel vm8, v61, v62;
	vm12 =	vle.f32 v6, v13;
	v6 =	vmin.f32 v6, v13  }
.Ltmp0:
0x387: {  	v48 =	vimm.s32 $0xD;
	v61 =	vsel vm13, v54, v56;
	v59 =	vsel vm12, v11, v53;
	[tilespmem:v28+s11+$0x0] =	vst.idx.msk $0xffff, v41;
	(pc) =	sbr.rel @p0 .LBB2_2-.Ltmp0, $4  }
0x388: {  	v49 =	vimm.s32 $0xF;
	vm14 =	vle.f32 v7, v6;
	v60 =	vmin.f32 v7, v6;
	[tilespmem:v50+s11+$0x0] =	vst.idx.msk $0xffff, v42  }
0x389: {  	v47 =	vimm.s32 $0xB;
	vm15 =	vle.f32 v1, v60;
	v62 =	vsel vm14, v9, v59;
	[tilespmem:v18+s11+$0x0] =	vst.idx.msk $0xffff, v43  }
0x38a: {  	v44 =	vimm.s32 $0x7;
	v46 =	vimm.s32 $0x9;
	v63 =	vsel vm15, v61, v62;
	[tilespmem:v57+s11+$0x0] =	vst.idx.msk $0xffff, v0  }
0x38b: {  	s13 =	sadd.s32 $0x40, s13;
	s15 =	sadd.s32 $0x10, s15;
	s14 =	sadd.s32 $0x80, s14;
	v41 =	vimm.s32 $0x0;
	v42 =	vimm.s32 $0x3;
	v43 =	vimm.s32 $0x5;
	[tilespmem:v8+s11+$0x0] =	vst.idx.msk $0xffff, v63  }
0x38c: {  	s12 =	sadd.s32 $0x1, s12  }
0x38d: {  	p0 =	sne.s32 s12, s6  }
.Ltmp1:
0x38e: {  	_ = 	snop;
	(pc) =	sbr.rel @p0 .LBB2_1-.Ltmp1, $4  }
0x38f: {  	[hbm4b:s5+s2] =	stream.linear.scatter [tilespmem:s11], [sflag:$0x1], $0x800, $0x38;
	[tilespmem:$0xD00] =	vst v63  }
0x390: {  	_ =	swait.ge [sflag:s9], $0x800  }
0x391: {  	[sflag:s9] =	ssyncset.done $0x0  }
0x392: {  	[sflag:s9] =	ssyncadd.s32 $0xFFFFF800  }
0x393: {  	_ =	sfence.sel $0x180000  }
0x394: {  	[bflag:$0x0] =	sbarrier.arrive $0xFFFF  }
0x395: {  	p0 =	sne.s32 s1, $0x0;
	_ =	strace $0x90000047  }
0x396: {  	s0 =	sadd.s32 @!p0 $0x100000, s0;
	[bflag:$0x2] =	sbarrier.arrive $0xFFFF  }
0x397: {  	[sflag:s0] =	ssyncadd.tile.s32 @!p0 $0x1;
	_ =	shalt  }
.Lfunc_end2:
_tile_overlayer_lowered:
.L_overlay_start_2:
0x398: {  	(tag) =	ssettag $0x2  }
0x399: {  	s0 =	rddreg [dreg:$0x0];
	s2 =	stileid.u32  }
0x39a: {  	s1 =	rddreg [dreg:$0x1];
	p0 =	sne.s32 s2, $0x0  }
0x39b: {  	s3 =	rddreg [dreg:$0x2];
	[bflag:$0x3] =	sbarrier.arrive $0xFFFF;
	s2 =	simm.s32 @!p0 $0x1C01  }
0x39c: {  	[timem:s3], [sflag:s2] =	dma.local @!p0 [hbm:s0], s1  }
0x39d: {  	s0 =	simm.s32 @!p0 $0x1  }
0x39e: {  	_ =	swait.ge @!p0 [sflag:s0], s1  }
0x39f: {  	s1 =	ssub.s32 @!p0 $0x0, s1;
	[sflag:s0] =	ssyncset.done @!p0 $0x0  }
0x3a0: {  	[sflag:s0] =	ssyncadd.s32 @!p0 s1  }
0x3a1: {  	[bflag:$0x3] =	sbarrier.arrive $0xFFFF  }
0x3a2: {  	_ =	shalt  }

</sc_bundles>
